<compile_context>
chip_gen: v7x
topology: tpu7x:2x2x1
jax: 0.10.2.dev20260603
libtpu: 0.0.44.dev20260713+nightly
codegen_flags: <defaults>
</compile_context>

<pallas_src>
import functools

import jax
import jax.numpy as jnp
from jax import lax
from jax.experimental import pallas as pl
from jax.experimental.pallas import tpu as pltpu
from jax.experimental.pallas import tpu_sc as plsc

D = 64
NC = 2
NS = 16
NW = NC * NS
CG = 128

_mesh = functools.partial(
    plsc.VectorSubcoreMesh, core_axis_name="c", subcore_axis_name="s")


def _gather_body(n_chunks, n_it, p_hbm, q_hbm, dst_hbm, src_hbm, gd_hbm,
                 gs_hbm, idxd0, idxd1, idxs0, idxs1, bufa0, bufa1, bufb0,
                 bufb1, sa0, sa1, sb0, sb1):
    wid = lax.axis_index("c") * NS + lax.axis_index("s")
    idxd = (idxd0, idxd1)
    idxs = (idxs0, idxs1)
    bufa = (bufa0, bufa1)
    bufb = (bufb0, bufb1)
    sa = (sa0, sa1)
    sb = (sb0, sb1)

    def start(it, sl):
        cid = wid + it * NW
        @pl.when((it < n_it) & (cid < n_chunks))
        def _():
            b = cid * CG
            pltpu.sync_copy(dst_hbm.at[pl.ds(b, CG)], idxd[sl])
            pltpu.sync_copy(src_hbm.at[pl.ds(b, CG)], idxs[sl])
            pltpu.async_copy(p_hbm.at[idxd[sl]], bufa[sl], sa[sl])
            pltpu.async_copy(q_hbm.at[idxs[sl]], bufb[sl], sb[sl])

    def finish(it, sl):
        cid = wid + it * NW
        @pl.when(cid < n_chunks)
        def _():
            pltpu.make_async_copy(p_hbm.at[idxd[sl]], bufa[sl], sa[sl]).wait()
            pltpu.make_async_copy(q_hbm.at[idxs[sl]], bufb[sl], sb[sl]).wait()
            b = cid * CG
            pltpu.sync_copy(bufa[sl], gd_hbm.at[pl.ds(b, CG)])
            pltpu.sync_copy(bufb[sl], gs_hbm.at[pl.ds(b, CG)])

    start(0, 0)

    def body(jj, carry):
        it = 2 * jj
        start(it + 1, 1)
        finish(it, 0)
        start(it + 2, 0)
        finish(it + 1, 1)
        return carry

    lax.fori_loop(0, n_it // 2, body, 0, unroll=False)


def _sc_gather(p, q, dst, src):
    e = dst.shape[0]
    assert e % CG == 0
    n_chunks = e // CG
    n_it = -(-n_chunks // NW)
    n_it += n_it % 2
    f = pl.kernel(
        functools.partial(_gather_body, n_chunks, n_it),
        out_type=(jax.ShapeDtypeStruct((e, 2 * D), jnp.float32),
                  jax.ShapeDtypeStruct((e, 2 * D), jnp.float32)),
        mesh=_mesh(),
        scratch_types=(
            [pltpu.VMEM((CG,), jnp.int32) for _ in range(4)]
            + [pltpu.VMEM((CG, 2 * D), jnp.float32) for _ in range(4)]
            + [pltpu.SemaphoreType.DMA for _ in range(4)]
        ),
    )
    return f(p, q, dst, src)


def _edge_msg_kernel(gd_ref, gs_ref, e_ref, w_ref, b_ref, out_ref):
    fs = (
        gd_ref[...]
        + gs_ref[...]
        + jnp.dot(e_ref[...], w_ref[...], preferred_element_type=jnp.float32)
        + b_ref[...]
    )
    f = fs[:, :D]
    s = fs[:, D:]
    sp = jnp.maximum(s, 0.0) + jnp.log1p(jnp.exp(-jnp.abs(s)))
    out_ref[...] = (1.0 / (1.0 + jnp.exp(-f))) * sp


def _edge_messages(gd, gs, e, ce, cb):
    E = gd.shape[0]
    BE = 1024
    grid = (pl.cdiv(E, BE),)
    return pl.pallas_call(
        _edge_msg_kernel,
        grid=grid,
        in_specs=[
            pl.BlockSpec((BE, 2 * D), lambda i: (i, 0)),
            pl.BlockSpec((BE, 2 * D), lambda i: (i, 0)),
            pl.BlockSpec((BE, D), lambda i: (i, 0)),
            pl.BlockSpec((D, 2 * D), lambda i: (0, 0)),
            pl.BlockSpec((1, 2 * D), lambda i: (0, 0)),
        ],
        out_specs=pl.BlockSpec((BE, D), lambda i: (i, 0)),
        out_shape=jax.ShapeDtypeStruct((E, D), jnp.float32),
    )(gd, gs, e, ce, cb)


def kernel(x, edge_index, edge_attr, batch, W_emb1, b_emb1, W_emb2, b_emb2,
           Wf0, bf0, Ws0, bs0, gamma0, beta0, Wf1, bf1, Ws1, bs1, gamma1,
           beta1, Wf2, bf2, Ws2, bs2, gamma2, beta2, W_l1, b_l1, W_l2, b_l2,
           W_out, b_out):
    N = x.shape[0]
    G = 16
    src = edge_index[0]
    dst = edge_index[1]

    h = x @ W_emb1.T + b_emb1
    e = edge_attr @ W_emb2.T + b_emb2

    convs = [
        (Wf0, bf0, Ws0, bs0, gamma0, beta0),
        (Wf1, bf1, Ws1, bs1, gamma1, beta1),
        (Wf2, bf2, Ws2, bs2, gamma2, beta2),
    ]
    n_conv = len(convs)
    for i, (Wf, bf, Ws, bs, gamma, beta) in enumerate(convs):
        wp = jnp.concatenate([Wf[:, :D].T, Ws[:, :D].T], axis=1)
        wq = jnp.concatenate([Wf[:, D:2 * D].T, Ws[:, D:2 * D].T], axis=1)
        ce = jnp.concatenate([Wf[:, 2 * D:].T, Ws[:, 2 * D:].T], axis=1)
        cb = jnp.concatenate([bf, bs])[None, :]
        P = h @ wp
        Q = h @ wq
        gd, gs = _sc_gather(P, Q, dst, src)
        msg = _edge_messages(gd, gs, e, ce, cb)
        agg = jax.ops.segment_sum(msg, dst, num_segments=N)
        h = h + agg
        mu = jnp.mean(h, axis=0, keepdims=True)
        var = jnp.var(h, axis=0, keepdims=True)
        h = (h - mu) / jnp.sqrt(var + 1e-5) * gamma + beta
        if i < n_conv - 1:
            h = jax.nn.relu(h)

    sums = jax.ops.segment_sum(h, batch, num_segments=G)
    cnt = jax.ops.segment_sum(jnp.ones((N, 1), jnp.float32), batch,
                              num_segments=G)
    y = sums / jnp.maximum(cnt, 1.0)
    y = jax.nn.softplus(y @ W_l1.T + b_l1)
    y = jax.nn.softplus(y @ W_l2.T + b_l2)
    y = (y @ W_out.T + b_out).squeeze(-1)
    return y

# --- scband reference (transcript-rebuilt; emitter-appended) ---
"""Pipeline reference for scband-cgcnn-pred-42442866819219 (READ-ONLY COPY).

The authoritative reference and input builder live on the scoring server;
editing this copy changes nothing except your own understanding.
"""

import jax, jax.numpy as jnp
import numpy as np

N = 50000
E = 800000
G = 16
F_IN = 92
F_EDGE = 41
D = 64
N_CONV = 3


def setup_inputs(seed: int = 0):
    key = jax.random.key(seed)
    ks = jax.random.split(key, 32)
    inp = {}
    inp["x"] = jax.random.normal(ks[0], (N, F_IN), jnp.float32)
    inp["edge_index"] = jax.random.randint(ks[1], (2, E), 0, N, dtype=jnp.int32)
    inp["edge_attr"] = jax.random.normal(ks[2], (E, F_EDGE), jnp.float32)
    inp["batch"] = jnp.sort(jax.random.randint(ks[3], (N,), 0, G, dtype=jnp.int32))
    s = 0.05
    inp["W_emb1"] = jax.random.normal(ks[4], (D, F_IN), jnp.float32) * s
    inp["b_emb1"] = jnp.zeros((D,), jnp.float32)
    inp["W_emb2"] = jax.random.normal(ks[5], (D, F_EDGE), jnp.float32) * s
    inp["b_emb2"] = jnp.zeros((D,), jnp.float32)
    for i in range(N_CONV):
        inp[f"Wf{i}"] = jax.random.normal(ks[6 + 4 * i], (D, 3 * D), jnp.float32) * s
        inp[f"bf{i}"] = jnp.zeros((D,), jnp.float32)
        inp[f"Ws{i}"] = jax.random.normal(ks[7 + 4 * i], (D, 3 * D), jnp.float32) * s
        inp[f"bs{i}"] = jnp.zeros((D,), jnp.float32)
        inp[f"gamma{i}"] = jnp.ones((D,), jnp.float32)
        inp[f"beta{i}"] = jnp.zeros((D,), jnp.float32)
    inp["W_l1"] = jax.random.normal(ks[20], (D, D), jnp.float32) * s
    inp["b_l1"] = jnp.zeros((D,), jnp.float32)
    inp["W_l2"] = jax.random.normal(ks[21], (D, D), jnp.float32) * s
    inp["b_l2"] = jnp.zeros((D,), jnp.float32)
    inp["W_out"] = jax.random.normal(ks[22], (1, D), jnp.float32) * s
    inp["b_out"] = jnp.zeros((1,), jnp.float32)
    return inp


def _batch_norm(h, gamma, beta, eps=1e-5):
    mu = jnp.mean(h, axis=0, keepdims=True)
    var = jnp.var(h, axis=0, keepdims=True)
    return (h - mu) / jnp.sqrt(var + eps) * gamma + beta


def _forward(x, edge_attr, We1, be1, We2, be2, convs, Wl1, bl1, Wl2, bl2, Wo, bo, edge_index, batch):
    src = edge_index[0]
    dst = edge_index[1]
    h = x @ We1.T + be1
    e = edge_attr @ We2.T + be2
    for i, (Wf, bf, Ws, bs, gamma, beta) in enumerate(convs):
        # CGConv message: z = [x_i, x_j, e_ij]; m = sigmoid(Wf z) * softplus(Ws z)
        z = jnp.concatenate([h[dst], h[src], e], axis=1)
        msg = jax.nn.sigmoid(z @ Wf.T + bf) * jax.nn.softplus(z @ Ws.T + bs)
        agg = jax.ops.segment_sum(msg, dst, num_segments=N)
        h = h + agg  # CGConv root residual
        h = _batch_norm(h, gamma, beta)
        if i < len(convs) - 1:
            h = jax.nn.relu(h)
    # global mean pool over graphs (JK='last' -> last conv output)
    sums = jax.ops.segment_sum(h, batch, num_segments=G)
    cnt = jax.ops.segment_sum(jnp.ones((h.shape[0], 1), jnp.float32), batch, num_segments=G)
    y = sums / jnp.maximum(cnt, 1.0)
    y = jax.nn.softplus(y @ Wl1.T + bl1)
    y = jax.nn.softplus(y @ Wl2.T + bl2)
    y = (y @ Wo.T + bo).squeeze(-1)
    return y


def reference(x, edge_index, edge_attr, batch, W_emb1, b_emb1, W_emb2, b_emb2, Wf0, bf0, Ws0, bs0, gamma0, beta0, Wf1, bf1, Ws1, bs1, gamma1, beta1, Wf2, bf2, Ws2, bs2, gamma2, beta2, W_l1, b_l1, W_l2, b_l2, W_out, b_out):
    convs = [
        (Wf0, bf0, Ws0, bs0, gamma0, beta0),
        (Wf1, bf1, Ws1, bs1, gamma1, beta1),
        (Wf2, bf2, Ws2, bs2, gamma2, beta2),
    ]
    return _forward(x, edge_attr, W_emb1, b_emb1, W_emb2, b_emb2, convs, W_l1, b_l1, W_l2, b_l2, W_out, b_out, edge_index, batch)

if __name__ == "__main__":
    import jax
    _d = setup_inputs()
    print(jax.jit(kernel)(*tuple(_d.values())))

</pallas_src>

<mosaic_0001>
#map = affine_map<(d0, d1) -> (0, 0)>
#map1 = affine_map<(d0, d1) -> (0)>
module attributes {stable_mosaic.version = 14 : i64} {
  func.func @_gather_body(%arg0: i32, %arg1: i32, %arg2: memref<50000x128xf32, #tpu.memory_space<hbm>>, %arg3: memref<50000x128xf32, #tpu.memory_space<hbm>>, %arg4: memref<800000xi32, #tpu.memory_space<hbm>>, %arg5: memref<800000xi32, #tpu.memory_space<hbm>>, %arg6: memref<800000x128xf32, #tpu.memory_space<hbm>>, %arg7: memref<800000x128xf32, #tpu.memory_space<hbm>>, %arg8: memref<128xi32, #tpu.memory_space<vmem>>, %arg9: memref<128xi32, #tpu.memory_space<vmem>>, %arg10: memref<128xi32, #tpu.memory_space<vmem>>, %arg11: memref<128xi32, #tpu.memory_space<vmem>>, %arg12: memref<128x128xf32, #tpu.memory_space<vmem>>, %arg13: memref<128x128xf32, #tpu.memory_space<vmem>>, %arg14: memref<128x128xf32, #tpu.memory_space<vmem>>, %arg15: memref<128x128xf32, #tpu.memory_space<vmem>>, %arg16: memref<!tpu.dma_semaphore, #tpu.memory_space<semaphore_mem>>, %arg17: memref<!tpu.dma_semaphore, #tpu.memory_space<semaphore_mem>>, %arg18: memref<!tpu.dma_semaphore, #tpu.memory_space<semaphore_mem>>, %arg19: memref<!tpu.dma_semaphore, #tpu.memory_space<semaphore_mem>>) attributes {dimension_semantics = [#tpu.dimension_semantics<core_parallel>, #tpu.dimension_semantics<subcore_parallel>], iteration_bounds = array<i64: 2, 16>, scalar_prefetch = 0 : i64, scratch_operands = 12 : i64, tpu.core_type = #tpu.core_type<sc_vector_subcore>, window_params = [{transform_indices = #map}, {transform_indices = #map}, {transform_indices = #map1}, {transform_indices = #map1}, {transform_indices = #map}, {transform_indices = #map}]} {
    %mul3A = arith.constant 16 : i32
    %mul3A_0 = arith.muli %arg0, %mul3A : i32
    %add3A = arith.addi %mul3A_0, %arg1 : i32
    %add3A_1 = arith.constant 0 : i32
    %add3A_2 = arith.addi %add3A, %add3A_1 : i32
    %lt3A = arith.constant 6250 : i32
    %lt3A_3 = arith.cmpi slt, %add3A_2, %lt3A : i32
    %and3A = arith.constant true
    %and3A_4 = arith.andi %and3A, %lt3A_3 : i1
    %convert_element_type3A = arith.extui %and3A_4 : i1 to i32
    %cond3A = arith.constant 0 : i32
    %cond3A_5 = arith.cmpi ne, %convert_element_type3A, %cond3A : i32
    scf.if %cond3A_5 {
      %mul3A_11 = arith.constant 128 : i32
      %mul3A_12 = arith.muli %add3A_2, %mul3A_11 : i32
      "tpu.region"() ({
        %run_scoped3A = tpu.sem_alloc : memref<!tpu.dma_semaphore, #tpu.memory_space<semaphore_mem>>
        %dma_start3A_18 = tpu.memref_slice %arg4[%mul3A_12] : memref<800000xi32, #tpu.memory_space<hbm>> -> memref<128xi32, #tpu.memory_space<hbm>>
        %dma_start3A_19 = tpu.memref_slice %arg4[%mul3A_12] : memref<800000xi32, #tpu.memory_space<hbm>> -> memref<128xi32, #tpu.memory_space<hbm>>
        tpu.enqueue_dma source(%dma_start3A_19 : memref<128xi32, #tpu.memory_space<hbm>>) target(%arg8 : memref<128xi32, #tpu.memory_space<vmem>>) target_semaphore(%run_scoped3A : memref<!tpu.dma_semaphore, #tpu.memory_space<semaphore_mem>>)
        %dma_wait3A = tpu.memref_slice %arg4[%mul3A_12] : memref<800000xi32, #tpu.memory_space<hbm>> -> memref<128xi32, #tpu.memory_space<hbm>>
        %dma_wait3A_20 = tpu.memref_slice %arg4[%mul3A_12] : memref<800000xi32, #tpu.memory_space<hbm>> -> memref<128xi32, #tpu.memory_space<hbm>>
        tpu.wait_dma2 semaphore(%run_scoped3A : memref<!tpu.dma_semaphore, #tpu.memory_space<semaphore_mem>>) src(%dma_wait3A_20 : memref<128xi32, #tpu.memory_space<hbm>>) dst(%arg8 : memref<128xi32, #tpu.memory_space<vmem>>)
        tpu.yield
      }) : () -> ()
      "tpu.region"() ({
        %run_scoped3A = tpu.sem_alloc : memref<!tpu.dma_semaphore, #tpu.memory_space<semaphore_mem>>
        %dma_start3A_18 = tpu.memref_slice %arg5[%mul3A_12] : memref<800000xi32, #tpu.memory_space<hbm>> -> memref<128xi32, #tpu.memory_space<hbm>>
        %dma_start3A_19 = tpu.memref_slice %arg5[%mul3A_12] : memref<800000xi32, #tpu.memory_space<hbm>> -> memref<128xi32, #tpu.memory_space<hbm>>
        tpu.enqueue_dma source(%dma_start3A_19 : memref<128xi32, #tpu.memory_space<hbm>>) target(%arg10 : memref<128xi32, #tpu.memory_space<vmem>>) target_semaphore(%run_scoped3A : memref<!tpu.dma_semaphore, #tpu.memory_space<semaphore_mem>>)
        %dma_wait3A = tpu.memref_slice %arg5[%mul3A_12] : memref<800000xi32, #tpu.memory_space<hbm>> -> memref<128xi32, #tpu.memory_space<hbm>>
        %dma_wait3A_20 = tpu.memref_slice %arg5[%mul3A_12] : memref<800000xi32, #tpu.memory_space<hbm>> -> memref<128xi32, #tpu.memory_space<hbm>>
        tpu.wait_dma2 semaphore(%run_scoped3A : memref<!tpu.dma_semaphore, #tpu.memory_space<semaphore_mem>>) src(%dma_wait3A_20 : memref<128xi32, #tpu.memory_space<hbm>>) dst(%arg10 : memref<128xi32, #tpu.memory_space<vmem>>)
        tpu.yield
      }) : () -> ()
      %dma_start3A = arith.constant 0 : i32
      %dma_start3A_13 = arith.constant 0 : i32
      %dma_start3A_14 = tpu.memref_slice %arg2[%dma_start3A, %dma_start3A_13] : memref<50000x128xf32, #tpu.memory_space<hbm>> -> memref<50000x128xf32, #tpu.memory_space<hbm>>
      tpu.enqueue_indirect_dma source(%dma_start3A_14 : memref<50000x128xf32, #tpu.memory_space<hbm>>) target(%arg12 : memref<128x128xf32, #tpu.memory_space<vmem>>) offsets(%arg8 : memref<128xi32, #tpu.memory_space<vmem>>) semaphore(%arg16 : memref<!tpu.dma_semaphore, #tpu.memory_space<semaphore_mem>>)
      %dma_start3A_15 = arith.constant 0 : i32
      %dma_start3A_16 = arith.constant 0 : i32
      %dma_start3A_17 = tpu.memref_slice %arg3[%dma_start3A_15, %dma_start3A_16] : memref<50000x128xf32, #tpu.memory_space<hbm>> -> memref<50000x128xf32, #tpu.memory_space<hbm>>
      tpu.enqueue_indirect_dma source(%dma_start3A_17 : memref<50000x128xf32, #tpu.memory_space<hbm>>) target(%arg14 : memref<128x128xf32, #tpu.memory_space<vmem>>) offsets(%arg10 : memref<128xi32, #tpu.memory_space<vmem>>) semaphore(%arg18 : memref<!tpu.dma_semaphore, #tpu.memory_space<semaphore_mem>>)
    } else {
    }
    %scan3A = arith.constant 0 : i32
    %scan3A_6 = arith.constant 0 : i32
    %scan3A_7 = arith.constant 98 : i32
    %scan3A_8 = arith.addi %scan3A_6, %scan3A_7 : i32
    %scan3A_9 = arith.constant 1 : i32
    scf.for %scan3A_11 = %scan3A_6 to %scan3A_8 step %scan3A_9  : i32 {
      %mul3A_12 = arith.constant 2 : i32
      %mul3A_13 = arith.muli %mul3A_12, %scan3A_11 : i32
      %add3A_14 = arith.constant 1 : i32
      %add3A_15 = arith.addi %mul3A_13, %add3A_14 : i32
      %mul3A_16 = arith.constant 32 : i32
      %mul3A_17 = arith.muli %add3A_15, %mul3A_16 : i32
      %add3A_18 = arith.addi %add3A, %mul3A_17 : i32
      %lt3A_19 = arith.constant 196 : i32
      %lt3A_20 = arith.cmpi slt, %add3A_15, %lt3A_19 : i32
      %lt3A_21 = arith.constant 6250 : i32
      %lt3A_22 = arith.cmpi slt, %add3A_18, %lt3A_21 : i32
      %and3A_23 = arith.andi %lt3A_20, %lt3A_22 : i1
      %convert_element_type3A_24 = arith.extui %and3A_23 : i1 to i32
      %cond3A_25 = arith.constant 0 : i32
      %cond3A_26 = arith.cmpi ne, %convert_element_type3A_24, %cond3A_25 : i32
      scf.if %cond3A_26 {
        %mul3A_58 = arith.constant 128 : i32
        %mul3A_59 = arith.muli %add3A_18, %mul3A_58 : i32
        "tpu.region"() ({
          %run_scoped3A = tpu.sem_alloc : memref<!tpu.dma_semaphore, #tpu.memory_space<semaphore_mem>>
          %dma_start3A_65 = tpu.memref_slice %arg4[%mul3A_59] : memref<800000xi32, #tpu.memory_space<hbm>> -> memref<128xi32, #tpu.memory_space<hbm>>
          %dma_start3A_66 = tpu.memref_slice %arg4[%mul3A_59] : memref<800000xi32, #tpu.memory_space<hbm>> -> memref<128xi32, #tpu.memory_space<hbm>>
          tpu.enqueue_dma source(%dma_start3A_66 : memref<128xi32, #tpu.memory_space<hbm>>) target(%arg9 : memref<128xi32, #tpu.memory_space<vmem>>) target_semaphore(%run_scoped3A : memref<!tpu.dma_semaphore, #tpu.memory_space<semaphore_mem>>)
          %dma_wait3A = tpu.memref_slice %arg4[%mul3A_59] : memref<800000xi32, #tpu.memory_space<hbm>> -> memref<128xi32, #tpu.memory_space<hbm>>
          %dma_wait3A_67 = tpu.memref_slice %arg4[%mul3A_59] : memref<800000xi32, #tpu.memory_space<hbm>> -> memref<128xi32, #tpu.memory_space<hbm>>
          tpu.wait_dma2 semaphore(%run_scoped3A : memref<!tpu.dma_semaphore, #tpu.memory_space<semaphore_mem>>) src(%dma_wait3A_67 : memref<128xi32, #tpu.memory_space<hbm>>) dst(%arg9 : memref<128xi32, #tpu.memory_space<vmem>>)
          tpu.yield
        }) : () -> ()
        "tpu.region"() ({
          %run_scoped3A = tpu.sem_alloc : memref<!tpu.dma_semaphore, #tpu.memory_space<semaphore_mem>>
          %dma_start3A_65 = tpu.memref_slice %arg5[%mul3A_59] : memref<800000xi32, #tpu.memory_space<hbm>> -> memref<128xi32, #tpu.memory_space<hbm>>
          %dma_start3A_66 = tpu.memref_slice %arg5[%mul3A_59] : memref<800000xi32, #tpu.memory_space<hbm>> -> memref<128xi32, #tpu.memory_space<hbm>>
          tpu.enqueue_dma source(%dma_start3A_66 : memref<128xi32, #tpu.memory_space<hbm>>) target(%arg11 : memref<128xi32, #tpu.memory_space<vmem>>) target_semaphore(%run_scoped3A : memref<!tpu.dma_semaphore, #tpu.memory_space<semaphore_mem>>)
          %dma_wait3A = tpu.memref_slice %arg5[%mul3A_59] : memref<800000xi32, #tpu.memory_space<hbm>> -> memref<128xi32, #tpu.memory_space<hbm>>
          %dma_wait3A_67 = tpu.memref_slice %arg5[%mul3A_59] : memref<800000xi32, #tpu.memory_space<hbm>> -> memref<128xi32, #tpu.memory_space<hbm>>
          tpu.wait_dma2 semaphore(%run_scoped3A : memref<!tpu.dma_semaphore, #tpu.memory_space<semaphore_mem>>) src(%dma_wait3A_67 : memref<128xi32, #tpu.memory_space<hbm>>) dst(%arg11 : memref<128xi32, #tpu.memory_space<vmem>>)
          tpu.yield
        }) : () -> ()
        %dma_start3A = arith.constant 0 : i32
        %dma_start3A_60 = arith.constant 0 : i32
        %dma_start3A_61 = tpu.memref_slice %arg2[%dma_start3A, %dma_start3A_60] : memref<50000x128xf32, #tpu.memory_space<hbm>> -> memref<50000x128xf32, #tpu.memory_space<hbm>>
        tpu.enqueue_indirect_dma source(%dma_start3A_61 : memref<50000x128xf32, #tpu.memory_space<hbm>>) target(%arg13 : memref<128x128xf32, #tpu.memory_space<vmem>>) offsets(%arg9 : memref<128xi32, #tpu.memory_space<vmem>>) semaphore(%arg17 : memref<!tpu.dma_semaphore, #tpu.memory_space<semaphore_mem>>)
        %dma_start3A_62 = arith.constant 0 : i32
        %dma_start3A_63 = arith.constant 0 : i32
        %dma_start3A_64 = tpu.memref_slice %arg3[%dma_start3A_62, %dma_start3A_63] : memref<50000x128xf32, #tpu.memory_space<hbm>> -> memref<50000x128xf32, #tpu.memory_space<hbm>>
        tpu.enqueue_indirect_dma source(%dma_start3A_64 : memref<50000x128xf32, #tpu.memory_space<hbm>>) target(%arg15 : memref<128x128xf32, #tpu.memory_space<vmem>>) offsets(%arg11 : memref<128xi32, #tpu.memory_space<vmem>>) semaphore(%arg19 : memref<!tpu.dma_semaphore, #tpu.memory_space<semaphore_mem>>)
      } else {
      }
      %mul3A_27 = arith.constant 32 : i32
      %mul3A_28 = arith.muli %mul3A_13, %mul3A_27 : i32
      %add3A_29 = arith.addi %add3A, %mul3A_28 : i32
      %lt3A_30 = arith.constant 6250 : i32
      %lt3A_31 = arith.cmpi slt, %add3A_29, %lt3A_30 : i32
      %convert_element_type3A_32 = arith.extui %lt3A_31 : i1 to i32
      %cond3A_33 = arith.constant 0 : i32
      %cond3A_34 = arith.cmpi ne, %convert_element_type3A_32, %cond3A_33 : i32
      scf.if %cond3A_34 {
        %dma_wait3A = arith.constant 0 : i32
        %dma_wait3A_58 = arith.constant 0 : i32
        %dma_wait3A_59 = tpu.memref_slice %arg2[%dma_wait3A, %dma_wait3A_58] : memref<50000x128xf32, #tpu.memory_space<hbm>> -> memref<50000x128xf32, #tpu.memory_space<hbm>>
        tpu.wait_indirect_dma semaphore(%arg16 : memref<!tpu.dma_semaphore, #tpu.memory_space<semaphore_mem>>) src(%dma_wait3A_59 : memref<50000x128xf32, #tpu.memory_space<hbm>>) dst(%arg12 : memref<128x128xf32, #tpu.memory_space<vmem>>)
        %dma_wait3A_60 = arith.constant 0 : i32
        %dma_wait3A_61 = arith.constant 0 : i32
        %dma_wait3A_62 = tpu.memref_slice %arg3[%dma_wait3A_60, %dma_wait3A_61] : memref<50000x128xf32, #tpu.memory_space<hbm>> -> memref<50000x128xf32, #tpu.memory_space<hbm>>
        tpu.wait_indirect_dma semaphore(%arg18 : memref<!tpu.dma_semaphore, #tpu.memory_space<semaphore_mem>>) src(%dma_wait3A_62 : memref<50000x128xf32, #tpu.memory_space<hbm>>) dst(%arg14 : memref<128x128xf32, #tpu.memory_space<vmem>>)
        %mul3A_63 = arith.constant 128 : i32
        %mul3A_64 = arith.muli %add3A_29, %mul3A_63 : i32
        "tpu.region"() ({
          %run_scoped3A = tpu.sem_alloc : memref<!tpu.dma_semaphore, #tpu.memory_space<semaphore_mem>>
          %dma_start3A = arith.constant 0 : i32
          %dma_start3A_65 = tpu.memref_slice %arg6[%mul3A_64, %dma_start3A] : memref<800000x128xf32, #tpu.memory_space<hbm>> -> memref<128x128xf32, #tpu.memory_space<hbm>>
          %dma_start3A_66 = arith.constant 0 : i32
          %dma_start3A_67 = tpu.memref_slice %arg6[%mul3A_64, %dma_start3A_66] : memref<800000x128xf32, #tpu.memory_space<hbm>> -> memref<128x128xf32, #tpu.memory_space<hbm>>
          tpu.enqueue_dma source(%arg12 : memref<128x128xf32, #tpu.memory_space<vmem>>) target(%dma_start3A_67 : memref<128x128xf32, #tpu.memory_space<hbm>>) target_semaphore(%run_scoped3A : memref<!tpu.dma_semaphore, #tpu.memory_space<semaphore_mem>>)
          %dma_wait3A_68 = arith.constant 0 : i32
          %dma_wait3A_69 = tpu.memref_slice %arg6[%mul3A_64, %dma_wait3A_68] : memref<800000x128xf32, #tpu.memory_space<hbm>> -> memref<128x128xf32, #tpu.memory_space<hbm>>
          %dma_wait3A_70 = arith.constant 0 : i32
          %dma_wait3A_71 = tpu.memref_slice %arg6[%mul3A_64, %dma_wait3A_70] : memref<800000x128xf32, #tpu.memory_space<hbm>> -> memref<128x128xf32, #tpu.memory_space<hbm>>
          tpu.wait_dma2 semaphore(%run_scoped3A : memref<!tpu.dma_semaphore, #tpu.memory_space<semaphore_mem>>) src(%arg12 : memref<128x128xf32, #tpu.memory_space<vmem>>) dst(%dma_wait3A_71 : memref<128x128xf32, #tpu.memory_space<hbm>>)
          tpu.yield
        }) : () -> ()
        "tpu.region"() ({
          %run_scoped3A = tpu.sem_alloc : memref<!tpu.dma_semaphore, #tpu.memory_space<semaphore_mem>>
          %dma_start3A = arith.constant 0 : i32
          %dma_start3A_65 = tpu.memref_slice %arg7[%mul3A_64, %dma_start3A] : memref<800000x128xf32, #tpu.memory_space<hbm>> -> memref<128x128xf32, #tpu.memory_space<hbm>>
          %dma_start3A_66 = arith.constant 0 : i32
          %dma_start3A_67 = tpu.memref_slice %arg7[%mul3A_64, %dma_start3A_66] : memref<800000x128xf32, #tpu.memory_space<hbm>> -> memref<128x128xf32, #tpu.memory_space<hbm>>
          tpu.enqueue_dma source(%arg14 : memref<128x128xf32, #tpu.memory_space<vmem>>) target(%dma_start3A_67 : memref<128x128xf32, #tpu.memory_space<hbm>>) target_semaphore(%run_scoped3A : memref<!tpu.dma_semaphore, #tpu.memory_space<semaphore_mem>>)
          %dma_wait3A_68 = arith.constant 0 : i32
          %dma_wait3A_69 = tpu.memref_slice %arg7[%mul3A_64, %dma_wait3A_68] : memref<800000x128xf32, #tpu.memory_space<hbm>> -> memref<128x128xf32, #tpu.memory_space<hbm>>
          %dma_wait3A_70 = arith.constant 0 : i32
          %dma_wait3A_71 = tpu.memref_slice %arg7[%mul3A_64, %dma_wait3A_70] : memref<800000x128xf32, #tpu.memory_space<hbm>> -> memref<128x128xf32, #tpu.memory_space<hbm>>
          tpu.wait_dma2 semaphore(%run_scoped3A : memref<!tpu.dma_semaphore, #tpu.memory_space<semaphore_mem>>) src(%arg14 : memref<128x128xf32, #tpu.memory_space<vmem>>) dst(%dma_wait3A_71 : memref<128x128xf32, #tpu.memory_space<hbm>>)
          tpu.yield
        }) : () -> ()
      } else {
      }
      %add3A_35 = arith.constant 2 : i32
      %add3A_36 = arith.addi %mul3A_13, %add3A_35 : i32
      %mul3A_37 = arith.constant 32 : i32
      %mul3A_38 = arith.muli %add3A_36, %mul3A_37 : i32
      %add3A_39 = arith.addi %add3A, %mul3A_38 : i32
      %lt3A_40 = arith.constant 196 : i32
      %lt3A_41 = arith.cmpi slt, %add3A_36, %lt3A_40 : i32
      %lt3A_42 = arith.constant 6250 : i32
      %lt3A_43 = arith.cmpi slt, %add3A_39, %lt3A_42 : i32
      %and3A_44 = arith.andi %lt3A_41, %lt3A_43 : i1
      %convert_element_type3A_45 = arith.extui %and3A_44 : i1 to i32
      %cond3A_46 = arith.constant 0 : i32
      %cond3A_47 = arith.cmpi ne, %convert_element_type3A_45, %cond3A_46 : i32
      scf.if %cond3A_47 {
        %mul3A_58 = arith.constant 128 : i32
        %mul3A_59 = arith.muli %add3A_39, %mul3A_58 : i32
        "tpu.region"() ({
          %run_scoped3A = tpu.sem_alloc : memref<!tpu.dma_semaphore, #tpu.memory_space<semaphore_mem>>
          %dma_start3A_65 = tpu.memref_slice %arg4[%mul3A_59] : memref<800000xi32, #tpu.memory_space<hbm>> -> memref<128xi32, #tpu.memory_space<hbm>>
          %dma_start3A_66 = tpu.memref_slice %arg4[%mul3A_59] : memref<800000xi32, #tpu.memory_space<hbm>> -> memref<128xi32, #tpu.memory_space<hbm>>
          tpu.enqueue_dma source(%dma_start3A_66 : memref<128xi32, #tpu.memory_space<hbm>>) target(%arg8 : memref<128xi32, #tpu.memory_space<vmem>>) target_semaphore(%run_scoped3A : memref<!tpu.dma_semaphore, #tpu.memory_space<semaphore_mem>>)
          %dma_wait3A = tpu.memref_slice %arg4[%mul3A_59] : memref<800000xi32, #tpu.memory_space<hbm>> -> memref<128xi32, #tpu.memory_space<hbm>>
          %dma_wait3A_67 = tpu.memref_slice %arg4[%mul3A_59] : memref<800000xi32, #tpu.memory_space<hbm>> -> memref<128xi32, #tpu.memory_space<hbm>>
          tpu.wait_dma2 semaphore(%run_scoped3A : memref<!tpu.dma_semaphore, #tpu.memory_space<semaphore_mem>>) src(%dma_wait3A_67 : memref<128xi32, #tpu.memory_space<hbm>>) dst(%arg8 : memref<128xi32, #tpu.memory_space<vmem>>)
          tpu.yield
        }) : () -> ()
        "tpu.region"() ({
          %run_scoped3A = tpu.sem_alloc : memref<!tpu.dma_semaphore, #tpu.memory_space<semaphore_mem>>
          %dma_start3A_65 = tpu.memref_slice %arg5[%mul3A_59] : memref<800000xi32, #tpu.memory_space<hbm>> -> memref<128xi32, #tpu.memory_space<hbm>>
          %dma_start3A_66 = tpu.memref_slice %arg5[%mul3A_59] : memref<800000xi32, #tpu.memory_space<hbm>> -> memref<128xi32, #tpu.memory_space<hbm>>
          tpu.enqueue_dma source(%dma_start3A_66 : memref<128xi32, #tpu.memory_space<hbm>>) target(%arg10 : memref<128xi32, #tpu.memory_space<vmem>>) target_semaphore(%run_scoped3A : memref<!tpu.dma_semaphore, #tpu.memory_space<semaphore_mem>>)
          %dma_wait3A = tpu.memref_slice %arg5[%mul3A_59] : memref<800000xi32, #tpu.memory_space<hbm>> -> memref<128xi32, #tpu.memory_space<hbm>>
          %dma_wait3A_67 = tpu.memref_slice %arg5[%mul3A_59] : memref<800000xi32, #tpu.memory_space<hbm>> -> memref<128xi32, #tpu.memory_space<hbm>>
          tpu.wait_dma2 semaphore(%run_scoped3A : memref<!tpu.dma_semaphore, #tpu.memory_space<semaphore_mem>>) src(%dma_wait3A_67 : memref<128xi32, #tpu.memory_space<hbm>>) dst(%arg10 : memref<128xi32, #tpu.memory_space<vmem>>)
          tpu.yield
        }) : () -> ()
        %dma_start3A = arith.constant 0 : i32
        %dma_start3A_60 = arith.constant 0 : i32
        %dma_start3A_61 = tpu.memref_slice %arg2[%dma_start3A, %dma_start3A_60] : memref<50000x128xf32, #tpu.memory_space<hbm>> -> memref<50000x128xf32, #tpu.memory_space<hbm>>
        tpu.enqueue_indirect_dma source(%dma_start3A_61 : memref<50000x128xf32, #tpu.memory_space<hbm>>) target(%arg12 : memref<128x128xf32, #tpu.memory_space<vmem>>) offsets(%arg8 : memref<128xi32, #tpu.memory_space<vmem>>) semaphore(%arg16 : memref<!tpu.dma_semaphore, #tpu.memory_space<semaphore_mem>>)
        %dma_start3A_62 = arith.constant 0 : i32
        %dma_start3A_63 = arith.constant 0 : i32
        %dma_start3A_64 = tpu.memref_slice %arg3[%dma_start3A_62, %dma_start3A_63] : memref<50000x128xf32, #tpu.memory_space<hbm>> -> memref<50000x128xf32, #tpu.memory_space<hbm>>
        tpu.enqueue_indirect_dma source(%dma_start3A_64 : memref<50000x128xf32, #tpu.memory_space<hbm>>) target(%arg14 : memref<128x128xf32, #tpu.memory_space<vmem>>) offsets(%arg10 : memref<128xi32, #tpu.memory_space<vmem>>) semaphore(%arg18 : memref<!tpu.dma_semaphore, #tpu.memory_space<semaphore_mem>>)
      } else {
      }
      %add3A_48 = arith.constant 1 : i32
      %add3A_49 = arith.addi %mul3A_13, %add3A_48 : i32
      %mul3A_50 = arith.constant 32 : i32
      %mul3A_51 = arith.muli %add3A_49, %mul3A_50 : i32
      %add3A_52 = arith.addi %add3A, %mul3A_51 : i32
      %lt3A_53 = arith.constant 6250 : i32
      %lt3A_54 = arith.cmpi slt, %add3A_52, %lt3A_53 : i32
      %convert_element_type3A_55 = arith.extui %lt3A_54 : i1 to i32
      %cond3A_56 = arith.constant 0 : i32
      %cond3A_57 = arith.cmpi ne, %convert_element_type3A_55, %cond3A_56 : i32
      scf.if %cond3A_57 {
        %dma_wait3A = arith.constant 0 : i32
        %dma_wait3A_58 = arith.constant 0 : i32
        %dma_wait3A_59 = tpu.memref_slice %arg2[%dma_wait3A, %dma_wait3A_58] : memref<50000x128xf32, #tpu.memory_space<hbm>> -> memref<50000x128xf32, #tpu.memory_space<hbm>>
        tpu.wait_indirect_dma semaphore(%arg17 : memref<!tpu.dma_semaphore, #tpu.memory_space<semaphore_mem>>) src(%dma_wait3A_59 : memref<50000x128xf32, #tpu.memory_space<hbm>>) dst(%arg13 : memref<128x128xf32, #tpu.memory_space<vmem>>)
        %dma_wait3A_60 = arith.constant 0 : i32
        %dma_wait3A_61 = arith.constant 0 : i32
        %dma_wait3A_62 = tpu.memref_slice %arg3[%dma_wait3A_60, %dma_wait3A_61] : memref<50000x128xf32, #tpu.memory_space<hbm>> -> memref<50000x128xf32, #tpu.memory_space<hbm>>
        tpu.wait_indirect_dma semaphore(%arg19 : memref<!tpu.dma_semaphore, #tpu.memory_space<semaphore_mem>>) src(%dma_wait3A_62 : memref<50000x128xf32, #tpu.memory_space<hbm>>) dst(%arg15 : memref<128x128xf32, #tpu.memory_space<vmem>>)
        %mul3A_63 = arith.constant 128 : i32
        %mul3A_64 = arith.muli %add3A_52, %mul3A_63 : i32
        "tpu.region"() ({
          %run_scoped3A = tpu.sem_alloc : memref<!tpu.dma_semaphore, #tpu.memory_space<semaphore_mem>>
          %dma_start3A = arith.constant 0 : i32
          %dma_start3A_65 = tpu.memref_slice %arg6[%mul3A_64, %dma_start3A] : memref<800000x128xf32, #tpu.memory_space<hbm>> -> memref<128x128xf32, #tpu.memory_space<hbm>>
          %dma_start3A_66 = arith.constant 0 : i32
          %dma_start3A_67 = tpu.memref_slice %arg6[%mul3A_64, %dma_start3A_66] : memref<800000x128xf32, #tpu.memory_space<hbm>> -> memref<128x128xf32, #tpu.memory_space<hbm>>
          tpu.enqueue_dma source(%arg13 : memref<128x128xf32, #tpu.memory_space<vmem>>) target(%dma_start3A_67 : memref<128x128xf32, #tpu.memory_space<hbm>>) target_semaphore(%run_scoped3A : memref<!tpu.dma_semaphore, #tpu.memory_space<semaphore_mem>>)
          %dma_wait3A_68 = arith.constant 0 : i32
          %dma_wait3A_69 = tpu.memref_slice %arg6[%mul3A_64, %dma_wait3A_68] : memref<800000x128xf32, #tpu.memory_space<hbm>> -> memref<128x128xf32, #tpu.memory_space<hbm>>
          %dma_wait3A_70 = arith.constant 0 : i32
          %dma_wait3A_71 = tpu.memref_slice %arg6[%mul3A_64, %dma_wait3A_70] : memref<800000x128xf32, #tpu.memory_space<hbm>> -> memref<128x128xf32, #tpu.memory_space<hbm>>
          tpu.wait_dma2 semaphore(%run_scoped3A : memref<!tpu.dma_semaphore, #tpu.memory_space<semaphore_mem>>) src(%arg13 : memref<128x128xf32, #tpu.memory_space<vmem>>) dst(%dma_wait3A_71 : memref<128x128xf32, #tpu.memory_space<hbm>>)
          tpu.yield
        }) : () -> ()
        "tpu.region"() ({
          %run_scoped3A = tpu.sem_alloc : memref<!tpu.dma_semaphore, #tpu.memory_space<semaphore_mem>>
          %dma_start3A = arith.constant 0 : i32
          %dma_start3A_65 = tpu.memref_slice %arg7[%mul3A_64, %dma_start3A] : memref<800000x128xf32, #tpu.memory_space<hbm>> -> memref<128x128xf32, #tpu.memory_space<hbm>>
          %dma_start3A_66 = arith.constant 0 : i32
          %dma_start3A_67 = tpu.memref_slice %arg7[%mul3A_64, %dma_start3A_66] : memref<800000x128xf32, #tpu.memory_space<hbm>> -> memref<128x128xf32, #tpu.memory_space<hbm>>
          tpu.enqueue_dma source(%arg15 : memref<128x128xf32, #tpu.memory_space<vmem>>) target(%dma_start3A_67 : memref<128x128xf32, #tpu.memory_space<hbm>>) target_semaphore(%run_scoped3A : memref<!tpu.dma_semaphore, #tpu.memory_space<semaphore_mem>>)
          %dma_wait3A_68 = arith.constant 0 : i32
          %dma_wait3A_69 = tpu.memref_slice %arg7[%mul3A_64, %dma_wait3A_68] : memref<800000x128xf32, #tpu.memory_space<hbm>> -> memref<128x128xf32, #tpu.memory_space<hbm>>
          %dma_wait3A_70 = arith.constant 0 : i32
          %dma_wait3A_71 = tpu.memref_slice %arg7[%mul3A_64, %dma_wait3A_70] : memref<800000x128xf32, #tpu.memory_space<hbm>> -> memref<128x128xf32, #tpu.memory_space<hbm>>
          tpu.wait_dma2 semaphore(%run_scoped3A : memref<!tpu.dma_semaphore, #tpu.memory_space<semaphore_mem>>) src(%arg15 : memref<128x128xf32, #tpu.memory_space<vmem>>) dst(%dma_wait3A_71 : memref<128x128xf32, #tpu.memory_space<hbm>>)
          tpu.yield
        }) : () -> ()
      } else {
      }
    }
    %scan3A_10 = arith.constant 98 : i32
    return
  }
}

#map = affine_map<(d0, d1) -> (0, 0)>
#map1 = affine_map<(d0, d1) -> (0)>
module attributes {stable_mosaic.version = 14 : i64} {
  func.func @_gather_body(%arg0: i32, %arg1: i32, %arg2: memref<50000x128xf32, #tpu.memory_space<hbm>>, %arg3: memref<50000x128xf32, #tpu.memory_space<hbm>>, %arg4: memref<800000xi32, #tpu.memory_space<hbm>>, %arg5: memref<800000xi32, #tpu.memory_space<hbm>>, %arg6: memref<800000x128xf32, #tpu.memory_space<hbm>>, %arg7: memref<800000x128xf32, #tpu.memory_space<hbm>>, %arg8: memref<128xi32, #tpu.memory_space<vmem>>, %arg9: memref<128xi32, #tpu.memory_space<vmem>>, %arg10: memref<128xi32, #tpu.memory_space<vmem>>, %arg11: memref<128xi32, #tpu.memory_space<vmem>>, %arg12: memref<128x128xf32, #tpu.memory_space<vmem>>, %arg13: memref<128x128xf32, #tpu.memory_space<vmem>>, %arg14: memref<128x128xf32, #tpu.memory_space<vmem>>, %arg15: memref<128x128xf32, #tpu.memory_space<vmem>>, %arg16: memref<!tpu.dma_semaphore, #tpu.memory_space<semaphore_mem>>, %arg17: memref<!tpu.dma_semaphore, #tpu.memory_space<semaphore_mem>>, %arg18: memref<!tpu.dma_semaphore, #tpu.memory_space<semaphore_mem>>, %arg19: memref<!tpu.dma_semaphore, #tpu.memory_space<semaphore_mem>>) attributes {dimension_semantics = [#tpu.dimension_semantics<core_parallel>, #tpu.dimension_semantics<subcore_parallel>], iteration_bounds = array<i64: 2, 16>, scalar_prefetch = 0 : i64, scratch_operands = 12 : i64, tpu.core_type = #tpu.core_type<sc_vector_subcore>, window_params = [{transform_indices = #map}, {transform_indices = #map}, {transform_indices = #map1}, {transform_indices = #map1}, {transform_indices = #map}, {transform_indices = #map}]} {
    %mul3A = arith.constant 16 : i32
    %mul3A_0 = arith.muli %arg0, %mul3A : i32
    %add3A = arith.addi %mul3A_0, %arg1 : i32
    %add3A_1 = arith.constant 0 : i32
    %add3A_2 = arith.addi %add3A, %add3A_1 : i32
    %lt3A = arith.constant 6250 : i32
    %lt3A_3 = arith.cmpi slt, %add3A_2, %lt3A : i32
    %and3A = arith.constant true
    %and3A_4 = arith.andi %and3A, %lt3A_3 : i1
    %convert_element_type3A = arith.extui %and3A_4 : i1 to i32
    %cond3A = arith.constant 0 : i32
    %cond3A_5 = arith.cmpi ne, %convert_element_type3A, %cond3A : i32
    scf.if %cond3A_5 {
      %mul3A_11 = arith.constant 128 : i32
      %mul3A_12 = arith.muli %add3A_2, %mul3A_11 : i32
      "tpu.region"() ({
        %run_scoped3A = tpu.sem_alloc : memref<!tpu.dma_semaphore, #tpu.memory_space<semaphore_mem>>
        %dma_start3A_18 = tpu.memref_slice %arg4[%mul3A_12] : memref<800000xi32, #tpu.memory_space<hbm>> -> memref<128xi32, #tpu.memory_space<hbm>>
        %dma_start3A_19 = tpu.memref_slice %arg4[%mul3A_12] : memref<800000xi32, #tpu.memory_space<hbm>> -> memref<128xi32, #tpu.memory_space<hbm>>
        tpu.enqueue_dma source(%dma_start3A_19 : memref<128xi32, #tpu.memory_space<hbm>>) target(%arg8 : memref<128xi32, #tpu.memory_space<vmem>>) target_semaphore(%run_scoped3A : memref<!tpu.dma_semaphore, #tpu.memory_space<semaphore_mem>>)
        %dma_wait3A = tpu.memref_slice %arg4[%mul3A_12] : memref<800000xi32, #tpu.memory_space<hbm>> -> memref<128xi32, #tpu.memory_space<hbm>>
        %dma_wait3A_20 = tpu.memref_slice %arg4[%mul3A_12] : memref<800000xi32, #tpu.memory_space<hbm>> -> memref<128xi32, #tpu.memory_space<hbm>>
        tpu.wait_dma2 semaphore(%run_scoped3A : memref<!tpu.dma_semaphore, #tpu.memory_space<semaphore_mem>>) src(%dma_wait3A_20 : memref<128xi32, #tpu.memory_space<hbm>>) dst(%arg8 : memref<128xi32, #tpu.memory_space<vmem>>)
        tpu.yield
      }) : () -> ()
      "tpu.region"() ({
        %run_scoped3A = tpu.sem_alloc : memref<!tpu.dma_semaphore, #tpu.memory_space<semaphore_mem>>
        %dma_start3A_18 = tpu.memref_slice %arg5[%mul3A_12] : memref<800000xi32, #tpu.memory_space<hbm>> -> memref<128xi32, #tpu.memory_space<hbm>>
        %dma_start3A_19 = tpu.memref_slice %arg5[%mul3A_12] : memref<800000xi32, #tpu.memory_space<hbm>> -> memref<128xi32, #tpu.memory_space<hbm>>
        tpu.enqueue_dma source(%dma_start3A_19 : memref<128xi32, #tpu.memory_space<hbm>>) target(%arg10 : memref<128xi32, #tpu.memory_space<vmem>>) target_semaphore(%run_scoped3A : memref<!tpu.dma_semaphore, #tpu.memory_space<semaphore_mem>>)
        %dma_wait3A = tpu.memref_slice %arg5[%mul3A_12] : memref<800000xi32, #tpu.memory_space<hbm>> -> memref<128xi32, #tpu.memory_space<hbm>>
        %dma_wait3A_20 = tpu.memref_slice %arg5[%mul3A_12] : memref<800000xi32, #tpu.memory_space<hbm>> -> memref<128xi32, #tpu.memory_space<hbm>>
        tpu.wait_dma2 semaphore(%run_scoped3A : memref<!tpu.dma_semaphore, #tpu.memory_space<semaphore_mem>>) src(%dma_wait3A_20 : memref<128xi32, #tpu.memory_space<hbm>>) dst(%arg10 : memref<128xi32, #tpu.memory_space<vmem>>)
        tpu.yield
      }) : () -> ()
      %dma_start3A = arith.constant 0 : i32
      %dma_start3A_13 = arith.constant 0 : i32
      %dma_start3A_14 = tpu.memref_slice %arg2[%dma_start3A, %dma_start3A_13] : memref<50000x128xf32, #tpu.memory_space<hbm>> -> memref<50000x128xf32, #tpu.memory_space<hbm>>
      tpu.enqueue_indirect_dma source(%dma_start3A_14 : memref<50000x128xf32, #tpu.memory_space<hbm>>) target(%arg12 : memref<128x128xf32, #tpu.memory_space<vmem>>) offsets(%arg8 : memref<128xi32, #tpu.memory_space<vmem>>) semaphore(%arg16 : memref<!tpu.dma_semaphore, #tpu.memory_space<semaphore_mem>>)
      %dma_start3A_15 = arith.constant 0 : i32
      %dma_start3A_16 = arith.constant 0 : i32
      %dma_start3A_17 = tpu.memref_slice %arg3[%dma_start3A_15, %dma_start3A_16] : memref<50000x128xf32, #tpu.memory_space<hbm>> -> memref<50000x128xf32, #tpu.memory_space<hbm>>
      tpu.enqueue_indirect_dma source(%dma_start3A_17 : memref<50000x128xf32, #tpu.memory_space<hbm>>) target(%arg14 : memref<128x128xf32, #tpu.memory_space<vmem>>) offsets(%arg10 : memref<128xi32, #tpu.memory_space<vmem>>) semaphore(%arg18 : memref<!tpu.dma_semaphore, #tpu.memory_space<semaphore_mem>>)
    } else {
    }
    %scan3A = arith.constant 0 : i32
    %scan3A_6 = arith.constant 0 : i32
    %scan3A_7 = arith.constant 98 : i32
    %scan3A_8 = arith.addi %scan3A_6, %scan3A_7 : i32
    %scan3A_9 = arith.constant 1 : i32
    scf.for %scan3A_11 = %scan3A_6 to %scan3A_8 step %scan3A_9  : i32 {
      %mul3A_12 = arith.constant 2 : i32
      %mul3A_13 = arith.muli %mul3A_12, %scan3A_11 : i32
      %add3A_14 = arith.constant 1 : i32
      %add3A_15 = arith.addi %mul3A_13, %add3A_14 : i32
      %mul3A_16 = arith.constant 32 : i32
      %mul3A_17 = arith.muli %add3A_15, %mul3A_16 : i32
      %add3A_18 = arith.addi %add3A, %mul3A_17 : i32
      %lt3A_19 = arith.constant 196 : i32
      %lt3A_20 = arith.cmpi slt, %add3A_15, %lt3A_19 : i32
      %lt3A_21 = arith.constant 6250 : i32
      %lt3A_22 = arith.cmpi slt, %add3A_18, %lt3A_21 : i32
      %and3A_23 = arith.andi %lt3A_20, %lt3A_22 : i1
      %convert_element_type3A_24 = arith.extui %and3A_23 : i1 to i32
      %cond3A_25 = arith.constant 0 : i32
      %cond3A_26 = arith.cmpi ne, %convert_element_type3A_24, %cond3A_25 : i32
      scf.if %cond3A_26 {
        %mul3A_58 = arith.constant 128 : i32
        %mul3A_59 = arith.muli %add3A_18, %mul3A_58 : i32
        "tpu.region"() ({
          %run_scoped3A = tpu.sem_alloc : memref<!tpu.dma_semaphore, #tpu.memory_space<semaphore_mem>>
          %dma_start3A_65 = tpu.memref_slice %arg4[%mul3A_59] : memref<800000xi32, #tpu.memory_space<hbm>> -> memref<128xi32, #tpu.memory_space<hbm>>
          %dma_start3A_66 = tpu.memref_slice %arg4[%mul3A_59] : memref<800000xi32, #tpu.memory_space<hbm>> -> memref<128xi32, #tpu.memory_space<hbm>>
          tpu.enqueue_dma source(%dma_start3A_66 : memref<128xi32, #tpu.memory_space<hbm>>) target(%arg9 : memref<128xi32, #tpu.memory_space<vmem>>) target_semaphore(%run_scoped3A : memref<!tpu.dma_semaphore, #tpu.memory_space<semaphore_mem>>)
          %dma_wait3A = tpu.memref_slice %arg4[%mul3A_59] : memref<800000xi32, #tpu.memory_space<hbm>> -> memref<128xi32, #tpu.memory_space<hbm>>
          %dma_wait3A_67 = tpu.memref_slice %arg4[%mul3A_59] : memref<800000xi32, #tpu.memory_space<hbm>> -> memref<128xi32, #tpu.memory_space<hbm>>
          tpu.wait_dma2 semaphore(%run_scoped3A : memref<!tpu.dma_semaphore, #tpu.memory_space<semaphore_mem>>) src(%dma_wait3A_67 : memref<128xi32, #tpu.memory_space<hbm>>) dst(%arg9 : memref<128xi32, #tpu.memory_space<vmem>>)
          tpu.yield
        }) : () -> ()
        "tpu.region"() ({
          %run_scoped3A = tpu.sem_alloc : memref<!tpu.dma_semaphore, #tpu.memory_space<semaphore_mem>>
          %dma_start3A_65 = tpu.memref_slice %arg5[%mul3A_59] : memref<800000xi32, #tpu.memory_space<hbm>> -> memref<128xi32, #tpu.memory_space<hbm>>
          %dma_start3A_66 = tpu.memref_slice %arg5[%mul3A_59] : memref<800000xi32, #tpu.memory_space<hbm>> -> memref<128xi32, #tpu.memory_space<hbm>>
          tpu.enqueue_dma source(%dma_start3A_66 : memref<128xi32, #tpu.memory_space<hbm>>) target(%arg11 : memref<128xi32, #tpu.memory_space<vmem>>) target_semaphore(%run_scoped3A : memref<!tpu.dma_semaphore, #tpu.memory_space<semaphore_mem>>)
          %dma_wait3A = tpu.memref_slice %arg5[%mul3A_59] : memref<800000xi32, #tpu.memory_space<hbm>> -> memref<128xi32, #tpu.memory_space<hbm>>
          %dma_wait3A_67 = tpu.memref_slice %arg5[%mul3A_59] : memref<800000xi32, #tpu.memory_space<hbm>> -> memref<128xi32, #tpu.memory_space<hbm>>
          tpu.wait_dma2 semaphore(%run_scoped3A : memref<!tpu.dma_semaphore, #tpu.memory_space<semaphore_mem>>) src(%dma_wait3A_67 : memref<128xi32, #tpu.memory_space<hbm>>) dst(%arg11 : memref<128xi32, #tpu.memory_space<vmem>>)
          tpu.yield
        }) : () -> ()
        %dma_start3A = arith.constant 0 : i32
        %dma_start3A_60 = arith.constant 0 : i32
        %dma_start3A_61 = tpu.memref_slice %arg2[%dma_start3A, %dma_start3A_60] : memref<50000x128xf32, #tpu.memory_space<hbm>> -> memref<50000x128xf32, #tpu.memory_space<hbm>>
        tpu.enqueue_indirect_dma source(%dma_start3A_61 : memref<50000x128xf32, #tpu.memory_space<hbm>>) target(%arg13 : memref<128x128xf32, #tpu.memory_space<vmem>>) offsets(%arg9 : memref<128xi32, #tpu.memory_space<vmem>>) semaphore(%arg17 : memref<!tpu.dma_semaphore, #tpu.memory_space<semaphore_mem>>)
        %dma_start3A_62 = arith.constant 0 : i32
        %dma_start3A_63 = arith.constant 0 : i32
        %dma_start3A_64 = tpu.memref_slice %arg3[%dma_start3A_62, %dma_start3A_63] : memref<50000x128xf32, #tpu.memory_space<hbm>> -> memref<50000x128xf32, #tpu.memory_space<hbm>>
        tpu.enqueue_indirect_dma source(%dma_start3A_64 : memref<50000x128xf32, #tpu.memory_space<hbm>>) target(%arg15 : memref<128x128xf32, #tpu.memory_space<vmem>>) offsets(%arg11 : memref<128xi32, #tpu.memory_space<vmem>>) semaphore(%arg19 : memref<!tpu.dma_semaphore, #tpu.memory_space<semaphore_mem>>)
      } else {
      }
      %mul3A_27 = arith.constant 32 : i32
      %mul3A_28 = arith.muli %mul3A_13, %mul3A_27 : i32
      %add3A_29 = arith.addi %add3A, %mul3A_28 : i32
      %lt3A_30 = arith.constant 6250 : i32
      %lt3A_31 = arith.cmpi slt, %add3A_29, %lt3A_30 : i32
      %convert_element_type3A_32 = arith.extui %lt3A_31 : i1 to i32
      %cond3A_33 = arith.constant 0 : i32
      %cond3A_34 = arith.cmpi ne, %convert_element_type3A_32, %cond3A_33 : i32
      scf.if %cond3A_34 {
        %dma_wait3A = arith.constant 0 : i32
        %dma_wait3A_58 = arith.constant 0 : i32
        %dma_wait3A_59 = tpu.memref_slice %arg2[%dma_wait3A, %dma_wait3A_58] : memref<50000x128xf32, #tpu.memory_space<hbm>> -> memref<50000x128xf32, #tpu.memory_space<hbm>>
        tpu.wait_indirect_dma semaphore(%arg16 : memref<!tpu.dma_semaphore, #tpu.memory_space<semaphore_mem>>) src(%dma_wait3A_59 : memref<50000x128xf32, #tpu.memory_space<hbm>>) dst(%arg12 : memref<128x128xf32, #tpu.memory_space<vmem>>)
        %dma_wait3A_60 = arith.constant 0 : i32
        %dma_wait3A_61 = arith.constant 0 : i32
        %dma_wait3A_62 = tpu.memref_slice %arg3[%dma_wait3A_60, %dma_wait3A_61] : memref<50000x128xf32, #tpu.memory_space<hbm>> -> memref<50000x128xf32, #tpu.memory_space<hbm>>
        tpu.wait_indirect_dma semaphore(%arg18 : memref<!tpu.dma_semaphore, #tpu.memory_space<semaphore_mem>>) src(%dma_wait3A_62 : memref<50000x128xf32, #tpu.memory_space<hbm>>) dst(%arg14 : memref<128x128xf32, #tpu.memory_space<vmem>>)
        %mul3A_63 = arith.constant 128 : i32
        %mul3A_64 = arith.muli %add3A_29, %mul3A_63 : i32
        "tpu.region"() ({
          %run_scoped3A = tpu.sem_alloc : memref<!tpu.dma_semaphore, #tpu.memory_space<semaphore_mem>>
          %dma_start3A = arith.constant 0 : i32
          %dma_start3A_65 = tpu.memref_slice %arg6[%mul3A_64, %dma_start3A] : memref<800000x128xf32, #tpu.memory_space<hbm>> -> memref<128x128xf32, #tpu.memory_space<hbm>>
          %dma_start3A_66 = arith.constant 0 : i32
          %dma_start3A_67 = tpu.memref_slice %arg6[%mul3A_64, %dma_start3A_66] : memref<800000x128xf32, #tpu.memory_space<hbm>> -> memref<128x128xf32, #tpu.memory_space<hbm>>
          tpu.enqueue_dma source(%arg12 : memref<128x128xf32, #tpu.memory_space<vmem>>) target(%dma_start3A_67 : memref<128x128xf32, #tpu.memory_space<hbm>>) target_semaphore(%run_scoped3A : memref<!tpu.dma_semaphore, #tpu.memory_space<semaphore_mem>>)
          %dma_wait3A_68 = arith.constant 0 : i32
          %dma_wait3A_69 = tpu.memref_slice %arg6[%mul3A_64, %dma_wait3A_68] : memref<800000x128xf32, #tpu.memory_space<hbm>> -> memref<128x128xf32, #tpu.memory_space<hbm>>
          %dma_wait3A_70 = arith.constant 0 : i32
          %dma_wait3A_71 = tpu.memref_slice %arg6[%mul3A_64, %dma_wait3A_70] : memref<800000x128xf32, #tpu.memory_space<hbm>> -> memref<128x128xf32, #tpu.memory_space<hbm>>
          tpu.wait_dma2 semaphore(%run_scoped3A : memref<!tpu.dma_semaphore, #tpu.memory_space<semaphore_mem>>) src(%arg12 : memref<128x128xf32, #tpu.memory_space<vmem>>) dst(%dma_wait3A_71 : memref<128x128xf32, #tpu.memory_space<hbm>>)
          tpu.yield
        }) : () -> ()
        "tpu.region"() ({
          %run_scoped3A = tpu.sem_alloc : memref<!tpu.dma_semaphore, #tpu.memory_space<semaphore_mem>>
          %dma_start3A = arith.constant 0 : i32
          %dma_start3A_65 = tpu.memref_slice %arg7[%mul3A_64, %dma_start3A] : memref<800000x128xf32, #tpu.memory_space<hbm>> -> memref<128x128xf32, #tpu.memory_space<hbm>>
          %dma_start3A_66 = arith.constant 0 : i32
          %dma_start3A_67 = tpu.memref_slice %arg7[%mul3A_64, %dma_start3A_66] : memref<800000x128xf32, #tpu.memory_space<hbm>> -> memref<128x128xf32, #tpu.memory_space<hbm>>
          tpu.enqueue_dma source(%arg14 : memref<128x128xf32, #tpu.memory_space<vmem>>) target(%dma_start3A_67 : memref<128x128xf32, #tpu.memory_space<hbm>>) target_semaphore(%run_scoped3A : memref<!tpu.dma_semaphore, #tpu.memory_space<semaphore_mem>>)
          %dma_wait3A_68 = arith.constant 0 : i32
          %dma_wait3A_69 = tpu.memref_slice %arg7[%mul3A_64, %dma_wait3A_68] : memref<800000x128xf32, #tpu.memory_space<hbm>> -> memref<128x128xf32, #tpu.memory_space<hbm>>
          %dma_wait3A_70 = arith.constant 0 : i32
          %dma_wait3A_71 = tpu.memref_slice %arg7[%mul3A_64, %dma_wait3A_70] : memref<800000x128xf32, #tpu.memory_space<hbm>> -> memref<128x128xf32, #tpu.memory_space<hbm>>
          tpu.wait_dma2 semaphore(%run_scoped3A : memref<!tpu.dma_semaphore, #tpu.memory_space<semaphore_mem>>) src(%arg14 : memref<128x128xf32, #tpu.memory_space<vmem>>) dst(%dma_wait3A_71 : memref<128x128xf32, #tpu.memory_space<hbm>>)
          tpu.yield
        }) : () -> ()
      } else {
      }
      %add3A_35 = arith.constant 2 : i32
      %add3A_36 = arith.addi %mul3A_13, %add3A_35 : i32
      %mul3A_37 = arith.constant 32 : i32
      %mul3A_38 = arith.muli %add3A_36, %mul3A_37 : i32
      %add3A_39 = arith.addi %add3A, %mul3A_38 : i32
      %lt3A_40 = arith.constant 196 : i32
      %lt3A_41 = arith.cmpi slt, %add3A_36, %lt3A_40 : i32
      %lt3A_42 = arith.constant 6250 : i32
      %lt3A_43 = arith.cmpi slt, %add3A_39, %lt3A_42 : i32
      %and3A_44 = arith.andi %lt3A_41, %lt3A_43 : i1
      %convert_element_type3A_45 = arith.extui %and3A_44 : i1 to i32
      %cond3A_46 = arith.constant 0 : i32
      %cond3A_47 = arith.cmpi ne, %convert_element_type3A_45, %cond3A_46 : i32
      scf.if %cond3A_47 {
        %mul3A_58 = arith.constant 128 : i32
        %mul3A_59 = arith.muli %add3A_39, %mul3A_58 : i32
        "tpu.region"() ({
          %run_scoped3A = tpu.sem_alloc : memref<!tpu.dma_semaphore, #tpu.memory_space<semaphore_mem>>
          %dma_start3A_65 = tpu.memref_slice %arg4[%mul3A_59] : memref<800000xi32, #tpu.memory_space<hbm>> -> memref<128xi32, #tpu.memory_space<hbm>>
          %dma_start3A_66 = tpu.memref_slice %arg4[%mul3A_59] : memref<800000xi32, #tpu.memory_space<hbm>> -> memref<128xi32, #tpu.memory_space<hbm>>
          tpu.enqueue_dma source(%dma_start3A_66 : memref<128xi32, #tpu.memory_space<hbm>>) target(%arg8 : memref<128xi32, #tpu.memory_space<vmem>>) target_semaphore(%run_scoped3A : memref<!tpu.dma_semaphore, #tpu.memory_space<semaphore_mem>>)
          %dma_wait3A = tpu.memref_slice %arg4[%mul3A_59] : memref<800000xi32, #tpu.memory_space<hbm>> -> memref<128xi32, #tpu.memory_space<hbm>>
          %dma_wait3A_67 = tpu.memref_slice %arg4[%mul3A_59] : memref<800000xi32, #tpu.memory_space<hbm>> -> memref<128xi32, #tpu.memory_space<hbm>>
          tpu.wait_dma2 semaphore(%run_scoped3A : memref<!tpu.dma_semaphore, #tpu.memory_space<semaphore_mem>>) src(%dma_wait3A_67 : memref<128xi32, #tpu.memory_space<hbm>>) dst(%arg8 : memref<128xi32, #tpu.memory_space<vmem>>)
          tpu.yield
        }) : () -> ()
        "tpu.region"() ({
          %run_scoped3A = tpu.sem_alloc : memref<!tpu.dma_semaphore, #tpu.memory_space<semaphore_mem>>
          %dma_start3A_65 = tpu.memref_slice %arg5[%mul3A_59] : memref<800000xi32, #tpu.memory_space<hbm>> -> memref<128xi32, #tpu.memory_space<hbm>>
          %dma_start3A_66 = tpu.memref_slice %arg5[%mul3A_59] : memref<800000xi32, #tpu.memory_space<hbm>> -> memref<128xi32, #tpu.memory_space<hbm>>
          tpu.enqueue_dma source(%dma_start3A_66 : memref<128xi32, #tpu.memory_space<hbm>>) target(%arg10 : memref<128xi32, #tpu.memory_space<vmem>>) target_semaphore(%run_scoped3A : memref<!tpu.dma_semaphore, #tpu.memory_space<semaphore_mem>>)
          %dma_wait3A = tpu.memref_slice %arg5[%mul3A_59] : memref<800000xi32, #tpu.memory_space<hbm>> -> memref<128xi32, #tpu.memory_space<hbm>>
          %dma_wait3A_67 = tpu.memref_slice %arg5[%mul3A_59] : memref<800000xi32, #tpu.memory_space<hbm>> -> memref<128xi32, #tpu.memory_space<hbm>>
          tpu.wait_dma2 semaphore(%run_scoped3A : memref<!tpu.dma_semaphore, #tpu.memory_space<semaphore_mem>>) src(%dma_wait3A_67 : memref<128xi32, #tpu.memory_space<hbm>>) dst(%arg10 : memref<128xi32, #tpu.memory_space<vmem>>)
          tpu.yield
        }) : () -> ()
        %dma_start3A = arith.constant 0 : i32
        %dma_start3A_60 = arith.constant 0 : i32
        %dma_start3A_61 = tpu.memref_slice %arg2[%dma_start3A, %dma_start3A_60] : memref<50000x128xf32, #tpu.memory_space<hbm>> -> memref<50000x128xf32, #tpu.memory_space<hbm>>
        tpu.enqueue_indirect_dma source(%dma_start3A_61 : memref<50000x128xf32, #tpu.memory_space<hbm>>) target(%arg12 : memref<128x128xf32, #tpu.memory_space<vmem>>) offsets(%arg8 : memref<128xi32, #tpu.memory_space<vmem>>) semaphore(%arg16 : memref<!tpu.dma_semaphore, #tpu.memory_space<semaphore_mem>>)
        %dma_start3A_62 = arith.constant 0 : i32
        %dma_start3A_63 = arith.constant 0 : i32
        %dma_start3A_64 = tpu.memref_slice %arg3[%dma_start3A_62, %dma_start3A_63] : memref<50000x128xf32, #tpu.memory_space<hbm>> -> memref<50000x128xf32, #tpu.memory_space<hbm>>
        tpu.enqueue_indirect_dma source(%dma_start3A_64 : memref<50000x128xf32, #tpu.memory_space<hbm>>) target(%arg14 : memref<128x128xf32, #tpu.memory_space<vmem>>) offsets(%arg10 : memref<128xi32, #tpu.memory_space<vmem>>) semaphore(%arg18 : memref<!tpu.dma_semaphore, #tpu.memory_space<semaphore_mem>>)
      } else {
      }
      %add3A_48 = arith.constant 1 : i32
      %add3A_49 = arith.addi %mul3A_13, %add3A_48 : i32
      %mul3A_50 = arith.constant 32 : i32
      %mul3A_51 = arith.muli %add3A_49, %mul3A_50 : i32
      %add3A_52 = arith.addi %add3A, %mul3A_51 : i32
      %lt3A_53 = arith.constant 6250 : i32
      %lt3A_54 = arith.cmpi slt, %add3A_52, %lt3A_53 : i32
      %convert_element_type3A_55 = arith.extui %lt3A_54 : i1 to i32
      %cond3A_56 = arith.constant 0 : i32
      %cond3A_57 = arith.cmpi ne, %convert_element_type3A_55, %cond3A_56 : i32
      scf.if %cond3A_57 {
        %dma_wait3A = arith.constant 0 : i32
        %dma_wait3A_58 = arith.constant 0 : i32
        %dma_wait3A_59 = tpu.memref_slice %arg2[%dma_wait3A, %dma_wait3A_58] : memref<50000x128xf32, #tpu.memory_space<hbm>> -> memref<50000x128xf32, #tpu.memory_space<hbm>>
        tpu.wait_indirect_dma semaphore(%arg17 : memref<!tpu.dma_semaphore, #tpu.memory_space<semaphore_mem>>) src(%dma_wait3A_59 : memref<50000x128xf32, #tpu.memory_space<hbm>>) dst(%arg13 : memref<128x128xf32, #tpu.memory_space<vmem>>)
        %dma_wait3A_60 = arith.constant 0 : i32
        %dma_wait3A_61 = arith.constant 0 : i32
        %dma_wait3A_62 = tpu.memref_slice %arg3[%dma_wait3A_60, %dma_wait3A_61] : memref<50000x128xf32, #tpu.memory_space<hbm>> -> memref<50000x128xf32, #tpu.memory_space<hbm>>
        tpu.wait_indirect_dma semaphore(%arg19 : memref<!tpu.dma_semaphore, #tpu.memory_space<semaphore_mem>>) src(%dma_wait3A_62 : memref<50000x128xf32, #tpu.memory_space<hbm>>) dst(%arg15 : memref<128x128xf32, #tpu.memory_space<vmem>>)
        %mul3A_63 = arith.constant 128 : i32
        %mul3A_64 = arith.muli %add3A_52, %mul3A_63 : i32
        "tpu.region"() ({
          %run_scoped3A = tpu.sem_alloc : memref<!tpu.dma_semaphore, #tpu.memory_space<semaphore_mem>>
          %dma_start3A = arith.constant 0 : i32
          %dma_start3A_65 = tpu.memref_slice %arg6[%mul3A_64, %dma_start3A] : memref<800000x128xf32, #tpu.memory_space<hbm>> -> memref<128x128xf32, #tpu.memory_space<hbm>>
          %dma_start3A_66 = arith.constant 0 : i32
          %dma_start3A_67 = tpu.memref_slice %arg6[%mul3A_64, %dma_start3A_66] : memref<800000x128xf32, #tpu.memory_space<hbm>> -> memref<128x128xf32, #tpu.memory_space<hbm>>
          tpu.enqueue_dma source(%arg13 : memref<128x128xf32, #tpu.memory_space<vmem>>) target(%dma_start3A_67 : memref<128x128xf32, #tpu.memory_space<hbm>>) target_semaphore(%run_scoped3A : memref<!tpu.dma_semaphore, #tpu.memory_space<semaphore_mem>>)
          %dma_wait3A_68 = arith.constant 0 : i32
          %dma_wait3A_69 = tpu.memref_slice %arg6[%mul3A_64, %dma_wait3A_68] : memref<800000x128xf32, #tpu.memory_space<hbm>> -> memref<128x128xf32, #tpu.memory_space<hbm>>
          %dma_wait3A_70 = arith.constant 0 : i32
          %dma_wait3A_71 = tpu.memref_slice %arg6[%mul3A_64, %dma_wait3A_70] : memref<800000x128xf32, #tpu.memory_space<hbm>> -> memref<128x128xf32, #tpu.memory_space<hbm>>
          tpu.wait_dma2 semaphore(%run_scoped3A : memref<!tpu.dma_semaphore, #tpu.memory_space<semaphore_mem>>) src(%arg13 : memref<128x128xf32, #tpu.memory_space<vmem>>) dst(%dma_wait3A_71 : memref<128x128xf32, #tpu.memory_space<hbm>>)
          tpu.yield
        }) : () -> ()
        "tpu.region"() ({
          %run_scoped3A = tpu.sem_alloc : memref<!tpu.dma_semaphore, #tpu.memory_space<semaphore_mem>>
          %dma_start3A = arith.constant 0 : i32
          %dma_start3A_65 = tpu.memref_slice %arg7[%mul3A_64, %dma_start3A] : memref<800000x128xf32, #tpu.memory_space<hbm>> -> memref<128x128xf32, #tpu.memory_space<hbm>>
          %dma_start3A_66 = arith.constant 0 : i32
          %dma_start3A_67 = tpu.memref_slice %arg7[%mul3A_64, %dma_start3A_66] : memref<800000x128xf32, #tpu.memory_space<hbm>> -> memref<128x128xf32, #tpu.memory_space<hbm>>
          tpu.enqueue_dma source(%arg15 : memref<128x128xf32, #tpu.memory_space<vmem>>) target(%dma_start3A_67 : memref<128x128xf32, #tpu.memory_space<hbm>>) target_semaphore(%run_scoped3A : memref<!tpu.dma_semaphore, #tpu.memory_space<semaphore_mem>>)
          %dma_wait3A_68 = arith.constant 0 : i32
          %dma_wait3A_69 = tpu.memref_slice %arg7[%mul3A_64, %dma_wait3A_68] : memref<800000x128xf32, #tpu.memory_space<hbm>> -> memref<128x128xf32, #tpu.memory_space<hbm>>
          %dma_wait3A_70 = arith.constant 0 : i32
          %dma_wait3A_71 = tpu.memref_slice %arg7[%mul3A_64, %dma_wait3A_70] : memref<800000x128xf32, #tpu.memory_space<hbm>> -> memref<128x128xf32, #tpu.memory_space<hbm>>
          tpu.wait_dma2 semaphore(%run_scoped3A : memref<!tpu.dma_semaphore, #tpu.memory_space<semaphore_mem>>) src(%arg15 : memref<128x128xf32, #tpu.memory_space<vmem>>) dst(%dma_wait3A_71 : memref<128x128xf32, #tpu.memory_space<hbm>>)
          tpu.yield
        }) : () -> ()
      } else {
      }
    }
    %scan3A_10 = arith.constant 98 : i32
    return
  }
}

#map = affine_map<(d0, d1) -> (0, 0)>
#map1 = affine_map<(d0, d1) -> (0)>
module attributes {stable_mosaic.version = 14 : i64} {
  func.func @_gather_body(%arg0: i32, %arg1: i32, %arg2: memref<50000x128xf32, #tpu.memory_space<hbm>>, %arg3: memref<50000x128xf32, #tpu.memory_space<hbm>>, %arg4: memref<800000xi32, #tpu.memory_space<hbm>>, %arg5: memref<800000xi32, #tpu.memory_space<hbm>>, %arg6: memref<800000x128xf32, #tpu.memory_space<hbm>>, %arg7: memref<800000x128xf32, #tpu.memory_space<hbm>>, %arg8: memref<128xi32, #tpu.memory_space<vmem>>, %arg9: memref<128xi32, #tpu.memory_space<vmem>>, %arg10: memref<128xi32, #tpu.memory_space<vmem>>, %arg11: memref<128xi32, #tpu.memory_space<vmem>>, %arg12: memref<128x128xf32, #tpu.memory_space<vmem>>, %arg13: memref<128x128xf32, #tpu.memory_space<vmem>>, %arg14: memref<128x128xf32, #tpu.memory_space<vmem>>, %arg15: memref<128x128xf32, #tpu.memory_space<vmem>>, %arg16: memref<!tpu.dma_semaphore, #tpu.memory_space<semaphore_mem>>, %arg17: memref<!tpu.dma_semaphore, #tpu.memory_space<semaphore_mem>>, %arg18: memref<!tpu.dma_semaphore, #tpu.memory_space<semaphore_mem>>, %arg19: memref<!tpu.dma_semaphore, #tpu.memory_space<semaphore_mem>>) attributes {dimension_semantics = [#tpu.dimension_semantics<core_parallel>, #tpu.dimension_semantics<subcore_parallel>], iteration_bounds = array<i64: 2, 16>, scalar_prefetch = 0 : i64, scratch_operands = 12 : i64, tpu.core_type = #tpu.core_type<sc_vector_subcore>, window_params = [{transform_indices = #map}, {transform_indices = #map}, {transform_indices = #map1}, {transform_indices = #map1}, {transform_indices = #map}, {transform_indices = #map}]} {
    %mul3A = arith.constant 16 : i32
    %mul3A_0 = arith.muli %arg0, %mul3A : i32
    %add3A = arith.addi %mul3A_0, %arg1 : i32
    %add3A_1 = arith.constant 0 : i32
    %add3A_2 = arith.addi %add3A, %add3A_1 : i32
    %lt3A = arith.constant 6250 : i32
    %lt3A_3 = arith.cmpi slt, %add3A_2, %lt3A : i32
    %and3A = arith.constant true
    %and3A_4 = arith.andi %and3A, %lt3A_3 : i1
    %convert_element_type3A = arith.extui %and3A_4 : i1 to i32
    %cond3A = arith.constant 0 : i32
    %cond3A_5 = arith.cmpi ne, %convert_element_type3A, %cond3A : i32
    scf.if %cond3A_5 {
      %mul3A_11 = arith.constant 128 : i32
      %mul3A_12 = arith.muli %add3A_2, %mul3A_11 : i32
      "tpu.region"() ({
        %run_scoped3A = tpu.sem_alloc : memref<!tpu.dma_semaphore, #tpu.memory_space<semaphore_mem>>
        %dma_start3A_18 = tpu.memref_slice %arg4[%mul3A_12] : memref<800000xi32, #tpu.memory_space<hbm>> -> memref<128xi32, #tpu.memory_space<hbm>>
        %dma_start3A_19 = tpu.memref_slice %arg4[%mul3A_12] : memref<800000xi32, #tpu.memory_space<hbm>> -> memref<128xi32, #tpu.memory_space<hbm>>
        tpu.enqueue_dma source(%dma_start3A_19 : memref<128xi32, #tpu.memory_space<hbm>>) target(%arg8 : memref<128xi32, #tpu.memory_space<vmem>>) target_semaphore(%run_scoped3A : memref<!tpu.dma_semaphore, #tpu.memory_space<semaphore_mem>>)
        %dma_wait3A = tpu.memref_slice %arg4[%mul3A_12] : memref<800000xi32, #tpu.memory_space<hbm>> -> memref<128xi32, #tpu.memory_space<hbm>>
        %dma_wait3A_20 = tpu.memref_slice %arg4[%mul3A_12] : memref<800000xi32, #tpu.memory_space<hbm>> -> memref<128xi32, #tpu.memory_space<hbm>>
        tpu.wait_dma2 semaphore(%run_scoped3A : memref<!tpu.dma_semaphore, #tpu.memory_space<semaphore_mem>>) src(%dma_wait3A_20 : memref<128xi32, #tpu.memory_space<hbm>>) dst(%arg8 : memref<128xi32, #tpu.memory_space<vmem>>)
        tpu.yield
      }) : () -> ()
      "tpu.region"() ({
        %run_scoped3A = tpu.sem_alloc : memref<!tpu.dma_semaphore, #tpu.memory_space<semaphore_mem>>
        %dma_start3A_18 = tpu.memref_slice %arg5[%mul3A_12] : memref<800000xi32, #tpu.memory_space<hbm>> -> memref<128xi32, #tpu.memory_space<hbm>>
        %dma_start3A_19 = tpu.memref_slice %arg5[%mul3A_12] : memref<800000xi32, #tpu.memory_space<hbm>> -> memref<128xi32, #tpu.memory_space<hbm>>
        tpu.enqueue_dma source(%dma_start3A_19 : memref<128xi32, #tpu.memory_space<hbm>>) target(%arg10 : memref<128xi32, #tpu.memory_space<vmem>>) target_semaphore(%run_scoped3A : memref<!tpu.dma_semaphore, #tpu.memory_space<semaphore_mem>>)
        %dma_wait3A = tpu.memref_slice %arg5[%mul3A_12] : memref<800000xi32, #tpu.memory_space<hbm>> -> memref<128xi32, #tpu.memory_space<hbm>>
        %dma_wait3A_20 = tpu.memref_slice %arg5[%mul3A_12] : memref<800000xi32, #tpu.memory_space<hbm>> -> memref<128xi32, #tpu.memory_space<hbm>>
        tpu.wait_dma2 semaphore(%run_scoped3A : memref<!tpu.dma_semaphore, #tpu.memory_space<semaphore_mem>>) src(%dma_wait3A_20 : memref<128xi32, #tpu.memory_space<hbm>>) dst(%arg10 : memref<128xi32, #tpu.memory_space<vmem>>)
        tpu.yield
      }) : () -> ()
      %dma_start3A = arith.constant 0 : i32
      %dma_start3A_13 = arith.constant 0 : i32
      %dma_start3A_14 = tpu.memref_slice %arg2[%dma_start3A, %dma_start3A_13] : memref<50000x128xf32, #tpu.memory_space<hbm>> -> memref<50000x128xf32, #tpu.memory_space<hbm>>
      tpu.enqueue_indirect_dma source(%dma_start3A_14 : memref<50000x128xf32, #tpu.memory_space<hbm>>) target(%arg12 : memref<128x128xf32, #tpu.memory_space<vmem>>) offsets(%arg8 : memref<128xi32, #tpu.memory_space<vmem>>) semaphore(%arg16 : memref<!tpu.dma_semaphore, #tpu.memory_space<semaphore_mem>>)
      %dma_start3A_15 = arith.constant 0 : i32
      %dma_start3A_16 = arith.constant 0 : i32
      %dma_start3A_17 = tpu.memref_slice %arg3[%dma_start3A_15, %dma_start3A_16] : memref<50000x128xf32, #tpu.memory_space<hbm>> -> memref<50000x128xf32, #tpu.memory_space<hbm>>
      tpu.enqueue_indirect_dma source(%dma_start3A_17 : memref<50000x128xf32, #tpu.memory_space<hbm>>) target(%arg14 : memref<128x128xf32, #tpu.memory_space<vmem>>) offsets(%arg10 : memref<128xi32, #tpu.memory_space<vmem>>) semaphore(%arg18 : memref<!tpu.dma_semaphore, #tpu.memory_space<semaphore_mem>>)
    } else {
    }
    %scan3A = arith.constant 0 : i32
    %scan3A_6 = arith.constant 0 : i32
    %scan3A_7 = arith.constant 98 : i32
    %scan3A_8 = arith.addi %scan3A_6, %scan3A_7 : i32
    %scan3A_9 = arith.constant 1 : i32
    scf.for %scan3A_11 = %scan3A_6 to %scan3A_8 step %scan3A_9  : i32 {
      %mul3A_12 = arith.constant 2 : i32
      %mul3A_13 = arith.muli %mul3A_12, %scan3A_11 : i32
      %add3A_14 = arith.constant 1 : i32
      %add3A_15 = arith.addi %mul3A_13, %add3A_14 : i32
      %mul3A_16 = arith.constant 32 : i32
      %mul3A_17 = arith.muli %add3A_15, %mul3A_16 : i32
      %add3A_18 = arith.addi %add3A, %mul3A_17 : i32
      %lt3A_19 = arith.constant 196 : i32
      %lt3A_20 = arith.cmpi slt, %add3A_15, %lt3A_19 : i32
      %lt3A_21 = arith.constant 6250 : i32
      %lt3A_22 = arith.cmpi slt, %add3A_18, %lt3A_21 : i32
      %and3A_23 = arith.andi %lt3A_20, %lt3A_22 : i1
      %convert_element_type3A_24 = arith.extui %and3A_23 : i1 to i32
      %cond3A_25 = arith.constant 0 : i32
      %cond3A_26 = arith.cmpi ne, %convert_element_type3A_24, %cond3A_25 : i32
      scf.if %cond3A_26 {
        %mul3A_58 = arith.constant 128 : i32
        %mul3A_59 = arith.muli %add3A_18, %mul3A_58 : i32
        "tpu.region"() ({
          %run_scoped3A = tpu.sem_alloc : memref<!tpu.dma_semaphore, #tpu.memory_space<semaphore_mem>>
          %dma_start3A_65 = tpu.memref_slice %arg4[%mul3A_59] : memref<800000xi32, #tpu.memory_space<hbm>> -> memref<128xi32, #tpu.memory_space<hbm>>
          %dma_start3A_66 = tpu.memref_slice %arg4[%mul3A_59] : memref<800000xi32, #tpu.memory_space<hbm>> -> memref<128xi32, #tpu.memory_space<hbm>>
          tpu.enqueue_dma source(%dma_start3A_66 : memref<128xi32, #tpu.memory_space<hbm>>) target(%arg9 : memref<128xi32, #tpu.memory_space<vmem>>) target_semaphore(%run_scoped3A : memref<!tpu.dma_semaphore, #tpu.memory_space<semaphore_mem>>)
          %dma_wait3A = tpu.memref_slice %arg4[%mul3A_59] : memref<800000xi32, #tpu.memory_space<hbm>> -> memref<128xi32, #tpu.memory_space<hbm>>
          %dma_wait3A_67 = tpu.memref_slice %arg4[%mul3A_59] : memref<800000xi32, #tpu.memory_space<hbm>> -> memref<128xi32, #tpu.memory_space<hbm>>
          tpu.wait_dma2 semaphore(%run_scoped3A : memref<!tpu.dma_semaphore, #tpu.memory_space<semaphore_mem>>) src(%dma_wait3A_67 : memref<128xi32, #tpu.memory_space<hbm>>) dst(%arg9 : memref<128xi32, #tpu.memory_space<vmem>>)
          tpu.yield
        }) : () -> ()
        "tpu.region"() ({
          %run_scoped3A = tpu.sem_alloc : memref<!tpu.dma_semaphore, #tpu.memory_space<semaphore_mem>>
          %dma_start3A_65 = tpu.memref_slice %arg5[%mul3A_59] : memref<800000xi32, #tpu.memory_space<hbm>> -> memref<128xi32, #tpu.memory_space<hbm>>
          %dma_start3A_66 = tpu.memref_slice %arg5[%mul3A_59] : memref<800000xi32, #tpu.memory_space<hbm>> -> memref<128xi32, #tpu.memory_space<hbm>>
          tpu.enqueue_dma source(%dma_start3A_66 : memref<128xi32, #tpu.memory_space<hbm>>) target(%arg11 : memref<128xi32, #tpu.memory_space<vmem>>) target_semaphore(%run_scoped3A : memref<!tpu.dma_semaphore, #tpu.memory_space<semaphore_mem>>)
          %dma_wait3A = tpu.memref_slice %arg5[%mul3A_59] : memref<800000xi32, #tpu.memory_space<hbm>> -> memref<128xi32, #tpu.memory_space<hbm>>
          %dma_wait3A_67 = tpu.memref_slice %arg5[%mul3A_59] : memref<800000xi32, #tpu.memory_space<hbm>> -> memref<128xi32, #tpu.memory_space<hbm>>
          tpu.wait_dma2 semaphore(%run_scoped3A : memref<!tpu.dma_semaphore, #tpu.memory_space<semaphore_mem>>) src(%dma_wait3A_67 : memref<128xi32, #tpu.memory_space<hbm>>) dst(%arg11 : memref<128xi32, #tpu.memory_space<vmem>>)
          tpu.yield
        }) : () -> ()
        %dma_start3A = arith.constant 0 : i32
        %dma_start3A_60 = arith.constant 0 : i32
        %dma_start3A_61 = tpu.memref_slice %arg2[%dma_start3A, %dma_start3A_60] : memref<50000x128xf32, #tpu.memory_space<hbm>> -> memref<50000x128xf32, #tpu.memory_space<hbm>>
        tpu.enqueue_indirect_dma source(%dma_start3A_61 : memref<50000x128xf32, #tpu.memory_space<hbm>>) target(%arg13 : memref<128x128xf32, #tpu.memory_space<vmem>>) offsets(%arg9 : memref<128xi32, #tpu.memory_space<vmem>>) semaphore(%arg17 : memref<!tpu.dma_semaphore, #tpu.memory_space<semaphore_mem>>)
        %dma_start3A_62 = arith.constant 0 : i32
        %dma_start3A_63 = arith.constant 0 : i32
        %dma_start3A_64 = tpu.memref_slice %arg3[%dma_start3A_62, %dma_start3A_63] : memref<50000x128xf32, #tpu.memory_space<hbm>> -> memref<50000x128xf32, #tpu.memory_space<hbm>>
        tpu.enqueue_indirect_dma source(%dma_start3A_64 : memref<50000x128xf32, #tpu.memory_space<hbm>>) target(%arg15 : memref<128x128xf32, #tpu.memory_space<vmem>>) offsets(%arg11 : memref<128xi32, #tpu.memory_space<vmem>>) semaphore(%arg19 : memref<!tpu.dma_semaphore, #tpu.memory_space<semaphore_mem>>)
      } else {
      }
      %mul3A_27 = arith.constant 32 : i32
      %mul3A_28 = arith.muli %mul3A_13, %mul3A_27 : i32
      %add3A_29 = arith.addi %add3A, %mul3A_28 : i32
      %lt3A_30 = arith.constant 6250 : i32
      %lt3A_31 = arith.cmpi slt, %add3A_29, %lt3A_30 : i32
      %convert_element_type3A_32 = arith.extui %lt3A_31 : i1 to i32
      %cond3A_33 = arith.constant 0 : i32
      %cond3A_34 = arith.cmpi ne, %convert_element_type3A_32, %cond3A_33 : i32
      scf.if %cond3A_34 {
        %dma_wait3A = arith.constant 0 : i32
        %dma_wait3A_58 = arith.constant 0 : i32
        %dma_wait3A_59 = tpu.memref_slice %arg2[%dma_wait3A, %dma_wait3A_58] : memref<50000x128xf32, #tpu.memory_space<hbm>> -> memref<50000x128xf32, #tpu.memory_space<hbm>>
        tpu.wait_indirect_dma semaphore(%arg16 : memref<!tpu.dma_semaphore, #tpu.memory_space<semaphore_mem>>) src(%dma_wait3A_59 : memref<50000x128xf32, #tpu.memory_space<hbm>>) dst(%arg12 : memref<128x128xf32, #tpu.memory_space<vmem>>)
        %dma_wait3A_60 = arith.constant 0 : i32
        %dma_wait3A_61 = arith.constant 0 : i32
        %dma_wait3A_62 = tpu.memref_slice %arg3[%dma_wait3A_60, %dma_wait3A_61] : memref<50000x128xf32, #tpu.memory_space<hbm>> -> memref<50000x128xf32, #tpu.memory_space<hbm>>
        tpu.wait_indirect_dma semaphore(%arg18 : memref<!tpu.dma_semaphore, #tpu.memory_space<semaphore_mem>>) src(%dma_wait3A_62 : memref<50000x128xf32, #tpu.memory_space<hbm>>) dst(%arg14 : memref<128x128xf32, #tpu.memory_space<vmem>>)
        %mul3A_63 = arith.constant 128 : i32
        %mul3A_64 = arith.muli %add3A_29, %mul3A_63 : i32
        "tpu.region"() ({
          %run_scoped3A = tpu.sem_alloc : memref<!tpu.dma_semaphore, #tpu.memory_space<semaphore_mem>>
          %dma_start3A = arith.constant 0 : i32
          %dma_start3A_65 = tpu.memref_slice %arg6[%mul3A_64, %dma_start3A] : memref<800000x128xf32, #tpu.memory_space<hbm>> -> memref<128x128xf32, #tpu.memory_space<hbm>>
          %dma_start3A_66 = arith.constant 0 : i32
          %dma_start3A_67 = tpu.memref_slice %arg6[%mul3A_64, %dma_start3A_66] : memref<800000x128xf32, #tpu.memory_space<hbm>> -> memref<128x128xf32, #tpu.memory_space<hbm>>
          tpu.enqueue_dma source(%arg12 : memref<128x128xf32, #tpu.memory_space<vmem>>) target(%dma_start3A_67 : memref<128x128xf32, #tpu.memory_space<hbm>>) target_semaphore(%run_scoped3A : memref<!tpu.dma_semaphore, #tpu.memory_space<semaphore_mem>>)
          %dma_wait3A_68 = arith.constant 0 : i32
          %dma_wait3A_69 = tpu.memref_slice %arg6[%mul3A_64, %dma_wait3A_68] : memref<800000x128xf32, #tpu.memory_space<hbm>> -> memref<128x128xf32, #tpu.memory_space<hbm>>
          %dma_wait3A_70 = arith.constant 0 : i32
          %dma_wait3A_71 = tpu.memref_slice %arg6[%mul3A_64, %dma_wait3A_70] : memref<800000x128xf32, #tpu.memory_space<hbm>> -> memref<128x128xf32, #tpu.memory_space<hbm>>
          tpu.wait_dma2 semaphore(%run_scoped3A : memref<!tpu.dma_semaphore, #tpu.memory_space<semaphore_mem>>) src(%arg12 : memref<128x128xf32, #tpu.memory_space<vmem>>) dst(%dma_wait3A_71 : memref<128x128xf32, #tpu.memory_space<hbm>>)
          tpu.yield
        }) : () -> ()
        "tpu.region"() ({
          %run_scoped3A = tpu.sem_alloc : memref<!tpu.dma_semaphore, #tpu.memory_space<semaphore_mem>>
          %dma_start3A = arith.constant 0 : i32
          %dma_start3A_65 = tpu.memref_slice %arg7[%mul3A_64, %dma_start3A] : memref<800000x128xf32, #tpu.memory_space<hbm>> -> memref<128x128xf32, #tpu.memory_space<hbm>>
          %dma_start3A_66 = arith.constant 0 : i32
          %dma_start3A_67 = tpu.memref_slice %arg7[%mul3A_64, %dma_start3A_66] : memref<800000x128xf32, #tpu.memory_space<hbm>> -> memref<128x128xf32, #tpu.memory_space<hbm>>
          tpu.enqueue_dma source(%arg14 : memref<128x128xf32, #tpu.memory_space<vmem>>) target(%dma_start3A_67 : memref<128x128xf32, #tpu.memory_space<hbm>>) target_semaphore(%run_scoped3A : memref<!tpu.dma_semaphore, #tpu.memory_space<semaphore_mem>>)
          %dma_wait3A_68 = arith.constant 0 : i32
          %dma_wait3A_69 = tpu.memref_slice %arg7[%mul3A_64, %dma_wait3A_68] : memref<800000x128xf32, #tpu.memory_space<hbm>> -> memref<128x128xf32, #tpu.memory_space<hbm>>
          %dma_wait3A_70 = arith.constant 0 : i32
          %dma_wait3A_71 = tpu.memref_slice %arg7[%mul3A_64, %dma_wait3A_70] : memref<800000x128xf32, #tpu.memory_space<hbm>> -> memref<128x128xf32, #tpu.memory_space<hbm>>
          tpu.wait_dma2 semaphore(%run_scoped3A : memref<!tpu.dma_semaphore, #tpu.memory_space<semaphore_mem>>) src(%arg14 : memref<128x128xf32, #tpu.memory_space<vmem>>) dst(%dma_wait3A_71 : memref<128x128xf32, #tpu.memory_space<hbm>>)
          tpu.yield
        }) : () -> ()
      } else {
      }
      %add3A_35 = arith.constant 2 : i32
      %add3A_36 = arith.addi %mul3A_13, %add3A_35 : i32
      %mul3A_37 = arith.constant 32 : i32
      %mul3A_38 = arith.muli %add3A_36, %mul3A_37 : i32
      %add3A_39 = arith.addi %add3A, %mul3A_38 : i32
      %lt3A_40 = arith.constant 196 : i32
      %lt3A_41 = arith.cmpi slt, %add3A_36, %lt3A_40 : i32
      %lt3A_42 = arith.constant 6250 : i32
      %lt3A_43 = arith.cmpi slt, %add3A_39, %lt3A_42 : i32
      %and3A_44 = arith.andi %lt3A_41, %lt3A_43 : i1
      %convert_element_type3A_45 = arith.extui %and3A_44 : i1 to i32
      %cond3A_46 = arith.constant 0 : i32
      %cond3A_47 = arith.cmpi ne, %convert_element_type3A_45, %cond3A_46 : i32
      scf.if %cond3A_47 {
        %mul3A_58 = arith.constant 128 : i32
        %mul3A_59 = arith.muli %add3A_39, %mul3A_58 : i32
        "tpu.region"() ({
          %run_scoped3A = tpu.sem_alloc : memref<!tpu.dma_semaphore, #tpu.memory_space<semaphore_mem>>
          %dma_start3A_65 = tpu.memref_slice %arg4[%mul3A_59] : memref<800000xi32, #tpu.memory_space<hbm>> -> memref<128xi32, #tpu.memory_space<hbm>>
          %dma_start3A_66 = tpu.memref_slice %arg4[%mul3A_59] : memref<800000xi32, #tpu.memory_space<hbm>> -> memref<128xi32, #tpu.memory_space<hbm>>
          tpu.enqueue_dma source(%dma_start3A_66 : memref<128xi32, #tpu.memory_space<hbm>>) target(%arg8 : memref<128xi32, #tpu.memory_space<vmem>>) target_semaphore(%run_scoped3A : memref<!tpu.dma_semaphore, #tpu.memory_space<semaphore_mem>>)
          %dma_wait3A = tpu.memref_slice %arg4[%mul3A_59] : memref<800000xi32, #tpu.memory_space<hbm>> -> memref<128xi32, #tpu.memory_space<hbm>>
          %dma_wait3A_67 = tpu.memref_slice %arg4[%mul3A_59] : memref<800000xi32, #tpu.memory_space<hbm>> -> memref<128xi32, #tpu.memory_space<hbm>>
          tpu.wait_dma2 semaphore(%run_scoped3A : memref<!tpu.dma_semaphore, #tpu.memory_space<semaphore_mem>>) src(%dma_wait3A_67 : memref<128xi32, #tpu.memory_space<hbm>>) dst(%arg8 : memref<128xi32, #tpu.memory_space<vmem>>)
          tpu.yield
        }) : () -> ()
        "tpu.region"() ({
          %run_scoped3A = tpu.sem_alloc : memref<!tpu.dma_semaphore, #tpu.memory_space<semaphore_mem>>
          %dma_start3A_65 = tpu.memref_slice %arg5[%mul3A_59] : memref<800000xi32, #tpu.memory_space<hbm>> -> memref<128xi32, #tpu.memory_space<hbm>>
          %dma_start3A_66 = tpu.memref_slice %arg5[%mul3A_59] : memref<800000xi32, #tpu.memory_space<hbm>> -> memref<128xi32, #tpu.memory_space<hbm>>
          tpu.enqueue_dma source(%dma_start3A_66 : memref<128xi32, #tpu.memory_space<hbm>>) target(%arg10 : memref<128xi32, #tpu.memory_space<vmem>>) target_semaphore(%run_scoped3A : memref<!tpu.dma_semaphore, #tpu.memory_space<semaphore_mem>>)
          %dma_wait3A = tpu.memref_slice %arg5[%mul3A_59] : memref<800000xi32, #tpu.memory_space<hbm>> -> memref<128xi32, #tpu.memory_space<hbm>>
          %dma_wait3A_67 = tpu.memref_slice %arg5[%mul3A_59] : memref<800000xi32, #tpu.memory_space<hbm>> -> memref<128xi32, #tpu.memory_space<hbm>>
          tpu.wait_dma2 semaphore(%run_scoped3A : memref<!tpu.dma_semaphore, #tpu.memory_space<semaphore_mem>>) src(%dma_wait3A_67 : memref<128xi32, #tpu.memory_space<hbm>>) dst(%arg10 : memref<128xi32, #tpu.memory_space<vmem>>)
          tpu.yield
        }) : () -> ()
        %dma_start3A = arith.constant 0 : i32
        %dma_start3A_60 = arith.constant 0 : i32
        %dma_start3A_61 = tpu.memref_slice %arg2[%dma_start3A, %dma_start3A_60] : memref<50000x128xf32, #tpu.memory_space<hbm>> -> memref<50000x128xf32, #tpu.memory_space<hbm>>
        tpu.enqueue_indirect_dma source(%dma_start3A_61 : memref<50000x128xf32, #tpu.memory_space<hbm>>) target(%arg12 : memref<128x128xf32, #tpu.memory_space<vmem>>) offsets(%arg8 : memref<128xi32, #tpu.memory_space<vmem>>) semaphore(%arg16 : memref<!tpu.dma_semaphore, #tpu.memory_space<semaphore_mem>>)
        %dma_start3A_62 = arith.constant 0 : i32
        %dma_start3A_63 = arith.constant 0 : i32
        %dma_start3A_64 = tpu.memref_slice %arg3[%dma_start3A_62, %dma_start3A_63] : memref<50000x128xf32, #tpu.memory_space<hbm>> -> memref<50000x128xf32, #tpu.memory_space<hbm>>
        tpu.enqueue_indirect_dma source(%dma_start3A_64 : memref<50000x128xf32, #tpu.memory_space<hbm>>) target(%arg14 : memref<128x128xf32, #tpu.memory_space<vmem>>) offsets(%arg10 : memref<128xi32, #tpu.memory_space<vmem>>) semaphore(%arg18 : memref<!tpu.dma_semaphore, #tpu.memory_space<semaphore_mem>>)
      } else {
      }
      %add3A_48 = arith.constant 1 : i32
      %add3A_49 = arith.addi %mul3A_13, %add3A_48 : i32
      %mul3A_50 = arith.constant 32 : i32
      %mul3A_51 = arith.muli %add3A_49, %mul3A_50 : i32
      %add3A_52 = arith.addi %add3A, %mul3A_51 : i32
      %lt3A_53 = arith.constant 6250 : i32
      %lt3A_54 = arith.cmpi slt, %add3A_52, %lt3A_53 : i32
      %convert_element_type3A_55 = arith.extui %lt3A_54 : i1 to i32
      %cond3A_56 = arith.constant 0 : i32
      %cond3A_57 = arith.cmpi ne, %convert_element_type3A_55, %cond3A_56 : i32
      scf.if %cond3A_57 {
        %dma_wait3A = arith.constant 0 : i32
        %dma_wait3A_58 = arith.constant 0 : i32
        %dma_wait3A_59 = tpu.memref_slice %arg2[%dma_wait3A, %dma_wait3A_58] : memref<50000x128xf32, #tpu.memory_space<hbm>> -> memref<50000x128xf32, #tpu.memory_space<hbm>>
        tpu.wait_indirect_dma semaphore(%arg17 : memref<!tpu.dma_semaphore, #tpu.memory_space<semaphore_mem>>) src(%dma_wait3A_59 : memref<50000x128xf32, #tpu.memory_space<hbm>>) dst(%arg13 : memref<128x128xf32, #tpu.memory_space<vmem>>)
        %dma_wait3A_60 = arith.constant 0 : i32
        %dma_wait3A_61 = arith.constant 0 : i32
        %dma_wait3A_62 = tpu.memref_slice %arg3[%dma_wait3A_60, %dma_wait3A_61] : memref<50000x128xf32, #tpu.memory_space<hbm>> -> memref<50000x128xf32, #tpu.memory_space<hbm>>
        tpu.wait_indirect_dma semaphore(%arg19 : memref<!tpu.dma_semaphore, #tpu.memory_space<semaphore_mem>>) src(%dma_wait3A_62 : memref<50000x128xf32, #tpu.memory_space<hbm>>) dst(%arg15 : memref<128x128xf32, #tpu.memory_space<vmem>>)
        %mul3A_63 = arith.constant 128 : i32
        %mul3A_64 = arith.muli %add3A_52, %mul3A_63 : i32
        "tpu.region"() ({
          %run_scoped3A = tpu.sem_alloc : memref<!tpu.dma_semaphore, #tpu.memory_space<semaphore_mem>>
          %dma_start3A = arith.constant 0 : i32
          %dma_start3A_65 = tpu.memref_slice %arg6[%mul3A_64, %dma_start3A] : memref<800000x128xf32, #tpu.memory_space<hbm>> -> memref<128x128xf32, #tpu.memory_space<hbm>>
          %dma_start3A_66 = arith.constant 0 : i32
          %dma_start3A_67 = tpu.memref_slice %arg6[%mul3A_64, %dma_start3A_66] : memref<800000x128xf32, #tpu.memory_space<hbm>> -> memref<128x128xf32, #tpu.memory_space<hbm>>
          tpu.enqueue_dma source(%arg13 : memref<128x128xf32, #tpu.memory_space<vmem>>) target(%dma_start3A_67 : memref<128x128xf32, #tpu.memory_space<hbm>>) target_semaphore(%run_scoped3A : memref<!tpu.dma_semaphore, #tpu.memory_space<semaphore_mem>>)
          %dma_wait3A_68 = arith.constant 0 : i32
          %dma_wait3A_69 = tpu.memref_slice %arg6[%mul3A_64, %dma_wait3A_68] : memref<800000x128xf32, #tpu.memory_space<hbm>> -> memref<128x128xf32, #tpu.memory_space<hbm>>
          %dma_wait3A_70 = arith.constant 0 : i32
          %dma_wait3A_71 = tpu.memref_slice %arg6[%mul3A_64, %dma_wait3A_70] : memref<800000x128xf32, #tpu.memory_space<hbm>> -> memref<128x128xf32, #tpu.memory_space<hbm>>
          tpu.wait_dma2 semaphore(%run_scoped3A : memref<!tpu.dma_semaphore, #tpu.memory_space<semaphore_mem>>) src(%arg13 : memref<128x128xf32, #tpu.memory_space<vmem>>) dst(%dma_wait3A_71 : memref<128x128xf32, #tpu.memory_space<hbm>>)
          tpu.yield
        }) : () -> ()
        "tpu.region"() ({
          %run_scoped3A = tpu.sem_alloc : memref<!tpu.dma_semaphore, #tpu.memory_space<semaphore_mem>>
          %dma_start3A = arith.constant 0 : i32
          %dma_start3A_65 = tpu.memref_slice %arg7[%mul3A_64, %dma_start3A] : memref<800000x128xf32, #tpu.memory_space<hbm>> -> memref<128x128xf32, #tpu.memory_space<hbm>>
          %dma_start3A_66 = arith.constant 0 : i32
          %dma_start3A_67 = tpu.memref_slice %arg7[%mul3A_64, %dma_start3A_66] : memref<800000x128xf32, #tpu.memory_space<hbm>> -> memref<128x128xf32, #tpu.memory_space<hbm>>
          tpu.enqueue_dma source(%arg15 : memref<128x128xf32, #tpu.memory_space<vmem>>) target(%dma_start3A_67 : memref<128x128xf32, #tpu.memory_space<hbm>>) target_semaphore(%run_scoped3A : memref<!tpu.dma_semaphore, #tpu.memory_space<semaphore_mem>>)
          %dma_wait3A_68 = arith.constant 0 : i32
          %dma_wait3A_69 = tpu.memref_slice %arg7[%mul3A_64, %dma_wait3A_68] : memref<800000x128xf32, #tpu.memory_space<hbm>> -> memref<128x128xf32, #tpu.memory_space<hbm>>
          %dma_wait3A_70 = arith.constant 0 : i32
          %dma_wait3A_71 = tpu.memref_slice %arg7[%mul3A_64, %dma_wait3A_70] : memref<800000x128xf32, #tpu.memory_space<hbm>> -> memref<128x128xf32, #tpu.memory_space<hbm>>
          tpu.wait_dma2 semaphore(%run_scoped3A : memref<!tpu.dma_semaphore, #tpu.memory_space<semaphore_mem>>) src(%arg15 : memref<128x128xf32, #tpu.memory_space<vmem>>) dst(%dma_wait3A_71 : memref<128x128xf32, #tpu.memory_space<hbm>>)
          tpu.yield
        }) : () -> ()
      } else {
      }
    }
    %scan3A_10 = arith.constant 98 : i32
    return
  }
}

module attributes {stable_mosaic.version = 14 : i64} {
  func.func @_edge_msg_kernel(%arg0: i32, %arg1: memref<1024x128xf32, #tpu.memory_space<vmem>>, %arg2: memref<1024x128xf32, #tpu.memory_space<vmem>>, %arg3: memref<1024x64xf32, #tpu.memory_space<vmem>>, %arg4: memref<64x128xf32, #tpu.memory_space<vmem>>, %arg5: memref<1x128xf32, #tpu.memory_space<vmem>>, %arg6: memref<1024x64xf32, #tpu.memory_space<vmem>>) attributes {dimension_semantics = [#tpu.dimension_semantics<arbitrary>], iteration_bounds = array<i64: 782>, scalar_prefetch = 0 : i64, scratch_operands = 0 : i64, tpu.core_type = #tpu.core_type<tc>, window_params = [{transform_indices = @transform_0, window_bounds = array<i64: 1024, 128>}, {transform_indices = @transform_1, window_bounds = array<i64: 1024, 128>}, {transform_indices = @transform_2, window_bounds = array<i64: 1024, 64>}, {pipeline_mode = #tpu.pipeline_mode<synchronous>, transform_indices = @transform_3, window_bounds = array<i64: 64, 128>}, {pipeline_mode = #tpu.pipeline_mode<synchronous>, transform_indices = @transform_4, window_bounds = array<i64: 1, 128>}, {transform_indices = @transform_5, window_bounds = array<i64: 1024, 64>}]} {
    %get3A = arith.constant 0 : index
    %get3A_0 = arith.constant 0 : index
    %get3A_1 = vector.load %arg1[%get3A, %get3A_0] : memref<1024x128xf32, #tpu.memory_space<vmem>>, vector<1024x128xf32>
    %get3A_2 = arith.constant 0 : index
    %get3A_3 = arith.constant 0 : index
    %get3A_4 = vector.load %arg2[%get3A_2, %get3A_3] : memref<1024x128xf32, #tpu.memory_space<vmem>>, vector<1024x128xf32>
    %add3A = arith.addf %get3A_1, %get3A_4 : vector<1024x128xf32>
    %get3A_5 = arith.constant 0 : index
    %get3A_6 = arith.constant 0 : index
    %get3A_7 = vector.load %arg3[%get3A_5, %get3A_6] : memref<1024x64xf32, #tpu.memory_space<vmem>>, vector<1024x64xf32>
    %get3A_8 = arith.constant 0 : index
    %get3A_9 = arith.constant 0 : index
    %get3A_10 = vector.load %arg4[%get3A_8, %get3A_9] : memref<64x128xf32, #tpu.memory_space<vmem>>, vector<64x128xf32>
    %dot_general3A = arith.constant dense<0.000000e+00> : vector<1024x128xf32>
    %dot_general3A_11 = tpu.matmul %get3A_7, %get3A_10, %dot_general3A {dimension_numbers = #tpu.dot_dimension_numbers<[1], [0], [0], [1], [0, 0, 1, 1], [], []>, transpose_lhs_hint = false} : vector<1024x64xf32>, vector<64x128xf32>, vector<1024x128xf32> -> vector<1024x128xf32>
    %add3A_12 = arith.addf %add3A, %dot_general3A_11 : vector<1024x128xf32>
    %get3A_13 = arith.constant 0 : index
    %get3A_14 = arith.constant 0 : index
    %get3A_15 = vector.load %arg5[%get3A_13, %get3A_14] : memref<1x128xf32, #tpu.memory_space<vmem>>, vector<1x128xf32>
    %add3A_16 = vector.broadcast %get3A_15 : vector<1x128xf32> to vector<1024x128xf32>
    %add3A_17 = arith.addf %add3A_12, %add3A_16 : vector<1024x128xf32>
    %slice3A = vector.extract_strided_slice %add3A_17 {offsets = [0, 0], sizes = [1024, 64], strides = [1, 1]} : vector<1024x128xf32> to vector<1024x64xf32>
    %slice3A_18 = vector.extract_strided_slice %add3A_17 {offsets = [0, 64], sizes = [1024, 64], strides = [1, 1]} : vector<1024x128xf32> to vector<1024x64xf32>
    %max3A = arith.constant 0.000000e+00 : f32
    %max3A_19 = vector.broadcast %max3A : f32 to vector<1024x64xf32>
    %max3A_20 = arith.maximumf %slice3A_18, %max3A_19 : vector<1024x64xf32>
    %abs3A = math.absf %slice3A_18 : vector<1024x64xf32>
    %neg3A = arith.constant 0.000000e+00 : f32
    %neg3A_21 = vector.broadcast %neg3A : f32 to vector<1024x64xf32>
    %neg3A_22 = arith.subf %neg3A_21, %abs3A : vector<1024x64xf32>
    %exp3A = math.exp %neg3A_22 : vector<1024x64xf32>
    %log1p3A = math.log1p %exp3A : vector<1024x64xf32>
    %add3A_23 = arith.addf %max3A_20, %log1p3A : vector<1024x64xf32>
    %neg3A_24 = arith.constant 0.000000e+00 : f32
    %neg3A_25 = vector.broadcast %neg3A_24 : f32 to vector<1024x64xf32>
    %neg3A_26 = arith.subf %neg3A_25, %slice3A : vector<1024x64xf32>
    %exp3A_27 = math.exp %neg3A_26 : vector<1024x64xf32>
    %add3A_28 = arith.constant 1.000000e+00 : f32
    %add3A_29 = vector.broadcast %add3A_28 : f32 to vector<1024x64xf32>
    %add3A_30 = arith.addf %add3A_29, %exp3A_27 : vector<1024x64xf32>
    %div3A = arith.constant 1.000000e+00 : f32
    %div3A_31 = vector.broadcast %div3A : f32 to vector<1024x64xf32>
    %div3A_32 = arith.divf %div3A_31, %add3A_30 : vector<1024x64xf32>
    %mul3A = arith.mulf %div3A_32, %add3A_23 : vector<1024x64xf32>
    %swap3A = arith.constant 0 : index
    %swap3A_33 = arith.constant 0 : index
    %swap3A_34 = vector.load %arg6[%swap3A, %swap3A_33] : memref<1024x64xf32, #tpu.memory_space<vmem>>, vector<1024x64xf32>
    tpu.vector_store %arg6[%swap3A, %swap3A_33], %mul3A {strides = array<i32>} : memref<1024x64xf32, #tpu.memory_space<vmem>>, vector<1024x64xf32>,
    return
  }
  func.func @transform_0(%arg0: i32) -> (i32, i32) {
    %c0_i32 = arith.constant 0 : i32
    %c0_i32_0 = arith.constant 0 : i32
    return %arg0, %c0_i32 : i32, i32
  }
  func.func @transform_1(%arg0: i32) -> (i32, i32) {
    %c0_i32 = arith.constant 0 : i32
    %c0_i32_0 = arith.constant 0 : i32
    return %arg0, %c0_i32 : i32, i32
  }
  func.func @transform_2(%arg0: i32) -> (i32, i32) {
    %c0_i32 = arith.constant 0 : i32
    %c0_i32_0 = arith.constant 0 : i32
    return %arg0, %c0_i32 : i32, i32
  }
  func.func @transform_3(%arg0: i32) -> (i32, i32) {
    %c0_i32 = arith.constant 0 : i32
    %c0_i32_0 = arith.constant 0 : i32
    %c0_i32_1 = arith.constant 0 : i32
    return %c0_i32, %c0_i32_0 : i32, i32
  }
  func.func @transform_4(%arg0: i32) -> (i32, i32) {
    %c0_i32 = arith.constant 0 : i32
    %c0_i32_0 = arith.constant 0 : i32
    %c0_i32_1 = arith.constant 0 : i32
    return %c0_i32, %c0_i32_0 : i32, i32
  }
  func.func @transform_5(%arg0: i32) -> (i32, i32) {
    %c0_i32 = arith.constant 0 : i32
    %c0_i32_0 = arith.constant 0 : i32
    return %arg0, %c0_i32 : i32, i32
  }
}

</mosaic_0001>

<sc_bundles>
// kernel: kernel.11.cloned.1.call-start
scs
__scs_entry_jumppad:
0x0: {  	(pc) =	sbr.rel $0x88, $3  }
0x1: {  	(tag) =	ssettag $0x0;
	lr =	simm.s32 $0x1  }
0x2: {  	[smem:$0x3F81] =	sst lr;
	_ =	strace $0xD0000000  }
0x3: {  	_ = 	snop  }
0x4: {  	_ = 	snop  }
0x5: {  	_ = 	snop  }
0x6: {  	_ = 	snop  }
0x7: {  	_ = 	snop  }
__scs_overlays_trampoline_lowered:
0x8: {  	[smem:$0x3F90] =	sst s0  }
0x9: {  	[smem:$0x3F91] =	sst s1  }
0xa: {  	[smem:$0x3F92] =	sst s2  }
0xb: {  	[smem:$0x3F93] =	sst s3  }
0xc: {  	[smem:$0x3F94] =	sst s4  }
0xd: {  	[smem:$0x3F95] =	sst s5  }
0xe: {  	[smem:$0x3F96] =	sst s6  }
0xf: {  	[smem:$0x3F97] =	sst s7  }
0x10: {  	[smem:$0x3F98] =	sst s8  }
0x11: {  	[smem:$0x3F99] =	sst s9;
	s0 =	simm.s32 @!p0 $0x0  }
0x12: {  	s1 =	sld [smem:$0x3F7F];
	s0 =	simm.s32 @p0 $0x1  }
0x13: {  	[smem:$0x3F9A] =	sst s0;
	s0 =	simm.s32 @!p1 $0x0  }
0x14: {  	s2 =	sld [smem:$0x3F7E];
	s0 =	simm.s32 @p1 $0x1  }
0x15: {  	[smem:$0x3F9B] =	sst s0;
	s0 =	simm.s32 @!p2 $0x0  }
0x16: {  	s3 =	sld [smem:$0x3FDB];
	s0 =	simm.s32 @p2 $0x1  }
0x17: {  	s4 =	simm.s32 $0x1BF5;
	[smem:$0x3F9D] =	sst s0  }
0x18: {  	s0 =	sld [smem:$0x3F80];
	_ =	swait.ge [sflag:s4], $0x0  }
0x19: {  	s7 =	sld [smem:$0x3F81]  }
0x1a: {  	s8 =	sadd.s32 $0xFFFFE003, lr  }
0x1b: {  	s9 =	sadd.s32 $0xFFFFFEF7, lr;
	s5 =	simm.s32 $0xFFFFFFFF;
	p2 =	slt.u32 s8, $0xFFFFF086  }
0x1c: {  	p1 =	slt.u32 s9, $0xF7A;
	s5 =	simm.s32 @!p2 $0x0  }
0x1d: {  	s5 =	simm.s32 @p1 $0x1;
	p0 =	seq.s32 s7, s2  }
0x1e: {  	s7 =	smul.u32 @!p0 $0xF7A, s2;
	p2 =	seq.s32 @!p0 s5, $0x0  }
0x1f: {  	s9 =	smul.u32 $0xF7A, s1;
	s8 =	simm.s32 @!p0 $0x1BF5;
	p2 =	por !p2, p0  }
0x20: {  	[sflag:s8] =	ssyncset.s32 @!p0 $0xFFFFF086;
	s6 =	sadd.s32 @!p0 s3, s7;
	s7 =	simm.s32 @!p0 $0x108  }
0x21: {  	s3 =	sadd.s32 s3, s9;
	s6 =	sadd.s32 @!p0 $0x88, s6;
	s7 =	simm.s32 @p2 $0x1082  }
0x22: {  	[simem:s7], [sflag:s8] =	dma.local @!p0 [hbm:s6], $0xF7A  }
0x23: {  	s9 =	sor.u32 $0xD0000000, s2;
	s6 =	simm.s32 $0x108;
	_ =	swait.ge @!p0 [sflag:s8], $0x0  }
0x24: {  	s3 =	sadd.s32 $0x88, s3;
	s6 =	simm.s32 @!p1 $0x1082;
	[sflag:s4] =	ssyncset.s32 $0xFFFFF086  }
0x25: {  	[simem:s6], [sflag:s4] =	dma.local [hbm:s3], $0xF7A  }
0x26: {  	[smem:$0x3F81] =	sst s1;
	(tag) =	ssettag s2;
	_ =	strace s9  }
0x27: {  	s1 =	sld [smem:$0x3F91]  }
0x28: {  	s2 =	sld [smem:$0x3F92]  }
0x29: {  	s4 =	sld [smem:$0x3F94]  }
0x2a: {  	p0 =	seq.s32 s5, $0x0;
	s5 =	sld [smem:$0x3F95]  }
0x2b: {  	s6 =	sld [smem:$0x3F96]  }
0x2c: {  	s7 =	sld [smem:$0x3F97]  }
0x2d: {  	s3 =	simm.s32 $0x108;
	s8 =	sld [smem:$0x3F98]  }
0x2e: {  	s3 =	simm.s32 @!p0 $0x1082;
	s9 =	sld [smem:$0x3F99]  }
0x2f: {  	lr =	sadd.s32 s0, s3;
	s0 =	sld [smem:$0x3F90]  }
0x30: {  	s3 =	sld [smem:$0x3F93]  }
0x31: {  	[smem:$0x3F9C] =	sst s10  }
0x32: {  	s10 =	sld [smem:$0x3F9A];
	_ =	sdelay $0x3  }
0x33: {  	p0 =	seq.s32 s10, $0x1;
	s10 =	sld [smem:$0x3F9C];
	_ =	sdelay $0x3  }
0x34: {  	[smem:$0x3F9C] =	sst s10  }
0x35: {  	s10 =	sld [smem:$0x3F9B];
	_ =	sdelay $0x3  }
0x36: {  	p1 =	seq.s32 s10, $0x1;
	s10 =	sld [smem:$0x3F9C];
	_ =	sdelay $0x3  }
0x37: {  	[smem:$0x3F9C] =	sst s10  }
0x38: {  	s10 =	sld [smem:$0x3F9D]  }
0x39: {  	_ = 	snop;
	(pc) =	sbr.ind lr, $3  }
0x3a: {  	_ = 	snop  }
0x3b: {  	_ = 	snop  }
0x3c: {  	p2 =	seq.s32 s10, $0x1;
	s10 =	sld [smem:$0x3F9C]  }
0x3d: {  	_ =	shalt  }
0x3e: {  	_ =	shalt  }
0x3f: {  	_ =	shalt  }
0x40: {  	_ =	shalt  }
0x41: {  	_ =	shalt  }
0x42: {  	_ =	shalt  }
0x43: {  	_ =	shalt  }
0x44: {  	_ =	shalt  }
0x45: {  	_ =	shalt  }
0x46: {  	_ =	shalt  }
0x47: {  	_ =	shalt  }
0x48: {  	_ =	shalt  }
0x49: {  	_ =	shalt  }
0x4a: {  	_ =	shalt  }
0x4b: {  	_ =	shalt  }
0x4c: {  	_ =	shalt  }
0x4d: {  	_ =	shalt  }
0x4e: {  	_ =	shalt  }
0x4f: {  	_ =	shalt  }
0x50: {  	_ =	shalt  }
0x51: {  	_ =	shalt  }
0x52: {  	_ =	shalt  }
0x53: {  	_ =	shalt  }
0x54: {  	_ =	shalt  }
0x55: {  	_ =	shalt  }
0x56: {  	_ =	shalt  }
0x57: {  	_ =	shalt  }
0x58: {  	_ =	shalt  }
0x59: {  	_ =	shalt  }
0x5a: {  	_ =	shalt  }
0x5b: {  	_ =	shalt  }
0x5c: {  	_ =	shalt  }
0x5d: {  	_ =	shalt  }
0x5e: {  	_ =	shalt  }
0x5f: {  	_ =	shalt  }
0x60: {  	_ =	shalt  }
0x61: {  	_ =	shalt  }
0x62: {  	_ =	shalt  }
0x63: {  	_ =	shalt  }
0x64: {  	_ =	shalt  }
0x65: {  	_ =	shalt  }
0x66: {  	_ =	shalt  }
0x67: {  	_ =	shalt  }
0x68: {  	_ =	shalt  }
0x69: {  	_ =	shalt  }
0x6a: {  	_ =	shalt  }
0x6b: {  	_ =	shalt  }
0x6c: {  	_ =	shalt  }
0x6d: {  	_ =	shalt  }
0x6e: {  	_ =	shalt  }
0x6f: {  	_ =	shalt  }
0x70: {  	_ =	shalt  }
0x71: {  	_ =	shalt  }
0x72: {  	_ =	shalt  }
0x73: {  	_ =	shalt  }
0x74: {  	_ =	shalt  }
0x75: {  	_ =	shalt  }
0x76: {  	_ =	shalt  }
0x77: {  	_ =	shalt  }
0x78: {  	_ =	shalt  }
0x79: {  	_ =	shalt  }
0x7a: {  	_ =	shalt  }
0x7b: {  	_ =	shalt  }
0x7c: {  	_ =	shalt  }
0x7d: {  	_ =	shalt  }
0x7e: {  	_ =	shalt  }
0x7f: {  	_ =	shalt  }
0x80: {  	_ =	shalt  }
0x81: {  	_ =	shalt  }
0x82: {  	_ =	shalt  }
0x83: {  	_ =	shalt  }
0x84: {  	_ =	shalt  }
0x85: {  	_ =	shalt  }
0x86: {  	_ =	shalt  }
0x87: {  	_ =	shalt  }
.Lfunc_end0:
.L_simem_size_0:
called_computation.6_lowered:
.L_overlay_start_0:
0x88: {  	s2 =	sld [smem:$0x3FD9]  }
0x89: {  	s3 =	sld [smem:$0x3FFE];
	_ =	sdelay $0x1  }
0x8a: {  	s1 =	srdreg.scid  }
0x8b: {  	s0 =	sand.u32 $0x1, s1  }
0x8c: {  	s16 =	sshll.u32 s0, $0xA;
	s2 =	sadd.s32 s3, s2  }
0x8d: {  	s2 =	sadd.s32 s2, s16  }
0x8e: {  	[smem:$0x3FA8] =	sst s2  }
0x8f: {  	_ = 	snop  }
0x90: {  	(tm) =	ssettm $0x1  }
0x91: {  	s17 =	sld [smem:$0x3FFB];
	_ =	sdelay $0x3  }
0x92: {  	_ =	strace s17  }
0x93: {  	s2 =	sld [smem:$0x3FFC];
	_ =	sdelay $0x3  }
0x94: {  	_ =	strace s2  }
0x95: {  	s2 =	sld [smem:$0x3FFD];
	_ =	sdelay $0x3  }
0x96: {  	_ =	strace s2  }
0x97: {  	_ =	strace $0x8FFFFFFF  }
0x98: {  	s18 =	sld [smem:$0x3FDB];
	_ =	sdelay $0x1  }
0x99: {  	s19 =	simm.s32 $_scs_section_size  }
0x9a: {  	s4 =	simm.s32 $_size__tile_overlayer_lowered;
	s5 =	simm.s32 $_tile_overlayer_lowered  }
0x9b: {  	s22 =	simm.s32 $0x1BFF;
	s21 =	sshll.u32 s5, $0x1;
	s2 =	sadd.s32 s19, s18  }
0x9c: {  	s6 =	simm.s32 $0x0;
	s20 =	sshll.u32 s4, $0x1;
	s4 =	sadd.s32 s21, s2  }
0x9d: {  	[timem:s6], [sflag:s22] =	dma.local [hbm:s4], s20  }
0x9e: {  	_ =	swait.ge [sflag:s22], s20  }
0x9f: {  	s3 =	ssub.s32 $0x0, s20;
	[sflag:s22] =	ssyncset.done $0x0  }
0xa0: {  	[sflag:s22] =	ssyncadd.s32 s3;
	_ =	sdelay $0x1  }
0xa1: {  	s23 =	simm.s32 $0x1B8B  }
0xa2: {  	_ =	swait.ge [sflag:s23], $0x1  }
0xa3: {  	[sflag:s23] =	ssyncset.done $0x0  }
0xa4: {  	s25 =	simm.s32 $0x1B8E;
	s24 =	sld [smem:$0x3FFE];
	[sflag:s23] =	ssyncadd.s32 $0xFFFFFFFF  }
0xa5: {  	s26 =	simm.s32 $execute0_lowered;
	[smem:$0x3FD2] =	sst s25  }
0xa6: {  	s4 =	sshll.u32 s26, $0x1;
	_ =	strace $0x8000004C;
	[dreg:$0x1] =	wrdreg $0xFFFFFFFF  }
0xa7: {  	s28 =	simm.s32 $_size_execute0_lowered;
	s2 =	sadd.s32 s2, s4;
	[dreg:$0x0] =	wrdreg $0x0  }
0xa8: {  	s4 =	sshll.u32 s28, $0x1;
	[dreg:$0x2] =	wrdreg s2  }
0xa9: {  	[dreg:$0x3] =	wrdreg s4  }
0xaa: {  	[dreg:$0x4] =	wrdreg $0xC0  }
0xab: {  	_ =	task [dreg:s6], $0x5FFFF  }
0xac: {  	[dreg:$0x1] =	wrdreg $0xFFFFFFFF  }
0xad: {  	[dreg:$0x0] =	wrdreg $0x60  }
0xae: {  	[dreg:$0x2] =	wrdreg s24  }
0xaf: {  	[dreg:$0x3] =	wrdreg $0x9  }
0xb0: {  	_ =	task.clear_ibuf [dreg:s6], $0x4FFFF;
	_ =	strace $0x9000004C  }
0xb1: {  	s29 =	simm.s32 $0x9;
	_ =	strace $0x8000004E  }
0xb2: {  	_ =	swait.ge [sflag:s29], $0x1  }
0xb3: {  	[sflag:s29] =	ssyncadd.s32 $0xFFFFFFFF  }
0xb4: {  	_ =	strace $0x9000004E  }
0xb5: {  	_ =	sfence  }
0xb6: {  	s30 =	sld [smem:$0x0];
	_ =	sdelay $0x2  }
0xb7: {  	s31 =	sshll.u32 s1, $0xD;
	s1 =	sshrl.u32 s1, $0x2  }
0xb8: {  	s3 =	sand.u32 $0x4000, s31;
	s1 =	sadd.s32 s1, s30  }
0xb9: {  	s0 =	sor.u32 s3, s0;
	s1 =	sshll.u32 s1, $0x11  }
0xba: {  	s0 =	sor.u32 s1, s0  }
0xbb: {  	s0 =	sadd.s32 $0x8F2B, s0  }
0xbc: {  	[sflag:s0] =	ssyncadd.remote.s32 $0x1  }
0xbd: {  	_ =	sfence.sel $0xFFFF  }
0xbe: {  	[dreg:$0x0] =	wrdreg $0xFFFFFFFF;
	(pc) =	sbr.abs _section_cstart, $3  }
0xbf: {  	[dreg:$0x1] =	wrdreg $0xFFFFFFFF  }
0xc0: {  	_ =	task.clear_ibuf [dreg:s6], $0x2FFFF;
	_ =	strace $0x9FFFFFFF  }
0xc1: {  	(tm) =	ssettm $0x7FFFFFFF  }
tec
execute0_lowered:
.L_overlay_start_1:
0x0: {  	(tag) =	ssettag $0x1  }
0x1: {  	s0 =	rddreg [dreg:$0x0];
	s1 =	simm.s32 $0x0;
	s4 =	srdreg.scid  }
0x2: {  	s10 =	stileid.u32;
	s14 =	simm.s32 $0x5;
	s16 =	simm.s32 $0x80  }
0x3: {  	s17 =	simm.s32 $0x200;
	s18 =	simm.s32 $0x8200;
	s19 =	simm.s32 $0x1  }
0x4: {  	s20 =	simm.s32 $0x3;
	s21 =	simm.s32 $0x6;
	s22 =	simm.s32 $0x0  }
0x5: {  	[smem:$0x7FF] =	sst s1;
	s2 =	sadd.s32 $0x1B9200, s0;
	s3 =	sadd.s32 $0xF5C00, s0  }
0x6: {  	s12 =	sadd.s32 $0x19E00, s0;
	s11 =	sadd.s32 $0x1600, s0;
	s4 =	sand.u32 $0x1, s4  }
0x7: {  	s8 =	sshll.u32 s10, $0xB;
	_ =	strace $0x8000004D;
	s5 =	sshll.u32 s4, $0xF  }
0x8: {  	s6 =	sshll.u32 s4, $0x4;
	s25 =	ssub.s32 $0x2, s4;
	s31 =	sshll.u32 s4, $0x8  }
0x9: {  	s0 =	sadd.s32 s5, s0;
	s13 =	sor.u32 s10, s6;
	s26 =	sshrl.u32 s25, $0x1  }
0xa: {  	s10 =	sshll.u32 s10, $0x4;
	s7 =	sshll.u32 s13, $0x4;
	s9 =	ssub.s32 s25, s26  }
0xb: {  	s0 =	sadd.s32 s8, s0;
	s13 =	sor.u32 $0x20, s13;
	s28 =	sadd.s32 s12, s7  }
0xc: {  	s29 =	sadd.s32 s11, s7;
	s30 =	smax.u32 s9, $0x1;
	[dreg:$0x2] =	wrdreg s28  }
0xd: {  	s8 =	sadd.s32 $0x274CC00, s0;
	s9 =	sadd.s32 $0x27C800, s0;
	[dreg:$0x3] =	wrdreg s29  }
0xe: {  	s11 =	sadd.s32 s31, s11;
	s12 =	sadd.s32 s31, s12;
	[dreg:$0x4] =	wrdreg s30  }
.LBB2_1:
0xf: {  	s0 =	rddreg [dreg:$0x2]  }
0x10: {  	[tilespmem:s1], [sflag:$0x5] =	stream.linear.gather [hbm4b:s0+s1], $0x80, $0x38;
	[tilespmem:$0x10200] =	vst v63  }
0x11: {  	_ =	swait.ge [sflag:s14], $0x80  }
0x12: {  	[sflag:s14] =	ssyncset.done $0x0  }
0x13: {  	s4 =	simm.s32 $0x100;
	s24 =	rddreg [dreg:$0x3];
	[sflag:s14] =	ssyncadd.s32 $0xFFFFFF80  }
0x14: {  	[tilespmem:s4], [sflag:$0x5] =	stream.linear.gather [hbm4b:s24+s1], $0x80, $0x38;
	[tilespmem:$0x10200] =	vst v63  }
0x15: {  	_ =	swait.ge [sflag:s14], $0x80  }
0x16: {  	[sflag:s14] =	ssyncset.done $0x0  }
0x17: {  	[sflag:s14] =	ssyncadd.s32 $0xFFFFFF80  }
0x18: {  	[tilespmem:s17], [sflag:$0x1] =	stream.indirect.gather [hbm4b:s2+s16], $0x80, s1, s16, $0xb8;
	[tilespmem:$0x10200] =	vst v63  }
0x19: {  	p0 =	sgt.u32 s13, $0x1869  }
0x1a: {  	[tilespmem:s18], [sflag:$0x3] =	stream.indirect.gather [hbm4b:s3+s16], $0x80, s4, s16, $0xb8;
	[tilespmem:$0x10200] =	vst v63  }
0x1b: {  	s0 =	simm.s32 @!p0 $0x6;
	s4 =	sadd.s32 @!p0 s12, s10;
	p0 =	por p0, p0  }
0x1c: {  	s23 =	sadd.s32 @!p0 $0x200, s4;
	s4 =	simm.s32 @!p0 $0x0;
	s24 =	simm.s32 @!p0 $0x80  }
0x1d: {  	[tilespmem:s24], [sflag:$0x6] =	stream.linear.gather @!p0 [hbm4b:s23+s4], $0x80, $0x38;
	[tilespmem:$0x10200] =	vst v63  }
0x1e: {  	_ =	swait.ge @!p0 [sflag:s0], $0x80  }
0x1f: {  	s23 =	sadd.s32 @!p0 s11, s10;
	[sflag:s0] =	ssyncset.done @!p0 $0x0  }
0x20: {  	s25 =	simm.s32 @!p0 $0x180;
	s23 =	sadd.s32 @!p0 $0x200, s23;
	[sflag:s0] =	ssyncadd.s32 @!p0 $0xFFFFFF80  }
0x21: {  	[tilespmem:s25], [sflag:$0x6] =	stream.linear.gather @!p0 [hbm4b:s23+s4], $0x80, $0x38;
	[tilespmem:$0x10200] =	vst v63  }
0x22: {  	_ =	swait.ge @!p0 [sflag:s0], $0x80  }
0x23: {  	[sflag:s0] =	ssyncset.done @!p0 $0x0  }
0x24: {  	s23 =	simm.s32 @!p0 $0x4200;
	[sflag:s0] =	ssyncadd.s32 @!p0 $0xFFFFFF80  }
0x25: {  	[tilespmem:s23], [sflag:$0x2] =	stream.indirect.gather @!p0 [hbm4b:s2+s24], $0x80, s24, s24, $0xb8;
	[tilespmem:$0x10200] =	vst v63  }
0x26: {  	s26 =	simm.s32 @!p0 $0xC200  }
0x27: {  	[tilespmem:s26], [sflag:$0x4] =	stream.indirect.gather @!p0 [hbm4b:s3+s24], $0x80, s25, s24, $0xb8;
	[tilespmem:$0x10200] =	vst v63  }
0x28: {  	_ =	swait.ge [sflag:s19], $0x4000  }
0x29: {  	[sflag:s19] =	ssyncset.done $0x0  }
0x2a: {  	[sflag:s19] =	ssyncadd.s32 $0xFFFFC000  }
0x2b: {  	_ =	swait.ge [sflag:s20], $0x4000  }
0x2c: {  	[sflag:s20] =	ssyncset.done $0x0  }
0x2d: {  	s25 =	sadd.s32 $0x0, s9;
	[sflag:s20] =	ssyncadd.s32 $0xFFFFC000  }
0x2e: {  	[hbm4b:s25+s1] =	stream.linear.scatter [tilespmem:s17], [sflag:$0x6], $0x4000, $0x38;
	[tilespmem:$0x10200] =	vst v63  }
0x2f: {  	_ =	swait.ge [sflag:s21], $0x4000  }
0x30: {  	[sflag:s21] =	ssyncset.done $0x0  }
0x31: {  	s29 =	sadd.s32 $0x0, s8;
	s30 =	sadd.s32 $0x20, s13;
	[sflag:s21] =	ssyncadd.s32 $0xFFFFC000  }
0x32: {  	[hbm4b:s29+s1] =	stream.linear.scatter [tilespmem:s18], [sflag:$0x6], $0x4000, $0x38;
	[tilespmem:$0x10200] =	vst v63  }
0x33: {  	p1 =	sgt.u32 s30, $0x1869;
	_ =	swait.ge [sflag:s21], $0x4000  }
0x34: {  	s28 =	simm.s32 @!p1 $0x0;
	s24 =	sadd.s32 @!p1 s12, s10;
	[sflag:s21] =	ssyncset.done $0x0  }
0x35: {  	s24 =	sadd.s32 @!p1 $0x400, s24;
	s25 =	simm.s32 @!p1 $0x6;
	[sflag:s21] =	ssyncadd.s32 $0xFFFFC000  }
0x36: {  	[tilespmem:s28], [sflag:$0x6] =	stream.linear.gather @!p1 [hbm4b:s24+s28], $0x80, $0x38;
	[tilespmem:$0x10200] =	vst v63  }
0x37: {  	_ =	swait.ge @!p1 [sflag:s25], $0x80  }
0x38: {  	s24 =	sadd.s32 @!p1 s11, s10;
	[sflag:s25] =	ssyncset.done @!p1 $0x0  }
0x39: {  	s29 =	simm.s32 @!p1 $0x100;
	s24 =	sadd.s32 @!p1 $0x400, s24;
	[sflag:s25] =	ssyncadd.s32 @!p1 $0xFFFFFF80  }
0x3a: {  	[tilespmem:s29], [sflag:$0x6] =	stream.linear.gather @!p1 [hbm4b:s24+s28], $0x80, $0x38;
	[tilespmem:$0x10200] =	vst v63  }
0x3b: {  	_ =	swait.ge @!p1 [sflag:s25], $0x80  }
0x3c: {  	[sflag:s25] =	ssyncset.done @!p1 $0x0  }
0x3d: {  	s24 =	simm.s32 @!p1 $0x80;
	[sflag:s25] =	ssyncadd.s32 @!p1 $0xFFFFFF80;
	s25 =	simm.s32 @!p1 $0x200  }
0x3e: {  	[tilespmem:s25], [sflag:$0x1] =	stream.indirect.gather @!p1 [hbm4b:s2+s24], $0x80, s28, s24, $0xb8;
	[tilespmem:$0x10200] =	vst v63  }
0x3f: {  	s25 =	simm.s32 @!p1 $0x8200  }
0x40: {  	[tilespmem:s25], [sflag:$0x3] =	stream.indirect.gather @!p1 [hbm4b:s3+s24], $0x80, s29, s24, $0xb8;
	[tilespmem:$0x10200] =	vst v63  }
0x41: {  	s24 =	simm.s32 @!p0 $0x2  }
0x42: {  	_ =	swait.ge @!p0 [sflag:s24], $0x4000  }
0x43: {  	[sflag:s24] =	ssyncset.done @!p0 $0x0  }
0x44: {  	[sflag:s24] =	ssyncadd.s32 @!p0 $0xFFFFC000;
	s24 =	simm.s32 @!p0 $0x4  }
0x45: {  	_ =	swait.ge @!p0 [sflag:s24], $0x4000  }
0x46: {  	s25 =	sadd.s32 @!p0 $0x0, s9;
	[sflag:s24] =	ssyncset.done @!p0 $0x0  }
0x47: {  	[sflag:s24] =	ssyncadd.s32 @!p0 $0xFFFFC000;
	s24 =	sadd.s32 @!p0 $0x10000, s25  }
0x48: {  	[hbm4b:s24+s4] =	stream.linear.scatter @!p0 [tilespmem:s23], [sflag:$0x6], $0x4000, $0x38;
	[tilespmem:$0x10200] =	vst v63  }
0x49: {  	s31 =	simm.s32 @!p0 $0x5;
	_ =	swait.ge @!p0 [sflag:s0], $0x4000  }
0x4a: {  	s28 =	simm.s32 $0x40000;
	s24 =	sadd.s32 @!p0 $0x0, s8;
	[sflag:s0] =	ssyncset.done @!p0 $0x0  }
0x4b: {  	s25 =	sadd.s32 $0x400, s12;
	[sflag:s0] =	ssyncadd.s32 @!p0 $0xFFFFC000;
	s0 =	sadd.s32 @!p0 $0x10000, s24  }
0x4c: {  	[hbm4b:s0+s4] =	stream.linear.scatter @!p0 [tilespmem:s26], [sflag:$0x5], $0x4000, $0x38;
	[tilespmem:$0x10200] =	vst v63  }
0x4d: {  	s23 =	simm.s32 $0x20000;
	s26 =	sadd.s32 $0x40, s13;
	_ =	swait.ge @!p0 [sflag:s31], $0x4000  }
0x4e: {  	s24 =	sadd.s32 $0x400, s11;
	p2 =	sgt.u32 s26, $0x1869;
	[sflag:s31] =	ssyncset.done @!p0 $0x0  }
.LBB2_2:
0x4f: {  	s0 =	sadd.s32 @!p2 s25, s10;
	s29 =	simm.s32 @!p2 $0x6;
	[sflag:s31] =	ssyncadd.s32 @!p0 $0xFFFFC000  }
0x50: {  	s31 =	smov.u32 s23;
	s23 =	smov.u32 s28;
	p0 =	por p2, p2  }
0x51: {  	s0 =	sadd.s32 @!p0 $0x200, s0;
	s30 =	simm.s32 @!p0 $0x0;
	s5 =	simm.s32 @!p0 $0x80  }
0x52: {  	[tilespmem:s5], [sflag:$0x6] =	stream.linear.gather @!p0 [hbm4b:s0+s30], $0x80, $0x38;
	[tilespmem:$0x10200] =	vst v63  }
0x53: {  	s28 =	sadd.s32 $0x20000, s28;
	_ =	swait.ge @!p0 [sflag:s29], $0x80  }
0x54: {  	p1 =	sne.s32 s28, $0xC40000;
	s0 =	sadd.s32 @!p0 s24, s10;
	[sflag:s29] =	ssyncset.done @!p0 $0x0  }
0x55: {  	s6 =	simm.s32 @!p0 $0x180;
	s0 =	sadd.s32 @!p0 $0x200, s0;
	[sflag:s29] =	ssyncadd.s32 @!p0 $0xFFFFFF80  }
0x56: {  	[tilespmem:s6], [sflag:$0x6] =	stream.linear.gather @!p0 [hbm4b:s0+s30], $0x80, $0x38;
	[tilespmem:$0x10200] =	vst v63  }
0x57: {  	_ =	swait.ge @!p0 [sflag:s29], $0x80  }
0x58: {  	[sflag:s29] =	ssyncset.done @!p0 $0x0  }
0x59: {  	s4 =	simm.s32 @!p0 $0x4200;
	[sflag:s29] =	ssyncadd.s32 @!p0 $0xFFFFFF80  }
0x5a: {  	[tilespmem:s4], [sflag:$0x2] =	stream.indirect.gather @!p0 [hbm4b:s2+s5], $0x80, s5, s5, $0xb8;
	[tilespmem:$0x10200] =	vst v63  }
0x5b: {  	s0 =	simm.s32 @!p0 $0xC200  }
0x5c: {  	[tilespmem:s0], [sflag:$0x4] =	stream.indirect.gather @!p0 [hbm4b:s3+s5], $0x80, s6, s5, $0xb8;
	[tilespmem:$0x10200] =	vst v63  }
0x5d: {  	_ =	swait.ge [sflag:s19], $0x4000  }
0x5e: {  	[sflag:s19] =	ssyncset.done $0x0  }
0x5f: {  	[sflag:s19] =	ssyncadd.s32 $0xFFFFC000  }
0x60: {  	_ =	swait.ge [sflag:s20], $0x4000  }
0x61: {  	[sflag:s20] =	ssyncset.done $0x0  }
0x62: {  	s5 =	sadd.s32 s31, s9;
	[sflag:s20] =	ssyncadd.s32 $0xFFFFC000  }
0x63: {  	[hbm4b:s5+s1] =	stream.linear.scatter [tilespmem:s17], [sflag:$0x6], $0x4000, $0x38;
	[tilespmem:$0x10200] =	vst v63  }
0x64: {  	_ =	swait.ge [sflag:s21], $0x4000  }
0x65: {  	[sflag:s21] =	ssyncset.done $0x0  }
0x66: {  	s6 =	sadd.s32 $0x20, s26;
	s5 =	sadd.s32 s31, s8;
	[sflag:s21] =	ssyncadd.s32 $0xFFFFC000  }
0x67: {  	[hbm4b:s5+s1] =	stream.linear.scatter [tilespmem:s18], [sflag:$0x6], $0x4000, $0x38;
	[tilespmem:$0x10200] =	vst v63  }
0x68: {  	p2 =	sgt.u32 s6, $0x1869;
	_ =	swait.ge [sflag:s21], $0x4000  }
0x69: {  	s6 =	simm.s32 @!p2 $0x6;
	s5 =	sadd.s32 @!p2 s25, s10;
	[sflag:s21] =	ssyncset.done $0x0  }
0x6a: {  	s7 =	simm.s32 @!p2 $0x0;
	s5 =	sadd.s32 @!p2 $0x400, s5;
	[sflag:s21] =	ssyncadd.s32 $0xFFFFC000  }
0x6b: {  	[tilespmem:s7], [sflag:$0x6] =	stream.linear.gather @!p2 [hbm4b:s5+s7], $0x80, $0x38;
	[tilespmem:$0x10200] =	vst v63  }
0x6c: {  	s5 =	sadd.s32 @!p2 s24, s10;
	_ =	swait.ge @!p2 [sflag:s6], $0x80  }
0x6d: {  	s5 =	sadd.s32 @!p2 $0x400, s5;
	[sflag:s6] =	ssyncset.done @!p2 $0x0  }
0x6e: {  	s15 =	simm.s32 @!p2 $0x100;
	[sflag:s6] =	ssyncadd.s32 @!p2 $0xFFFFFF80  }
0x6f: {  	[tilespmem:s15], [sflag:$0x6] =	stream.linear.gather @!p2 [hbm4b:s5+s7], $0x80, $0x38;
	[tilespmem:$0x10200] =	vst v63  }
0x70: {  	_ =	swait.ge @!p2 [sflag:s6], $0x80  }
0x71: {  	[sflag:s6] =	ssyncset.done @!p2 $0x0  }
0x72: {  	s5 =	simm.s32 @!p2 $0x80;
	[sflag:s6] =	ssyncadd.s32 @!p2 $0xFFFFFF80;
	s6 =	simm.s32 @!p2 $0x200  }
0x73: {  	[tilespmem:s6], [sflag:$0x1] =	stream.indirect.gather @!p2 [hbm4b:s2+s5], $0x80, s7, s5, $0xb8;
	[tilespmem:$0x10200] =	vst v63  }
0x74: {  	s6 =	simm.s32 @!p2 $0x8200;
	s7 =	simm.s32 @!p0 $0x2  }
0x75: {  	[tilespmem:s6], [sflag:$0x3] =	stream.indirect.gather @!p2 [hbm4b:s3+s5], $0x80, s15, s5, $0xb8;
	[tilespmem:$0x10200] =	vst v63  }
0x76: {  	_ =	swait.ge @!p0 [sflag:s7], $0x4000  }
0x77: {  	[sflag:s7] =	ssyncset.done @!p0 $0x0  }
0x78: {  	s5 =	simm.s32 @!p0 $0x4;
	[sflag:s7] =	ssyncadd.s32 @!p0 $0xFFFFC000  }
0x79: {  	_ =	swait.ge @!p0 [sflag:s5], $0x4000  }
0x7a: {  	s6 =	sadd.s32 @!p0 s31, s9;
	[sflag:s5] =	ssyncset.done @!p0 $0x0  }
0x7b: {  	[sflag:s5] =	ssyncadd.s32 @!p0 $0xFFFFC000;
	s5 =	sadd.s32 @!p0 $0x10000, s6  }
0x7c: {  	[hbm4b:s5+s30] =	stream.linear.scatter @!p0 [tilespmem:s4], [sflag:$0x6], $0x4000, $0x38;
	[tilespmem:$0x10200] =	vst v63  }
0x7d: {  	_ =	swait.ge @!p0 [sflag:s29], $0x4000  }
.Ltmp0:
0x7e: {  	s4 =	sadd.s32 @!p0 s31, s8;
	[sflag:s29] =	ssyncset.done @!p0 $0x0;
	(pc) =	sbr.rel @p1 .LBB2_2-.Ltmp0, $4  }
0x7f: {  	s31 =	simm.s32 @!p0 $0x5;
	s4 =	sadd.s32 @!p0 $0x10000, s4;
	[sflag:s29] =	ssyncadd.s32 @!p0 $0xFFFFC000  }
0x80: {  	[hbm4b:s4+s30] =	stream.linear.scatter @!p0 [tilespmem:s0], [sflag:$0x5], $0x4000, $0x38;
	[tilespmem:$0x10200] =	vst v63  }
0x81: {  	s26 =	sadd.s32 $0x40, s26;
	s24 =	sadd.s32 $0x400, s24;
	_ =	swait.ge @!p0 [sflag:s31], $0x4000  }
0x82: {  	s25 =	sadd.s32 $0x400, s25;
	p2 =	sgt.u32 s26, $0x1869;
	[sflag:s31] =	ssyncset.done @!p0 $0x0  }
0x83: {  	s4 =	sadd.s32 @!p2 s25, s10  }
0x84: {  	s0 =	simm.s32 @!p2 $0x6;
	[sflag:s31] =	ssyncadd.s32 @!p0 $0xFFFFC000;
	p0 =	por p2, p2  }
0x85: {  	s5 =	sadd.s32 @!p0 $0x200, s4;
	s4 =	simm.s32 @!p0 $0x0;
	s6 =	simm.s32 @!p0 $0x80  }
0x86: {  	[tilespmem:s6], [sflag:$0x6] =	stream.linear.gather @!p0 [hbm4b:s5+s4], $0x80, $0x38;
	[tilespmem:$0x10200] =	vst v63  }
0x87: {  	_ =	swait.ge @!p0 [sflag:s0], $0x80  }
0x88: {  	s5 =	sadd.s32 @!p0 s24, s10;
	[sflag:s0] =	ssyncset.done @!p0 $0x0  }
0x89: {  	s7 =	simm.s32 @!p0 $0x180;
	s5 =	sadd.s32 @!p0 $0x200, s5;
	[sflag:s0] =	ssyncadd.s32 @!p0 $0xFFFFFF80  }
0x8a: {  	[tilespmem:s7], [sflag:$0x6] =	stream.linear.gather @!p0 [hbm4b:s5+s4], $0x80, $0x38;
	[tilespmem:$0x10200] =	vst v63  }
0x8b: {  	_ =	swait.ge @!p0 [sflag:s0], $0x80  }
0x8c: {  	[sflag:s0] =	ssyncset.done @!p0 $0x0  }
0x8d: {  	s5 =	simm.s32 @!p0 $0x4200;
	[sflag:s0] =	ssyncadd.s32 @!p0 $0xFFFFFF80  }
0x8e: {  	[tilespmem:s5], [sflag:$0x2] =	stream.indirect.gather @!p0 [hbm4b:s2+s6], $0x80, s6, s6, $0xb8;
	[tilespmem:$0x10200] =	vst v63  }
0x8f: {  	s15 =	simm.s32 @!p0 $0xC200  }
0x90: {  	[tilespmem:s15], [sflag:$0x4] =	stream.indirect.gather @!p0 [hbm4b:s3+s6], $0x80, s7, s6, $0xb8;
	[tilespmem:$0x10200] =	vst v63  }
0x91: {  	_ =	swait.ge [sflag:s19], $0x4000  }
0x92: {  	[sflag:s19] =	ssyncset.done $0x0  }
0x93: {  	[sflag:s19] =	ssyncadd.s32 $0xFFFFC000  }
0x94: {  	_ =	swait.ge [sflag:s20], $0x4000  }
0x95: {  	[sflag:s20] =	ssyncset.done $0x0  }
0x96: {  	s28 =	sadd.s32 s23, s9;
	[sflag:s20] =	ssyncadd.s32 $0xFFFFC000  }
0x97: {  	[hbm4b:s28+s1] =	stream.linear.scatter [tilespmem:s17], [sflag:$0x6], $0x4000, $0x38;
	[tilespmem:$0x10200] =	vst v63  }
0x98: {  	_ =	swait.ge [sflag:s21], $0x4000  }
0x99: {  	[sflag:s21] =	ssyncset.done $0x0  }
0x9a: {  	s29 =	sadd.s32 s23, s8;
	s30 =	sadd.s32 $0x20, s26;
	[sflag:s21] =	ssyncadd.s32 $0xFFFFC000  }
0x9b: {  	[hbm4b:s29+s1] =	stream.linear.scatter [tilespmem:s18], [sflag:$0x6], $0x4000, $0x38;
	[tilespmem:$0x10200] =	vst v63  }
0x9c: {  	p1 =	sgt.u32 s30, $0x1869;
	_ =	swait.ge [sflag:s21], $0x4000  }
0x9d: {  	s6 =	sadd.s32 @!p1 s25, s10;
	s7 =	simm.s32 @!p1 $0x6;
	[sflag:s21] =	ssyncset.done $0x0  }
0x9e: {  	s25 =	simm.s32 @!p1 $0x0;
	s6 =	sadd.s32 @!p1 $0x400, s6;
	[sflag:s21] =	ssyncadd.s32 $0xFFFFC000  }
0x9f: {  	[tilespmem:s25], [sflag:$0x6] =	stream.linear.gather @!p1 [hbm4b:s6+s25], $0x80, $0x38;
	[tilespmem:$0x10200] =	vst v63  }
0xa0: {  	_ =	swait.ge @!p1 [sflag:s7], $0x80  }
0xa1: {  	s6 =	sadd.s32 @!p1 s24, s10;
	[sflag:s7] =	ssyncset.done @!p1 $0x0  }
0xa2: {  	s24 =	simm.s32 @!p1 $0x100;
	s6 =	sadd.s32 @!p1 $0x400, s6;
	[sflag:s7] =	ssyncadd.s32 @!p1 $0xFFFFFF80  }
0xa3: {  	[tilespmem:s24], [sflag:$0x6] =	stream.linear.gather @!p1 [hbm4b:s6+s25], $0x80, $0x38;
	[tilespmem:$0x10200] =	vst v63  }
0xa4: {  	_ =	swait.ge @!p1 [sflag:s7], $0x80  }
0xa5: {  	[sflag:s7] =	ssyncset.done @!p1 $0x0  }
0xa6: {  	s6 =	simm.s32 @!p1 $0x80;
	[sflag:s7] =	ssyncadd.s32 @!p1 $0xFFFFFF80;
	s7 =	simm.s32 @!p1 $0x200  }
0xa7: {  	[tilespmem:s7], [sflag:$0x1] =	stream.indirect.gather @!p1 [hbm4b:s2+s6], $0x80, s25, s6, $0xb8;
	[tilespmem:$0x10200] =	vst v63  }
0xa8: {  	s7 =	simm.s32 @!p1 $0x8200;
	s25 =	simm.s32 @!p0 $0x2  }
0xa9: {  	[tilespmem:s7], [sflag:$0x3] =	stream.indirect.gather @!p1 [hbm4b:s3+s6], $0x80, s24, s6, $0xb8;
	[tilespmem:$0x10200] =	vst v63  }
0xaa: {  	_ =	swait.ge @!p0 [sflag:s25], $0x4000  }
0xab: {  	[sflag:s25] =	ssyncset.done @!p0 $0x0  }
0xac: {  	s6 =	simm.s32 @!p0 $0x4;
	[sflag:s25] =	ssyncadd.s32 @!p0 $0xFFFFC000  }
0xad: {  	_ =	swait.ge @!p0 [sflag:s6], $0x4000  }
0xae: {  	s7 =	sadd.s32 @!p0 s23, s9;
	[sflag:s6] =	ssyncset.done @!p0 $0x0  }
0xaf: {  	[sflag:s6] =	ssyncadd.s32 @!p0 $0xFFFFC000;
	s6 =	sadd.s32 @!p0 $0x10000, s7  }
0xb0: {  	[hbm4b:s6+s4] =	stream.linear.scatter @!p0 [tilespmem:s5], [sflag:$0x6], $0x4000, $0x38;
	[tilespmem:$0x10200] =	vst v63  }
0xb1: {  	_ =	swait.ge @!p0 [sflag:s0], $0x4000  }
0xb2: {  	s5 =	sadd.s32 @!p0 s23, s8;
	[sflag:s0] =	ssyncset.done @!p0 $0x0  }
0xb3: {  	[sflag:s0] =	ssyncadd.s32 @!p0 $0xFFFFC000;
	s0 =	sadd.s32 @!p0 $0x10000, s5;
	s5 =	simm.s32 @!p0 $0x5  }
0xb4: {  	[hbm4b:s0+s4] =	stream.linear.scatter @!p0 [tilespmem:s15], [sflag:$0x5], $0x4000, $0x38;
	[tilespmem:$0x10200] =	vst v63  }
0xb5: {  	_ =	swait.ge @!p0 [sflag:s5], $0x4000  }
0xb6: {  	s22 =	sadd.s32 $0x1, s22;
	s31 =	rddreg [dreg:$0x4]  }
0xb7: {  	p1 =	sne.s32 s22, s31  }
.Ltmp1:
0xb8: {  	_ = 	snop;
	(pc) =	sbr.rel @p1 .LBB2_1-.Ltmp1, $3  }
0xb9: {  	_ =	sdelay $0x1  }
0xba: {  	[sflag:s5] =	ssyncset.done @!p0 $0x0  }
0xbb: {  	[sflag:s5] =	ssyncadd.s32 @!p0 $0xFFFFC000  }
0xbc: {  	_ =	sfence.sel $0x180000  }
0xbd: {  	[bflag:$0x0] =	sbarrier.arrive $0xFFFF  }
0xbe: {  	_ =	strace $0x9000004D  }
0xbf: {  	s0 =	stileid.u32;
	[bflag:$0x2] =	sbarrier.arrive $0xFFFF  }
0xc0: {  	p0 =	sne.s32 s0, $0x0;
	s0 =	rddreg [dreg:$0x1]  }
0xc1: {  	s0 =	sadd.s32 @!p0 $0x100000, s0  }
0xc2: {  	[sflag:s0] =	ssyncadd.tile.s32 @!p0 $0x1;
	_ =	shalt  }
.Lfunc_end2:
_tile_overlayer_lowered:
.L_overlay_start_2:
0xc3: {  	(tag) =	ssettag $0x2  }
0xc4: {  	s0 =	rddreg [dreg:$0x0];
	s2 =	stileid.u32  }
0xc5: {  	s1 =	rddreg [dreg:$0x1];
	p0 =	sne.s32 s2, $0x0  }
0xc6: {  	s3 =	rddreg [dreg:$0x2];
	[bflag:$0x3] =	sbarrier.arrive $0xFFFF;
	s2 =	simm.s32 @!p0 $0x1C05  }
0xc7: {  	[timem:s3], [sflag:s2] =	dma.local @!p0 [hbm:s0], s1  }
0xc8: {  	s0 =	simm.s32 @!p0 $0x5  }
0xc9: {  	_ =	swait.ge @!p0 [sflag:s0], s1  }
0xca: {  	s1 =	ssub.s32 @!p0 $0x0, s1;
	[sflag:s0] =	ssyncset.done @!p0 $0x0  }
0xcb: {  	[sflag:s0] =	ssyncadd.s32 @!p0 s1  }
0xcc: {  	[bflag:$0x3] =	sbarrier.arrive $0xFFFF  }
0xcd: {  	_ =	shalt  }

// kernel: kernel.14.cloned.1.call-start
scs
__scs_entry_jumppad:
0x0: {  	(pc) =	sbr.rel $0x88, $3  }
0x1: {  	(tag) =	ssettag $0x0;
	lr =	simm.s32 $0x1  }
0x2: {  	[smem:$0x3F81] =	sst lr;
	_ =	strace $0xD0000000  }
0x3: {  	_ = 	snop  }
0x4: {  	_ = 	snop  }
0x5: {  	_ = 	snop  }
0x6: {  	_ = 	snop  }
0x7: {  	_ = 	snop  }
__scs_overlays_trampoline_lowered:
0x8: {  	[smem:$0x3F90] =	sst s0  }
0x9: {  	[smem:$0x3F91] =	sst s1  }
0xa: {  	[smem:$0x3F92] =	sst s2  }
0xb: {  	[smem:$0x3F93] =	sst s3  }
0xc: {  	[smem:$0x3F94] =	sst s4  }
0xd: {  	[smem:$0x3F95] =	sst s5  }
0xe: {  	[smem:$0x3F96] =	sst s6  }
0xf: {  	[smem:$0x3F97] =	sst s7  }
0x10: {  	[smem:$0x3F98] =	sst s8  }
0x11: {  	[smem:$0x3F99] =	sst s9;
	s0 =	simm.s32 @!p0 $0x0  }
0x12: {  	s1 =	sld [smem:$0x3F7F];
	s0 =	simm.s32 @p0 $0x1  }
0x13: {  	[smem:$0x3F9A] =	sst s0;
	s0 =	simm.s32 @!p1 $0x0  }
0x14: {  	s2 =	sld [smem:$0x3F7E];
	s0 =	simm.s32 @p1 $0x1  }
0x15: {  	[smem:$0x3F9B] =	sst s0;
	s0 =	simm.s32 @!p2 $0x0  }
0x16: {  	s3 =	sld [smem:$0x3FDB];
	s0 =	simm.s32 @p2 $0x1  }
0x17: {  	s4 =	simm.s32 $0x1BF5;
	[smem:$0x3F9D] =	sst s0  }
0x18: {  	s0 =	sld [smem:$0x3F80];
	_ =	swait.ge [sflag:s4], $0x0  }
0x19: {  	s7 =	sld [smem:$0x3F81]  }
0x1a: {  	s8 =	sadd.s32 $0xFFFFE003, lr  }
0x1b: {  	s9 =	sadd.s32 $0xFFFFFEF7, lr;
	s5 =	simm.s32 $0xFFFFFFFF;
	p2 =	slt.u32 s8, $0xFFFFF086  }
0x1c: {  	p1 =	slt.u32 s9, $0xF7A;
	s5 =	simm.s32 @!p2 $0x0  }
0x1d: {  	s5 =	simm.s32 @p1 $0x1;
	p0 =	seq.s32 s7, s2  }
0x1e: {  	s7 =	smul.u32 @!p0 $0xF7A, s2;
	p2 =	seq.s32 @!p0 s5, $0x0  }
0x1f: {  	s9 =	smul.u32 $0xF7A, s1;
	s8 =	simm.s32 @!p0 $0x1BF5;
	p2 =	por !p2, p0  }
0x20: {  	[sflag:s8] =	ssyncset.s32 @!p0 $0xFFFFF086;
	s6 =	sadd.s32 @!p0 s3, s7;
	s7 =	simm.s32 @!p0 $0x108  }
0x21: {  	s3 =	sadd.s32 s3, s9;
	s6 =	sadd.s32 @!p0 $0x88, s6;
	s7 =	simm.s32 @p2 $0x1082  }
0x22: {  	[simem:s7], [sflag:s8] =	dma.local @!p0 [hbm:s6], $0xF7A  }
0x23: {  	s9 =	sor.u32 $0xD0000000, s2;
	s6 =	simm.s32 $0x108;
	_ =	swait.ge @!p0 [sflag:s8], $0x0  }
0x24: {  	s3 =	sadd.s32 $0x88, s3;
	s6 =	simm.s32 @!p1 $0x1082;
	[sflag:s4] =	ssyncset.s32 $0xFFFFF086  }
0x25: {  	[simem:s6], [sflag:s4] =	dma.local [hbm:s3], $0xF7A  }
0x26: {  	[smem:$0x3F81] =	sst s1;
	(tag) =	ssettag s2;
	_ =	strace s9  }
0x27: {  	s1 =	sld [smem:$0x3F91]  }
0x28: {  	s2 =	sld [smem:$0x3F92]  }
0x29: {  	s4 =	sld [smem:$0x3F94]  }
0x2a: {  	p0 =	seq.s32 s5, $0x0;
	s5 =	sld [smem:$0x3F95]  }
0x2b: {  	s6 =	sld [smem:$0x3F96]  }
0x2c: {  	s7 =	sld [smem:$0x3F97]  }
0x2d: {  	s3 =	simm.s32 $0x108;
	s8 =	sld [smem:$0x3F98]  }
0x2e: {  	s3 =	simm.s32 @!p0 $0x1082;
	s9 =	sld [smem:$0x3F99]  }
0x2f: {  	lr =	sadd.s32 s0, s3;
	s0 =	sld [smem:$0x3F90]  }
0x30: {  	s3 =	sld [smem:$0x3F93]  }
0x31: {  	[smem:$0x3F9C] =	sst s10  }
0x32: {  	s10 =	sld [smem:$0x3F9A];
	_ =	sdelay $0x3  }
0x33: {  	p0 =	seq.s32 s10, $0x1;
	s10 =	sld [smem:$0x3F9C];
	_ =	sdelay $0x3  }
0x34: {  	[smem:$0x3F9C] =	sst s10  }
0x35: {  	s10 =	sld [smem:$0x3F9B];
	_ =	sdelay $0x3  }
0x36: {  	p1 =	seq.s32 s10, $0x1;
	s10 =	sld [smem:$0x3F9C];
	_ =	sdelay $0x3  }
0x37: {  	[smem:$0x3F9C] =	sst s10  }
0x38: {  	s10 =	sld [smem:$0x3F9D]  }
0x39: {  	_ = 	snop;
	(pc) =	sbr.ind lr, $3  }
0x3a: {  	_ = 	snop  }
0x3b: {  	_ = 	snop  }
0x3c: {  	p2 =	seq.s32 s10, $0x1;
	s10 =	sld [smem:$0x3F9C]  }
0x3d: {  	_ =	shalt  }
0x3e: {  	_ =	shalt  }
0x3f: {  	_ =	shalt  }
0x40: {  	_ =	shalt  }
0x41: {  	_ =	shalt  }
0x42: {  	_ =	shalt  }
0x43: {  	_ =	shalt  }
0x44: {  	_ =	shalt  }
0x45: {  	_ =	shalt  }
0x46: {  	_ =	shalt  }
0x47: {  	_ =	shalt  }
0x48: {  	_ =	shalt  }
0x49: {  	_ =	shalt  }
0x4a: {  	_ =	shalt  }
0x4b: {  	_ =	shalt  }
0x4c: {  	_ =	shalt  }
0x4d: {  	_ =	shalt  }
0x4e: {  	_ =	shalt  }
0x4f: {  	_ =	shalt  }
0x50: {  	_ =	shalt  }
0x51: {  	_ =	shalt  }
0x52: {  	_ =	shalt  }
0x53: {  	_ =	shalt  }
0x54: {  	_ =	shalt  }
0x55: {  	_ =	shalt  }
0x56: {  	_ =	shalt  }
0x57: {  	_ =	shalt  }
0x58: {  	_ =	shalt  }
0x59: {  	_ =	shalt  }
0x5a: {  	_ =	shalt  }
0x5b: {  	_ =	shalt  }
0x5c: {  	_ =	shalt  }
0x5d: {  	_ =	shalt  }
0x5e: {  	_ =	shalt  }
0x5f: {  	_ =	shalt  }
0x60: {  	_ =	shalt  }
0x61: {  	_ =	shalt  }
0x62: {  	_ =	shalt  }
0x63: {  	_ =	shalt  }
0x64: {  	_ =	shalt  }
0x65: {  	_ =	shalt  }
0x66: {  	_ =	shalt  }
0x67: {  	_ =	shalt  }
0x68: {  	_ =	shalt  }
0x69: {  	_ =	shalt  }
0x6a: {  	_ =	shalt  }
0x6b: {  	_ =	shalt  }
0x6c: {  	_ =	shalt  }
0x6d: {  	_ =	shalt  }
0x6e: {  	_ =	shalt  }
0x6f: {  	_ =	shalt  }
0x70: {  	_ =	shalt  }
0x71: {  	_ =	shalt  }
0x72: {  	_ =	shalt  }
0x73: {  	_ =	shalt  }
0x74: {  	_ =	shalt  }
0x75: {  	_ =	shalt  }
0x76: {  	_ =	shalt  }
0x77: {  	_ =	shalt  }
0x78: {  	_ =	shalt  }
0x79: {  	_ =	shalt  }
0x7a: {  	_ =	shalt  }
0x7b: {  	_ =	shalt  }
0x7c: {  	_ =	shalt  }
0x7d: {  	_ =	shalt  }
0x7e: {  	_ =	shalt  }
0x7f: {  	_ =	shalt  }
0x80: {  	_ =	shalt  }
0x81: {  	_ =	shalt  }
0x82: {  	_ =	shalt  }
0x83: {  	_ =	shalt  }
0x84: {  	_ =	shalt  }
0x85: {  	_ =	shalt  }
0x86: {  	_ =	shalt  }
0x87: {  	_ =	shalt  }
.Lfunc_end0:
.L_simem_size_0:
called_computation.7_lowered:
.L_overlay_start_0:
0x88: {  	s2 =	sld [smem:$0x3FD9]  }
0x89: {  	s3 =	sld [smem:$0x3FFE];
	_ =	sdelay $0x1  }
0x8a: {  	s1 =	srdreg.scid  }
0x8b: {  	s0 =	sand.u32 $0x1, s1  }
0x8c: {  	s16 =	sshll.u32 s0, $0xA;
	s2 =	sadd.s32 s3, s2  }
0x8d: {  	s2 =	sadd.s32 s2, s16  }
0x8e: {  	[smem:$0x3FA8] =	sst s2  }
0x8f: {  	_ = 	snop  }
0x90: {  	(tm) =	ssettm $0x1  }
0x91: {  	s17 =	sld [smem:$0x3FFB];
	_ =	sdelay $0x3  }
0x92: {  	_ =	strace s17  }
0x93: {  	s2 =	sld [smem:$0x3FFC];
	_ =	sdelay $0x3  }
0x94: {  	_ =	strace s2  }
0x95: {  	s2 =	sld [smem:$0x3FFD];
	_ =	sdelay $0x3  }
0x96: {  	_ =	strace s2  }
0x97: {  	_ =	strace $0x8FFFFFFF  }
0x98: {  	s18 =	sld [smem:$0x3FDB];
	_ =	sdelay $0x1  }
0x99: {  	s19 =	simm.s32 $_scs_section_size  }
0x9a: {  	s4 =	simm.s32 $_size__tile_overlayer_lowered;
	s5 =	simm.s32 $_tile_overlayer_lowered  }
0x9b: {  	s22 =	simm.s32 $0x1BFF;
	s21 =	sshll.u32 s5, $0x1;
	s2 =	sadd.s32 s19, s18  }
0x9c: {  	s6 =	simm.s32 $0x0;
	s20 =	sshll.u32 s4, $0x1;
	s4 =	sadd.s32 s21, s2  }
0x9d: {  	[timem:s6], [sflag:s22] =	dma.local [hbm:s4], s20  }
0x9e: {  	_ =	swait.ge [sflag:s22], s20  }
0x9f: {  	s3 =	ssub.s32 $0x0, s20;
	[sflag:s22] =	ssyncset.done $0x0  }
0xa0: {  	[sflag:s22] =	ssyncadd.s32 s3;
	_ =	sdelay $0x1  }
0xa1: {  	s23 =	simm.s32 $0x1B8B  }
0xa2: {  	_ =	swait.ge [sflag:s23], $0x1  }
0xa3: {  	[sflag:s23] =	ssyncset.done $0x0  }
0xa4: {  	s25 =	simm.s32 $0x1B8E;
	s24 =	sld [smem:$0x3FFE];
	[sflag:s23] =	ssyncadd.s32 $0xFFFFFFFF  }
0xa5: {  	s26 =	simm.s32 $execute0_lowered;
	[smem:$0x3FD2] =	sst s25  }
0xa6: {  	s4 =	sshll.u32 s26, $0x1;
	_ =	strace $0x80000052;
	[dreg:$0x1] =	wrdreg $0xFFFFFFFF  }
0xa7: {  	s28 =	simm.s32 $_size_execute0_lowered;
	s2 =	sadd.s32 s2, s4;
	[dreg:$0x0] =	wrdreg $0x0  }
0xa8: {  	s4 =	sshll.u32 s28, $0x1;
	[dreg:$0x2] =	wrdreg s2  }
0xa9: {  	[dreg:$0x3] =	wrdreg s4  }
0xaa: {  	[dreg:$0x4] =	wrdreg $0xC0  }
0xab: {  	_ =	task [dreg:s6], $0x5FFFF  }
0xac: {  	[dreg:$0x1] =	wrdreg $0xFFFFFFFF  }
0xad: {  	[dreg:$0x0] =	wrdreg $0x60  }
0xae: {  	[dreg:$0x2] =	wrdreg s24  }
0xaf: {  	[dreg:$0x3] =	wrdreg $0x9  }
0xb0: {  	_ =	task.clear_ibuf [dreg:s6], $0x4FFFF;
	_ =	strace $0x90000052  }
0xb1: {  	s29 =	simm.s32 $0x9;
	_ =	strace $0x80000054  }
0xb2: {  	_ =	swait.ge [sflag:s29], $0x1  }
0xb3: {  	[sflag:s29] =	ssyncadd.s32 $0xFFFFFFFF  }
0xb4: {  	_ =	strace $0x90000054  }
0xb5: {  	_ =	sfence  }
0xb6: {  	s30 =	sld [smem:$0x0];
	_ =	sdelay $0x2  }
0xb7: {  	s31 =	sshll.u32 s1, $0xD;
	s1 =	sshrl.u32 s1, $0x2  }
0xb8: {  	s3 =	sand.u32 $0x4000, s31;
	s1 =	sadd.s32 s1, s30  }
0xb9: {  	s0 =	sor.u32 s3, s0;
	s1 =	sshll.u32 s1, $0x11  }
0xba: {  	s0 =	sor.u32 s1, s0  }
0xbb: {  	s0 =	sadd.s32 $0x8F2B, s0  }
0xbc: {  	[sflag:s0] =	ssyncadd.remote.s32 $0x1  }
0xbd: {  	_ =	sfence.sel $0xFFFF  }
0xbe: {  	[dreg:$0x0] =	wrdreg $0xFFFFFFFF;
	(pc) =	sbr.abs _section_cstart, $3  }
0xbf: {  	[dreg:$0x1] =	wrdreg $0xFFFFFFFF  }
0xc0: {  	_ =	task.clear_ibuf [dreg:s6], $0x2FFFF;
	_ =	strace $0x9FFFFFFF  }
0xc1: {  	(tm) =	ssettm $0x7FFFFFFF  }
tec
execute0_lowered:
.L_overlay_start_1:
0x0: {  	(tag) =	ssettag $0x1  }
0x1: {  	s0 =	rddreg [dreg:$0x0];
	s1 =	simm.s32 $0x0;
	s4 =	srdreg.scid  }
0x2: {  	s10 =	stileid.u32;
	s14 =	simm.s32 $0x5;
	s16 =	simm.s32 $0x80  }
0x3: {  	s17 =	simm.s32 $0x200;
	s18 =	simm.s32 $0x8200;
	s19 =	simm.s32 $0x1  }
0x4: {  	s20 =	simm.s32 $0x3;
	s21 =	simm.s32 $0x6;
	s22 =	simm.s32 $0x0  }
0x5: {  	[smem:$0x7FF] =	sst s1;
	s2 =	sadd.s32 $0x1B9200, s0;
	s3 =	sadd.s32 $0x32600, s0  }
0x6: {  	s12 =	sadd.s32 $0x19E00, s0;
	s11 =	sadd.s32 $0x1600, s0;
	s4 =	sand.u32 $0x1, s4  }
0x7: {  	s8 =	sshll.u32 s10, $0xB;
	_ =	strace $0x80000053;
	s5 =	sshll.u32 s4, $0xF  }
0x8: {  	s6 =	sshll.u32 s4, $0x4;
	s25 =	ssub.s32 $0x2, s4;
	s31 =	sshll.u32 s4, $0x8  }
0x9: {  	s0 =	sadd.s32 s5, s0;
	s13 =	sor.u32 s10, s6;
	s26 =	sshrl.u32 s25, $0x1  }
0xa: {  	s10 =	sshll.u32 s10, $0x4;
	s7 =	sshll.u32 s13, $0x4;
	s9 =	ssub.s32 s25, s26  }
0xb: {  	s0 =	sadd.s32 s8, s0;
	s13 =	sor.u32 $0x20, s13;
	s28 =	sadd.s32 s12, s7  }
0xc: {  	s29 =	sadd.s32 s11, s7;
	s30 =	smax.u32 s9, $0x1;
	[dreg:$0x2] =	wrdreg s28  }
0xd: {  	s8 =	sadd.s32 $0x274CC00, s0;
	s9 =	sadd.s32 $0x27C800, s0;
	[dreg:$0x3] =	wrdreg s29  }
0xe: {  	s11 =	sadd.s32 s31, s11;
	s12 =	sadd.s32 s31, s12;
	[dreg:$0x4] =	wrdreg s30  }
.LBB2_1:
0xf: {  	s0 =	rddreg [dreg:$0x2]  }
0x10: {  	[tilespmem:s1], [sflag:$0x5] =	stream.linear.gather [hbm4b:s0+s1], $0x80, $0x38;
	[tilespmem:$0x10200] =	vst v63  }
0x11: {  	_ =	swait.ge [sflag:s14], $0x80  }
0x12: {  	[sflag:s14] =	ssyncset.done $0x0  }
0x13: {  	s4 =	simm.s32 $0x100;
	s24 =	rddreg [dreg:$0x3];
	[sflag:s14] =	ssyncadd.s32 $0xFFFFFF80  }
0x14: {  	[tilespmem:s4], [sflag:$0x5] =	stream.linear.gather [hbm4b:s24+s1], $0x80, $0x38;
	[tilespmem:$0x10200] =	vst v63  }
0x15: {  	_ =	swait.ge [sflag:s14], $0x80  }
0x16: {  	[sflag:s14] =	ssyncset.done $0x0  }
0x17: {  	[sflag:s14] =	ssyncadd.s32 $0xFFFFFF80  }
0x18: {  	[tilespmem:s17], [sflag:$0x1] =	stream.indirect.gather [hbm4b:s2+s16], $0x80, s1, s16, $0xb8;
	[tilespmem:$0x10200] =	vst v63  }
0x19: {  	p0 =	sgt.u32 s13, $0x1869  }
0x1a: {  	[tilespmem:s18], [sflag:$0x3] =	stream.indirect.gather [hbm4b:s3+s16], $0x80, s4, s16, $0xb8;
	[tilespmem:$0x10200] =	vst v63  }
0x1b: {  	s0 =	simm.s32 @!p0 $0x6;
	s4 =	sadd.s32 @!p0 s12, s10;
	p0 =	por p0, p0  }
0x1c: {  	s23 =	sadd.s32 @!p0 $0x200, s4;
	s4 =	simm.s32 @!p0 $0x0;
	s24 =	simm.s32 @!p0 $0x80  }
0x1d: {  	[tilespmem:s24], [sflag:$0x6] =	stream.linear.gather @!p0 [hbm4b:s23+s4], $0x80, $0x38;
	[tilespmem:$0x10200] =	vst v63  }
0x1e: {  	_ =	swait.ge @!p0 [sflag:s0], $0x80  }
0x1f: {  	s23 =	sadd.s32 @!p0 s11, s10;
	[sflag:s0] =	ssyncset.done @!p0 $0x0  }
0x20: {  	s25 =	simm.s32 @!p0 $0x180;
	s23 =	sadd.s32 @!p0 $0x200, s23;
	[sflag:s0] =	ssyncadd.s32 @!p0 $0xFFFFFF80  }
0x21: {  	[tilespmem:s25], [sflag:$0x6] =	stream.linear.gather @!p0 [hbm4b:s23+s4], $0x80, $0x38;
	[tilespmem:$0x10200] =	vst v63  }
0x22: {  	_ =	swait.ge @!p0 [sflag:s0], $0x80  }
0x23: {  	[sflag:s0] =	ssyncset.done @!p0 $0x0  }
0x24: {  	s23 =	simm.s32 @!p0 $0x4200;
	[sflag:s0] =	ssyncadd.s32 @!p0 $0xFFFFFF80  }
0x25: {  	[tilespmem:s23], [sflag:$0x2] =	stream.indirect.gather @!p0 [hbm4b:s2+s24], $0x80, s24, s24, $0xb8;
	[tilespmem:$0x10200] =	vst v63  }
0x26: {  	s26 =	simm.s32 @!p0 $0xC200  }
0x27: {  	[tilespmem:s26], [sflag:$0x4] =	stream.indirect.gather @!p0 [hbm4b:s3+s24], $0x80, s25, s24, $0xb8;
	[tilespmem:$0x10200] =	vst v63  }
0x28: {  	_ =	swait.ge [sflag:s19], $0x4000  }
0x29: {  	[sflag:s19] =	ssyncset.done $0x0  }
0x2a: {  	[sflag:s19] =	ssyncadd.s32 $0xFFFFC000  }
0x2b: {  	_ =	swait.ge [sflag:s20], $0x4000  }
0x2c: {  	[sflag:s20] =	ssyncset.done $0x0  }
0x2d: {  	s25 =	sadd.s32 $0x0, s9;
	[sflag:s20] =	ssyncadd.s32 $0xFFFFC000  }
0x2e: {  	[hbm4b:s25+s1] =	stream.linear.scatter [tilespmem:s17], [sflag:$0x6], $0x4000, $0x38;
	[tilespmem:$0x10200] =	vst v63  }
0x2f: {  	_ =	swait.ge [sflag:s21], $0x4000  }
0x30: {  	[sflag:s21] =	ssyncset.done $0x0  }
0x31: {  	s29 =	sadd.s32 $0x0, s8;
	s30 =	sadd.s32 $0x20, s13;
	[sflag:s21] =	ssyncadd.s32 $0xFFFFC000  }
0x32: {  	[hbm4b:s29+s1] =	stream.linear.scatter [tilespmem:s18], [sflag:$0x6], $0x4000, $0x38;
	[tilespmem:$0x10200] =	vst v63  }
0x33: {  	p1 =	sgt.u32 s30, $0x1869;
	_ =	swait.ge [sflag:s21], $0x4000  }
0x34: {  	s28 =	simm.s32 @!p1 $0x0;
	s24 =	sadd.s32 @!p1 s12, s10;
	[sflag:s21] =	ssyncset.done $0x0  }
0x35: {  	s24 =	sadd.s32 @!p1 $0x400, s24;
	s25 =	simm.s32 @!p1 $0x6;
	[sflag:s21] =	ssyncadd.s32 $0xFFFFC000  }
0x36: {  	[tilespmem:s28], [sflag:$0x6] =	stream.linear.gather @!p1 [hbm4b:s24+s28], $0x80, $0x38;
	[tilespmem:$0x10200] =	vst v63  }
0x37: {  	_ =	swait.ge @!p1 [sflag:s25], $0x80  }
0x38: {  	s24 =	sadd.s32 @!p1 s11, s10;
	[sflag:s25] =	ssyncset.done @!p1 $0x0  }
0x39: {  	s29 =	simm.s32 @!p1 $0x100;
	s24 =	sadd.s32 @!p1 $0x400, s24;
	[sflag:s25] =	ssyncadd.s32 @!p1 $0xFFFFFF80  }
0x3a: {  	[tilespmem:s29], [sflag:$0x6] =	stream.linear.gather @!p1 [hbm4b:s24+s28], $0x80, $0x38;
	[tilespmem:$0x10200] =	vst v63  }
0x3b: {  	_ =	swait.ge @!p1 [sflag:s25], $0x80  }
0x3c: {  	[sflag:s25] =	ssyncset.done @!p1 $0x0  }
0x3d: {  	s24 =	simm.s32 @!p1 $0x80;
	[sflag:s25] =	ssyncadd.s32 @!p1 $0xFFFFFF80;
	s25 =	simm.s32 @!p1 $0x200  }
0x3e: {  	[tilespmem:s25], [sflag:$0x1] =	stream.indirect.gather @!p1 [hbm4b:s2+s24], $0x80, s28, s24, $0xb8;
	[tilespmem:$0x10200] =	vst v63  }
0x3f: {  	s25 =	simm.s32 @!p1 $0x8200  }
0x40: {  	[tilespmem:s25], [sflag:$0x3] =	stream.indirect.gather @!p1 [hbm4b:s3+s24], $0x80, s29, s24, $0xb8;
	[tilespmem:$0x10200] =	vst v63  }
0x41: {  	s24 =	simm.s32 @!p0 $0x2  }
0x42: {  	_ =	swait.ge @!p0 [sflag:s24], $0x4000  }
0x43: {  	[sflag:s24] =	ssyncset.done @!p0 $0x0  }
0x44: {  	[sflag:s24] =	ssyncadd.s32 @!p0 $0xFFFFC000;
	s24 =	simm.s32 @!p0 $0x4  }
0x45: {  	_ =	swait.ge @!p0 [sflag:s24], $0x4000  }
0x46: {  	s25 =	sadd.s32 @!p0 $0x0, s9;
	[sflag:s24] =	ssyncset.done @!p0 $0x0  }
0x47: {  	[sflag:s24] =	ssyncadd.s32 @!p0 $0xFFFFC000;
	s24 =	sadd.s32 @!p0 $0x10000, s25  }
0x48: {  	[hbm4b:s24+s4] =	stream.linear.scatter @!p0 [tilespmem:s23], [sflag:$0x6], $0x4000, $0x38;
	[tilespmem:$0x10200] =	vst v63  }
0x49: {  	s31 =	simm.s32 @!p0 $0x5;
	_ =	swait.ge @!p0 [sflag:s0], $0x4000  }
0x4a: {  	s28 =	simm.s32 $0x40000;
	s24 =	sadd.s32 @!p0 $0x0, s8;
	[sflag:s0] =	ssyncset.done @!p0 $0x0  }
0x4b: {  	s25 =	sadd.s32 $0x400, s12;
	[sflag:s0] =	ssyncadd.s32 @!p0 $0xFFFFC000;
	s0 =	sadd.s32 @!p0 $0x10000, s24  }
0x4c: {  	[hbm4b:s0+s4] =	stream.linear.scatter @!p0 [tilespmem:s26], [sflag:$0x5], $0x4000, $0x38;
	[tilespmem:$0x10200] =	vst v63  }
0x4d: {  	s23 =	simm.s32 $0x20000;
	s26 =	sadd.s32 $0x40, s13;
	_ =	swait.ge @!p0 [sflag:s31], $0x4000  }
0x4e: {  	s24 =	sadd.s32 $0x400, s11;
	p2 =	sgt.u32 s26, $0x1869;
	[sflag:s31] =	ssyncset.done @!p0 $0x0  }
.LBB2_2:
0x4f: {  	s0 =	sadd.s32 @!p2 s25, s10;
	s29 =	simm.s32 @!p2 $0x6;
	[sflag:s31] =	ssyncadd.s32 @!p0 $0xFFFFC000  }
0x50: {  	s31 =	smov.u32 s23;
	s23 =	smov.u32 s28;
	p0 =	por p2, p2  }
0x51: {  	s0 =	sadd.s32 @!p0 $0x200, s0;
	s30 =	simm.s32 @!p0 $0x0;
	s5 =	simm.s32 @!p0 $0x80  }
0x52: {  	[tilespmem:s5], [sflag:$0x6] =	stream.linear.gather @!p0 [hbm4b:s0+s30], $0x80, $0x38;
	[tilespmem:$0x10200] =	vst v63  }
0x53: {  	s28 =	sadd.s32 $0x20000, s28;
	_ =	swait.ge @!p0 [sflag:s29], $0x80  }
0x54: {  	p1 =	sne.s32 s28, $0xC40000;
	s0 =	sadd.s32 @!p0 s24, s10;
	[sflag:s29] =	ssyncset.done @!p0 $0x0  }
0x55: {  	s6 =	simm.s32 @!p0 $0x180;
	s0 =	sadd.s32 @!p0 $0x200, s0;
	[sflag:s29] =	ssyncadd.s32 @!p0 $0xFFFFFF80  }
0x56: {  	[tilespmem:s6], [sflag:$0x6] =	stream.linear.gather @!p0 [hbm4b:s0+s30], $0x80, $0x38;
	[tilespmem:$0x10200] =	vst v63  }
0x57: {  	_ =	swait.ge @!p0 [sflag:s29], $0x80  }
0x58: {  	[sflag:s29] =	ssyncset.done @!p0 $0x0  }
0x59: {  	s4 =	simm.s32 @!p0 $0x4200;
	[sflag:s29] =	ssyncadd.s32 @!p0 $0xFFFFFF80  }
0x5a: {  	[tilespmem:s4], [sflag:$0x2] =	stream.indirect.gather @!p0 [hbm4b:s2+s5], $0x80, s5, s5, $0xb8;
	[tilespmem:$0x10200] =	vst v63  }
0x5b: {  	s0 =	simm.s32 @!p0 $0xC200  }
0x5c: {  	[tilespmem:s0], [sflag:$0x4] =	stream.indirect.gather @!p0 [hbm4b:s3+s5], $0x80, s6, s5, $0xb8;
	[tilespmem:$0x10200] =	vst v63  }
0x5d: {  	_ =	swait.ge [sflag:s19], $0x4000  }
0x5e: {  	[sflag:s19] =	ssyncset.done $0x0  }
0x5f: {  	[sflag:s19] =	ssyncadd.s32 $0xFFFFC000  }
0x60: {  	_ =	swait.ge [sflag:s20], $0x4000  }
0x61: {  	[sflag:s20] =	ssyncset.done $0x0  }
0x62: {  	s5 =	sadd.s32 s31, s9;
	[sflag:s20] =	ssyncadd.s32 $0xFFFFC000  }
0x63: {  	[hbm4b:s5+s1] =	stream.linear.scatter [tilespmem:s17], [sflag:$0x6], $0x4000, $0x38;
	[tilespmem:$0x10200] =	vst v63  }
0x64: {  	_ =	swait.ge [sflag:s21], $0x4000  }
0x65: {  	[sflag:s21] =	ssyncset.done $0x0  }
0x66: {  	s6 =	sadd.s32 $0x20, s26;
	s5 =	sadd.s32 s31, s8;
	[sflag:s21] =	ssyncadd.s32 $0xFFFFC000  }
0x67: {  	[hbm4b:s5+s1] =	stream.linear.scatter [tilespmem:s18], [sflag:$0x6], $0x4000, $0x38;
	[tilespmem:$0x10200] =	vst v63  }
0x68: {  	p2 =	sgt.u32 s6, $0x1869;
	_ =	swait.ge [sflag:s21], $0x4000  }
0x69: {  	s6 =	simm.s32 @!p2 $0x6;
	s5 =	sadd.s32 @!p2 s25, s10;
	[sflag:s21] =	ssyncset.done $0x0  }
0x6a: {  	s7 =	simm.s32 @!p2 $0x0;
	s5 =	sadd.s32 @!p2 $0x400, s5;
	[sflag:s21] =	ssyncadd.s32 $0xFFFFC000  }
0x6b: {  	[tilespmem:s7], [sflag:$0x6] =	stream.linear.gather @!p2 [hbm4b:s5+s7], $0x80, $0x38;
	[tilespmem:$0x10200] =	vst v63  }
0x6c: {  	s5 =	sadd.s32 @!p2 s24, s10;
	_ =	swait.ge @!p2 [sflag:s6], $0x80  }
0x6d: {  	s5 =	sadd.s32 @!p2 $0x400, s5;
	[sflag:s6] =	ssyncset.done @!p2 $0x0  }
0x6e: {  	s15 =	simm.s32 @!p2 $0x100;
	[sflag:s6] =	ssyncadd.s32 @!p2 $0xFFFFFF80  }
0x6f: {  	[tilespmem:s15], [sflag:$0x6] =	stream.linear.gather @!p2 [hbm4b:s5+s7], $0x80, $0x38;
	[tilespmem:$0x10200] =	vst v63  }
0x70: {  	_ =	swait.ge @!p2 [sflag:s6], $0x80  }
0x71: {  	[sflag:s6] =	ssyncset.done @!p2 $0x0  }
0x72: {  	s5 =	simm.s32 @!p2 $0x80;
	[sflag:s6] =	ssyncadd.s32 @!p2 $0xFFFFFF80;
	s6 =	simm.s32 @!p2 $0x200  }
0x73: {  	[tilespmem:s6], [sflag:$0x1] =	stream.indirect.gather @!p2 [hbm4b:s2+s5], $0x80, s7, s5, $0xb8;
	[tilespmem:$0x10200] =	vst v63  }
0x74: {  	s6 =	simm.s32 @!p2 $0x8200;
	s7 =	simm.s32 @!p0 $0x2  }
0x75: {  	[tilespmem:s6], [sflag:$0x3] =	stream.indirect.gather @!p2 [hbm4b:s3+s5], $0x80, s15, s5, $0xb8;
	[tilespmem:$0x10200] =	vst v63  }
0x76: {  	_ =	swait.ge @!p0 [sflag:s7], $0x4000  }
0x77: {  	[sflag:s7] =	ssyncset.done @!p0 $0x0  }
0x78: {  	s5 =	simm.s32 @!p0 $0x4;
	[sflag:s7] =	ssyncadd.s32 @!p0 $0xFFFFC000  }
0x79: {  	_ =	swait.ge @!p0 [sflag:s5], $0x4000  }
0x7a: {  	s6 =	sadd.s32 @!p0 s31, s9;
	[sflag:s5] =	ssyncset.done @!p0 $0x0  }
0x7b: {  	[sflag:s5] =	ssyncadd.s32 @!p0 $0xFFFFC000;
	s5 =	sadd.s32 @!p0 $0x10000, s6  }
0x7c: {  	[hbm4b:s5+s30] =	stream.linear.scatter @!p0 [tilespmem:s4], [sflag:$0x6], $0x4000, $0x38;
	[tilespmem:$0x10200] =	vst v63  }
0x7d: {  	_ =	swait.ge @!p0 [sflag:s29], $0x4000  }
.Ltmp0:
0x7e: {  	s4 =	sadd.s32 @!p0 s31, s8;
	[sflag:s29] =	ssyncset.done @!p0 $0x0;
	(pc) =	sbr.rel @p1 .LBB2_2-.Ltmp0, $4  }
0x7f: {  	s31 =	simm.s32 @!p0 $0x5;
	s4 =	sadd.s32 @!p0 $0x10000, s4;
	[sflag:s29] =	ssyncadd.s32 @!p0 $0xFFFFC000  }
0x80: {  	[hbm4b:s4+s30] =	stream.linear.scatter @!p0 [tilespmem:s0], [sflag:$0x5], $0x4000, $0x38;
	[tilespmem:$0x10200] =	vst v63  }
0x81: {  	s26 =	sadd.s32 $0x40, s26;
	s24 =	sadd.s32 $0x400, s24;
	_ =	swait.ge @!p0 [sflag:s31], $0x4000  }
0x82: {  	s25 =	sadd.s32 $0x400, s25;
	p2 =	sgt.u32 s26, $0x1869;
	[sflag:s31] =	ssyncset.done @!p0 $0x0  }
0x83: {  	s4 =	sadd.s32 @!p2 s25, s10  }
0x84: {  	s0 =	simm.s32 @!p2 $0x6;
	[sflag:s31] =	ssyncadd.s32 @!p0 $0xFFFFC000;
	p0 =	por p2, p2  }
0x85: {  	s5 =	sadd.s32 @!p0 $0x200, s4;
	s4 =	simm.s32 @!p0 $0x0;
	s6 =	simm.s32 @!p0 $0x80  }
0x86: {  	[tilespmem:s6], [sflag:$0x6] =	stream.linear.gather @!p0 [hbm4b:s5+s4], $0x80, $0x38;
	[tilespmem:$0x10200] =	vst v63  }
0x87: {  	_ =	swait.ge @!p0 [sflag:s0], $0x80  }
0x88: {  	s5 =	sadd.s32 @!p0 s24, s10;
	[sflag:s0] =	ssyncset.done @!p0 $0x0  }
0x89: {  	s7 =	simm.s32 @!p0 $0x180;
	s5 =	sadd.s32 @!p0 $0x200, s5;
	[sflag:s0] =	ssyncadd.s32 @!p0 $0xFFFFFF80  }
0x8a: {  	[tilespmem:s7], [sflag:$0x6] =	stream.linear.gather @!p0 [hbm4b:s5+s4], $0x80, $0x38;
	[tilespmem:$0x10200] =	vst v63  }
0x8b: {  	_ =	swait.ge @!p0 [sflag:s0], $0x80  }
0x8c: {  	[sflag:s0] =	ssyncset.done @!p0 $0x0  }
0x8d: {  	s5 =	simm.s32 @!p0 $0x4200;
	[sflag:s0] =	ssyncadd.s32 @!p0 $0xFFFFFF80  }
0x8e: {  	[tilespmem:s5], [sflag:$0x2] =	stream.indirect.gather @!p0 [hbm4b:s2+s6], $0x80, s6, s6, $0xb8;
	[tilespmem:$0x10200] =	vst v63  }
0x8f: {  	s15 =	simm.s32 @!p0 $0xC200  }
0x90: {  	[tilespmem:s15], [sflag:$0x4] =	stream.indirect.gather @!p0 [hbm4b:s3+s6], $0x80, s7, s6, $0xb8;
	[tilespmem:$0x10200] =	vst v63  }
0x91: {  	_ =	swait.ge [sflag:s19], $0x4000  }
0x92: {  	[sflag:s19] =	ssyncset.done $0x0  }
0x93: {  	[sflag:s19] =	ssyncadd.s32 $0xFFFFC000  }
0x94: {  	_ =	swait.ge [sflag:s20], $0x4000  }
0x95: {  	[sflag:s20] =	ssyncset.done $0x0  }
0x96: {  	s28 =	sadd.s32 s23, s9;
	[sflag:s20] =	ssyncadd.s32 $0xFFFFC000  }
0x97: {  	[hbm4b:s28+s1] =	stream.linear.scatter [tilespmem:s17], [sflag:$0x6], $0x4000, $0x38;
	[tilespmem:$0x10200] =	vst v63  }
0x98: {  	_ =	swait.ge [sflag:s21], $0x4000  }
0x99: {  	[sflag:s21] =	ssyncset.done $0x0  }
0x9a: {  	s29 =	sadd.s32 s23, s8;
	s30 =	sadd.s32 $0x20, s26;
	[sflag:s21] =	ssyncadd.s32 $0xFFFFC000  }
0x9b: {  	[hbm4b:s29+s1] =	stream.linear.scatter [tilespmem:s18], [sflag:$0x6], $0x4000, $0x38;
	[tilespmem:$0x10200] =	vst v63  }
0x9c: {  	p1 =	sgt.u32 s30, $0x1869;
	_ =	swait.ge [sflag:s21], $0x4000  }
0x9d: {  	s6 =	sadd.s32 @!p1 s25, s10;
	s7 =	simm.s32 @!p1 $0x6;
	[sflag:s21] =	ssyncset.done $0x0  }
0x9e: {  	s25 =	simm.s32 @!p1 $0x0;
	s6 =	sadd.s32 @!p1 $0x400, s6;
	[sflag:s21] =	ssyncadd.s32 $0xFFFFC000  }
0x9f: {  	[tilespmem:s25], [sflag:$0x6] =	stream.linear.gather @!p1 [hbm4b:s6+s25], $0x80, $0x38;
	[tilespmem:$0x10200] =	vst v63  }
0xa0: {  	_ =	swait.ge @!p1 [sflag:s7], $0x80  }
0xa1: {  	s6 =	sadd.s32 @!p1 s24, s10;
	[sflag:s7] =	ssyncset.done @!p1 $0x0  }
0xa2: {  	s24 =	simm.s32 @!p1 $0x100;
	s6 =	sadd.s32 @!p1 $0x400, s6;
	[sflag:s7] =	ssyncadd.s32 @!p1 $0xFFFFFF80  }
0xa3: {  	[tilespmem:s24], [sflag:$0x6] =	stream.linear.gather @!p1 [hbm4b:s6+s25], $0x80, $0x38;
	[tilespmem:$0x10200] =	vst v63  }
0xa4: {  	_ =	swait.ge @!p1 [sflag:s7], $0x80  }
0xa5: {  	[sflag:s7] =	ssyncset.done @!p1 $0x0  }
0xa6: {  	s6 =	simm.s32 @!p1 $0x80;
	[sflag:s7] =	ssyncadd.s32 @!p1 $0xFFFFFF80;
	s7 =	simm.s32 @!p1 $0x200  }
0xa7: {  	[tilespmem:s7], [sflag:$0x1] =	stream.indirect.gather @!p1 [hbm4b:s2+s6], $0x80, s25, s6, $0xb8;
	[tilespmem:$0x10200] =	vst v63  }
0xa8: {  	s7 =	simm.s32 @!p1 $0x8200;
	s25 =	simm.s32 @!p0 $0x2  }
0xa9: {  	[tilespmem:s7], [sflag:$0x3] =	stream.indirect.gather @!p1 [hbm4b:s3+s6], $0x80, s24, s6, $0xb8;
	[tilespmem:$0x10200] =	vst v63  }
0xaa: {  	_ =	swait.ge @!p0 [sflag:s25], $0x4000  }
0xab: {  	[sflag:s25] =	ssyncset.done @!p0 $0x0  }
0xac: {  	s6 =	simm.s32 @!p0 $0x4;
	[sflag:s25] =	ssyncadd.s32 @!p0 $0xFFFFC000  }
0xad: {  	_ =	swait.ge @!p0 [sflag:s6], $0x4000  }
0xae: {  	s7 =	sadd.s32 @!p0 s23, s9;
	[sflag:s6] =	ssyncset.done @!p0 $0x0  }
0xaf: {  	[sflag:s6] =	ssyncadd.s32 @!p0 $0xFFFFC000;
	s6 =	sadd.s32 @!p0 $0x10000, s7  }
0xb0: {  	[hbm4b:s6+s4] =	stream.linear.scatter @!p0 [tilespmem:s5], [sflag:$0x6], $0x4000, $0x38;
	[tilespmem:$0x10200] =	vst v63  }
0xb1: {  	_ =	swait.ge @!p0 [sflag:s0], $0x4000  }
0xb2: {  	s5 =	sadd.s32 @!p0 s23, s8;
	[sflag:s0] =	ssyncset.done @!p0 $0x0  }
0xb3: {  	[sflag:s0] =	ssyncadd.s32 @!p0 $0xFFFFC000;
	s0 =	sadd.s32 @!p0 $0x10000, s5;
	s5 =	simm.s32 @!p0 $0x5  }
0xb4: {  	[hbm4b:s0+s4] =	stream.linear.scatter @!p0 [tilespmem:s15], [sflag:$0x5], $0x4000, $0x38;
	[tilespmem:$0x10200] =	vst v63  }
0xb5: {  	_ =	swait.ge @!p0 [sflag:s5], $0x4000  }
0xb6: {  	s22 =	sadd.s32 $0x1, s22;
	s31 =	rddreg [dreg:$0x4]  }
0xb7: {  	p1 =	sne.s32 s22, s31  }
.Ltmp1:
0xb8: {  	_ = 	snop;
	(pc) =	sbr.rel @p1 .LBB2_1-.Ltmp1, $3  }
0xb9: {  	_ =	sdelay $0x1  }
0xba: {  	[sflag:s5] =	ssyncset.done @!p0 $0x0  }
0xbb: {  	[sflag:s5] =	ssyncadd.s32 @!p0 $0xFFFFC000  }
0xbc: {  	_ =	sfence.sel $0x180000  }
0xbd: {  	[bflag:$0x0] =	sbarrier.arrive $0xFFFF  }
0xbe: {  	_ =	strace $0x90000053  }
0xbf: {  	s0 =	stileid.u32;
	[bflag:$0x2] =	sbarrier.arrive $0xFFFF  }
0xc0: {  	p0 =	sne.s32 s0, $0x0;
	s0 =	rddreg [dreg:$0x1]  }
0xc1: {  	s0 =	sadd.s32 @!p0 $0x100000, s0  }
0xc2: {  	[sflag:s0] =	ssyncadd.tile.s32 @!p0 $0x1;
	_ =	shalt  }
.Lfunc_end2:
_tile_overlayer_lowered:
.L_overlay_start_2:
0xc3: {  	(tag) =	ssettag $0x2  }
0xc4: {  	s0 =	rddreg [dreg:$0x0];
	s2 =	stileid.u32  }
0xc5: {  	s1 =	rddreg [dreg:$0x1];
	p0 =	sne.s32 s2, $0x0  }
0xc6: {  	s3 =	rddreg [dreg:$0x2];
	[bflag:$0x3] =	sbarrier.arrive $0xFFFF;
	s2 =	simm.s32 @!p0 $0x1C05  }
0xc7: {  	[timem:s3], [sflag:s2] =	dma.local @!p0 [hbm:s0], s1  }
0xc8: {  	s0 =	simm.s32 @!p0 $0x5  }
0xc9: {  	_ =	swait.ge @!p0 [sflag:s0], s1  }
0xca: {  	s1 =	ssub.s32 @!p0 $0x0, s1;
	[sflag:s0] =	ssyncset.done @!p0 $0x0  }
0xcb: {  	[sflag:s0] =	ssyncadd.s32 @!p0 s1  }
0xcc: {  	[bflag:$0x3] =	sbarrier.arrive $0xFFFF  }
0xcd: {  	_ =	shalt  }

// kernel: kernel.8.cloned.1.call-start
scs
__scs_entry_jumppad:
0x0: {  	(pc) =	sbr.rel $0x88, $3  }
0x1: {  	(tag) =	ssettag $0x0;
	lr =	simm.s32 $0x1  }
0x2: {  	[smem:$0x3F81] =	sst lr;
	_ =	strace $0xD0000000  }
0x3: {  	_ = 	snop  }
0x4: {  	_ = 	snop  }
0x5: {  	_ = 	snop  }
0x6: {  	_ = 	snop  }
0x7: {  	_ = 	snop  }
__scs_overlays_trampoline_lowered:
0x8: {  	[smem:$0x3F90] =	sst s0  }
0x9: {  	[smem:$0x3F91] =	sst s1  }
0xa: {  	[smem:$0x3F92] =	sst s2  }
0xb: {  	[smem:$0x3F93] =	sst s3  }
0xc: {  	[smem:$0x3F94] =	sst s4  }
0xd: {  	[smem:$0x3F95] =	sst s5  }
0xe: {  	[smem:$0x3F96] =	sst s6  }
0xf: {  	[smem:$0x3F97] =	sst s7  }
0x10: {  	[smem:$0x3F98] =	sst s8  }
0x11: {  	[smem:$0x3F99] =	sst s9;
	s0 =	simm.s32 @!p0 $0x0  }
0x12: {  	s1 =	sld [smem:$0x3F7F];
	s0 =	simm.s32 @p0 $0x1  }
0x13: {  	[smem:$0x3F9A] =	sst s0;
	s0 =	simm.s32 @!p1 $0x0  }
0x14: {  	s2 =	sld [smem:$0x3F7E];
	s0 =	simm.s32 @p1 $0x1  }
0x15: {  	[smem:$0x3F9B] =	sst s0;
	s0 =	simm.s32 @!p2 $0x0  }
0x16: {  	s3 =	sld [smem:$0x3FDB];
	s0 =	simm.s32 @p2 $0x1  }
0x17: {  	s4 =	simm.s32 $0x1BF5;
	[smem:$0x3F9D] =	sst s0  }
0x18: {  	s0 =	sld [smem:$0x3F80];
	_ =	swait.ge [sflag:s4], $0x0  }
0x19: {  	s7 =	sld [smem:$0x3F81]  }
0x1a: {  	s8 =	sadd.s32 $0xFFFFE003, lr  }
0x1b: {  	s9 =	sadd.s32 $0xFFFFFEF7, lr;
	s5 =	simm.s32 $0xFFFFFFFF;
	p2 =	slt.u32 s8, $0xFFFFF086  }
0x1c: {  	p1 =	slt.u32 s9, $0xF7A;
	s5 =	simm.s32 @!p2 $0x0  }
0x1d: {  	s5 =	simm.s32 @p1 $0x1;
	p0 =	seq.s32 s7, s2  }
0x1e: {  	s7 =	smul.u32 @!p0 $0xF7A, s2;
	p2 =	seq.s32 @!p0 s5, $0x0  }
0x1f: {  	s9 =	smul.u32 $0xF7A, s1;
	s8 =	simm.s32 @!p0 $0x1BF5;
	p2 =	por !p2, p0  }
0x20: {  	[sflag:s8] =	ssyncset.s32 @!p0 $0xFFFFF086;
	s6 =	sadd.s32 @!p0 s3, s7;
	s7 =	simm.s32 @!p0 $0x108  }
0x21: {  	s3 =	sadd.s32 s3, s9;
	s6 =	sadd.s32 @!p0 $0x88, s6;
	s7 =	simm.s32 @p2 $0x1082  }
0x22: {  	[simem:s7], [sflag:s8] =	dma.local @!p0 [hbm:s6], $0xF7A  }
0x23: {  	s9 =	sor.u32 $0xD0000000, s2;
	s6 =	simm.s32 $0x108;
	_ =	swait.ge @!p0 [sflag:s8], $0x0  }
0x24: {  	s3 =	sadd.s32 $0x88, s3;
	s6 =	simm.s32 @!p1 $0x1082;
	[sflag:s4] =	ssyncset.s32 $0xFFFFF086  }
0x25: {  	[simem:s6], [sflag:s4] =	dma.local [hbm:s3], $0xF7A  }
0x26: {  	[smem:$0x3F81] =	sst s1;
	(tag) =	ssettag s2;
	_ =	strace s9  }
0x27: {  	s1 =	sld [smem:$0x3F91]  }
0x28: {  	s2 =	sld [smem:$0x3F92]  }
0x29: {  	s4 =	sld [smem:$0x3F94]  }
0x2a: {  	p0 =	seq.s32 s5, $0x0;
	s5 =	sld [smem:$0x3F95]  }
0x2b: {  	s6 =	sld [smem:$0x3F96]  }
0x2c: {  	s7 =	sld [smem:$0x3F97]  }
0x2d: {  	s3 =	simm.s32 $0x108;
	s8 =	sld [smem:$0x3F98]  }
0x2e: {  	s3 =	simm.s32 @!p0 $0x1082;
	s9 =	sld [smem:$0x3F99]  }
0x2f: {  	lr =	sadd.s32 s0, s3;
	s0 =	sld [smem:$0x3F90]  }
0x30: {  	s3 =	sld [smem:$0x3F93]  }
0x31: {  	[smem:$0x3F9C] =	sst s10  }
0x32: {  	s10 =	sld [smem:$0x3F9A];
	_ =	sdelay $0x3  }
0x33: {  	p0 =	seq.s32 s10, $0x1;
	s10 =	sld [smem:$0x3F9C];
	_ =	sdelay $0x3  }
0x34: {  	[smem:$0x3F9C] =	sst s10  }
0x35: {  	s10 =	sld [smem:$0x3F9B];
	_ =	sdelay $0x3  }
0x36: {  	p1 =	seq.s32 s10, $0x1;
	s10 =	sld [smem:$0x3F9C];
	_ =	sdelay $0x3  }
0x37: {  	[smem:$0x3F9C] =	sst s10  }
0x38: {  	s10 =	sld [smem:$0x3F9D]  }
0x39: {  	_ = 	snop;
	(pc) =	sbr.ind lr, $3  }
0x3a: {  	_ = 	snop  }
0x3b: {  	_ = 	snop  }
0x3c: {  	p2 =	seq.s32 s10, $0x1;
	s10 =	sld [smem:$0x3F9C]  }
0x3d: {  	_ =	shalt  }
0x3e: {  	_ =	shalt  }
0x3f: {  	_ =	shalt  }
0x40: {  	_ =	shalt  }
0x41: {  	_ =	shalt  }
0x42: {  	_ =	shalt  }
0x43: {  	_ =	shalt  }
0x44: {  	_ =	shalt  }
0x45: {  	_ =	shalt  }
0x46: {  	_ =	shalt  }
0x47: {  	_ =	shalt  }
0x48: {  	_ =	shalt  }
0x49: {  	_ =	shalt  }
0x4a: {  	_ =	shalt  }
0x4b: {  	_ =	shalt  }
0x4c: {  	_ =	shalt  }
0x4d: {  	_ =	shalt  }
0x4e: {  	_ =	shalt  }
0x4f: {  	_ =	shalt  }
0x50: {  	_ =	shalt  }
0x51: {  	_ =	shalt  }
0x52: {  	_ =	shalt  }
0x53: {  	_ =	shalt  }
0x54: {  	_ =	shalt  }
0x55: {  	_ =	shalt  }
0x56: {  	_ =	shalt  }
0x57: {  	_ =	shalt  }
0x58: {  	_ =	shalt  }
0x59: {  	_ =	shalt  }
0x5a: {  	_ =	shalt  }
0x5b: {  	_ =	shalt  }
0x5c: {  	_ =	shalt  }
0x5d: {  	_ =	shalt  }
0x5e: {  	_ =	shalt  }
0x5f: {  	_ =	shalt  }
0x60: {  	_ =	shalt  }
0x61: {  	_ =	shalt  }
0x62: {  	_ =	shalt  }
0x63: {  	_ =	shalt  }
0x64: {  	_ =	shalt  }
0x65: {  	_ =	shalt  }
0x66: {  	_ =	shalt  }
0x67: {  	_ =	shalt  }
0x68: {  	_ =	shalt  }
0x69: {  	_ =	shalt  }
0x6a: {  	_ =	shalt  }
0x6b: {  	_ =	shalt  }
0x6c: {  	_ =	shalt  }
0x6d: {  	_ =	shalt  }
0x6e: {  	_ =	shalt  }
0x6f: {  	_ =	shalt  }
0x70: {  	_ =	shalt  }
0x71: {  	_ =	shalt  }
0x72: {  	_ =	shalt  }
0x73: {  	_ =	shalt  }
0x74: {  	_ =	shalt  }
0x75: {  	_ =	shalt  }
0x76: {  	_ =	shalt  }
0x77: {  	_ =	shalt  }
0x78: {  	_ =	shalt  }
0x79: {  	_ =	shalt  }
0x7a: {  	_ =	shalt  }
0x7b: {  	_ =	shalt  }
0x7c: {  	_ =	shalt  }
0x7d: {  	_ =	shalt  }
0x7e: {  	_ =	shalt  }
0x7f: {  	_ =	shalt  }
0x80: {  	_ =	shalt  }
0x81: {  	_ =	shalt  }
0x82: {  	_ =	shalt  }
0x83: {  	_ =	shalt  }
0x84: {  	_ =	shalt  }
0x85: {  	_ =	shalt  }
0x86: {  	_ =	shalt  }
0x87: {  	_ =	shalt  }
.Lfunc_end0:
.L_simem_size_0:
called_computation.5_lowered:
.L_overlay_start_0:
0x88: {  	s2 =	sld [smem:$0x3FD9]  }
0x89: {  	s3 =	sld [smem:$0x3FFE];
	_ =	sdelay $0x1  }
0x8a: {  	s1 =	srdreg.scid  }
0x8b: {  	s0 =	sand.u32 $0x1, s1  }
0x8c: {  	s16 =	sshll.u32 s0, $0xA;
	s2 =	sadd.s32 s3, s2  }
0x8d: {  	s2 =	sadd.s32 s2, s16  }
0x8e: {  	[smem:$0x3FA8] =	sst s2  }
0x8f: {  	_ = 	snop  }
0x90: {  	(tm) =	ssettm $0x1  }
0x91: {  	s17 =	sld [smem:$0x3FFB];
	_ =	sdelay $0x3  }
0x92: {  	_ =	strace s17  }
0x93: {  	s2 =	sld [smem:$0x3FFC];
	_ =	sdelay $0x3  }
0x94: {  	_ =	strace s2  }
0x95: {  	s2 =	sld [smem:$0x3FFD];
	_ =	sdelay $0x3  }
0x96: {  	_ =	strace s2  }
0x97: {  	_ =	strace $0x8FFFFFFF  }
0x98: {  	s18 =	sld [smem:$0x3FDB];
	_ =	sdelay $0x1  }
0x99: {  	s19 =	simm.s32 $_scs_section_size  }
0x9a: {  	s4 =	simm.s32 $_size__tile_overlayer_lowered;
	s5 =	simm.s32 $_tile_overlayer_lowered  }
0x9b: {  	s22 =	simm.s32 $0x1BFF;
	s21 =	sshll.u32 s5, $0x1;
	s2 =	sadd.s32 s19, s18  }
0x9c: {  	s6 =	simm.s32 $0x0;
	s20 =	sshll.u32 s4, $0x1;
	s4 =	sadd.s32 s21, s2  }
0x9d: {  	[timem:s6], [sflag:s22] =	dma.local [hbm:s4], s20  }
0x9e: {  	_ =	swait.ge [sflag:s22], s20  }
0x9f: {  	s3 =	ssub.s32 $0x0, s20;
	[sflag:s22] =	ssyncset.done $0x0  }
0xa0: {  	[sflag:s22] =	ssyncadd.s32 s3;
	_ =	sdelay $0x1  }
0xa1: {  	s23 =	simm.s32 $0x1B8B  }
0xa2: {  	_ =	swait.ge [sflag:s23], $0x1  }
0xa3: {  	[sflag:s23] =	ssyncset.done $0x0  }
0xa4: {  	s25 =	simm.s32 $0x1B8E;
	s24 =	sld [smem:$0x3FFE];
	[sflag:s23] =	ssyncadd.s32 $0xFFFFFFFF  }
0xa5: {  	s26 =	simm.s32 $execute0_lowered;
	[smem:$0x3FD2] =	sst s25  }
0xa6: {  	s4 =	sshll.u32 s26, $0x1;
	_ =	strace $0x80000046;
	[dreg:$0x1] =	wrdreg $0xFFFFFFFF  }
0xa7: {  	s28 =	simm.s32 $_size_execute0_lowered;
	s2 =	sadd.s32 s2, s4;
	[dreg:$0x0] =	wrdreg $0x0  }
0xa8: {  	s4 =	sshll.u32 s28, $0x1;
	[dreg:$0x2] =	wrdreg s2  }
0xa9: {  	[dreg:$0x3] =	wrdreg s4  }
0xaa: {  	[dreg:$0x4] =	wrdreg $0xC0  }
0xab: {  	_ =	task [dreg:s6], $0x5FFFF  }
0xac: {  	[dreg:$0x1] =	wrdreg $0xFFFFFFFF  }
0xad: {  	[dreg:$0x0] =	wrdreg $0x60  }
0xae: {  	[dreg:$0x2] =	wrdreg s24  }
0xaf: {  	[dreg:$0x3] =	wrdreg $0x9  }
0xb0: {  	_ =	task.clear_ibuf [dreg:s6], $0x4FFFF;
	_ =	strace $0x90000046  }
0xb1: {  	s29 =	simm.s32 $0x9;
	_ =	strace $0x80000048  }
0xb2: {  	_ =	swait.ge [sflag:s29], $0x1  }
0xb3: {  	[sflag:s29] =	ssyncadd.s32 $0xFFFFFFFF  }
0xb4: {  	_ =	strace $0x90000048  }
0xb5: {  	_ =	sfence  }
0xb6: {  	s30 =	sld [smem:$0x0];
	_ =	sdelay $0x2  }
0xb7: {  	s31 =	sshll.u32 s1, $0xD;
	s1 =	sshrl.u32 s1, $0x2  }
0xb8: {  	s3 =	sand.u32 $0x4000, s31;
	s1 =	sadd.s32 s1, s30  }
0xb9: {  	s0 =	sor.u32 s3, s0;
	s1 =	sshll.u32 s1, $0x11  }
0xba: {  	s0 =	sor.u32 s1, s0  }
0xbb: {  	s0 =	sadd.s32 $0x8F2B, s0  }
0xbc: {  	[sflag:s0] =	ssyncadd.remote.s32 $0x1  }
0xbd: {  	_ =	sfence.sel $0xFFFF  }
0xbe: {  	[dreg:$0x0] =	wrdreg $0xFFFFFFFF;
	(pc) =	sbr.abs _section_cstart, $3  }
0xbf: {  	[dreg:$0x1] =	wrdreg $0xFFFFFFFF  }
0xc0: {  	_ =	task.clear_ibuf [dreg:s6], $0x2FFFF;
	_ =	strace $0x9FFFFFFF  }
0xc1: {  	(tm) =	ssettm $0x7FFFFFFF  }
tec
execute0_lowered:
.L_overlay_start_1:
0x0: {  	(tag) =	ssettag $0x1  }
0x1: {  	s0 =	rddreg [dreg:$0x0];
	s1 =	simm.s32 $0x0;
	s4 =	srdreg.scid  }
0x2: {  	s10 =	stileid.u32;
	s14 =	simm.s32 $0x5;
	s16 =	simm.s32 $0x80  }
0x3: {  	s17 =	simm.s32 $0x200;
	s18 =	simm.s32 $0x8200;
	s19 =	simm.s32 $0x1  }
0x4: {  	s20 =	simm.s32 $0x3;
	s21 =	simm.s32 $0x6;
	s22 =	simm.s32 $0x0  }
0x5: {  	[smem:$0x7FF] =	sst s1;
	s2 =	sadd.s32 $0x32600, s0;
	s3 =	sadd.s32 $0xF5C00, s0  }
0x6: {  	s12 =	sadd.s32 $0x19E00, s0;
	s11 =	sadd.s32 $0x1600, s0;
	s4 =	sand.u32 $0x1, s4  }
0x7: {  	s8 =	sshll.u32 s10, $0xB;
	_ =	strace $0x80000047;
	s5 =	sshll.u32 s4, $0xF  }
0x8: {  	s6 =	sshll.u32 s4, $0x4;
	s25 =	ssub.s32 $0x2, s4;
	s31 =	sshll.u32 s4, $0x8  }
0x9: {  	s0 =	sadd.s32 s5, s0;
	s13 =	sor.u32 s10, s6;
	s26 =	sshrl.u32 s25, $0x1  }
0xa: {  	s10 =	sshll.u32 s10, $0x4;
	s7 =	sshll.u32 s13, $0x4;
	s9 =	ssub.s32 s25, s26  }
0xb: {  	s0 =	sadd.s32 s8, s0;
	s13 =	sor.u32 $0x20, s13;
	s28 =	sadd.s32 s12, s7  }
0xc: {  	s29 =	sadd.s32 s11, s7;
	s30 =	smax.u32 s9, $0x1;
	[dreg:$0x2] =	wrdreg s28  }
0xd: {  	s8 =	sadd.s32 $0xDEE200, s0;
	s9 =	sadd.s32 $0x1B9200, s0;
	[dreg:$0x3] =	wrdreg s29  }
0xe: {  	s11 =	sadd.s32 s31, s11;
	s12 =	sadd.s32 s31, s12;
	[dreg:$0x4] =	wrdreg s30  }
.LBB2_1:
0xf: {  	s0 =	rddreg [dreg:$0x2]  }
0x10: {  	[tilespmem:s1], [sflag:$0x5] =	stream.linear.gather [hbm4b:s0+s1], $0x80, $0x38;
	[tilespmem:$0x10200] =	vst v63  }
0x11: {  	_ =	swait.ge [sflag:s14], $0x80  }
0x12: {  	[sflag:s14] =	ssyncset.done $0x0  }
0x13: {  	s4 =	simm.s32 $0x100;
	s24 =	rddreg [dreg:$0x3];
	[sflag:s14] =	ssyncadd.s32 $0xFFFFFF80  }
0x14: {  	[tilespmem:s4], [sflag:$0x5] =	stream.linear.gather [hbm4b:s24+s1], $0x80, $0x38;
	[tilespmem:$0x10200] =	vst v63  }
0x15: {  	_ =	swait.ge [sflag:s14], $0x80  }
0x16: {  	[sflag:s14] =	ssyncset.done $0x0  }
0x17: {  	[sflag:s14] =	ssyncadd.s32 $0xFFFFFF80  }
0x18: {  	[tilespmem:s17], [sflag:$0x1] =	stream.indirect.gather [hbm4b:s2+s16], $0x80, s1, s16, $0xb8;
	[tilespmem:$0x10200] =	vst v63  }
0x19: {  	p0 =	sgt.u32 s13, $0x1869  }
0x1a: {  	[tilespmem:s18], [sflag:$0x3] =	stream.indirect.gather [hbm4b:s3+s16], $0x80, s4, s16, $0xb8;
	[tilespmem:$0x10200] =	vst v63  }
0x1b: {  	s0 =	simm.s32 @!p0 $0x6;
	s4 =	sadd.s32 @!p0 s12, s10;
	p0 =	por p0, p0  }
0x1c: {  	s23 =	sadd.s32 @!p0 $0x200, s4;
	s4 =	simm.s32 @!p0 $0x0;
	s24 =	simm.s32 @!p0 $0x80  }
0x1d: {  	[tilespmem:s24], [sflag:$0x6] =	stream.linear.gather @!p0 [hbm4b:s23+s4], $0x80, $0x38;
	[tilespmem:$0x10200] =	vst v63  }
0x1e: {  	_ =	swait.ge @!p0 [sflag:s0], $0x80  }
0x1f: {  	s23 =	sadd.s32 @!p0 s11, s10;
	[sflag:s0] =	ssyncset.done @!p0 $0x0  }
0x20: {  	s25 =	simm.s32 @!p0 $0x180;
	s23 =	sadd.s32 @!p0 $0x200, s23;
	[sflag:s0] =	ssyncadd.s32 @!p0 $0xFFFFFF80  }
0x21: {  	[tilespmem:s25], [sflag:$0x6] =	stream.linear.gather @!p0 [hbm4b:s23+s4], $0x80, $0x38;
	[tilespmem:$0x10200] =	vst v63  }
0x22: {  	_ =	swait.ge @!p0 [sflag:s0], $0x80  }
0x23: {  	[sflag:s0] =	ssyncset.done @!p0 $0x0  }
0x24: {  	s23 =	simm.s32 @!p0 $0x4200;
	[sflag:s0] =	ssyncadd.s32 @!p0 $0xFFFFFF80  }
0x25: {  	[tilespmem:s23], [sflag:$0x2] =	stream.indirect.gather @!p0 [hbm4b:s2+s24], $0x80, s24, s24, $0xb8;
	[tilespmem:$0x10200] =	vst v63  }
0x26: {  	s26 =	simm.s32 @!p0 $0xC200  }
0x27: {  	[tilespmem:s26], [sflag:$0x4] =	stream.indirect.gather @!p0 [hbm4b:s3+s24], $0x80, s25, s24, $0xb8;
	[tilespmem:$0x10200] =	vst v63  }
0x28: {  	_ =	swait.ge [sflag:s19], $0x4000  }
0x29: {  	[sflag:s19] =	ssyncset.done $0x0  }
0x2a: {  	[sflag:s19] =	ssyncadd.s32 $0xFFFFC000  }
0x2b: {  	_ =	swait.ge [sflag:s20], $0x4000  }
0x2c: {  	[sflag:s20] =	ssyncset.done $0x0  }
0x2d: {  	s25 =	sadd.s32 $0x0, s9;
	[sflag:s20] =	ssyncadd.s32 $0xFFFFC000  }
0x2e: {  	[hbm4b:s25+s1] =	stream.linear.scatter [tilespmem:s17], [sflag:$0x6], $0x4000, $0x38;
	[tilespmem:$0x10200] =	vst v63  }
0x2f: {  	_ =	swait.ge [sflag:s21], $0x4000  }
0x30: {  	[sflag:s21] =	ssyncset.done $0x0  }
0x31: {  	s29 =	sadd.s32 $0x0, s8;
	s30 =	sadd.s32 $0x20, s13;
	[sflag:s21] =	ssyncadd.s32 $0xFFFFC000  }
0x32: {  	[hbm4b:s29+s1] =	stream.linear.scatter [tilespmem:s18], [sflag:$0x6], $0x4000, $0x38;
	[tilespmem:$0x10200] =	vst v63  }
0x33: {  	p1 =	sgt.u32 s30, $0x1869;
	_ =	swait.ge [sflag:s21], $0x4000  }
0x34: {  	s28 =	simm.s32 @!p1 $0x0;
	s24 =	sadd.s32 @!p1 s12, s10;
	[sflag:s21] =	ssyncset.done $0x0  }
0x35: {  	s24 =	sadd.s32 @!p1 $0x400, s24;
	s25 =	simm.s32 @!p1 $0x6;
	[sflag:s21] =	ssyncadd.s32 $0xFFFFC000  }
0x36: {  	[tilespmem:s28], [sflag:$0x6] =	stream.linear.gather @!p1 [hbm4b:s24+s28], $0x80, $0x38;
	[tilespmem:$0x10200] =	vst v63  }
0x37: {  	_ =	swait.ge @!p1 [sflag:s25], $0x80  }
0x38: {  	s24 =	sadd.s32 @!p1 s11, s10;
	[sflag:s25] =	ssyncset.done @!p1 $0x0  }
0x39: {  	s29 =	simm.s32 @!p1 $0x100;
	s24 =	sadd.s32 @!p1 $0x400, s24;
	[sflag:s25] =	ssyncadd.s32 @!p1 $0xFFFFFF80  }
0x3a: {  	[tilespmem:s29], [sflag:$0x6] =	stream.linear.gather @!p1 [hbm4b:s24+s28], $0x80, $0x38;
	[tilespmem:$0x10200] =	vst v63  }
0x3b: {  	_ =	swait.ge @!p1 [sflag:s25], $0x80  }
0x3c: {  	[sflag:s25] =	ssyncset.done @!p1 $0x0  }
0x3d: {  	s24 =	simm.s32 @!p1 $0x80;
	[sflag:s25] =	ssyncadd.s32 @!p1 $0xFFFFFF80;
	s25 =	simm.s32 @!p1 $0x200  }
0x3e: {  	[tilespmem:s25], [sflag:$0x1] =	stream.indirect.gather @!p1 [hbm4b:s2+s24], $0x80, s28, s24, $0xb8;
	[tilespmem:$0x10200] =	vst v63  }
0x3f: {  	s25 =	simm.s32 @!p1 $0x8200  }
0x40: {  	[tilespmem:s25], [sflag:$0x3] =	stream.indirect.gather @!p1 [hbm4b:s3+s24], $0x80, s29, s24, $0xb8;
	[tilespmem:$0x10200] =	vst v63  }
0x41: {  	s24 =	simm.s32 @!p0 $0x2  }
0x42: {  	_ =	swait.ge @!p0 [sflag:s24], $0x4000  }
0x43: {  	[sflag:s24] =	ssyncset.done @!p0 $0x0  }
0x44: {  	[sflag:s24] =	ssyncadd.s32 @!p0 $0xFFFFC000;
	s24 =	simm.s32 @!p0 $0x4  }
0x45: {  	_ =	swait.ge @!p0 [sflag:s24], $0x4000  }
0x46: {  	s25 =	sadd.s32 @!p0 $0x0, s9;
	[sflag:s24] =	ssyncset.done @!p0 $0x0  }
0x47: {  	[sflag:s24] =	ssyncadd.s32 @!p0 $0xFFFFC000;
	s24 =	sadd.s32 @!p0 $0x10000, s25  }
0x48: {  	[hbm4b:s24+s4] =	stream.linear.scatter @!p0 [tilespmem:s23], [sflag:$0x6], $0x4000, $0x38;
	[tilespmem:$0x10200] =	vst v63  }
0x49: {  	s31 =	simm.s32 @!p0 $0x5;
	_ =	swait.ge @!p0 [sflag:s0], $0x4000  }
0x4a: {  	s28 =	simm.s32 $0x40000;
	s24 =	sadd.s32 @!p0 $0x0, s8;
	[sflag:s0] =	ssyncset.done @!p0 $0x0  }
0x4b: {  	s25 =	sadd.s32 $0x400, s12;
	[sflag:s0] =	ssyncadd.s32 @!p0 $0xFFFFC000;
	s0 =	sadd.s32 @!p0 $0x10000, s24  }
0x4c: {  	[hbm4b:s0+s4] =	stream.linear.scatter @!p0 [tilespmem:s26], [sflag:$0x5], $0x4000, $0x38;
	[tilespmem:$0x10200] =	vst v63  }
0x4d: {  	s23 =	simm.s32 $0x20000;
	s26 =	sadd.s32 $0x40, s13;
	_ =	swait.ge @!p0 [sflag:s31], $0x4000  }
0x4e: {  	s24 =	sadd.s32 $0x400, s11;
	p2 =	sgt.u32 s26, $0x1869;
	[sflag:s31] =	ssyncset.done @!p0 $0x0  }
.LBB2_2:
0x4f: {  	s0 =	sadd.s32 @!p2 s25, s10;
	s29 =	simm.s32 @!p2 $0x6;
	[sflag:s31] =	ssyncadd.s32 @!p0 $0xFFFFC000  }
0x50: {  	s31 =	smov.u32 s23;
	s23 =	smov.u32 s28;
	p0 =	por p2, p2  }
0x51: {  	s0 =	sadd.s32 @!p0 $0x200, s0;
	s30 =	simm.s32 @!p0 $0x0;
	s5 =	simm.s32 @!p0 $0x80  }
0x52: {  	[tilespmem:s5], [sflag:$0x6] =	stream.linear.gather @!p0 [hbm4b:s0+s30], $0x80, $0x38;
	[tilespmem:$0x10200] =	vst v63  }
0x53: {  	s28 =	sadd.s32 $0x20000, s28;
	_ =	swait.ge @!p0 [sflag:s29], $0x80  }
0x54: {  	p1 =	sne.s32 s28, $0xC40000;
	s0 =	sadd.s32 @!p0 s24, s10;
	[sflag:s29] =	ssyncset.done @!p0 $0x0  }
0x55: {  	s6 =	simm.s32 @!p0 $0x180;
	s0 =	sadd.s32 @!p0 $0x200, s0;
	[sflag:s29] =	ssyncadd.s32 @!p0 $0xFFFFFF80  }
0x56: {  	[tilespmem:s6], [sflag:$0x6] =	stream.linear.gather @!p0 [hbm4b:s0+s30], $0x80, $0x38;
	[tilespmem:$0x10200] =	vst v63  }
0x57: {  	_ =	swait.ge @!p0 [sflag:s29], $0x80  }
0x58: {  	[sflag:s29] =	ssyncset.done @!p0 $0x0  }
0x59: {  	s4 =	simm.s32 @!p0 $0x4200;
	[sflag:s29] =	ssyncadd.s32 @!p0 $0xFFFFFF80  }
0x5a: {  	[tilespmem:s4], [sflag:$0x2] =	stream.indirect.gather @!p0 [hbm4b:s2+s5], $0x80, s5, s5, $0xb8;
	[tilespmem:$0x10200] =	vst v63  }
0x5b: {  	s0 =	simm.s32 @!p0 $0xC200  }
0x5c: {  	[tilespmem:s0], [sflag:$0x4] =	stream.indirect.gather @!p0 [hbm4b:s3+s5], $0x80, s6, s5, $0xb8;
	[tilespmem:$0x10200] =	vst v63  }
0x5d: {  	_ =	swait.ge [sflag:s19], $0x4000  }
0x5e: {  	[sflag:s19] =	ssyncset.done $0x0  }
0x5f: {  	[sflag:s19] =	ssyncadd.s32 $0xFFFFC000  }
0x60: {  	_ =	swait.ge [sflag:s20], $0x4000  }
0x61: {  	[sflag:s20] =	ssyncset.done $0x0  }
0x62: {  	s5 =	sadd.s32 s31, s9;
	[sflag:s20] =	ssyncadd.s32 $0xFFFFC000  }
0x63: {  	[hbm4b:s5+s1] =	stream.linear.scatter [tilespmem:s17], [sflag:$0x6], $0x4000, $0x38;
	[tilespmem:$0x10200] =	vst v63  }
0x64: {  	_ =	swait.ge [sflag:s21], $0x4000  }
0x65: {  	[sflag:s21] =	ssyncset.done $0x0  }
0x66: {  	s6 =	sadd.s32 $0x20, s26;
	s5 =	sadd.s32 s31, s8;
	[sflag:s21] =	ssyncadd.s32 $0xFFFFC000  }
0x67: {  	[hbm4b:s5+s1] =	stream.linear.scatter [tilespmem:s18], [sflag:$0x6], $0x4000, $0x38;
	[tilespmem:$0x10200] =	vst v63  }
0x68: {  	p2 =	sgt.u32 s6, $0x1869;
	_ =	swait.ge [sflag:s21], $0x4000  }
0x69: {  	s6 =	simm.s32 @!p2 $0x6;
	s5 =	sadd.s32 @!p2 s25, s10;
	[sflag:s21] =	ssyncset.done $0x0  }
0x6a: {  	s7 =	simm.s32 @!p2 $0x0;
	s5 =	sadd.s32 @!p2 $0x400, s5;
	[sflag:s21] =	ssyncadd.s32 $0xFFFFC000  }
0x6b: {  	[tilespmem:s7], [sflag:$0x6] =	stream.linear.gather @!p2 [hbm4b:s5+s7], $0x80, $0x38;
	[tilespmem:$0x10200] =	vst v63  }
0x6c: {  	s5 =	sadd.s32 @!p2 s24, s10;
	_ =	swait.ge @!p2 [sflag:s6], $0x80  }
0x6d: {  	s5 =	sadd.s32 @!p2 $0x400, s5;
	[sflag:s6] =	ssyncset.done @!p2 $0x0  }
0x6e: {  	s15 =	simm.s32 @!p2 $0x100;
	[sflag:s6] =	ssyncadd.s32 @!p2 $0xFFFFFF80  }
0x6f: {  	[tilespmem:s15], [sflag:$0x6] =	stream.linear.gather @!p2 [hbm4b:s5+s7], $0x80, $0x38;
	[tilespmem:$0x10200] =	vst v63  }
0x70: {  	_ =	swait.ge @!p2 [sflag:s6], $0x80  }
0x71: {  	[sflag:s6] =	ssyncset.done @!p2 $0x0  }
0x72: {  	s5 =	simm.s32 @!p2 $0x80;
	[sflag:s6] =	ssyncadd.s32 @!p2 $0xFFFFFF80;
	s6 =	simm.s32 @!p2 $0x200  }
0x73: {  	[tilespmem:s6], [sflag:$0x1] =	stream.indirect.gather @!p2 [hbm4b:s2+s5], $0x80, s7, s5, $0xb8;
	[tilespmem:$0x10200] =	vst v63  }
0x74: {  	s6 =	simm.s32 @!p2 $0x8200;
	s7 =	simm.s32 @!p0 $0x2  }
0x75: {  	[tilespmem:s6], [sflag:$0x3] =	stream.indirect.gather @!p2 [hbm4b:s3+s5], $0x80, s15, s5, $0xb8;
	[tilespmem:$0x10200] =	vst v63  }
0x76: {  	_ =	swait.ge @!p0 [sflag:s7], $0x4000  }
0x77: {  	[sflag:s7] =	ssyncset.done @!p0 $0x0  }
0x78: {  	s5 =	simm.s32 @!p0 $0x4;
	[sflag:s7] =	ssyncadd.s32 @!p0 $0xFFFFC000  }
0x79: {  	_ =	swait.ge @!p0 [sflag:s5], $0x4000  }
0x7a: {  	s6 =	sadd.s32 @!p0 s31, s9;
	[sflag:s5] =	ssyncset.done @!p0 $0x0  }
0x7b: {  	[sflag:s5] =	ssyncadd.s32 @!p0 $0xFFFFC000;
	s5 =	sadd.s32 @!p0 $0x10000, s6  }
0x7c: {  	[hbm4b:s5+s30] =	stream.linear.scatter @!p0 [tilespmem:s4], [sflag:$0x6], $0x4000, $0x38;
	[tilespmem:$0x10200] =	vst v63  }
0x7d: {  	_ =	swait.ge @!p0 [sflag:s29], $0x4000  }
.Ltmp0:
0x7e: {  	s4 =	sadd.s32 @!p0 s31, s8;
	[sflag:s29] =	ssyncset.done @!p0 $0x0;
	(pc) =	sbr.rel @p1 .LBB2_2-.Ltmp0, $4  }
0x7f: {  	s31 =	simm.s32 @!p0 $0x5;
	s4 =	sadd.s32 @!p0 $0x10000, s4;
	[sflag:s29] =	ssyncadd.s32 @!p0 $0xFFFFC000  }
0x80: {  	[hbm4b:s4+s30] =	stream.linear.scatter @!p0 [tilespmem:s0], [sflag:$0x5], $0x4000, $0x38;
	[tilespmem:$0x10200] =	vst v63  }
0x81: {  	s26 =	sadd.s32 $0x40, s26;
	s24 =	sadd.s32 $0x400, s24;
	_ =	swait.ge @!p0 [sflag:s31], $0x4000  }
0x82: {  	s25 =	sadd.s32 $0x400, s25;
	p2 =	sgt.u32 s26, $0x1869;
	[sflag:s31] =	ssyncset.done @!p0 $0x0  }
0x83: {  	s4 =	sadd.s32 @!p2 s25, s10  }
0x84: {  	s0 =	simm.s32 @!p2 $0x6;
	[sflag:s31] =	ssyncadd.s32 @!p0 $0xFFFFC000;
	p0 =	por p2, p2  }
0x85: {  	s5 =	sadd.s32 @!p0 $0x200, s4;
	s4 =	simm.s32 @!p0 $0x0;
	s6 =	simm.s32 @!p0 $0x80  }
0x86: {  	[tilespmem:s6], [sflag:$0x6] =	stream.linear.gather @!p0 [hbm4b:s5+s4], $0x80, $0x38;
	[tilespmem:$0x10200] =	vst v63  }
0x87: {  	_ =	swait.ge @!p0 [sflag:s0], $0x80  }
0x88: {  	s5 =	sadd.s32 @!p0 s24, s10;
	[sflag:s0] =	ssyncset.done @!p0 $0x0  }
0x89: {  	s7 =	simm.s32 @!p0 $0x180;
	s5 =	sadd.s32 @!p0 $0x200, s5;
	[sflag:s0] =	ssyncadd.s32 @!p0 $0xFFFFFF80  }
0x8a: {  	[tilespmem:s7], [sflag:$0x6] =	stream.linear.gather @!p0 [hbm4b:s5+s4], $0x80, $0x38;
	[tilespmem:$0x10200] =	vst v63  }
0x8b: {  	_ =	swait.ge @!p0 [sflag:s0], $0x80  }
0x8c: {  	[sflag:s0] =	ssyncset.done @!p0 $0x0  }
0x8d: {  	s5 =	simm.s32 @!p0 $0x4200;
	[sflag:s0] =	ssyncadd.s32 @!p0 $0xFFFFFF80  }
0x8e: {  	[tilespmem:s5], [sflag:$0x2] =	stream.indirect.gather @!p0 [hbm4b:s2+s6], $0x80, s6, s6, $0xb8;
	[tilespmem:$0x10200] =	vst v63  }
0x8f: {  	s15 =	simm.s32 @!p0 $0xC200  }
0x90: {  	[tilespmem:s15], [sflag:$0x4] =	stream.indirect.gather @!p0 [hbm4b:s3+s6], $0x80, s7, s6, $0xb8;
	[tilespmem:$0x10200] =	vst v63  }
0x91: {  	_ =	swait.ge [sflag:s19], $0x4000  }
0x92: {  	[sflag:s19] =	ssyncset.done $0x0  }
0x93: {  	[sflag:s19] =	ssyncadd.s32 $0xFFFFC000  }
0x94: {  	_ =	swait.ge [sflag:s20], $0x4000  }
0x95: {  	[sflag:s20] =	ssyncset.done $0x0  }
0x96: {  	s28 =	sadd.s32 s23, s9;
	[sflag:s20] =	ssyncadd.s32 $0xFFFFC000  }
0x97: {  	[hbm4b:s28+s1] =	stream.linear.scatter [tilespmem:s17], [sflag:$0x6], $0x4000, $0x38;
	[tilespmem:$0x10200] =	vst v63  }
0x98: {  	_ =	swait.ge [sflag:s21], $0x4000  }
0x99: {  	[sflag:s21] =	ssyncset.done $0x0  }
0x9a: {  	s29 =	sadd.s32 s23, s8;
	s30 =	sadd.s32 $0x20, s26;
	[sflag:s21] =	ssyncadd.s32 $0xFFFFC000  }
0x9b: {  	[hbm4b:s29+s1] =	stream.linear.scatter [tilespmem:s18], [sflag:$0x6], $0x4000, $0x38;
	[tilespmem:$0x10200] =	vst v63  }
0x9c: {  	p1 =	sgt.u32 s30, $0x1869;
	_ =	swait.ge [sflag:s21], $0x4000  }
0x9d: {  	s6 =	sadd.s32 @!p1 s25, s10;
	s7 =	simm.s32 @!p1 $0x6;
	[sflag:s21] =	ssyncset.done $0x0  }
0x9e: {  	s25 =	simm.s32 @!p1 $0x0;
	s6 =	sadd.s32 @!p1 $0x400, s6;
	[sflag:s21] =	ssyncadd.s32 $0xFFFFC000  }
0x9f: {  	[tilespmem:s25], [sflag:$0x6] =	stream.linear.gather @!p1 [hbm4b:s6+s25], $0x80, $0x38;
	[tilespmem:$0x10200] =	vst v63  }
0xa0: {  	_ =	swait.ge @!p1 [sflag:s7], $0x80  }
0xa1: {  	s6 =	sadd.s32 @!p1 s24, s10;
	[sflag:s7] =	ssyncset.done @!p1 $0x0  }
0xa2: {  	s24 =	simm.s32 @!p1 $0x100;
	s6 =	sadd.s32 @!p1 $0x400, s6;
	[sflag:s7] =	ssyncadd.s32 @!p1 $0xFFFFFF80  }
0xa3: {  	[tilespmem:s24], [sflag:$0x6] =	stream.linear.gather @!p1 [hbm4b:s6+s25], $0x80, $0x38;
	[tilespmem:$0x10200] =	vst v63  }
0xa4: {  	_ =	swait.ge @!p1 [sflag:s7], $0x80  }
0xa5: {  	[sflag:s7] =	ssyncset.done @!p1 $0x0  }
0xa6: {  	s6 =	simm.s32 @!p1 $0x80;
	[sflag:s7] =	ssyncadd.s32 @!p1 $0xFFFFFF80;
	s7 =	simm.s32 @!p1 $0x200  }
0xa7: {  	[tilespmem:s7], [sflag:$0x1] =	stream.indirect.gather @!p1 [hbm4b:s2+s6], $0x80, s25, s6, $0xb8;
	[tilespmem:$0x10200] =	vst v63  }
0xa8: {  	s7 =	simm.s32 @!p1 $0x8200;
	s25 =	simm.s32 @!p0 $0x2  }
0xa9: {  	[tilespmem:s7], [sflag:$0x3] =	stream.indirect.gather @!p1 [hbm4b:s3+s6], $0x80, s24, s6, $0xb8;
	[tilespmem:$0x10200] =	vst v63  }
0xaa: {  	_ =	swait.ge @!p0 [sflag:s25], $0x4000  }
0xab: {  	[sflag:s25] =	ssyncset.done @!p0 $0x0  }
0xac: {  	s6 =	simm.s32 @!p0 $0x4;
	[sflag:s25] =	ssyncadd.s32 @!p0 $0xFFFFC000  }
0xad: {  	_ =	swait.ge @!p0 [sflag:s6], $0x4000  }
0xae: {  	s7 =	sadd.s32 @!p0 s23, s9;
	[sflag:s6] =	ssyncset.done @!p0 $0x0  }
0xaf: {  	[sflag:s6] =	ssyncadd.s32 @!p0 $0xFFFFC000;
	s6 =	sadd.s32 @!p0 $0x10000, s7  }
0xb0: {  	[hbm4b:s6+s4] =	stream.linear.scatter @!p0 [tilespmem:s5], [sflag:$0x6], $0x4000, $0x38;
	[tilespmem:$0x10200] =	vst v63  }
0xb1: {  	_ =	swait.ge @!p0 [sflag:s0], $0x4000  }
0xb2: {  	s5 =	sadd.s32 @!p0 s23, s8;
	[sflag:s0] =	ssyncset.done @!p0 $0x0  }
0xb3: {  	[sflag:s0] =	ssyncadd.s32 @!p0 $0xFFFFC000;
	s0 =	sadd.s32 @!p0 $0x10000, s5;
	s5 =	simm.s32 @!p0 $0x5  }
0xb4: {  	[hbm4b:s0+s4] =	stream.linear.scatter @!p0 [tilespmem:s15], [sflag:$0x5], $0x4000, $0x38;
	[tilespmem:$0x10200] =	vst v63  }
0xb5: {  	_ =	swait.ge @!p0 [sflag:s5], $0x4000  }
0xb6: {  	s22 =	sadd.s32 $0x1, s22;
	s31 =	rddreg [dreg:$0x4]  }
0xb7: {  	p1 =	sne.s32 s22, s31  }
.Ltmp1:
0xb8: {  	_ = 	snop;
	(pc) =	sbr.rel @p1 .LBB2_1-.Ltmp1, $3  }
0xb9: {  	_ =	sdelay $0x1  }
0xba: {  	[sflag:s5] =	ssyncset.done @!p0 $0x0  }
0xbb: {  	[sflag:s5] =	ssyncadd.s32 @!p0 $0xFFFFC000  }
0xbc: {  	_ =	sfence.sel $0x180000  }
0xbd: {  	[bflag:$0x0] =	sbarrier.arrive $0xFFFF  }
0xbe: {  	_ =	strace $0x90000047  }
0xbf: {  	s0 =	stileid.u32;
	[bflag:$0x2] =	sbarrier.arrive $0xFFFF  }
0xc0: {  	p0 =	sne.s32 s0, $0x0;
	s0 =	rddreg [dreg:$0x1]  }
0xc1: {  	s0 =	sadd.s32 @!p0 $0x100000, s0  }
0xc2: {  	[sflag:s0] =	ssyncadd.tile.s32 @!p0 $0x1;
	_ =	shalt  }
.Lfunc_end2:
_tile_overlayer_lowered:
.L_overlay_start_2:
0xc3: {  	(tag) =	ssettag $0x2  }
0xc4: {  	s0 =	rddreg [dreg:$0x0];
	s2 =	stileid.u32  }
0xc5: {  	s1 =	rddreg [dreg:$0x1];
	p0 =	sne.s32 s2, $0x0  }
0xc6: {  	s3 =	rddreg [dreg:$0x2];
	[bflag:$0x3] =	sbarrier.arrive $0xFFFF;
	s2 =	simm.s32 @!p0 $0x1C05  }
0xc7: {  	[timem:s3], [sflag:s2] =	dma.local @!p0 [hbm:s0], s1  }
0xc8: {  	s0 =	simm.s32 @!p0 $0x5  }
0xc9: {  	_ =	swait.ge @!p0 [sflag:s0], s1  }
0xca: {  	s1 =	ssub.s32 @!p0 $0x0, s1;
	[sflag:s0] =	ssyncset.done @!p0 $0x0  }
0xcb: {  	[sflag:s0] =	ssyncadd.s32 @!p0 s1  }
0xcc: {  	[bflag:$0x3] =	sbarrier.arrive $0xFFFF  }
0xcd: {  	_ =	shalt  }

// kernel: scatter_offload_async_start.1
scs
__scs_entry_jumppad:
0x0: {  	(pc) =	sbr.rel $0x88, $3  }
0x1: {  	(tag) =	ssettag $0x0;
	lr =	simm.s32 $0x1  }
0x2: {  	[smem:$0x3F81] =	sst lr;
	_ =	strace $0xD0000000  }
0x3: {  	_ = 	snop  }
0x4: {  	_ = 	snop  }
0x5: {  	_ = 	snop  }
0x6: {  	_ = 	snop  }
0x7: {  	_ = 	snop  }
__scs_overlays_trampoline_lowered:
0x8: {  	[smem:$0x3F90] =	sst s0  }
0x9: {  	[smem:$0x3F91] =	sst s1  }
0xa: {  	[smem:$0x3F92] =	sst s2  }
0xb: {  	[smem:$0x3F93] =	sst s3  }
0xc: {  	[smem:$0x3F94] =	sst s4  }
0xd: {  	[smem:$0x3F95] =	sst s5  }
0xe: {  	[smem:$0x3F96] =	sst s6  }
0xf: {  	[smem:$0x3F97] =	sst s7  }
0x10: {  	[smem:$0x3F98] =	sst s8  }
0x11: {  	[smem:$0x3F99] =	sst s9;
	s0 =	simm.s32 @!p0 $0x0  }
0x12: {  	s1 =	sld [smem:$0x3F7F];
	s0 =	simm.s32 @p0 $0x1  }
0x13: {  	[smem:$0x3F9A] =	sst s0;
	s0 =	simm.s32 @!p1 $0x0  }
0x14: {  	s2 =	sld [smem:$0x3F7E];
	s0 =	simm.s32 @p1 $0x1  }
0x15: {  	[smem:$0x3F9B] =	sst s0;
	s0 =	simm.s32 @!p2 $0x0  }
0x16: {  	s3 =	sld [smem:$0x3FDB];
	s0 =	simm.s32 @p2 $0x1  }
0x17: {  	s4 =	simm.s32 $0x1BF5;
	[smem:$0x3F9D] =	sst s0  }
0x18: {  	s0 =	sld [smem:$0x3F80];
	_ =	swait.ge [sflag:s4], $0x0  }
0x19: {  	s7 =	sld [smem:$0x3F81]  }
0x1a: {  	s8 =	sadd.s32 $0xFFFFE003, lr  }
0x1b: {  	s9 =	sadd.s32 $0xFFFFFEF7, lr;
	s5 =	simm.s32 $0xFFFFFFFF;
	p2 =	slt.u32 s8, $0xFFFFF086  }
0x1c: {  	p1 =	slt.u32 s9, $0xF7A;
	s5 =	simm.s32 @!p2 $0x0  }
0x1d: {  	s5 =	simm.s32 @p1 $0x1;
	p0 =	seq.s32 s7, s2  }
0x1e: {  	s7 =	smul.u32 @!p0 $0xF7A, s2;
	p2 =	seq.s32 @!p0 s5, $0x0  }
0x1f: {  	s9 =	smul.u32 $0xF7A, s1;
	s8 =	simm.s32 @!p0 $0x1BF5;
	p2 =	por !p2, p0  }
0x20: {  	[sflag:s8] =	ssyncset.s32 @!p0 $0xFFFFF086;
	s6 =	sadd.s32 @!p0 s3, s7;
	s7 =	simm.s32 @!p0 $0x108  }
0x21: {  	s3 =	sadd.s32 s3, s9;
	s6 =	sadd.s32 @!p0 $0x88, s6;
	s7 =	simm.s32 @p2 $0x1082  }
0x22: {  	[simem:s7], [sflag:s8] =	dma.local @!p0 [hbm:s6], $0xF7A  }
0x23: {  	s9 =	sor.u32 $0xD0000000, s2;
	s6 =	simm.s32 $0x108;
	_ =	swait.ge @!p0 [sflag:s8], $0x0  }
0x24: {  	s3 =	sadd.s32 $0x88, s3;
	s6 =	simm.s32 @!p1 $0x1082;
	[sflag:s4] =	ssyncset.s32 $0xFFFFF086  }
0x25: {  	[simem:s6], [sflag:s4] =	dma.local [hbm:s3], $0xF7A  }
0x26: {  	[smem:$0x3F81] =	sst s1;
	(tag) =	ssettag s2;
	_ =	strace s9  }
0x27: {  	s1 =	sld [smem:$0x3F91]  }
0x28: {  	s2 =	sld [smem:$0x3F92]  }
0x29: {  	s4 =	sld [smem:$0x3F94]  }
0x2a: {  	p0 =	seq.s32 s5, $0x0;
	s5 =	sld [smem:$0x3F95]  }
0x2b: {  	s6 =	sld [smem:$0x3F96]  }
0x2c: {  	s7 =	sld [smem:$0x3F97]  }
0x2d: {  	s3 =	simm.s32 $0x108;
	s8 =	sld [smem:$0x3F98]  }
0x2e: {  	s3 =	simm.s32 @!p0 $0x1082;
	s9 =	sld [smem:$0x3F99]  }
0x2f: {  	lr =	sadd.s32 s0, s3;
	s0 =	sld [smem:$0x3F90]  }
0x30: {  	s3 =	sld [smem:$0x3F93]  }
0x31: {  	[smem:$0x3F9C] =	sst s10  }
0x32: {  	s10 =	sld [smem:$0x3F9A];
	_ =	sdelay $0x3  }
0x33: {  	p0 =	seq.s32 s10, $0x1;
	s10 =	sld [smem:$0x3F9C];
	_ =	sdelay $0x3  }
0x34: {  	[smem:$0x3F9C] =	sst s10  }
0x35: {  	s10 =	sld [smem:$0x3F9B];
	_ =	sdelay $0x3  }
0x36: {  	p1 =	seq.s32 s10, $0x1;
	s10 =	sld [smem:$0x3F9C];
	_ =	sdelay $0x3  }
0x37: {  	[smem:$0x3F9C] =	sst s10  }
0x38: {  	s10 =	sld [smem:$0x3F9D]  }
0x39: {  	_ = 	snop;
	(pc) =	sbr.ind lr, $3  }
0x3a: {  	_ = 	snop  }
0x3b: {  	_ = 	snop  }
0x3c: {  	p2 =	seq.s32 s10, $0x1;
	s10 =	sld [smem:$0x3F9C]  }
0x3d: {  	_ =	shalt  }
0x3e: {  	_ =	shalt  }
0x3f: {  	_ =	shalt  }
0x40: {  	_ =	shalt  }
0x41: {  	_ =	shalt  }
0x42: {  	_ =	shalt  }
0x43: {  	_ =	shalt  }
0x44: {  	_ =	shalt  }
0x45: {  	_ =	shalt  }
0x46: {  	_ =	shalt  }
0x47: {  	_ =	shalt  }
0x48: {  	_ =	shalt  }
0x49: {  	_ =	shalt  }
0x4a: {  	_ =	shalt  }
0x4b: {  	_ =	shalt  }
0x4c: {  	_ =	shalt  }
0x4d: {  	_ =	shalt  }
0x4e: {  	_ =	shalt  }
0x4f: {  	_ =	shalt  }
0x50: {  	_ =	shalt  }
0x51: {  	_ =	shalt  }
0x52: {  	_ =	shalt  }
0x53: {  	_ =	shalt  }
0x54: {  	_ =	shalt  }
0x55: {  	_ =	shalt  }
0x56: {  	_ =	shalt  }
0x57: {  	_ =	shalt  }
0x58: {  	_ =	shalt  }
0x59: {  	_ =	shalt  }
0x5a: {  	_ =	shalt  }
0x5b: {  	_ =	shalt  }
0x5c: {  	_ =	shalt  }
0x5d: {  	_ =	shalt  }
0x5e: {  	_ =	shalt  }
0x5f: {  	_ =	shalt  }
0x60: {  	_ =	shalt  }
0x61: {  	_ =	shalt  }
0x62: {  	_ =	shalt  }
0x63: {  	_ =	shalt  }
0x64: {  	_ =	shalt  }
0x65: {  	_ =	shalt  }
0x66: {  	_ =	shalt  }
0x67: {  	_ =	shalt  }
0x68: {  	_ =	shalt  }
0x69: {  	_ =	shalt  }
0x6a: {  	_ =	shalt  }
0x6b: {  	_ =	shalt  }
0x6c: {  	_ =	shalt  }
0x6d: {  	_ =	shalt  }
0x6e: {  	_ =	shalt  }
0x6f: {  	_ =	shalt  }
0x70: {  	_ =	shalt  }
0x71: {  	_ =	shalt  }
0x72: {  	_ =	shalt  }
0x73: {  	_ =	shalt  }
0x74: {  	_ =	shalt  }
0x75: {  	_ =	shalt  }
0x76: {  	_ =	shalt  }
0x77: {  	_ =	shalt  }
0x78: {  	_ =	shalt  }
0x79: {  	_ =	shalt  }
0x7a: {  	_ =	shalt  }
0x7b: {  	_ =	shalt  }
0x7c: {  	_ =	shalt  }
0x7d: {  	_ =	shalt  }
0x7e: {  	_ =	shalt  }
0x7f: {  	_ =	shalt  }
0x80: {  	_ =	shalt  }
0x81: {  	_ =	shalt  }
0x82: {  	_ =	shalt  }
0x83: {  	_ =	shalt  }
0x84: {  	_ =	shalt  }
0x85: {  	_ =	shalt  }
0x86: {  	_ =	shalt  }
0x87: {  	_ =	shalt  }
.Lfunc_end0:
.L_simem_size_0:
called_computation.1_lowered:
.L_overlay_start_0:
0x88: {  	s2 =	sld [smem:$0x3FD9]  }
0x89: {  	s3 =	sld [smem:$0x3FFE];
	_ =	sdelay $0x1  }
0x8a: {  	s1 =	srdreg.scid  }
0x8b: {  	s0 =	sand.u32 $0x1, s1  }
0x8c: {  	s15 =	sshll.u32 s0, $0xA;
	s2 =	sadd.s32 s3, s2  }
0x8d: {  	s2 =	sadd.s32 s2, s15  }
0x8e: {  	[smem:$0x3FA8] =	sst s2  }
0x8f: {  	_ = 	snop  }
0x90: {  	(tm) =	ssettm $0x1  }
0x91: {  	s16 =	sld [smem:$0x3FFB];
	_ =	sdelay $0x3  }
0x92: {  	_ =	strace s16  }
0x93: {  	s2 =	sld [smem:$0x3FFC];
	_ =	sdelay $0x3  }
0x94: {  	_ =	strace s2  }
0x95: {  	s2 =	sld [smem:$0x3FFD];
	_ =	sdelay $0x3  }
0x96: {  	_ =	strace s2  }
0x97: {  	_ =	strace $0x8FFFFFFF  }
0x98: {  	s17 =	sld [smem:$0x3FDB];
	_ =	sdelay $0x1  }
0x99: {  	s18 =	simm.s32 $_scs_section_size  }
0x9a: {  	s4 =	simm.s32 $_size__tile_overlayer_lowered;
	s5 =	simm.s32 $_tile_overlayer_lowered  }
0x9b: {  	s21 =	simm.s32 $0x1BFF;
	s20 =	sshll.u32 s5, $0x1;
	s2 =	sadd.s32 s18, s17  }
0x9c: {  	s6 =	simm.s32 $0x0;
	s19 =	sshll.u32 s4, $0x1;
	s4 =	sadd.s32 s20, s2  }
0x9d: {  	[timem:s6], [sflag:s21] =	dma.local [hbm:s4], s19  }
0x9e: {  	_ =	swait.ge [sflag:s21], s19  }
0x9f: {  	s3 =	ssub.s32 $0x0, s19;
	[sflag:s21] =	ssyncset.done $0x0  }
0xa0: {  	[sflag:s21] =	ssyncadd.s32 s3;
	_ =	sdelay $0x1  }
0xa1: {  	s22 =	simm.s32 $0x1B8B  }
0xa2: {  	_ =	swait.ge [sflag:s22], $0x1  }
0xa3: {  	[sflag:s22] =	ssyncset.done $0x0  }
0xa4: {  	s23 =	sld [smem:$0x3FFE];
	[sflag:s22] =	ssyncadd.s32 $0xFFFFFFFF  }
0xa5: {  	s25 =	simm.s32 $0x1B8E;
	s24 =	sld [smem:$0x0]  }
0xa6: {  	s26 =	simm.s32 $execute0_lowered;
	[smem:$0x3FD2] =	sst s25  }
0xa7: {  	s5 =	sshll.u32 s26, $0x1;
	_ =	strace $0x8000004F;
	[dreg:$0x1] =	wrdreg $0xFFFFFFFF  }
0xa8: {  	s28 =	simm.s32 $_size_execute0_lowered;
	s2 =	sadd.s32 s2, s5;
	[dreg:$0x0] =	wrdreg $0x0  }
0xa9: {  	s5 =	sshll.u32 s28, $0x1;
	[dreg:$0x2] =	wrdreg s2  }
0xaa: {  	[dreg:$0x3] =	wrdreg s5  }
0xab: {  	[dreg:$0x4] =	wrdreg $0xC0  }
0xac: {  	_ =	task [dreg:s6], $0x5FFFF  }
0xad: {  	[dreg:$0x1] =	wrdreg $0xFFFFFFFF  }
0xae: {  	[dreg:$0x0] =	wrdreg $0x60  }
0xaf: {  	[dreg:$0x2] =	wrdreg s23  }
0xb0: {  	[dreg:$0x3] =	wrdreg s1  }
0xb1: {  	[dreg:$0x4] =	wrdreg s24  }
0xb2: {  	[dreg:$0x5] =	wrdreg $0x9  }
0xb3: {  	_ =	task.clear_ibuf [dreg:s6], $0x6FFFF;
	_ =	strace $0x9000004F  }
0xb4: {  	s29 =	simm.s32 $0x9;
	_ =	strace $0x80000051  }
0xb5: {  	_ =	swait.ge [sflag:s29], $0x1  }
0xb6: {  	[sflag:s29] =	ssyncadd.s32 $0xFFFFFFFF  }
0xb7: {  	_ =	strace $0x90000051  }
0xb8: {  	_ =	sfence  }
0xb9: {  	s30 =	sld [smem:$0x0];
	_ =	sdelay $0x2  }
0xba: {  	s31 =	sshll.u32 s1, $0xD;
	s1 =	sshrl.u32 s1, $0x2  }
0xbb: {  	s3 =	sand.u32 $0x4000, s31;
	s1 =	sadd.s32 s1, s30  }
0xbc: {  	s0 =	sor.u32 s3, s0;
	s1 =	sshll.u32 s1, $0x11  }
0xbd: {  	s0 =	sor.u32 s1, s0  }
0xbe: {  	s0 =	sadd.s32 $0x8F2B, s0  }
0xbf: {  	[sflag:s0] =	ssyncadd.remote.s32 $0x1  }
0xc0: {  	_ =	sfence.sel $0xFFFF  }
0xc1: {  	[dreg:$0x0] =	wrdreg $0xFFFFFFFF;
	(pc) =	sbr.abs _section_cstart, $3  }
0xc2: {  	[dreg:$0x1] =	wrdreg $0xFFFFFFFF  }
0xc3: {  	_ =	task.clear_ibuf [dreg:s6], $0x2FFFF;
	_ =	strace $0x9FFFFFFF  }
0xc4: {  	(tm) =	ssettm $0x7FFFFFFF  }
0xc5: {  	_ =	shalt  }
tec
execute0_lowered:
.L_overlay_start_1:
0x0: {  	(tag) =	ssettag $0x1  }
0x1: {  	s2 =	rddreg [dreg:$0x0]  }
0x2: {  	s4 =	rddreg [dreg:$0x1];
	_ =	strace $0x80000050;
	s0 =	simm.s32 $0x1  }
0x3: {  	s3 =	simm.s32 $0x88;
	v0 =	vimm.s32 $0x0;
	[sflag:s0] =	ssyncpa.u1 $0x0  }
0x4: {  	s1 =	sadd.s32 $0x32600, s2;
	[tilespmem:s3+$0x30] =	vst v0  }
0x5: {  	s0 =	sadd.s32 $0x1AE6800, s2;
	s6 =	sadd.s32 $0x3381C00, s2;
	[tilespmem:s3+$0x20] =	vst v0  }
0x6: {  	s2 =	sadd.s32 $0x1AFF000, s2;
	s7 =	sand.u32 $0x1, s4;
	s4 =	simm.s32 $0x40;
	[tilespmem:s3+$0x10] =	vst v0  }
.LBB2_1:
0x7: {  	s4 =	sadd.s32 $0x40, s4  }
0x8: {  	[tilespmem:s3+$0x0] =	vst v0;
	s3 =	sadd.s32 $0x40, s3;
	p0 =	slt.u32 s4, $0x5040  }
.Ltmp0:
0x9: {  	(pc) =	sbr.rel @p0 .LBB2_1-.Ltmp0, $4  }
0xa: {  	_ = 	snop  }
0xb: {  	[tilespmem:s3+$0x30] =	vst v0  }
0xc: {  	[tilespmem:s3+$0x20] =	vst v0  }
0xd: {  	[tilespmem:s3+$0x10] =	vst v0  }
0xe: {  	s8 =	stileid.u32  }
0xf: {  	s4 =	smul.u32 $0x4E, s8  }
0x10: {  	s5 =	smin.u32 s8, $0x2  }
0x11: {  	s4 =	sadd.s32 s5, s4  }
0x12: {  	p0 =	slt.u32 s8, $0x2;
	s12 =	smul.u32 $0x140, s4;
	s4 =	simm.s32 $0x62C0  }
0x13: {  	s4 =	simm.s32 @!p0 $0x6180  }
0x14: {  	s25 =	simm.s32 $0x2;
	s4 =	sadd.s32 s4, s12  }
0x15: {  	s28 =	simm.s32 $0x9;
	s9 =	simm.s32 $0xA;
	s14 =	smin.u32 s4, $0x61A80  }
0x16: {  	s30 =	simm.s32 $0xB;
	[dreg:$0x4] =	wrdreg s7;
	s4 =	ssub.s32 s14, s12  }
0x17: {  	s31 =	smul.u32 $0xC350, s7;
	s13 =	simm.s32 $0x1;
	p0 =	sgt.s32 s4, $0x0  }
0x18: {  	s19 =	simm.s32 $0x0;
	s20 =	simm.s32 $0xA808;
	s4 =	simm.s32 @!p0 $0x0  }
0x19: {  	s21 =	simm.s32 $0xFFFFFFFF;
	p1 =	por $0x0, $0x0;
	s26 =	smulhi.u32 $0x66666667, s4  }
0x1a: {  	[tilespmem:s3+$0x0] =	vst v0;
	s23 =	simm.s32 $0x0;
	[sflag:s25] =	ssyncpa.u1 $0x0;
	s18 =	sshll.u32 s8, $0x7  }
0x1b: {  	s0 =	sadd.s32 s31, s0;
	[dreg:$0xa] =	wrdreg s18;
	s3 =	sshrl.u32 s26, $0x7  }
0x1c: {  	v0 =	vimm.s32 $0xFFFFFFFF;
	s17 =	sadd.s32 s31, s2;
	[dreg:$0x9] =	wrdreg s0;
	s29 =	smul.u32 $0x140, s3  }
0x1d: {  	s25 =	simm.s32 $0x0;
	[tilespmem:$0xA108] =	vst v0;
	[sflag:s28] =	ssyncpa.u1 $0x0;
	[dreg:$0x8] =	wrdreg s17  }
.Ltmp1:
0x1e: {  	p0 =	sne.s32 s4, s29;
	s4 =	simm.s32 $0x1;
	(pc) =	sbr.rel .LBB2_3-.Ltmp1, $4  }
0x1f: {  	[sflag:s9] =	ssyncpa.u1 $0x0;
	[dreg:$0x5] =	wrdreg s12;
	s4 =	simm.s32 @!p0 $0x0  }
0x20: {  	[sflag:s30] =	ssyncpa.u1 $0x0;
	[dreg:$0x6] =	wrdreg s14;
	s15 =	sadd.s32 s4, s3  }
0x21: {  	s24 =	smov.u32 s12;
	s22 =	sadd.s32 $0x1, s15;
	[dreg:$0x7] =	wrdreg s15  }
0x22: {  	v0 =	vlaneseq.u32;
	s26 =	simm.s32 $0x0;
	p0 =	por $0x1, $0x1;
	[dreg:$0xb] =	wrdreg s22  }
.LBB2_22:
0x23: {  	s0 =	sshrl.u32 s3, $0x2  }
.LBB2_24:
0x24: {  	s3 =	simm.s32 $0xC  }
0x25: {  	_ =	swait.ge [sflag:s3], s0  }
0x26: {  	s31 =	ssub.s32 $0x0, s0;
	v1 =	vmov s4;
	vm0 =	veq.s32 v0, $0x0;
	[sflag:s3] =	ssyncset.done $0x0  }
0x27: {  	vm15 =	veq.s32 v0, $0x2;
	v1 =	vsel vm0, s2, v1;
	[sflag:s3] =	ssyncadd.s32 s31  }
0x28: {  	v1 =	vsel vm15, s26, v1;
	[sflag:s3] =	ssyncpa.u1 $0x1  }
0x29: {  	[tilespmem:$0xA108] =	vst v1  }
.LBB2_25:
0x2a: {  	s0 =	sadd.s32 $0x140, s24  }
0x2b: {  	s2 =	smov.u32 s12;
	p2 =	slt.s32 s0, s14  }
0x2c: {  	s2 =	smov.u32 @p2 s0;
	p2 =	sne.s32 s25, s22  }
.Ltmp2:
0x2d: {  	_ = 	snop;
	(pc) =	sbr.rel @!p2 .LBB2_26-.Ltmp2, $4  }
0x2e: {  	_ = 	snop  }
0x2f: {  	s26 =	smov.u32 s23;
	s31 =	sadd.s32 $0x1, s25;
	p0 =	por !p0, !p0  }
0x30: {  	s23 =	smov.u32 s24;
	s20 =	sadd.s32 $0x140, s20;
	s21 =	sadd.s32 $0x1, s21  }
0x31: {  	p1 =	por !p1, !p1;
	s25 =	smov.u32 s31;
	s24 =	smov.u32 s2  }
.LBB2_3:
0x32: {  	p2 =	sge.u32 s25, s15  }
0x33: {  	s0 =	smulhi.u32 @!p2 $0xAAAAAAAB, s25  }
0x34: {  	s2 =	smov.u32 s24;
	p3 =	sgt.s32 @!p2 s24, $0x61940  }
0x35: {  	s3 =	sshra.s32 @!p2 s24, $0x1F;
	p3 =	por !p3, p2;
	s0 =	sshrl.u32 @!p2 s0, $0x1  }
0x36: {  	s3 =	sand.u32 @!p2 s3, s24;
	s2 =	simm.s32 @p3 $0x61940;
	s0 =	smul.u32 @!p2 $0x3, s0  }
0x37: {  	s2 =	ssub.s32 @!p2 s2, s3  }
0x38: {  	s2 =	sadd.s32 @!p2 $0xFFF9E6C0, s2;
	s0 =	ssub.s32 @!p2 s25, s0  }
0x39: {  	s3 =	sshll.u32 @!p2 s2, $0x2;
	p3 =	sgt.s32 @!p2 s2, $0x13F;
	s0 =	smul.u32 @!p2 $0x500, s0  }
0x3a: {  	s4 =	sand.u32 @!p2 $0x7, s24;
	s2 =	ssub.s32 @!p2 $0x500, s3;
	p3 =	por !p3, p2  }
0x3b: {  	s3 =	sshrl.u32 @!p2 s24, $0x3;
	s2 =	sshrl.u32 @!p2 s2, $0x2;
	s0 =	sshrl.u32 @!p2 s0, $0x2  }
0x3c: {  	s3 =	sadd.s32 @!p2 s3, s17;
	s2 =	simm.s32 @!p3 $0x0;
	s0 =	sadd.s32 @!p2 $0xA948, s0  }
0x3d: {  	[tilespmem:s0], [sflag:$0xA] =	stream.linear.gather @!p2 [hbm4b:s3+s4], s2, $0x38;
	[tilespmem:$0x1EF88] =	vst v63  }
0x3e: {  	s0 =	sadd.s32 $0xFFFFFFFF, s25  }
0x3f: {  	p2 =	sge.u32 s0, s15  }
.Ltmp3:
0x40: {  	_ = 	snop;
	(pc) =	sbr.rel @p2 .LBB2_7-.Ltmp3, $1  }
0x41: {  	_ =	sdelay $0x3  }
0x42: {  	p2 =	sgt.s32 s23, $0x61940;
	s2 =	smov.u32 s23;
	s3 =	sshra.s32 s23, $0x1F  }
0x43: {  	s2 =	simm.s32 @!p2 $0x61940;
	s3 =	sand.u32 s3, s23  }
0x44: {  	s17 =	smulhi.u32 $0xAAAAAAAB, s21;
	s2 =	ssub.s32 s2, s3  }
0x45: {  	s0 =	sand.u32 $0x1, s0;
	s2 =	sadd.s32 $0xFFF9E6C0, s2  }
0x46: {  	s5 =	simm.s32 $0xA;
	s3 =	sshrl.u32 s17, $0x1;
	s4 =	sshll.u32 s2, $0x2  }
0x47: {  	s7 =	sshrl.u32 s23, $0x3;
	s3 =	smul.u32 $0xFFFFF100, s3;
	s4 =	ssub.s32 $0x500, s4  }
0x48: {  	s18 =	smul.u32 $0x500, s0;
	p2 =	sgt.s32 s2, $0x13F;
	s2 =	sshrl.u32 s4, $0x2  }
0x49: {  	s9 =	sand.u32 $0x7, s23;
	s3 =	sshra.s32 s3, $0x2;
	s2 =	simm.s32 @p2 $0x0  }
0x4a: {  	s0 =	sadd.s32 s3, s20;
	s4 =	sshrl.u32 s18, $0x2;
	_ =	swait.ge [sflag:s5], s2  }
0x4b: {  	s22 =	ssub.s32 $0x0, s2;
	[sflag:s5] =	ssyncset.done $0x0;
	s8 =	rddreg [dreg:$0x9]  }
0x4c: {  	s4 =	sadd.s32 $0xAD08, s4;
	[sflag:s5] =	ssyncadd.s32 s22;
	s3 =	sadd.s32 s7, s8  }
0x4d: {  	[tilespmem:s4], [sflag:$0xB] =	stream.linear.gather [hbm4b:s3+s9], s2, $0x38;
	[tilespmem:$0x1EF88] =	vst v63  }
0x4e: {  	v1 =	vld.msk [tilespmem:s0+$0x0], $0xffff;
	_ =	sdelay $0x4  }
0x4f: {  	v1 =	vshll.u32 v1, $0x4  }
0x50: {  	(v2sf) =	vpush v1, $0x0  }
0x51: {  	(v2sf) =	vpush v1, $0x1  }
0x52: {  	(v2sf) =	vpush v1, $0x2;
	_ =	sdelay $0x3  }
0x53: {  	(v2sf) =	vpush v1, $0x3;
	_ =	sdelay $0x1  }
0x54: {  	(v2sf) =	vpush v1, $0x4  }
0x55: {  	s2 =	simm.s32 $0x1;
	(v2sf) =	vpush v1, $0x5  }
0x56: {  	s2 =	simm.s32 @!p0 $0x0  }
0x57: {  	s2 =	smul.u32 $0x28000, s2;
	(v2sf) =	vpush v1, $0x6;
	_ =	sdelay $0x1  }
0x58: {  	s2 =	sshrl.u32 s2, $0x2  }
0x59: {  	s28 =	sadd.s32 $0xB708, s2  }
0x5a: {  	s12 =	sadd.s32 $0xFFFFF880, s28;
	s17 =	sadd.s32 $0xFFFFF900, s28;
	s10 =	spop (v2sf);
	(v2sf) =	vpush v1, $0x7  }
0x5b: {  	s18 =	sadd.s32 $0xFFFFF980, s28;
	s11 =	sand.u32 $0x1FFFFFF0, s10;
	s14 =	spop (v2sf)  }
0x5c: {  	(v2sf) =	vpush v1, $0x8;
	s2 =	sadd.s32 s6, s11;
	s15 =	sand.u32 $0x1FFFFFF0, s14;
	s16 =	spop (v2sf)  }
0x5d: {  	[tilespmem:s12], [sflag:$0x9] =	stream.linear.gather [hbm4b:s2+s19], $0x40, $0x38;
	[tilespmem:$0x1EF88] =	vst v63  }
0x5e: {  	s5 =	sadd.s32 $0xFFFFFA00, s28;
	s2 =	sadd.s32 s6, s15;
	s3 =	sand.u32 $0x1FFFFFF0, s16  }
0x5f: {  	(v2sf) =	vpush v1, $0x9;
	[tilespmem:s17], [sflag:$0x9] =	stream.linear.gather [hbm4b:s2+s19], $0x40, $0x38;
	[tilespmem:$0x1EF88] =	vst v63  }
0x60: {  	s7 =	sadd.s32 $0xFFFFFA80, s28;
	s22 =	spop (v2sf);
	s3 =	sadd.s32 s6, s3  }
0x61: {  	(v2sf) =	vpush v1, $0xA;
	[tilespmem:s18], [sflag:$0x9] =	stream.linear.gather [hbm4b:s3+s19], $0x40, $0x38;
	[tilespmem:$0x1EF88] =	vst v63  }
0x62: {  	s11 =	sadd.s32 $0xFFFFFB00, s28;
	s4 =	spop (v2sf);
	(v2sf) =	vpush v1, $0xB;
	s3 =	sand.u32 $0x1FFFFFF0, s22  }
0x63: {  	s8 =	spop (v2sf);
	s2 =	sadd.s32 s6, s3;
	s3 =	sand.u32 $0x1FFFFFF0, s4  }
0x64: {  	(v2sf) =	vpush v1, $0xC;
	[tilespmem:s5], [sflag:$0x9] =	stream.linear.gather [hbm4b:s2+s19], $0x40, $0x38;
	[tilespmem:$0x1EF88] =	vst v63  }
0x65: {  	s9 =	sand.u32 $0x1FFFFFF0, s8;
	s10 =	spop (v2sf);
	s3 =	sadd.s32 s6, s3  }
0x66: {  	(v2sf) =	vpush v1, $0xD;
	[tilespmem:s7], [sflag:$0x9] =	stream.linear.gather [hbm4b:s3+s19], $0x40, $0x38;
	[tilespmem:$0x1EF88] =	vst v63  }
0x67: {  	s12 =	sadd.s32 $0xFFFFFB80, s28;
	s2 =	sadd.s32 s6, s9;
	s3 =	sand.u32 $0x1FFFFFF0, s10  }
0x68: {  	[tilespmem:s11], [sflag:$0x9] =	stream.linear.gather [hbm4b:s2+s19], $0x40, $0x38;
	[tilespmem:$0x1EF88] =	vst v63  }
0x69: {  	s17 =	sadd.s32 $0xFFFFFC00, s28;
	s3 =	sadd.s32 s6, s3;
	s14 =	spop (v2sf)  }
0x6a: {  	[tilespmem:s12], [sflag:$0x9] =	stream.linear.gather [hbm4b:s3+s19], $0x40, $0x38;
	(v2sf) =	vpush v1, $0xE;
	[tilespmem:$0x1EF88] =	vst v63  }
0x6b: {  	s18 =	sadd.s32 $0xFFFFFC80, s28;
	s15 =	sand.u32 $0x1FFFFFF0, s14;
	s16 =	spop (v2sf)  }
0x6c: {  	s5 =	sadd.s32 $0xFFFFFD00, s28;
	(v2sf) =	vpush v1, $0xF;
	s2 =	sadd.s32 s6, s15;
	s3 =	sand.u32 $0x1FFFFFF0, s16  }
0x6d: {  	[tilespmem:s17], [sflag:$0x9] =	stream.linear.gather [hbm4b:s2+s19], $0x40, $0x38;
	[tilespmem:$0x1EF88] =	vst v63  }
0x6e: {  	s7 =	sadd.s32 $0xFFFFFD80, s28;
	s22 =	spop (v2sf);
	s3 =	sadd.s32 s6, s3  }
0x6f: {  	[tilespmem:s18], [sflag:$0x9] =	stream.linear.gather [hbm4b:s3+s19], $0x40, $0x38;
	[tilespmem:$0x1EF88] =	vst v63  }
0x70: {  	s11 =	sadd.s32 $0xFFFFFE00, s28;
	s4 =	spop (v2sf);
	s3 =	sand.u32 $0x1FFFFFF0, s22  }
0x71: {  	s8 =	spop (v2sf);
	s2 =	sadd.s32 s6, s3;
	s3 =	sand.u32 $0x1FFFFFF0, s4  }
0x72: {  	[tilespmem:s5], [sflag:$0x9] =	stream.linear.gather [hbm4b:s2+s19], $0x40, $0x38;
	[tilespmem:$0x1EF88] =	vst v63  }
0x73: {  	s9 =	sand.u32 $0x1FFFFFF0, s8;
	s10 =	spop (v2sf);
	s3 =	sadd.s32 s6, s3  }
0x74: {  	[tilespmem:s7], [sflag:$0x9] =	stream.linear.gather [hbm4b:s3+s19], $0x40, $0x38;
	[tilespmem:$0x1EF88] =	vst v63  }
0x75: {  	s14 =	spop (v2sf);
	s2 =	sadd.s32 s6, s9;
	s3 =	sand.u32 $0x1FFFFFF0, s10  }
0x76: {  	[tilespmem:s11], [sflag:$0x9] =	stream.linear.gather [hbm4b:s2+s19], $0x40, $0x38;
	[tilespmem:$0x1EF88] =	vst v63  }
0x77: {  	s12 =	sadd.s32 $0xFFFFFE80, s28;
	s15 =	sand.u32 $0x1FFFFFF0, s14;
	s3 =	sadd.s32 s6, s3  }
0x78: {  	[tilespmem:s12], [sflag:$0x9] =	stream.linear.gather [hbm4b:s3+s19], $0x40, $0x38;
	[tilespmem:$0x1EF88] =	vst v63  }
0x79: {  	s17 =	sadd.s32 $0xFFFFFF00, s28;
	s2 =	sadd.s32 s6, s15;
	s16 =	spop (v2sf)  }
0x7a: {  	[tilespmem:s17], [sflag:$0x9] =	stream.linear.gather [hbm4b:s2+s19], $0x40, $0x38;
	[tilespmem:$0x1EF88] =	vst v63  }
0x7b: {  	s29 =	simm.s32 $0x0;
	s3 =	sand.u32 $0x1FFFFFF0, s16;
	s18 =	spop (v2sf)  }
0x7c: {  	s22 =	sadd.s32 $0xFFFFFF80, s28;
	s3 =	sadd.s32 s6, s3;
	s2 =	sand.u32 $0x1FFFFFF0, s18  }
0x7d: {  	[tilespmem:s22], [sflag:$0x9] =	stream.linear.gather [hbm4b:s3+s19], $0x40, $0x38;
	[tilespmem:$0x1EF88] =	vst v63  }
0x7e: {  	s31 =	sadd.s32 $0x10, s0;
	s30 =	sadd.s32 $0x800, s28;
	s2 =	sadd.s32 s6, s2  }
.LBB2_5:
0x7f: {  	[tilespmem:s28], [sflag:$0x9] =	stream.linear.gather [hbm4b:s2+s19], $0x40, $0x38;
	[tilespmem:$0x1EF88] =	vst v63  }
0x80: {  	s29 =	sadd.s32 $0x10, s29;
	s28 =	smov.u32 s30  }
0x81: {  	p2 =	slt.u32 s29, $0x130;
	v1 =	vld.msk [tilespmem:s31+$0x0], $0xffff;
	_ =	sdelay $0x4  }
0x82: {  	v1 =	vshll.u32 v1, $0x4  }
0x83: {  	(v2sf) =	vpush v1, $0x0  }
0x84: {  	(v2sf) =	vpush v1, $0x1  }
0x85: {  	(v2sf) =	vpush v1, $0x2;
	_ =	sdelay $0x1  }
0x86: {  	(v2sf) =	vpush v1, $0x3;
	_ =	sdelay $0x1  }
0x87: {  	(v2sf) =	vpush v1, $0x4;
	_ =	sdelay $0x1  }
0x88: {  	(v2sf) =	vpush v1, $0x5;
	_ =	sdelay $0x1  }
0x89: {  	(v2sf) =	vpush v1, $0x6  }
0x8a: {  	s4 =	sadd.s32 $0xFFFFFE80, s30;
	s0 =	sadd.s32 $0xFFFFFF00, s30  }
0x8b: {  	s3 =	sadd.s32 $0xFFFFFD00, s30;
	s2 =	sadd.s32 $0xFFFFFD80, s30;
	s5 =	sadd.s32 $0xFFFFFE00, s30;
	(v2sf) =	vpush v1, $0x7  }
0x8c: {  	s10 =	sadd.s32 $0xFFFFFB80, s30;
	s9 =	sadd.s32 $0xFFFFFC00, s30;
	s16 =	sadd.s32 $0xFFFFFC80, s30  }
0x8d: {  	s11 =	sadd.s32 $0xFFFFFA00, s30;
	s12 =	sadd.s32 $0xFFFFFA80, s30;
	s15 =	sadd.s32 $0xFFFFFB00, s30;
	(v2sf) =	vpush v1, $0x8  }
0x8e: {  	s18 =	sadd.s32 $0xFFFFF900, s30;
	s7 =	sadd.s32 $0xFFFFF980, s30;
	s22 =	spop (v2sf)  }
0x8f: {  	s8 =	sadd.s32 $0xFFFFF880, s30;
	s22 =	sand.u32 $0x1FFFFFF0, s22;
	s14 =	spop (v2sf);
	(v2sf) =	vpush v1, $0x9  }
0x90: {  	s22 =	sadd.s32 s6, s22;
	s14 =	sand.u32 $0x1FFFFFF0, s14;
	s17 =	spop (v2sf)  }
0x91: {  	[tilespmem:s8], [sflag:$0x9] =	stream.linear.gather [hbm4b:s22+s19], $0x40, $0x38;
	(v2sf) =	vpush v1, $0xA;
	[tilespmem:$0x1EF88] =	vst v63  }
0x92: {  	s8 =	sadd.s32 s6, s14;
	s14 =	sand.u32 $0x1FFFFFF0, s17;
	s17 =	spop (v2sf)  }
0x93: {  	[tilespmem:s18], [sflag:$0x9] =	stream.linear.gather [hbm4b:s8+s19], $0x40, $0x38;
	(v2sf) =	vpush v1, $0xB;
	[tilespmem:$0x1EF88] =	vst v63  }
0x94: {  	s8 =	sadd.s32 s6, s14;
	s14 =	sand.u32 $0x1FFFFFF0, s17;
	s17 =	spop (v2sf)  }
0x95: {  	[tilespmem:s7], [sflag:$0x9] =	stream.linear.gather [hbm4b:s8+s19], $0x40, $0x38;
	(v2sf) =	vpush v1, $0xC;
	[tilespmem:$0x1EF88] =	vst v63  }
0x96: {  	s7 =	sadd.s32 s6, s14;
	s8 =	sand.u32 $0x1FFFFFF0, s17;
	s14 =	spop (v2sf)  }
0x97: {  	[tilespmem:s11], [sflag:$0x9] =	stream.linear.gather [hbm4b:s7+s19], $0x40, $0x38;
	(v2sf) =	vpush v1, $0xD;
	[tilespmem:$0x1EF88] =	vst v63  }
0x98: {  	s7 =	sadd.s32 s6, s8;
	s8 =	sand.u32 $0x1FFFFFF0, s14;
	s11 =	spop (v2sf)  }
0x99: {  	[tilespmem:s12], [sflag:$0x9] =	stream.linear.gather [hbm4b:s7+s19], $0x40, $0x38;
	(v2sf) =	vpush v1, $0xE;
	[tilespmem:$0x1EF88] =	vst v63  }
0x9a: {  	s7 =	sadd.s32 s6, s8;
	s8 =	sand.u32 $0x1FFFFFF0, s11;
	s11 =	spop (v2sf)  }
0x9b: {  	[tilespmem:s15], [sflag:$0x9] =	stream.linear.gather [hbm4b:s7+s19], $0x40, $0x38;
	(v2sf) =	vpush v1, $0xF;
	[tilespmem:$0x1EF88] =	vst v63  }
0x9c: {  	s7 =	sadd.s32 s6, s8;
	s8 =	sand.u32 $0x1FFFFFF0, s11;
	s11 =	spop (v2sf)  }
0x9d: {  	[tilespmem:s10], [sflag:$0x9] =	stream.linear.gather [hbm4b:s7+s19], $0x40, $0x38;
	[tilespmem:$0x1EF88] =	vst v63  }
0x9e: {  	s7 =	sadd.s32 s6, s8;
	s8 =	sand.u32 $0x1FFFFFF0, s11;
	s10 =	spop (v2sf)  }
0x9f: {  	[tilespmem:s9], [sflag:$0x9] =	stream.linear.gather [hbm4b:s7+s19], $0x40, $0x38;
	[tilespmem:$0x1EF88] =	vst v63  }
0xa0: {  	s7 =	sadd.s32 s6, s8;
	s8 =	sand.u32 $0x1FFFFFF0, s10;
	s9 =	spop (v2sf)  }
0xa1: {  	[tilespmem:s16], [sflag:$0x9] =	stream.linear.gather [hbm4b:s7+s19], $0x40, $0x38;
	[tilespmem:$0x1EF88] =	vst v63  }
0xa2: {  	s7 =	sadd.s32 s6, s8;
	s8 =	sand.u32 $0x1FFFFFF0, s9;
	s9 =	spop (v2sf)  }
0xa3: {  	[tilespmem:s3], [sflag:$0x9] =	stream.linear.gather [hbm4b:s7+s19], $0x40, $0x38;
	[tilespmem:$0x1EF88] =	vst v63  }
0xa4: {  	s3 =	sadd.s32 s6, s8;
	s7 =	sand.u32 $0x1FFFFFF0, s9;
	s8 =	spop (v2sf)  }
0xa5: {  	[tilespmem:s2], [sflag:$0x9] =	stream.linear.gather [hbm4b:s3+s19], $0x40, $0x38;
	[tilespmem:$0x1EF88] =	vst v63  }
0xa6: {  	s2 =	sadd.s32 s6, s7;
	s3 =	sand.u32 $0x1FFFFFF0, s8;
	s7 =	spop (v2sf)  }
0xa7: {  	[tilespmem:s5], [sflag:$0x9] =	stream.linear.gather [hbm4b:s2+s19], $0x40, $0x38;
	[tilespmem:$0x1EF88] =	vst v63  }
0xa8: {  	s2 =	sadd.s32 s6, s3;
	s3 =	sand.u32 $0x1FFFFFF0, s7;
	s5 =	spop (v2sf)  }
0xa9: {  	[tilespmem:s4], [sflag:$0x9] =	stream.linear.gather [hbm4b:s2+s19], $0x40, $0x38;
	[tilespmem:$0x1EF88] =	vst v63  }
0xaa: {  	s2 =	sadd.s32 s6, s3  }
.Ltmp4:
0xab: {  	s3 =	sand.u32 $0x1FFFFFF0, s5;
	s4 =	spop (v2sf);
	(pc) =	sbr.rel @p2 .LBB2_5-.Ltmp4, $4  }
0xac: {  	[tilespmem:s0], [sflag:$0x9] =	stream.linear.gather [hbm4b:s2+s19], $0x40, $0x38;
	[tilespmem:$0x1EF88] =	vst v63  }
0xad: {  	s0 =	sadd.s32 s6, s3;
	s2 =	sadd.s32 $0xFFFFFF80, s30;
	s3 =	sand.u32 $0x1FFFFFF0, s4  }
0xae: {  	[tilespmem:s2], [sflag:$0x9] =	stream.linear.gather [hbm4b:s0+s19], $0x40, $0x38;
	[tilespmem:$0x1EF88] =	vst v63  }
0xaf: {  	s31 =	sadd.s32 $0x10, s31;
	s30 =	sadd.s32 $0x800, s30;
	s2 =	sadd.s32 s6, s3  }
0xb0: {  	[tilespmem:s28], [sflag:$0x9] =	stream.linear.gather [hbm4b:s2+s19], $0x40, $0x38;
	[tilespmem:$0x1EF88] =	vst v63  }
0xb1: {  	s12 =	rddreg [dreg:$0x5]  }
0xb2: {  	s14 =	rddreg [dreg:$0x6]  }
0xb3: {  	s15 =	rddreg [dreg:$0x7]  }
0xb4: {  	s17 =	rddreg [dreg:$0x8]  }
0xb5: {  	s18 =	rddreg [dreg:$0xa]  }
0xb6: {  	s22 =	rddreg [dreg:$0xb]  }
.LBB2_7:
0xb7: {  	p2 =	slt.u32 s25, $0x2  }
.Ltmp5:
0xb8: {  	_ = 	snop;
	(pc) =	sbr.rel @p2 .LBB2_25-.Ltmp5, $1  }
0xb9: {  	_ =	sdelay $0x3  }
0xba: {  	p2 =	sgt.s32 s26, $0x61940;
	s0 =	smov.u32 s26;
	s2 =	sshra.s32 s26, $0x1F  }
0xbb: {  	s0 =	simm.s32 @!p2 $0x61940;
	s2 =	sand.u32 s2, s26  }
0xbc: {  	s0 =	ssub.s32 s0, s2  }
0xbd: {  	s0 =	sadd.s32 $0xFFF9E6C0, s0  }
0xbe: {  	s3 =	simm.s32 $0x9;
	s29 =	sshll.u32 s0, $0x2  }
0xbf: {  	_ =	swait.ge [sflag:s3], $0x5000;
	s2 =	ssub.s32 $0x500, s29  }
0xc0: {  	[sflag:s3] =	ssyncset.done $0x0;
	p2 =	sgt.s32 s0, $0x13F;
	s0 =	sshrl.u32 s2, $0x2  }
0xc1: {  	s30 =	simm.s32 $0xB;
	[sflag:s3] =	ssyncadd.s32 $0xFFFFB000;
	s0 =	simm.s32 @p2 $0x0  }
0xc2: {  	_ =	swait.ge [sflag:s30], s0  }
0xc3: {  	s0 =	ssub.s32 $0x0, s0;
	[sflag:s30] =	ssyncset.done $0x0  }
0xc4: {  	[sflag:s30] =	ssyncadd.s32 s0  }
0xc5: {  	v1 =	vld [tilespmem:$0xA108];
	_ =	sdelay $0x4  }
0xc6: {  	(v2sf) =	vpush v1, $0x0  }
0xc7: {  	(v2sf) =	vpush v1, $0x1  }
0xc8: {  	(v2sf) =	vpush v1, $0x2;
	_ =	sdelay $0x3  }
0xc9: {  	s0 =	sadd.s32 $0x140, s26  }
0xca: {  	s4 =	ssub.s32 $0xC3500, s26;
	p2 =	slt.s32 s14, s0  }
0xcb: {  	s0 =	smov.u32 @p2 s14;
	p2 =	sgt.s32 s4, $0x0  }
0xcc: {  	s0 =	ssub.s32 s0, s26;
	s4 =	simm.s32 @!p2 $0x0  }
0xcd: {  	p2 =	slt.s32 s4, s0  }
0xce: {  	s0 =	smov.u32 @p2 s4  }
0xcf: {  	s2 =	simm.s32 $0x1;
	p2 =	slt.s32 s0, $0x1  }
.Ltmp6:
0xd0: {  	s2 =	simm.s32 @!p1 $0x0;
	(pc) =	sbr.rel @p2 .LBB2_12-.Ltmp6, $4  }
0xd1: {  	s7 =	smul.u32 $0x500, s2  }
0xd2: {  	s3 =	spop (v2sf)  }
0xd3: {  	s31 =	sshrl.u32 s7, $0x2;
	s5 =	spop (v2sf)  }
0xd4: {  	s28 =	sadd.s32 $0xAD08, s31;
	s26 =	spop (v2sf)  }
0xd5: {  	s4 =	smin.u32 s0, $0x10  }
0xd6: {  	v1 =	vmov s4  }
0xd7: {  	p3 =	sgt.s32 s0, $0x10;
	vm1 =	vgt.u32 v1, v0  }
.Ltmp7:
0xd8: {  	_ = 	snop;
	(pc) =	sbr.rel @!p3 .LBB2_11-.Ltmp7, $2  }
0xd9: {  	_ =	sdelay $0x2  }
0xda: {  	s9 =	simm.s32 $0x10;
	s10 =	sadd.s32 $0xFFFFFFF0, s0;
	s4 =	smov.u32 s28;
	vm0 =	vmmov vm1  }
.LBB2_10:
0xdb: {  	s7 =	smin.u32 s10, $0x10;
	s9 =	sadd.s32 $0x10, s9;
	v1 =	vld.msk [tilespmem:s4+$0x0 ss:$0x1], vm1  }
0xdc: {  	v2 =	vmov s7;
	p3 =	slt.s32 s9, s0  }
0xdd: {  	vm1 =	vgt.u32 v2, v0  }
.Ltmp8:
0xde: {  	(pc) =	sbr.rel @p3 .LBB2_10-.Ltmp8, $3  }
0xdf: {  	_ =	sdelay $0x1  }
0xe0: {  	v1 =	vshll.u32 v1, $0x4  }
0xe1: {  	s10 =	sadd.s32 $0xFFFFFFF0, s10;
	[tilespmem:s4+$0x0] =	vst.msk vm0, v1;
	s4 =	sadd.s32 $0x10, s4;
	vm0 =	vmmov vm1  }
.LBB2_11:
0xe2: {  	_ =	sdelay $0x4  }
0xe3: {  	v1 =	vld.msk [tilespmem:s4+$0x0 ss:$0x1], vm1;
	_ =	sdelay $0x4  }
0xe4: {  	v1 =	vshll.u32 v1, $0x4  }
0xe5: {  	[tilespmem:s4+$0x0] =	vst.msk vm0, v1  }
.LBB2_12:
0xe6: {  	s4 =	sand.u32 $0x1, s25  }
0xe7: {  	s4 =	smul.u32 $0x140, s4  }
0xe8: {  	p3 =	sne.s32 s5, $0xFFFFFFFF  }
0xe9: {  	v1 =	vld.msk @!p3 [tilespmem:s4+$0xAD08], $0x1;
	_ =	sdelay $0x4  }
0xea: {  	(v2sf) =	vpush @!p3 v1, $0x0;
	_ =	sdelay $0xc  }
.Ltmp9:
0xeb: {  	_ = 	snop;
	(pc) =	sbr.rel @p2 .LBB2_23-.Ltmp9, $4  }
0xec: {  	_ = 	snop  }
0xed: {  	s29 =	spop @!p3 (v2sf)  }
0xee: {  	s31 =	simm.s32 $0xC;
	s26 =	simm.s32 @!p3 $0x0;
	s4 =	smov.u32 s29  }
0xef: {  	[sflag:s31] =	ssyncpa.u1 $0x0;
	s29 =	smov.u32 @p3 s3;
	s4 =	smov.u32 @p3 s5  }
0xf0: {  	v1 =	vld.msk [tilespmem:s28+$0x0], $0x1;
	_ =	sdelay $0x4  }
0xf1: {  	(v2sf) =	vpush v1, $0x0;
	_ =	sdelay $0xe  }
0xf2: {  	s2 =	smul.u32 $0x28000, s2;
	s5 =	spop (v2sf)  }
0xf3: {  	s31 =	ssub.s32 $0x0, s0;
	p2 =	seq.s32 s29, s5  }
0xf4: {  	s3 =	smov.u32 s29;
	s2 =	sshrl.u32 s2, $0x2;
	p3 =	sgt.s32 @!p2 s29, $0x0  }
0xf5: {  	s30 =	sadd.s32 $0xAFA8, s2;
	s2 =	sadd.s32 $0x1, s31;
	p3 =	por !p3, p2  }
0xf6: {  	s3 =	simm.s32 @p3 $0x0;
	p3 =	seq.s32 s2, $0x0  }
.Ltmp10:
0xf7: {  	_ = 	snop;
	(pc) =	sbr.rel @p3 .LBB2_15-.Ltmp10, $4  }
0xf8: {  	_ = 	snop  }
0xf9: {  	s0 =	simm.s32 $0x0;
	s9 =	simm.s32 @!p2 $0x1;
	s3 =	smin.u32 @!p2 s3, $0xC34F8  }
0xfa: {  	s10 =	simm.s32 @!p2 $0x50C8;
	s9 =	smov.u32 @p2 s0;
	s7 =	sand.u32 @!p2 $0xFFFF8, s3  }
0xfb: {  	s16 =	sand.u32 @!p2 $0x7, s3;
	s3 =	sadd.s32 $0x1, s28;
	s11 =	sadd.s32 @!p2 s1, s7  }
.LBB2_14:
0xfc: {  	s7 =	smov.u32 s9  }
0xfd: {  	[tilespmem:s10], [sflag:$0x2] =	stream.linear.gather @!p2 [hbm4b:s11+s16], $0x40, $0x38;
	[tilespmem:$0x1EF88] =	vst v63  }
0xfe: {  	s2 =	sadd.s32 $0x1, s2;
	s8 =	smov.u32 s5;
	v1 =	vld.msk [tilespmem:s3+$0x0], $0x1  }
0xff: {  	p3 =	seq.s32 s2, $0x0;
	_ =	sdelay $0x3  }
0x100: {  	(v2sf) =	vpush v1, $0x0;
	_ =	sdelay $0xe  }
0x101: {  	s5 =	spop (v2sf)  }
0x102: {  	p2 =	seq.s32 s8, s5  }
0x103: {  	p4 =	sgt.s32 @!p2 s8, $0x0;
	s10 =	sshll.u32 @!p2 s9, $0x8;
	s9 =	sadd.s32 @!p2 $0x1, s9  }
.Ltmp11:
0x104: {  	p4 =	por !p4, p2;
	s10 =	sshra.s32 @!p2 s10, $0x2;
	(pc) =	sbr.rel @!p3 .LBB2_14-.Ltmp11, $4  }
0x105: {  	s9 =	smov.u32 @p2 s7;
	s8 =	simm.s32 @p4 $0x0;
	s10 =	sadd.s32 @!p2 $0x50C8, s10  }
0x106: {  	s7 =	smin.u32 @!p2 s8, $0xC34F8  }
0x107: {  	s8 =	sand.u32 @!p2 $0xFFFF8, s7;
	s16 =	sand.u32 @!p2 $0x7, s7  }
0x108: {  	s3 =	sadd.s32 $0x1, s3;
	s11 =	sadd.s32 @!p2 s1, s8  }
.LBB2_15:
0x109: {  	[tilespmem:s10], [sflag:$0x2] =	stream.linear.gather @!p2 [hbm4b:s11+s16], $0x40, $0x38;
	[tilespmem:$0x1EF88] =	vst v63  }
.Ltmp12:
0x10a: {  	s2 =	sshll.u32 s9, $0x6;
	(pc) =	sbr.rel .LBB2_16-.Ltmp12, $4  }
0x10b: {  	s3 =	simm.s32 $0x2;
	s2 =	sand.u32 $0x3FFFFFC0, s2  }
0x10c: {  	_ =	swait.ge [sflag:s3], s2  }
0x10d: {  	s2 =	ssub.s32 $0x0, s2;
	[sflag:s3] =	ssyncset.done $0x0  }
0x10e: {  	[sflag:s3] =	ssyncadd.s32 s2;
	s3 =	simm.s32 $0x0  }
.LBB2_17:
0x10f: {  	v1 =	vld [tilespmem:s30+$0xFFFFFFE0];
	_ =	sdelay $0x4  }
0x110: {  	[tilespmem:s5+$0x88] =	vst.add.f32.msk $0xffff, v1  }
0x111: {  	v1 =	vld [tilespmem:s30+$0xFFFFFFF0];
	_ =	sdelay $0x4  }
0x112: {  	[tilespmem:s5+$0x98] =	vst.add.f32.msk $0xffff, v1  }
0x113: {  	v1 =	vld [tilespmem:s30+$0x0];
	_ =	sdelay $0x4  }
0x114: {  	[tilespmem:s5+$0xA8] =	vst.add.f32.msk $0xffff, v1  }
0x115: {  	v1 =	vld [tilespmem:s30+$0x10];
	_ =	sdelay $0x4  }
0x116: {  	[tilespmem:s5+$0xB8] =	vst.add.f32.msk $0xffff, v1  }
.LBB2_21:
0x117: {  	s31 =	sadd.s32 $0x1, s31  }
0x118: {  	p2 =	seq.s32 s31, $0x0  }
.Ltmp13:
0x119: {  	_ = 	snop;
	(pc) =	sbr.rel @p2 .LBB2_22-.Ltmp13, $2  }
0x11a: {  	_ =	sdelay $0x2  }
0x11b: {  	s30 =	sadd.s32 $0x80, s30;
	s28 =	sadd.s32 $0x1, s28;
	s29 =	smov.u32 s2  }
.LBB2_16:
0x11c: {  	v1 =	vld.msk [tilespmem:s28+$0x0], $0x1;
	_ =	sdelay $0x4  }
0x11d: {  	(v2sf) =	vpush v1, $0x0;
	_ =	sdelay $0xe  }
0x11e: {  	s2 =	spop (v2sf)  }
0x11f: {  	p2 =	sne.s32 s29, s2  }
.Ltmp14:
0x120: {  	_ = 	snop;
	(pc) =	sbr.rel @!p2 .LBB2_17-.Ltmp14, $3  }
0x121: {  	_ =	sdelay $0x1  }
0x122: {  	s5 =	sshll.u32 s26, $0x8  }
0x123: {  	s5 =	sshra.s32 s5, $0x2  }
0x124: {  	p2 =	seq.s32 s29, s4  }
.Ltmp15:
0x125: {  	_ = 	snop;
	(pc) =	sbr.rel @!p2 .LBB2_19-.Ltmp15, $1  }
0x126: {  	_ =	sdelay $0x3  }
.Ltmp16:
0x127: {  	s5 =	sadd.s32 $0x88, s5;
	(pc) =	sbr.rel .LBB2_20-.Ltmp16, $4  }
0x128: {  	[spmem:s18] =	stream.linear.scatter [tilespmem:s5], [sflag:$0x1], $0x40, $0x38;
	[tilespmem:$0x1EF88] =	vst v63  }
0x129: {  	_ =	swait.ge [sflag:s13], $0x40  }
0x12a: {  	[sflag:s13] =	ssyncset.done $0x0  }
0x12b: {  	[sflag:s13] =	ssyncadd.s32 $0xFFFFFFC0  }
.LBB2_19:
0x12c: {  	s7 =	sshll.u32 s0, $0x8  }
0x12d: {  	s7 =	sshra.s32 s7, $0x2  }
0x12e: {  	v1 =	vld [tilespmem:s7+$0x50C8];
	_ =	sdelay $0x4  }
0x12f: {  	[tilespmem:s5+$0x88] =	vst.add.f32.msk $0xffff, v1  }
0x130: {  	v1 =	vld [tilespmem:s7+$0x50D8];
	_ =	sdelay $0x4  }
0x131: {  	[tilespmem:s5+$0x98] =	vst.add.f32.msk $0xffff, v1  }
0x132: {  	v1 =	vld [tilespmem:s7+$0x50E8];
	_ =	sdelay $0x4  }
0x133: {  	[tilespmem:s5+$0xA8] =	vst.add.f32.msk $0xffff, v1  }
0x134: {  	v1 =	vld [tilespmem:s7+$0x50F8];
	_ =	sdelay $0x2  }
0x135: {  	p2 =	sgt.u32 s29, $0xC34F8  }
0x136: {  	s7 =	sand.u32 @!p2 $0xFFFF8, s29  }
0x137: {  	s8 =	sadd.s32 $0x88, s5;
	[tilespmem:s5+$0xB8] =	vst.add.f32.msk $0xffff, v1;
	s5 =	sadd.s32 @!p2 s1, s7;
	s7 =	sand.u32 @!p2 $0x7, s29  }
0x138: {  	[hbm4b:s5+s7] =	stream.linear.scatter @!p2 [tilespmem:s8], [sflag:$0xC], $0x40, $0x38;
	[tilespmem:$0x1EF88] =	vst v63  }
0x139: {  	s5 =	simm.s32 $0x0  }
0x13a: {  	s5 =	simm.s32 @!p2 $0x100  }
0x13b: {  	s3 =	sadd.s32 s5, s3  }
.LBB2_20:
0x13c: {  	s5 =	sadd.s32 $0x1, s26  }
0x13d: {  	s7 =	smulhi.u32 $0xCCCCCCCD, s5;
	_ =	sdelay $0x1  }
0x13e: {  	v1 =	vld [tilespmem:s30+$0xFFFFFFE0];
	s7 =	sshrl.u32 s7, $0x8  }
0x13f: {  	s7 =	smul.u32 $0x140, s7;
	_ =	sdelay $0x1  }
0x140: {  	s26 =	ssub.s32 s5, s7  }
0x141: {  	s5 =	sshll.u32 s26, $0x6  }
0x142: {  	[tilespmem:s5+$0x88] =	vst v1  }
0x143: {  	v1 =	vld [tilespmem:s30+$0xFFFFFFF0];
	_ =	sdelay $0x4  }
0x144: {  	[tilespmem:s5+$0x98] =	vst v1  }
0x145: {  	v1 =	vld [tilespmem:s30+$0x0];
	_ =	sdelay $0x4  }
0x146: {  	[tilespmem:s5+$0xA8] =	vst v1  }
0x147: {  	v1 =	vld [tilespmem:s30+$0x10]  }
.Ltmp17:
0x148: {  	_ = 	snop;
	(pc) =	sbr.rel .LBB2_21-.Ltmp17, $2  }
0x149: {  	_ =	sdelay $0x2  }
0x14a: {  	s0 =	sadd.s32 $0x1, s0;
	[tilespmem:s5+$0xB8] =	vst v1  }
.LBB2_23:
.Ltmp18:
0x14b: {  	(pc) =	sbr.rel .LBB2_24-.Ltmp18, $4  }
0x14c: {  	_ = 	snop  }
0x14d: {  	s0 =	simm.s32 $0x2  }
0x14e: {  	_ =	swait.ge [sflag:s0], $0x0  }
0x14f: {  	s2 =	smov.u32 s29;
	[sflag:s0] =	ssyncset.done $0x0;
	s0 =	simm.s32 $0x0  }
.LBB2_26:
0x150: {  	_ =	sfence.sel $0x180000  }
0x151: {  	s0 =	simm.s32 $0x9;
	[bflag:$0x0] =	sbarrier.arrive $0xFFFF  }
0x152: {  	s24 =	simm.s32 $0xA;
	[sflag:s0] =	ssyncpa.u1 $0x1  }
0x153: {  	s25 =	simm.s32 $0xB;
	[sflag:s24] =	ssyncpa.u1 $0x1  }
0x154: {  	s26 =	simm.s32 $0x2;
	[sflag:s25] =	ssyncpa.u1 $0x1  }
0x155: {  	[sflag:s26] =	ssyncpa.u1 $0x1  }
0x156: {  	v0 =	vld [tilespmem:$0xA108];
	_ =	sdelay $0x4  }
0x157: {  	(v2sf) =	vpush v0, $0x0  }
0x158: {  	(v2sf) =	vpush v0, $0x1;
	_ =	sdelay $0x1  }
0x159: {  	(v2sf) =	vpush v0, $0x2;
	_ =	sdelay $0xb  }
0x15a: {  	s0 =	spop (v2sf)  }
0x15b: {  	s2 =	spop (v2sf)  }
0x15c: {  	s3 =	smov.u32 s0;
	p0 =	sne.s32 s0, s2  }
0x15d: {  	s4 =	spop (v2sf);
	s3 =	simm.s32 @!p0 $0xFFFFFFFF  }
0x15e: {  	v2 =	vimm.s32 $0x1;
	v3 =	vlaneseq.u32;
	p0 =	seq.s32 s4, $0xFFFFFFFF;
	v1 =	vmov s3  }
0x15f: {  	s14 =	stileid.u32;
	v0 =	vperm.xlane v0, v2;
	p1 =	sne.s32 @!p0 s0, s2;
	v1 =	vperm.xlane v1, v3  }
0x160: {  	vm0 =	vcmask $0x3F04;
	s6 =	simm.s32 $0xA108;
	s0 =	simm.s32 @!p0 $0x1;
	p1 =	por !p1, p0  }
0x161: {  	s3 =	sshll.u32 s14, $0x1;
	s2 =	sshll.u32 @!p0 s4, $0x8;
	s0 =	simm.s32 @p1 $0x0;
	v0 =	vsel vm0, v1, v0  }
0x162: {  	s5 =	sor.u32 $0x800, s3;
	s2 =	sshra.s32 @!p0 s2, $0x2;
	s0 =	sor.u32 @!p0 s0, s3;
	[tilespmem:$0xA108] =	vst v0  }
0x163: {  	[spmem:s5] =	stream.linear.scatter [tilespmem:s6], [sflag:$0x1], $0x2, $0x38;
	[tilespmem:$0x1EF88] =	vst v63  }
0x164: {  	s2 =	sadd.s32 @!p0 $0x88, s2;
	s0 =	sshll.u32 @!p0 s0, $0x6  }
0x165: {  	[spmem:s0] =	stream.linear.scatter @!p0 [tilespmem:s2], [sflag:$0x1], $0x40, $0x38;
	[tilespmem:$0x1EF88] =	vst v63  }
0x166: {  	s0 =	simm.s32 @!p0 $0x42  }
0x167: {  	s28 =	simm.s32 $0x1;
	s0 =	simm.s32 @p0 $0x2  }
0x168: {  	_ =	swait.ge [sflag:s28], s0  }
0x169: {  	s0 =	ssub.s32 $0x0, s0;
	[sflag:s28] =	ssyncset.done $0x0  }
0x16a: {  	p0 =	sne.s32 s14, $0x0;
	[sflag:s28] =	ssyncadd.s32 s0  }
.Ltmp19:
0x16b: {  	_ =	sfence.stream.spmem;
	(pc) =	sbr.rel @p0 .LBB2_43-.Ltmp19, $4  }
0x16c: {  	s29 =	simm.s32 $0x3;
	[bflag:$0x0] =	sbarrier.arrive $0xFFFF  }
0x16d: {  	s30 =	simm.s32 $0x4;
	[sflag:s29] =	ssyncpa.u1 $0x1  }
0x16e: {  	s31 =	simm.s32 $0x3C;
	[sflag:s30] =	ssyncpa.u1 $0x1  }
0x16f: {  	s13 =	rddreg [dreg:$0x4];
	[sflag:s31] =	ssyncpa.u1 $0x1  }
0x170: {  	_ =	sfence.stream.spmem;
	s0 =	simm.s32 $0x5  }
0x171: {  	s2 =	simm.s32 $0x800;
	s3 =	simm.s32 $0xA118;
	[sflag:s0] =	ssyncpa.u1 $0x0  }
0x172: {  	[tilespmem:s3], [sflag:$0x5] =	stream.linear.gather [spmem:s2], $0x20, $0x38;
	[tilespmem:$0x1EF88] =	vst v63  }
0x173: {  	s26 =	simm.s32 $0x0;
	s28 =	simm.s32 $0xA138  }
0x174: {  	[tilespmem:s28], [sflag:$0x5] =	stream.linear.gather [spmem:s26], $0x800, $0x38;
	[tilespmem:$0x1EF88] =	vst v63  }
0x175: {  	_ =	swait.ge [sflag:s0], $0x820  }
0x176: {  	[sflag:s0] =	ssyncset.done $0x0  }
0x177: {  	s29 =	simm.s32 $0x0;
	[sflag:s0] =	ssyncadd.s32 $0xFFFFF7E0  }
0x178: {  	v0 =	vld.msk [tilespmem:s29+$0xA118], $0x1;
	_ =	sdelay $0x1  }
0x179: {  	s30 =	simm.s32 $0x1  }
0x17a: {  	v1 =	vld.msk [tilespmem:s30+$0xA118], $0x1;
	_ =	sdelay $0x1  }
0x17b: {  	(v2sf) =	vpush v0, $0x0;
	_ =	sdelay $0x2  }
0x17c: {  	(v2sf) =	vpush v1, $0x0;
	_ =	sdelay $0x2  }
0x17d: {  	s31 =	simm.s32 $0x2  }
0x17e: {  	v0 =	vld.msk [tilespmem:s31+$0xA118], $0x1;
	_ =	sdelay $0x2  }
0x17f: {  	s2 =	simm.s32 $0xFFFFFFFF;
	s3 =	simm.s32 $0xFFFFFFFF;
	s0 =	simm.s32 $0xC  }
.LBB2_28:
0x180: {  	s4 =	smov.u32 s3;
	s5 =	smov.u32 s2  }
0x181: {  	s2 =	sshra.s32 s0, $0x2;
	p1 =	sne.s32 s0, $0x7C;
	s0 =	sadd.s32 $0x4, s0;
	(v2sf) =	vpush v0, $0x0  }
0x182: {  	v0 =	vld.msk [tilespmem:s2+$0xA118], $0x1  }
.Ltmp20:
0x183: {  	(pc) =	sbr.rel @p1 .LBB2_28-.Ltmp20, $4  }
0x184: {  	s3 =	spop (v2sf)  }
0x185: {  	p2 =	sne.s32 s5, $0xFFFFFFFF;
	s2 =	smov.u32 s3  }
0x186: {  	p3 =	seq.s32 s3, $0xFFFFFFFF;
	s2 =	smov.u32 @p2 s5  }
0x187: {  	s3 =	smov.u32 @p3 s4;
	s2 =	smov.u32 @p3 s5  }
0x188: {  	(v2sf) =	vpush v0, $0x0;
	_ =	sdelay $0x8  }
0x189: {  	s0 =	spop (v2sf)  }
0x18a: {  	p1 =	sne.s32 s2, $0xFFFFFFFF;
	s4 =	smov.u32 s0  }
0x18b: {  	s6 =	simm.s32 $0x0;
	p2 =	seq.s32 s0, $0xFFFFFFFF;
	s4 =	smov.u32 @p1 s2  }
0x18c: {  	s9 =	simm.s32 $0xA0C8;
	s4 =	smov.u32 @p2 s2;
	s2 =	spop (v2sf)  }
0x18d: {  	s0 =	smov.u32 @p2 s3;
	p1 =	sne.s32 s4, $0xFFFFFFFF;
	s5 =	smov.u32 s2  }
.Ltmp21:
0x18e: {  	p2 =	seq.s32 s2, $0xFFFFFFFF;
	s5 =	smov.u32 @p1 s4;
	(pc) =	sbr.rel .LBB2_30-.Ltmp21, $4  }
0x18f: {  	s10 =	simm.s32 $0x0;
	s5 =	smov.u32 @p2 s4;
	s7 =	spop (v2sf)  }
0x190: {  	s2 =	smov.u32 @p2 s0;
	p1 =	sne.s32 s5, $0xFFFFFFFF;
	s8 =	smov.u32 s7  }
0x191: {  	s0 =	simm.s32 $0x6;
	p2 =	seq.s32 s7, $0xFFFFFFFF;
	s8 =	smov.u32 @p1 s5  }
0x192: {  	[sflag:s0] =	ssyncpa.u1 $0x0;
	s7 =	smov.u32 @p2 s2;
	s8 =	smov.u32 @p2 s5  }
.LBB2_36:
0x193: {  	p1 =	sgt.u32 s2, $0xC34F8  }
0x194: {  	p2 =	seq.s32 @!p1 s2, s8  }
0x195: {  	p1 =	por p1, p2  }
0x196: {  	p2 =	sne.s32 @!p1 s2, s7  }
0x197: {  	p1 =	por p1, !p2  }
0x198: {  	s2 =	sshll.u32 @p1 s10, $0x8  }
0x199: {  	s3 =	sand.u32 @!p1 $0xFFFF8, s2  }
0x19a: {  	s2 =	sand.u32 @!p1 $0x7, s2;
	s3 =	sadd.s32 @!p1 s1, s3  }
0x19b: {  	[tilespmem:s9], [sflag:$0x6] =	stream.linear.gather @!p1 [hbm4b:s3+s2], $0x40, $0x38;
	[tilespmem:$0x1EF88] =	vst v63  }
0x19c: {  	_ =	swait.ge @!p1 [sflag:s0], $0x40  }
0x19d: {  	[sflag:s0] =	ssyncset.done @!p1 $0x0  }
0x19e: {  	[sflag:s0] =	ssyncadd.s32 @!p1 $0xFFFFFFC0  }
0x19f: {  	v1 =	vld @!p1 [tilespmem:$0xA0C8];
	_ =	sdelay $0x2  }
0x1a0: {  	s2 =	sshll.u32 @!p1 s10, $0x8  }
0x1a1: {  	s3 =	sshrl.u32 @!p1 s2, $0x2  }
0x1a2: {  	[tilespmem:s3+$0xA138] =	vst.add.f32.msk @!p1 $0xffff, v1  }
0x1a3: {  	v1 =	vld @!p1 [tilespmem:$0xA0D8];
	_ =	sdelay $0x4  }
0x1a4: {  	[tilespmem:s3+$0xA148] =	vst.add.f32.msk @!p1 $0xffff, v1  }
0x1a5: {  	v1 =	vld @!p1 [tilespmem:$0xA0E8];
	_ =	sdelay $0x4  }
0x1a6: {  	[tilespmem:s3+$0xA158] =	vst.add.f32.msk @!p1 $0xffff, v1  }
0x1a7: {  	v1 =	vld @!p1 [tilespmem:$0xA0F8];
	_ =	sdelay $0x4  }
0x1a8: {  	[tilespmem:s3+$0xA168] =	vst.add.f32.msk @!p1 $0xffff, v1  }
0x1a9: {  	s2 =	sshrl.u32 s2, $0x2;
	[tilespmem:s6+$0xA118] =	vst.msk $0x1, v0  }
0x1aa: {  	v0 =	vld [tilespmem:s2+$0xA138];
	_ =	sdelay $0x2  }
0x1ab: {  	s31 =	sshll.u32 s6, $0x8  }
0x1ac: {  	s3 =	sshra.s32 s31, $0x2  }
0x1ad: {  	[tilespmem:s3+$0xA138] =	vst v0  }
0x1ae: {  	v0 =	vld [tilespmem:s2+$0xA148];
	_ =	sdelay $0x4  }
0x1af: {  	[tilespmem:s3+$0xA148] =	vst v0  }
0x1b0: {  	v0 =	vld [tilespmem:s2+$0xA158];
	_ =	sdelay $0x4  }
0x1b1: {  	[tilespmem:s3+$0xA158] =	vst v0  }
0x1b2: {  	v0 =	vld [tilespmem:s2+$0xA168];
	_ =	sdelay $0x4  }
0x1b3: {  	s6 =	sadd.s32 $0x1, s6;
	[tilespmem:s3+$0xA168] =	vst v0  }
.LBB2_37:
0x1b4: {  	s10 =	sadd.s32 $0x1, s10  }
0x1b5: {  	p1 =	sne.s32 s10, $0x20  }
.Ltmp22:
0x1b6: {  	_ = 	snop;
	(pc) =	sbr.rel @!p1 .LBB2_38-.Ltmp22, $1  }
0x1b7: {  	_ =	sdelay $0x3  }
.LBB2_30:
0x1b8: {  	v0 =	vld.msk [tilespmem:s10+$0xA118], $0x1;
	_ =	sdelay $0x4  }
0x1b9: {  	(v2sf) =	vpush v0, $0x0;
	_ =	sdelay $0xe  }
0x1ba: {  	s2 =	spop (v2sf)  }
0x1bb: {  	p1 =	seq.s32 s2, $0xFFFFFFFF  }
.Ltmp23:
0x1bc: {  	_ = 	snop;
	(pc) =	sbr.rel @p1 .LBB2_37-.Ltmp23, $1  }
0x1bd: {  	_ =	sdelay $0x3  }
0x1be: {  	p1 =	slt.s32 s6, $0x1  }
.Ltmp24:
0x1bf: {  	_ = 	snop;
	(pc) =	sbr.rel @p1 .LBB2_36-.Ltmp24, $1  }
0x1c0: {  	_ =	sdelay $0x3  }
0x1c1: {  	s3 =	simm.s32 $0xA118;
	p1 =	por $0x0, $0x0  }
0x1c2: {  	v1 =	vld.msk @!p1 [tilespmem:s3+$0x0], $0x1;
	_ =	sdelay $0x4  }
0x1c3: {  	(v2sf) =	vpush @!p1 v1, $0x0;
	_ =	sdelay $0xd  }
0x1c4: {  	p3 =	sne.s32 s6, $0x1  }
.Ltmp25:
0x1c5: {  	s4 =	spop @!p1 (v2sf);
	(pc) =	sbr.rel @!p3 .LBB2_34-.Ltmp25, $4  }
0x1c6: {  	p2 =	seq.s32 @!p1 s2, s4  }
0x1c7: {  	s4 =	simm.s32 $0x0;
	p2 =	por !p2, p1  }
0x1c8: {  	s11 =	simm.s32 $0xFFFFFFFF;
	s4 =	simm.s32 @p2 $0xFFFFFFFF  }
0x1c9: {  	s5 =	simm.s32 $0x1;
	s4 =	smov.u32 @p1 s11  }
.LBB2_33:
0x1ca: {  	s11 =	smov.u32 s4;
	p1 =	sne.s32 s4, $0xFFFFFFFF  }
0x1cb: {  	s3 =	sadd.s32 $0x1, s3;
	s4 =	smov.u32 s5;
	s5 =	sadd.s32 $0x1, s5  }
0x1cc: {  	p2 =	sne.s32 s6, s5;
	v1 =	vld.msk @!p1 [tilespmem:s3+$0x0], $0x1;
	_ =	sdelay $0x4  }
0x1cd: {  	(v2sf) =	vpush @!p1 v1, $0x0;
	_ =	sdelay $0xe  }
.Ltmp26:
0x1ce: {  	s12 =	spop @!p1 (v2sf);
	(pc) =	sbr.rel @p2 .LBB2_33-.Ltmp26, $4  }
0x1cf: {  	p3 =	seq.s32 @!p1 s2, s12  }
0x1d0: {  	p3 =	por !p3, p1  }
0x1d1: {  	s4 =	simm.s32 @p3 $0xFFFFFFFF  }
0x1d2: {  	s4 =	smov.u32 @p1 s11  }
.LBB2_34:
0x1d3: {  	p1 =	seq.s32 s4, $0xFFFFFFFF  }
.Ltmp27:
0x1d4: {  	_ = 	snop;
	(pc) =	sbr.rel @p1 .LBB2_36-.Ltmp27, $1  }
0x1d5: {  	_ =	sdelay $0x3  }
0x1d6: {  	s2 =	sshll.u32 s10, $0x6  }
0x1d7: {  	s2 =	sand.u32 $0x3FFFFFC0, s2  }
0x1d8: {  	v0 =	vld [tilespmem:s2+$0xA138];
	_ =	sdelay $0x2  }
0x1d9: {  	s3 =	sshll.u32 s4, $0x8  }
0x1da: {  	s3 =	sshra.s32 s3, $0x2  }
0x1db: {  	[tilespmem:s3+$0xA138] =	vst.add.f32.msk $0xffff, v0  }
0x1dc: {  	v0 =	vld [tilespmem:s2+$0xA148];
	_ =	sdelay $0x4  }
0x1dd: {  	[tilespmem:s3+$0xA148] =	vst.add.f32.msk $0xffff, v0  }
0x1de: {  	v0 =	vld [tilespmem:s2+$0xA158];
	_ =	sdelay $0x4  }
0x1df: {  	[tilespmem:s3+$0xA158] =	vst.add.f32.msk $0xffff, v0  }
0x1e0: {  	v0 =	vld [tilespmem:s2+$0xA168]  }
.Ltmp28:
0x1e1: {  	_ = 	snop;
	(pc) =	sbr.rel .LBB2_37-.Ltmp28, $2  }
0x1e2: {  	_ =	sdelay $0x2  }
0x1e3: {  	[tilespmem:s3+$0xA168] =	vst.add.f32.msk $0xffff, v0  }
.LBB2_38:
0x1e4: {  	s0 =	simm.s32 $0x6;
	p1 =	seq.s32 s6, $0x0  }
0x1e5: {  	[sflag:s0] =	ssyncpa.u1 $0x1;
	v0 =	vimm.s32 @p1 $0xFFFFFFFF  }
0x1e6: {  	s0 =	sadd.s32 $0xFFFFFFFF, s6;
	[tilespmem:$0xA938] =	vst @p1 v0  }
0x1e7: {  	v0 =	vld.msk @!p1 [tilespmem:s0+$0xA118], $0x1;
	_ =	sdelay $0x1  }
0x1e8: {  	v1 =	vld.msk @!p1 [tilespmem:$0xA118], $0x1;
	_ =	sdelay $0x2  }
0x1e9: {  	p2 =	seq.s32 @!p1 s0, $0x0;
	v0 =	vbroadcast @!p1 v0, $0x0  }
0x1ea: {  	vm0 =	vmmov @!p1 $0x1;
	p2 =	por !p2, p1  }
0x1eb: {  	v1 =	vnsel @!p1 vm0, $0xFFFFFFFF, v1;
	vm0 =	vcmask @!p1 $0x308;
	v0 =	vpsel !p2, $0xFFFFFFFF, v0  }
0x1ec: {  	p2 =	sne.s32 @!p1 s8, s7;
	v0 =	vsel @!p1 vm0, v1, v0  }
0x1ed: {  	s2 =	simm.s32 @!p1 $0xA138;
	s3 =	simm.s32 @!p1 $0x0;
	p3 =	por !p2, p1;
	[tilespmem:$0xA938] =	vst @!p1 v0  }
0x1ee: {  	[spmem:s3] =	stream.linear.scatter @!p1 [tilespmem:s2], [sflag:$0x1], $0x40, $0x38;
	[tilespmem:$0x1EF88] =	vst v63  }
0x1ef: {  	s2 =	sshll.u32 @!p3 s0, $0x8  }
0x1f0: {  	s2 =	sshra.s32 @!p3 s2, $0x2  }
0x1f1: {  	s3 =	simm.s32 @!p3 $0x40;
	s2 =	sadd.s32 @!p3 $0xA138, s2  }
0x1f2: {  	[spmem:s3] =	stream.linear.scatter @!p3 [tilespmem:s2], [sflag:$0x1], $0x40, $0x38;
	[tilespmem:$0x1EF88] =	vst v63  }
0x1f3: {  	s2 =	simm.s32 @!p3 $0x1  }
0x1f4: {  	_ =	swait.ge @!p3 [sflag:s2], $0x80  }
0x1f5: {  	p1 =	por p2, p1;
	[sflag:s2] =	ssyncset.done @!p3 $0x0  }
0x1f6: {  	[sflag:s2] =	ssyncadd.s32 @!p3 $0xFFFFFF80;
	s2 =	simm.s32 @!p1 $0x1  }
0x1f7: {  	_ =	swait.ge @!p1 [sflag:s2], $0x40  }
0x1f8: {  	s29 =	simm.s32 $0xA938;
	[sflag:s2] =	ssyncset.done @!p1 $0x0  }
0x1f9: {  	s30 =	simm.s32 $0x800;
	s31 =	simm.s32 $0x1;
	[sflag:s2] =	ssyncadd.s32 @!p1 $0xFFFFFFC0  }
0x1fa: {  	[spmem:s30] =	stream.linear.scatter [tilespmem:s29], [sflag:$0x1], $0x10, $0x38;
	[tilespmem:$0x1EF88] =	vst v63  }
0x1fb: {  	_ =	swait.ge [sflag:s31], $0x10  }
0x1fc: {  	[sflag:s31] =	ssyncset.done $0x0  }
0x1fd: {  	p1 =	seq.s32 s13, $0x0;
	s9 =	rddreg [dreg:$0x1];
	[sflag:s31] =	ssyncadd.s32 $0xFFFFFFF0  }
0x1fe: {  	s3 =	sshll.u32 @p1 s9, $0xE;
	s8 =	rddreg [dreg:$0x2]  }
0x1ff: {  	s2 =	sadd.s32 @p1 $0x15C3C, s3;
	s3 =	sshll.u32 @p1 s8, $0x11  }
0x200: {  	_ =	sfence.stream.spmem;
	s2 =	sor.u32 @p1 s3, s2  }
0x201: {  	[sflag:s2] =	ssyncadd.remote.s32 @p1 $0x1;
	s2 =	simm.s32 @p1 $0x4  }
0x202: {  	s4 =	simm.s32 @!p1 $0x3C;
	s3 =	sand.u32 $0xFFFFFFFE, s9;
	_ =	swait.ge @p1 [sflag:s2], $0x12  }
0x203: {  	s5 =	simm.s32 @!p1 $0x0;
	s3 =	sadd.s32 @!p1 $0x4, s3;
	[sflag:s2] =	ssyncset.done @p1 $0x0  }
0x204: {  	s7 =	simm.s32 @!p1 $0x80;
	[sflag:s2] =	ssyncadd.s32 @p1 $0xFFFFFFEE;
	s2 =	sshll.u32 @!p1 s3, $0x1A  }
0x205: {  	s3 =	sshll.u32 @!p1 s3, $0xD;
	s2 =	sor.u32 @!p1 s2, s8;
	_ =	swait.eq @!p1 [sflag:s4], $0x1  }
0x206: {  	s3 =	sor.u32 @!p1 $0x1C04, s3;
	s4 =	simm.s32 @!p1 $0x1C03;
	s2 =	sor.u32 @!p1 $0x80004000, s2  }
0x207: {  	[spmem:s7], [sflag:s3] =	dma.general @!p1 [spmem:s5], [sflag:s4], length:$0x10, [dreg:$0x0], stride_count:$0x0, ici_dest:s2, dma_misc:DstOpCode:WRITE  }
0x208: {  	p2 =	slt.s32 s0, $0x2;
	s5 =	simm.s32 @!p1 $0x100;
	s7 =	simm.s32 @!p1 $0x102  }
0x209: {  	[spmem:s7], [sflag:s3] =	dma.general @!p1 [spmem:s5], [sflag:s4], length:$0x2, [dreg:$0x0], stride_count:$0x0, ici_dest:s2, dma_misc:DstOpCode:WRITE  }
.Ltmp29:
0x20a: {  	s2 =	simm.s32 @!p1 $0x3;
	(pc) =	sbr.rel @p2 .LBB2_42-.Ltmp29, $4  }
0x20b: {  	s3 =	sshll.u32 @!p1 s9, $0xE;
	_ =	swait.ge @!p1 [sflag:s2], $0x12  }
0x20c: {  	s4 =	sshll.u32 @!p1 s8, $0x11;
	s3 =	sadd.s32 @!p1 $0x11C3C, s3;
	[sflag:s2] =	ssyncset.done @!p1 $0x0  }
0x20d: {  	[sflag:s2] =	ssyncadd.s32 @!p1 $0xFFFFFFEE;
	s2 =	sor.u32 @!p1 s4, s3  }
0x20e: {  	s0 =	simm.s32 $0x0;
	[sflag:s2] =	ssyncadd.remote.s32 @!p1 $0xFFFFFFFF  }
0x20f: {  	s0 =	simm.s32 $0xA119  }
0x210: {  	v0 =	vld.msk [tilespmem:s0+$0x0], $0x1;
	_ =	sdelay $0x4  }
0x211: {  	(v2sf) =	vpush v0, $0x0;
	_ =	sdelay $0xc  }
0x212: {  	s2 =	sadd.s32 $0xFFFFFFFE, s6  }
0x213: {  	s2 =	sadd.s32 $0xFFFFFFFF, s2  }
0x214: {  	p2 =	sne.s32 s2, $0x0;
	s3 =	spop (v2sf)  }
.Ltmp30:
0x215: {  	p1 =	sgt.u32 s3, $0xC34F8;
	(pc) =	sbr.rel @!p2 .LBB2_41-.Ltmp30, $4  }
0x216: {  	s5 =	simm.s32 $0x0;
	s4 =	sand.u32 @!p1 $0xFFFF8, s3  }
0x217: {  	s0 =	simm.s32 $0xA178;
	s3 =	sand.u32 @!p1 $0x7, s3;
	s4 =	sadd.s32 @!p1 s1, s4  }
0x218: {  	[hbm4b:s4+s3] =	stream.linear.scatter @!p1 [tilespmem:s0], [sflag:$0x5], $0x40, $0x38;
	[tilespmem:$0x1EF88] =	vst v63  }
0x219: {  	s5 =	simm.s32 @!p1 $0x100;
	s3 =	simm.s32 $0x0;
	s4 =	simm.s32 $0xA11A  }
.LBB2_40:
0x21a: {  	v0 =	vld.msk [tilespmem:s4+$0x0], $0x1;
	s2 =	sadd.s32 $0xFFFFFFFF, s2;
	s3 =	sadd.s32 s3, s5  }
0x21b: {  	p1 =	sne.s32 s2, $0x0;
	_ =	sdelay $0x3  }
0x21c: {  	(v2sf) =	vpush v0, $0x0;
	_ =	sdelay $0xe  }
.Ltmp31:
0x21d: {  	s6 =	spop (v2sf);
	(pc) =	sbr.rel @p1 .LBB2_40-.Ltmp31, $4  }
0x21e: {  	s5 =	simm.s32 $0x0;
	p2 =	sgt.u32 s6, $0xC34F8  }
0x21f: {  	s0 =	sadd.s32 $0x40, s0;
	s5 =	simm.s32 @!p2 $0x100;
	s7 =	sand.u32 @!p2 $0xFFFF8, s6  }
0x220: {  	s4 =	sadd.s32 $0x1, s4;
	s6 =	sand.u32 @!p2 $0x7, s6;
	s7 =	sadd.s32 @!p2 s1, s7  }
0x221: {  	[hbm4b:s7+s6] =	stream.linear.scatter @!p2 [tilespmem:s0], [sflag:$0x5], $0x40, $0x38;
	[tilespmem:$0x1EF88] =	vst v63  }
.LBB2_41:
0x222: {  	s0 =	sadd.s32 s3, s5  }
0x223: {  	s0 =	sshrl.u32 s0, $0x2  }
.LBB2_42:
0x224: {  	s2 =	simm.s32 $0x5  }
0x225: {  	_ =	swait.ge [sflag:s2], s0  }
0x226: {  	s31 =	ssub.s32 $0x0, s0;
	[sflag:s2] =	ssyncset.done $0x0  }
0x227: {  	[sflag:s2] =	ssyncadd.s32 s31  }
0x228: {  	[sflag:s2] =	ssyncpa.u1 $0x1  }
.LBB2_43:
0x229: {  	s0 =	sor.u32 s13, s14  }
0x22a: {  	p1 =	sne.s32 s0, $0x0  }
.Ltmp32:
0x22b: {  	_ = 	snop;
	(pc) =	sbr.rel @p1 .LBB2_58-.Ltmp32, $3  }
0x22c: {  	_ =	sdelay $0x1  }
0x22d: {  	[bflag:$0x0] =	sbarrier.arrive $0xFFFF  }
0x22e: {  	_ =	sfence  }
0x22f: {  	s2 =	simm.s32 $0x7  }
0x230: {  	s0 =	simm.s32 $0x800;
	s3 =	simm.s32 $0xA118;
	[sflag:s2] =	ssyncpa.u1 $0x0  }
0x231: {  	[tilespmem:s3], [sflag:$0x7] =	stream.linear.gather [spmem:s0], $0x20, $0x38;
	[tilespmem:$0x1EF88] =	vst v63  }
0x232: {  	s30 =	simm.s32 $0xA138;
	s0 =	simm.s32 $0x0  }
0x233: {  	[tilespmem:s30], [sflag:$0x7] =	stream.linear.gather [spmem:s0], $0x800, $0x38;
	[tilespmem:$0x1EF88] =	vst v63  }
.Ltmp33:
0x234: {  	_ = 	snop;
	(pc) =	sbr.rel .LBB2_45-.Ltmp33, $4  }
0x235: {  	_ =	swait.ge [sflag:s2], $0x820  }
0x236: {  	[sflag:s2] =	ssyncset.done $0x0  }
0x237: {  	s31 =	simm.s32 $0x8;
	[sflag:s2] =	ssyncadd.s32 $0xFFFFF7E0  }
0x238: {  	s2 =	simm.s32 $0x0;
	[sflag:s31] =	ssyncpa.u1 $0x0  }
.LBB2_51:
0x239: {  	p1 =	slt.u32 s3, $0xC34F9  }
0x23a: {  	s4 =	sand.u32 @p1 $0xFFFF8, s3  }
0x23b: {  	s3 =	sand.u32 @p1 $0x7, s3;
	s5 =	simm.s32 @p1 $0xA0C8;
	s4 =	sadd.s32 @p1 s1, s4  }
0x23c: {  	[tilespmem:s5], [sflag:$0x8] =	stream.linear.gather @p1 [hbm4b:s4+s3], $0x40, $0x38;
	[tilespmem:$0x1EF88] =	vst v63  }
0x23d: {  	s3 =	simm.s32 @p1 $0x8  }
0x23e: {  	_ =	swait.ge @p1 [sflag:s3], $0x40  }
0x23f: {  	[sflag:s3] =	ssyncset.done @p1 $0x0  }
0x240: {  	[sflag:s3] =	ssyncadd.s32 @p1 $0xFFFFFFC0  }
0x241: {  	v1 =	vld @p1 [tilespmem:$0xA0C8];
	_ =	sdelay $0x2  }
0x242: {  	s3 =	sshll.u32 @p1 s2, $0x8  }
0x243: {  	s4 =	sshrl.u32 @p1 s3, $0x2  }
0x244: {  	[tilespmem:s4+$0xA138] =	vst.add.f32.msk @p1 $0xffff, v1  }
0x245: {  	v1 =	vld @p1 [tilespmem:$0xA0D8];
	_ =	sdelay $0x4  }
0x246: {  	[tilespmem:s4+$0xA148] =	vst.add.f32.msk @p1 $0xffff, v1  }
0x247: {  	v1 =	vld @p1 [tilespmem:$0xA0E8];
	_ =	sdelay $0x4  }
0x248: {  	[tilespmem:s4+$0xA158] =	vst.add.f32.msk @p1 $0xffff, v1  }
0x249: {  	v1 =	vld @p1 [tilespmem:$0xA0F8];
	_ =	sdelay $0x3  }
0x24a: {  	s5 =	sshll.u32 @!p1 s2, $0x8  }
0x24b: {  	s5 =	smov.u32 @p1 s3;
	[tilespmem:s4+$0xA168] =	vst.add.f32.msk @p1 $0xffff, v1  }
0x24c: {  	s3 =	sshrl.u32 s5, $0x2;
	[tilespmem:s0+$0xA118] =	vst.msk $0x1, v0  }
0x24d: {  	v0 =	vld [tilespmem:s3+$0xA138];
	_ =	sdelay $0x2  }
0x24e: {  	s31 =	sshll.u32 s0, $0x8  }
0x24f: {  	s4 =	sshra.s32 s31, $0x2  }
0x250: {  	[tilespmem:s4+$0xA138] =	vst v0  }
0x251: {  	v0 =	vld [tilespmem:s3+$0xA148];
	_ =	sdelay $0x4  }
0x252: {  	[tilespmem:s4+$0xA148] =	vst v0  }
0x253: {  	v0 =	vld [tilespmem:s3+$0xA158];
	_ =	sdelay $0x4  }
0x254: {  	[tilespmem:s4+$0xA158] =	vst v0  }
0x255: {  	v0 =	vld [tilespmem:s3+$0xA168];
	_ =	sdelay $0x4  }
0x256: {  	s0 =	sadd.s32 $0x1, s0;
	[tilespmem:s4+$0xA168] =	vst v0  }
.LBB2_52:
0x257: {  	s2 =	sadd.s32 $0x1, s2  }
0x258: {  	p1 =	sne.s32 s2, $0x20  }
.Ltmp34:
0x259: {  	_ = 	snop;
	(pc) =	sbr.rel @!p1 .LBB2_53-.Ltmp34, $1  }
0x25a: {  	_ =	sdelay $0x3  }
.LBB2_45:
0x25b: {  	v0 =	vld.msk [tilespmem:s2+$0xA118], $0x1;
	_ =	sdelay $0x4  }
0x25c: {  	(v2sf) =	vpush v0, $0x0;
	_ =	sdelay $0xe  }
0x25d: {  	s3 =	spop (v2sf)  }
0x25e: {  	p1 =	seq.s32 s3, $0xFFFFFFFF  }
.Ltmp35:
0x25f: {  	_ = 	snop;
	(pc) =	sbr.rel @p1 .LBB2_52-.Ltmp35, $1  }
0x260: {  	_ =	sdelay $0x3  }
0x261: {  	p1 =	slt.s32 s0, $0x1  }
.Ltmp36:
0x262: {  	_ = 	snop;
	(pc) =	sbr.rel @p1 .LBB2_51-.Ltmp36, $1  }
0x263: {  	_ =	sdelay $0x3  }
0x264: {  	s4 =	simm.s32 $0xA118;
	p1 =	por $0x0, $0x0  }
0x265: {  	v1 =	vld.msk @!p1 [tilespmem:s4+$0x0], $0x1;
	_ =	sdelay $0x4  }
0x266: {  	(v2sf) =	vpush @!p1 v1, $0x0;
	_ =	sdelay $0xd  }
0x267: {  	p3 =	sne.s32 s0, $0x1  }
.Ltmp37:
0x268: {  	s5 =	spop @!p1 (v2sf);
	(pc) =	sbr.rel @!p3 .LBB2_49-.Ltmp37, $4  }
0x269: {  	p2 =	seq.s32 @!p1 s3, s5  }
0x26a: {  	s5 =	simm.s32 $0x0;
	p2 =	por !p2, p1  }
0x26b: {  	s7 =	simm.s32 $0xFFFFFFFF;
	s5 =	simm.s32 @p2 $0xFFFFFFFF  }
0x26c: {  	s6 =	simm.s32 $0x1;
	s5 =	smov.u32 @p1 s7  }
.LBB2_48:
0x26d: {  	s7 =	smov.u32 s5;
	p1 =	sne.s32 s5, $0xFFFFFFFF  }
0x26e: {  	s4 =	sadd.s32 $0x1, s4;
	s5 =	smov.u32 s6;
	s6 =	sadd.s32 $0x1, s6  }
0x26f: {  	p2 =	sne.s32 s0, s6;
	v1 =	vld.msk @!p1 [tilespmem:s4+$0x0], $0x1;
	_ =	sdelay $0x4  }
0x270: {  	(v2sf) =	vpush @!p1 v1, $0x0;
	_ =	sdelay $0xe  }
.Ltmp38:
0x271: {  	s8 =	spop @!p1 (v2sf);
	(pc) =	sbr.rel @p2 .LBB2_48-.Ltmp38, $4  }
0x272: {  	p3 =	seq.s32 @!p1 s3, s8  }
0x273: {  	p3 =	por !p3, p1  }
0x274: {  	s5 =	simm.s32 @p3 $0xFFFFFFFF  }
0x275: {  	s5 =	smov.u32 @p1 s7  }
.LBB2_49:
0x276: {  	p1 =	seq.s32 s5, $0xFFFFFFFF  }
.Ltmp39:
0x277: {  	_ = 	snop;
	(pc) =	sbr.rel @p1 .LBB2_51-.Ltmp39, $1  }
0x278: {  	_ =	sdelay $0x3  }
0x279: {  	s3 =	sshll.u32 s2, $0x6  }
0x27a: {  	s3 =	sand.u32 $0x3FFFFFC0, s3  }
0x27b: {  	v0 =	vld [tilespmem:s3+$0xA138];
	_ =	sdelay $0x2  }
0x27c: {  	s4 =	sshll.u32 s5, $0x8  }
0x27d: {  	s4 =	sshra.s32 s4, $0x2  }
0x27e: {  	[tilespmem:s4+$0xA138] =	vst.add.f32.msk $0xffff, v0  }
0x27f: {  	v0 =	vld [tilespmem:s3+$0xA148];
	_ =	sdelay $0x4  }
0x280: {  	[tilespmem:s4+$0xA148] =	vst.add.f32.msk $0xffff, v0  }
0x281: {  	v0 =	vld [tilespmem:s3+$0xA158];
	_ =	sdelay $0x4  }
0x282: {  	[tilespmem:s4+$0xA158] =	vst.add.f32.msk $0xffff, v0  }
0x283: {  	v0 =	vld [tilespmem:s3+$0xA168]  }
.Ltmp40:
0x284: {  	_ = 	snop;
	(pc) =	sbr.rel .LBB2_52-.Ltmp40, $2  }
0x285: {  	_ =	sdelay $0x2  }
0x286: {  	[tilespmem:s4+$0xA168] =	vst.add.f32.msk $0xffff, v0  }
.LBB2_53:
0x287: {  	p1 =	slt.s32 s0, $0x1  }
.Ltmp41:
0x288: {  	_ = 	snop;
	(pc) =	sbr.rel @p1 .LBB2_57-.Ltmp41, $3  }
0x289: {  	_ =	sdelay $0x1  }
0x28a: {  	s2 =	simm.s32 $0x8  }
0x28b: {  	[sflag:s2] =	ssyncpa.u1 $0x1;
	s2 =	simm.s32 $0x0  }
0x28c: {  	s3 =	simm.s32 $0xA118  }
0x28d: {  	v0 =	vld.msk [tilespmem:s3+$0x0], $0x1;
	_ =	sdelay $0x4  }
0x28e: {  	(v2sf) =	vpush v0, $0x0;
	_ =	sdelay $0xe  }
0x28f: {  	s0 =	sadd.s32 $0xFFFFFFFF, s0;
	s4 =	spop (v2sf)  }
0x290: {  	p2 =	sne.s32 s0, $0x0;
	p1 =	sgt.u32 s4, $0xC34F8  }
.Ltmp42:
0x291: {  	s5 =	sand.u32 @!p1 $0xFFFF8, s4;
	(pc) =	sbr.rel @!p2 .LBB2_56-.Ltmp42, $4  }
0x292: {  	s3 =	simm.s32 $0xA138;
	s4 =	sand.u32 @!p1 $0x7, s4;
	s5 =	sadd.s32 @!p1 s1, s5  }
0x293: {  	[hbm4b:s5+s4] =	stream.linear.scatter @!p1 [tilespmem:s3], [sflag:$0x7], $0x40, $0x38;
	[tilespmem:$0x1EF88] =	vst v63  }
0x294: {  	s5 =	simm.s32 $0x0  }
0x295: {  	s4 =	simm.s32 $0xA119;
	s5 =	simm.s32 @!p1 $0x100  }
.LBB2_55:
0x296: {  	v0 =	vld.msk [tilespmem:s4+$0x0], $0x1;
	s0 =	sadd.s32 $0xFFFFFFFF, s0;
	s2 =	sadd.s32 s2, s5  }
0x297: {  	p1 =	sne.s32 s0, $0x0;
	_ =	sdelay $0x3  }
0x298: {  	(v2sf) =	vpush v0, $0x0;
	_ =	sdelay $0xe  }
.Ltmp43:
0x299: {  	s6 =	spop (v2sf);
	(pc) =	sbr.rel @p1 .LBB2_55-.Ltmp43, $4  }
0x29a: {  	s5 =	simm.s32 $0x0;
	p2 =	sgt.u32 s6, $0xC34F8  }
0x29b: {  	s3 =	sadd.s32 $0x40, s3;
	s5 =	simm.s32 @!p2 $0x100;
	s7 =	sand.u32 @!p2 $0xFFFF8, s6  }
0x29c: {  	s4 =	sadd.s32 $0x1, s4;
	s6 =	sand.u32 @!p2 $0x7, s6;
	s7 =	sadd.s32 @!p2 s1, s7  }
0x29d: {  	[hbm4b:s7+s6] =	stream.linear.scatter @!p2 [tilespmem:s3], [sflag:$0x7], $0x40, $0x38;
	[tilespmem:$0x1EF88] =	vst v63  }
.LBB2_56:
0x29e: {  	s0 =	sadd.s32 s2, s5  }
0x29f: {  	s2 =	sshrl.u32 s0, $0x2  }
.LBB2_57:
0x2a0: {  	s0 =	simm.s32 $0x7  }
0x2a1: {  	_ =	swait.ge [sflag:s0], s2  }
0x2a2: {  	s1 =	ssub.s32 $0x0, s2;
	[sflag:s0] =	ssyncset.done $0x0  }
0x2a3: {  	[sflag:s0] =	ssyncadd.s32 s1  }
0x2a4: {  	[sflag:s0] =	ssyncpa.u1 $0x1  }
.LBB2_58:
0x2a5: {  	_ =	sfence;
	s0 =	simm.s32 $0x1  }
0x2a6: {  	[sflag:s0] =	ssyncpa.u1 $0x1  }
0x2a7: {  	_ =	strace $0x90000050  }
0x2a8: {  	[bflag:$0x2] =	sbarrier.arrive $0xFFFF  }
0x2a9: {  	s0 =	rddreg [dreg:$0x3]  }
0x2aa: {  	s0 =	sadd.s32 @!p0 $0x100000, s0  }
0x2ab: {  	[sflag:s0] =	ssyncadd.tile.s32 @!p0 $0x1;
	_ =	shalt  }
.Lfunc_end2:
_tile_overlayer_lowered:
.L_overlay_start_2:
0x2ac: {  	(tag) =	ssettag $0x2  }
0x2ad: {  	s0 =	rddreg [dreg:$0x0];
	s2 =	stileid.u32  }
0x2ae: {  	s1 =	rddreg [dreg:$0x1];
	p0 =	sne.s32 s2, $0x0  }
0x2af: {  	s3 =	rddreg [dreg:$0x2];
	[bflag:$0x3] =	sbarrier.arrive $0xFFFF;
	s2 =	simm.s32 @!p0 $0x1C01  }
0x2b0: {  	[timem:s3], [sflag:s2] =	dma.local @!p0 [hbm:s0], s1  }
0x2b1: {  	s0 =	simm.s32 @!p0 $0x1  }
0x2b2: {  	_ =	swait.ge @!p0 [sflag:s0], s1  }
0x2b3: {  	s1 =	ssub.s32 @!p0 $0x0, s1;
	[sflag:s0] =	ssyncset.done @!p0 $0x0  }
0x2b4: {  	[sflag:s0] =	ssyncadd.s32 @!p0 s1  }
0x2b5: {  	[bflag:$0x3] =	sbarrier.arrive $0xFFFF  }
0x2b6: {  	_ =	shalt  }

// kernel: scatter_offload_async_start.2
scs
__scs_entry_jumppad:
0x0: {  	(pc) =	sbr.rel $0x88, $3  }
0x1: {  	(tag) =	ssettag $0x0;
	lr =	simm.s32 $0x1  }
0x2: {  	[smem:$0x3F81] =	sst lr;
	_ =	strace $0xD0000000  }
0x3: {  	_ = 	snop  }
0x4: {  	_ = 	snop  }
0x5: {  	_ = 	snop  }
0x6: {  	_ = 	snop  }
0x7: {  	_ = 	snop  }
__scs_overlays_trampoline_lowered:
0x8: {  	[smem:$0x3F90] =	sst s0  }
0x9: {  	[smem:$0x3F91] =	sst s1  }
0xa: {  	[smem:$0x3F92] =	sst s2  }
0xb: {  	[smem:$0x3F93] =	sst s3  }
0xc: {  	[smem:$0x3F94] =	sst s4  }
0xd: {  	[smem:$0x3F95] =	sst s5  }
0xe: {  	[smem:$0x3F96] =	sst s6  }
0xf: {  	[smem:$0x3F97] =	sst s7  }
0x10: {  	[smem:$0x3F98] =	sst s8  }
0x11: {  	[smem:$0x3F99] =	sst s9;
	s0 =	simm.s32 @!p0 $0x0  }
0x12: {  	s1 =	sld [smem:$0x3F7F];
	s0 =	simm.s32 @p0 $0x1  }
0x13: {  	[smem:$0x3F9A] =	sst s0;
	s0 =	simm.s32 @!p1 $0x0  }
0x14: {  	s2 =	sld [smem:$0x3F7E];
	s0 =	simm.s32 @p1 $0x1  }
0x15: {  	[smem:$0x3F9B] =	sst s0;
	s0 =	simm.s32 @!p2 $0x0  }
0x16: {  	s3 =	sld [smem:$0x3FDB];
	s0 =	simm.s32 @p2 $0x1  }
0x17: {  	s4 =	simm.s32 $0x1BF5;
	[smem:$0x3F9D] =	sst s0  }
0x18: {  	s0 =	sld [smem:$0x3F80];
	_ =	swait.ge [sflag:s4], $0x0  }
0x19: {  	s7 =	sld [smem:$0x3F81]  }
0x1a: {  	s8 =	sadd.s32 $0xFFFFE003, lr  }
0x1b: {  	s9 =	sadd.s32 $0xFFFFFEF7, lr;
	s5 =	simm.s32 $0xFFFFFFFF;
	p2 =	slt.u32 s8, $0xFFFFF086  }
0x1c: {  	p1 =	slt.u32 s9, $0xF7A;
	s5 =	simm.s32 @!p2 $0x0  }
0x1d: {  	s5 =	simm.s32 @p1 $0x1;
	p0 =	seq.s32 s7, s2  }
0x1e: {  	s7 =	smul.u32 @!p0 $0xF7A, s2;
	p2 =	seq.s32 @!p0 s5, $0x0  }
0x1f: {  	s9 =	smul.u32 $0xF7A, s1;
	s8 =	simm.s32 @!p0 $0x1BF5;
	p2 =	por !p2, p0  }
0x20: {  	[sflag:s8] =	ssyncset.s32 @!p0 $0xFFFFF086;
	s6 =	sadd.s32 @!p0 s3, s7;
	s7 =	simm.s32 @!p0 $0x108  }
0x21: {  	s3 =	sadd.s32 s3, s9;
	s6 =	sadd.s32 @!p0 $0x88, s6;
	s7 =	simm.s32 @p2 $0x1082  }
0x22: {  	[simem:s7], [sflag:s8] =	dma.local @!p0 [hbm:s6], $0xF7A  }
0x23: {  	s9 =	sor.u32 $0xD0000000, s2;
	s6 =	simm.s32 $0x108;
	_ =	swait.ge @!p0 [sflag:s8], $0x0  }
0x24: {  	s3 =	sadd.s32 $0x88, s3;
	s6 =	simm.s32 @!p1 $0x1082;
	[sflag:s4] =	ssyncset.s32 $0xFFFFF086  }
0x25: {  	[simem:s6], [sflag:s4] =	dma.local [hbm:s3], $0xF7A  }
0x26: {  	[smem:$0x3F81] =	sst s1;
	(tag) =	ssettag s2;
	_ =	strace s9  }
0x27: {  	s1 =	sld [smem:$0x3F91]  }
0x28: {  	s2 =	sld [smem:$0x3F92]  }
0x29: {  	s4 =	sld [smem:$0x3F94]  }
0x2a: {  	p0 =	seq.s32 s5, $0x0;
	s5 =	sld [smem:$0x3F95]  }
0x2b: {  	s6 =	sld [smem:$0x3F96]  }
0x2c: {  	s7 =	sld [smem:$0x3F97]  }
0x2d: {  	s3 =	simm.s32 $0x108;
	s8 =	sld [smem:$0x3F98]  }
0x2e: {  	s3 =	simm.s32 @!p0 $0x1082;
	s9 =	sld [smem:$0x3F99]  }
0x2f: {  	lr =	sadd.s32 s0, s3;
	s0 =	sld [smem:$0x3F90]  }
0x30: {  	s3 =	sld [smem:$0x3F93]  }
0x31: {  	[smem:$0x3F9C] =	sst s10  }
0x32: {  	s10 =	sld [smem:$0x3F9A];
	_ =	sdelay $0x3  }
0x33: {  	p0 =	seq.s32 s10, $0x1;
	s10 =	sld [smem:$0x3F9C];
	_ =	sdelay $0x3  }
0x34: {  	[smem:$0x3F9C] =	sst s10  }
0x35: {  	s10 =	sld [smem:$0x3F9B];
	_ =	sdelay $0x3  }
0x36: {  	p1 =	seq.s32 s10, $0x1;
	s10 =	sld [smem:$0x3F9C];
	_ =	sdelay $0x3  }
0x37: {  	[smem:$0x3F9C] =	sst s10  }
0x38: {  	s10 =	sld [smem:$0x3F9D]  }
0x39: {  	_ = 	snop;
	(pc) =	sbr.ind lr, $3  }
0x3a: {  	_ = 	snop  }
0x3b: {  	_ = 	snop  }
0x3c: {  	p2 =	seq.s32 s10, $0x1;
	s10 =	sld [smem:$0x3F9C]  }
0x3d: {  	_ =	shalt  }
0x3e: {  	_ =	shalt  }
0x3f: {  	_ =	shalt  }
0x40: {  	_ =	shalt  }
0x41: {  	_ =	shalt  }
0x42: {  	_ =	shalt  }
0x43: {  	_ =	shalt  }
0x44: {  	_ =	shalt  }
0x45: {  	_ =	shalt  }
0x46: {  	_ =	shalt  }
0x47: {  	_ =	shalt  }
0x48: {  	_ =	shalt  }
0x49: {  	_ =	shalt  }
0x4a: {  	_ =	shalt  }
0x4b: {  	_ =	shalt  }
0x4c: {  	_ =	shalt  }
0x4d: {  	_ =	shalt  }
0x4e: {  	_ =	shalt  }
0x4f: {  	_ =	shalt  }
0x50: {  	_ =	shalt  }
0x51: {  	_ =	shalt  }
0x52: {  	_ =	shalt  }
0x53: {  	_ =	shalt  }
0x54: {  	_ =	shalt  }
0x55: {  	_ =	shalt  }
0x56: {  	_ =	shalt  }
0x57: {  	_ =	shalt  }
0x58: {  	_ =	shalt  }
0x59: {  	_ =	shalt  }
0x5a: {  	_ =	shalt  }
0x5b: {  	_ =	shalt  }
0x5c: {  	_ =	shalt  }
0x5d: {  	_ =	shalt  }
0x5e: {  	_ =	shalt  }
0x5f: {  	_ =	shalt  }
0x60: {  	_ =	shalt  }
0x61: {  	_ =	shalt  }
0x62: {  	_ =	shalt  }
0x63: {  	_ =	shalt  }
0x64: {  	_ =	shalt  }
0x65: {  	_ =	shalt  }
0x66: {  	_ =	shalt  }
0x67: {  	_ =	shalt  }
0x68: {  	_ =	shalt  }
0x69: {  	_ =	shalt  }
0x6a: {  	_ =	shalt  }
0x6b: {  	_ =	shalt  }
0x6c: {  	_ =	shalt  }
0x6d: {  	_ =	shalt  }
0x6e: {  	_ =	shalt  }
0x6f: {  	_ =	shalt  }
0x70: {  	_ =	shalt  }
0x71: {  	_ =	shalt  }
0x72: {  	_ =	shalt  }
0x73: {  	_ =	shalt  }
0x74: {  	_ =	shalt  }
0x75: {  	_ =	shalt  }
0x76: {  	_ =	shalt  }
0x77: {  	_ =	shalt  }
0x78: {  	_ =	shalt  }
0x79: {  	_ =	shalt  }
0x7a: {  	_ =	shalt  }
0x7b: {  	_ =	shalt  }
0x7c: {  	_ =	shalt  }
0x7d: {  	_ =	shalt  }
0x7e: {  	_ =	shalt  }
0x7f: {  	_ =	shalt  }
0x80: {  	_ =	shalt  }
0x81: {  	_ =	shalt  }
0x82: {  	_ =	shalt  }
0x83: {  	_ =	shalt  }
0x84: {  	_ =	shalt  }
0x85: {  	_ =	shalt  }
0x86: {  	_ =	shalt  }
0x87: {  	_ =	shalt  }
.Lfunc_end0:
.L_simem_size_0:
called_computation.2_lowered:
.L_overlay_start_0:
0x88: {  	s2 =	sld [smem:$0x3FD9]  }
0x89: {  	s3 =	sld [smem:$0x3FFE];
	_ =	sdelay $0x1  }
0x8a: {  	s1 =	srdreg.scid  }
0x8b: {  	s0 =	sand.u32 $0x1, s1  }
0x8c: {  	s15 =	sshll.u32 s0, $0xA;
	s2 =	sadd.s32 s3, s2  }
0x8d: {  	s2 =	sadd.s32 s2, s15  }
0x8e: {  	[smem:$0x3FA8] =	sst s2  }
0x8f: {  	_ = 	snop  }
0x90: {  	(tm) =	ssettm $0x1  }
0x91: {  	s16 =	sld [smem:$0x3FFB];
	_ =	sdelay $0x3  }
0x92: {  	_ =	strace s16  }
0x93: {  	s2 =	sld [smem:$0x3FFC];
	_ =	sdelay $0x3  }
0x94: {  	_ =	strace s2  }
0x95: {  	s2 =	sld [smem:$0x3FFD];
	_ =	sdelay $0x3  }
0x96: {  	_ =	strace s2  }
0x97: {  	_ =	strace $0x8FFFFFFF  }
0x98: {  	s17 =	sld [smem:$0x3FDB];
	_ =	sdelay $0x1  }
0x99: {  	s18 =	simm.s32 $_scs_section_size  }
0x9a: {  	s4 =	simm.s32 $_size__tile_overlayer_lowered;
	s5 =	simm.s32 $_tile_overlayer_lowered  }
0x9b: {  	s21 =	simm.s32 $0x1BFF;
	s20 =	sshll.u32 s5, $0x1;
	s2 =	sadd.s32 s18, s17  }
0x9c: {  	s6 =	simm.s32 $0x0;
	s19 =	sshll.u32 s4, $0x1;
	s4 =	sadd.s32 s20, s2  }
0x9d: {  	[timem:s6], [sflag:s21] =	dma.local [hbm:s4], s19  }
0x9e: {  	_ =	swait.ge [sflag:s21], s19  }
0x9f: {  	s3 =	ssub.s32 $0x0, s19;
	[sflag:s21] =	ssyncset.done $0x0  }
0xa0: {  	[sflag:s21] =	ssyncadd.s32 s3;
	_ =	sdelay $0x1  }
0xa1: {  	s22 =	simm.s32 $0x1B8B  }
0xa2: {  	_ =	swait.ge [sflag:s22], $0x1  }
0xa3: {  	[sflag:s22] =	ssyncset.done $0x0  }
0xa4: {  	s23 =	sld [smem:$0x3FFE];
	[sflag:s22] =	ssyncadd.s32 $0xFFFFFFFF  }
0xa5: {  	s25 =	simm.s32 $0x1B8E;
	s24 =	sld [smem:$0x0]  }
0xa6: {  	s26 =	simm.s32 $execute0_lowered;
	[smem:$0x3FD2] =	sst s25  }
0xa7: {  	s5 =	sshll.u32 s26, $0x1;
	_ =	strace $0x80000055;
	[dreg:$0x1] =	wrdreg $0xFFFFFFFF  }
0xa8: {  	s28 =	simm.s32 $_size_execute0_lowered;
	s2 =	sadd.s32 s2, s5;
	[dreg:$0x0] =	wrdreg $0x0  }
0xa9: {  	s5 =	sshll.u32 s28, $0x1;
	[dreg:$0x2] =	wrdreg s2  }
0xaa: {  	[dreg:$0x3] =	wrdreg s5  }
0xab: {  	[dreg:$0x4] =	wrdreg $0xC0  }
0xac: {  	_ =	task [dreg:s6], $0x5FFFF  }
0xad: {  	[dreg:$0x1] =	wrdreg $0xFFFFFFFF  }
0xae: {  	[dreg:$0x0] =	wrdreg $0x60  }
0xaf: {  	[dreg:$0x2] =	wrdreg s23  }
0xb0: {  	[dreg:$0x3] =	wrdreg s1  }
0xb1: {  	[dreg:$0x4] =	wrdreg s24  }
0xb2: {  	[dreg:$0x5] =	wrdreg $0x9  }
0xb3: {  	_ =	task.clear_ibuf [dreg:s6], $0x6FFFF;
	_ =	strace $0x90000055  }
0xb4: {  	s29 =	simm.s32 $0x9;
	_ =	strace $0x80000057  }
0xb5: {  	_ =	swait.ge [sflag:s29], $0x1  }
0xb6: {  	[sflag:s29] =	ssyncadd.s32 $0xFFFFFFFF  }
0xb7: {  	_ =	strace $0x90000057  }
0xb8: {  	_ =	sfence  }
0xb9: {  	s30 =	sld [smem:$0x0];
	_ =	sdelay $0x2  }
0xba: {  	s31 =	sshll.u32 s1, $0xD;
	s1 =	sshrl.u32 s1, $0x2  }
0xbb: {  	s3 =	sand.u32 $0x4000, s31;
	s1 =	sadd.s32 s1, s30  }
0xbc: {  	s0 =	sor.u32 s3, s0;
	s1 =	sshll.u32 s1, $0x11  }
0xbd: {  	s0 =	sor.u32 s1, s0  }
0xbe: {  	s0 =	sadd.s32 $0x8F2B, s0  }
0xbf: {  	[sflag:s0] =	ssyncadd.remote.s32 $0x1  }
0xc0: {  	_ =	sfence.sel $0xFFFF  }
0xc1: {  	[dreg:$0x0] =	wrdreg $0xFFFFFFFF;
	(pc) =	sbr.abs _section_cstart, $3  }
0xc2: {  	[dreg:$0x1] =	wrdreg $0xFFFFFFFF  }
0xc3: {  	_ =	task.clear_ibuf [dreg:s6], $0x2FFFF;
	_ =	strace $0x9FFFFFFF  }
0xc4: {  	(tm) =	ssettm $0x7FFFFFFF  }
0xc5: {  	_ =	shalt  }
tec
execute0_lowered:
.L_overlay_start_1:
0x0: {  	(tag) =	ssettag $0x1  }
0x1: {  	s2 =	rddreg [dreg:$0x0]  }
0x2: {  	s4 =	rddreg [dreg:$0x1];
	_ =	strace $0x80000056;
	s0 =	simm.s32 $0x1  }
0x3: {  	s3 =	simm.s32 $0x88;
	v0 =	vimm.s32 $0x0;
	[sflag:s0] =	ssyncpa.u1 $0x0  }
0x4: {  	s1 =	sadd.s32 $0xF5C00, s2;
	[tilespmem:s3+$0x30] =	vst v0  }
0x5: {  	s0 =	sadd.s32 $0x1AE6800, s2;
	s6 =	sadd.s32 $0x3381C00, s2;
	[tilespmem:s3+$0x20] =	vst v0  }
0x6: {  	s2 =	sadd.s32 $0x1AFF000, s2;
	s7 =	sand.u32 $0x1, s4;
	s4 =	simm.s32 $0x40;
	[tilespmem:s3+$0x10] =	vst v0  }
.LBB2_1:
0x7: {  	s4 =	sadd.s32 $0x40, s4  }
0x8: {  	[tilespmem:s3+$0x0] =	vst v0;
	s3 =	sadd.s32 $0x40, s3;
	p0 =	slt.u32 s4, $0x5040  }
.Ltmp0:
0x9: {  	(pc) =	sbr.rel @p0 .LBB2_1-.Ltmp0, $4  }
0xa: {  	_ = 	snop  }
0xb: {  	[tilespmem:s3+$0x30] =	vst v0  }
0xc: {  	[tilespmem:s3+$0x20] =	vst v0  }
0xd: {  	[tilespmem:s3+$0x10] =	vst v0  }
0xe: {  	s8 =	stileid.u32  }
0xf: {  	s4 =	smul.u32 $0x4E, s8  }
0x10: {  	s5 =	smin.u32 s8, $0x2  }
0x11: {  	s4 =	sadd.s32 s5, s4  }
0x12: {  	p0 =	slt.u32 s8, $0x2;
	s12 =	smul.u32 $0x140, s4;
	s4 =	simm.s32 $0x62C0  }
0x13: {  	s4 =	simm.s32 @!p0 $0x6180  }
0x14: {  	s25 =	simm.s32 $0x2;
	s4 =	sadd.s32 s4, s12  }
0x15: {  	s28 =	simm.s32 $0x9;
	s9 =	simm.s32 $0xA;
	s14 =	smin.u32 s4, $0x61A80  }
0x16: {  	s30 =	simm.s32 $0xB;
	[dreg:$0x4] =	wrdreg s7;
	s4 =	ssub.s32 s14, s12  }
0x17: {  	s31 =	smul.u32 $0xC350, s7;
	s13 =	simm.s32 $0x1;
	p0 =	sgt.s32 s4, $0x0  }
0x18: {  	s19 =	simm.s32 $0x0;
	s20 =	simm.s32 $0xA808;
	s4 =	simm.s32 @!p0 $0x0  }
0x19: {  	s21 =	simm.s32 $0xFFFFFFFF;
	p1 =	por $0x0, $0x0;
	s26 =	smulhi.u32 $0x66666667, s4  }
0x1a: {  	[tilespmem:s3+$0x0] =	vst v0;
	s23 =	simm.s32 $0x0;
	[sflag:s25] =	ssyncpa.u1 $0x0;
	s18 =	sshll.u32 s8, $0x7  }
0x1b: {  	s0 =	sadd.s32 s31, s0;
	[dreg:$0xa] =	wrdreg s18;
	s3 =	sshrl.u32 s26, $0x7  }
0x1c: {  	v0 =	vimm.s32 $0xFFFFFFFF;
	s17 =	sadd.s32 s31, s2;
	[dreg:$0x9] =	wrdreg s0;
	s29 =	smul.u32 $0x140, s3  }
0x1d: {  	s25 =	simm.s32 $0x0;
	[tilespmem:$0xA108] =	vst v0;
	[sflag:s28] =	ssyncpa.u1 $0x0;
	[dreg:$0x8] =	wrdreg s17  }
.Ltmp1:
0x1e: {  	p0 =	sne.s32 s4, s29;
	s4 =	simm.s32 $0x1;
	(pc) =	sbr.rel .LBB2_3-.Ltmp1, $4  }
0x1f: {  	[sflag:s9] =	ssyncpa.u1 $0x0;
	[dreg:$0x5] =	wrdreg s12;
	s4 =	simm.s32 @!p0 $0x0  }
0x20: {  	[sflag:s30] =	ssyncpa.u1 $0x0;
	[dreg:$0x6] =	wrdreg s14;
	s15 =	sadd.s32 s4, s3  }
0x21: {  	s24 =	smov.u32 s12;
	s22 =	sadd.s32 $0x1, s15;
	[dreg:$0x7] =	wrdreg s15  }
0x22: {  	v0 =	vlaneseq.u32;
	s26 =	simm.s32 $0x0;
	p0 =	por $0x1, $0x1;
	[dreg:$0xb] =	wrdreg s22  }
.LBB2_22:
0x23: {  	s0 =	sshrl.u32 s3, $0x2  }
.LBB2_24:
0x24: {  	s3 =	simm.s32 $0xC  }
0x25: {  	_ =	swait.ge [sflag:s3], s0  }
0x26: {  	s31 =	ssub.s32 $0x0, s0;
	v1 =	vmov s4;
	vm0 =	veq.s32 v0, $0x0;
	[sflag:s3] =	ssyncset.done $0x0  }
0x27: {  	vm15 =	veq.s32 v0, $0x2;
	v1 =	vsel vm0, s2, v1;
	[sflag:s3] =	ssyncadd.s32 s31  }
0x28: {  	v1 =	vsel vm15, s26, v1;
	[sflag:s3] =	ssyncpa.u1 $0x1  }
0x29: {  	[tilespmem:$0xA108] =	vst v1  }
.LBB2_25:
0x2a: {  	s0 =	sadd.s32 $0x140, s24  }
0x2b: {  	s2 =	smov.u32 s12;
	p2 =	slt.s32 s0, s14  }
0x2c: {  	s2 =	smov.u32 @p2 s0;
	p2 =	sne.s32 s25, s22  }
.Ltmp2:
0x2d: {  	_ = 	snop;
	(pc) =	sbr.rel @!p2 .LBB2_26-.Ltmp2, $4  }
0x2e: {  	_ = 	snop  }
0x2f: {  	s26 =	smov.u32 s23;
	s31 =	sadd.s32 $0x1, s25;
	p0 =	por !p0, !p0  }
0x30: {  	s23 =	smov.u32 s24;
	s20 =	sadd.s32 $0x140, s20;
	s21 =	sadd.s32 $0x1, s21  }
0x31: {  	p1 =	por !p1, !p1;
	s25 =	smov.u32 s31;
	s24 =	smov.u32 s2  }
.LBB2_3:
0x32: {  	p2 =	sge.u32 s25, s15  }
0x33: {  	s0 =	smulhi.u32 @!p2 $0xAAAAAAAB, s25  }
0x34: {  	s2 =	smov.u32 s24;
	p3 =	sgt.s32 @!p2 s24, $0x61940  }
0x35: {  	s3 =	sshra.s32 @!p2 s24, $0x1F;
	p3 =	por !p3, p2;
	s0 =	sshrl.u32 @!p2 s0, $0x1  }
0x36: {  	s3 =	sand.u32 @!p2 s3, s24;
	s2 =	simm.s32 @p3 $0x61940;
	s0 =	smul.u32 @!p2 $0x3, s0  }
0x37: {  	s2 =	ssub.s32 @!p2 s2, s3  }
0x38: {  	s2 =	sadd.s32 @!p2 $0xFFF9E6C0, s2;
	s0 =	ssub.s32 @!p2 s25, s0  }
0x39: {  	s3 =	sshll.u32 @!p2 s2, $0x2;
	p3 =	sgt.s32 @!p2 s2, $0x13F;
	s0 =	smul.u32 @!p2 $0x500, s0  }
0x3a: {  	s4 =	sand.u32 @!p2 $0x7, s24;
	s2 =	ssub.s32 @!p2 $0x500, s3;
	p3 =	por !p3, p2  }
0x3b: {  	s3 =	sshrl.u32 @!p2 s24, $0x3;
	s2 =	sshrl.u32 @!p2 s2, $0x2;
	s0 =	sshrl.u32 @!p2 s0, $0x2  }
0x3c: {  	s3 =	sadd.s32 @!p2 s3, s17;
	s2 =	simm.s32 @!p3 $0x0;
	s0 =	sadd.s32 @!p2 $0xA948, s0  }
0x3d: {  	[tilespmem:s0], [sflag:$0xA] =	stream.linear.gather @!p2 [hbm4b:s3+s4], s2, $0x38;
	[tilespmem:$0x1EF88] =	vst v63  }
0x3e: {  	s0 =	sadd.s32 $0xFFFFFFFF, s25  }
0x3f: {  	p2 =	sge.u32 s0, s15  }
.Ltmp3:
0x40: {  	_ = 	snop;
	(pc) =	sbr.rel @p2 .LBB2_7-.Ltmp3, $1  }
0x41: {  	_ =	sdelay $0x3  }
0x42: {  	p2 =	sgt.s32 s23, $0x61940;
	s2 =	smov.u32 s23;
	s3 =	sshra.s32 s23, $0x1F  }
0x43: {  	s2 =	simm.s32 @!p2 $0x61940;
	s3 =	sand.u32 s3, s23  }
0x44: {  	s17 =	smulhi.u32 $0xAAAAAAAB, s21;
	s2 =	ssub.s32 s2, s3  }
0x45: {  	s0 =	sand.u32 $0x1, s0;
	s2 =	sadd.s32 $0xFFF9E6C0, s2  }
0x46: {  	s5 =	simm.s32 $0xA;
	s3 =	sshrl.u32 s17, $0x1;
	s4 =	sshll.u32 s2, $0x2  }
0x47: {  	s7 =	sshrl.u32 s23, $0x3;
	s3 =	smul.u32 $0xFFFFF100, s3;
	s4 =	ssub.s32 $0x500, s4  }
0x48: {  	s18 =	smul.u32 $0x500, s0;
	p2 =	sgt.s32 s2, $0x13F;
	s2 =	sshrl.u32 s4, $0x2  }
0x49: {  	s9 =	sand.u32 $0x7, s23;
	s3 =	sshra.s32 s3, $0x2;
	s2 =	simm.s32 @p2 $0x0  }
0x4a: {  	s0 =	sadd.s32 s3, s20;
	s4 =	sshrl.u32 s18, $0x2;
	_ =	swait.ge [sflag:s5], s2  }
0x4b: {  	s22 =	ssub.s32 $0x0, s2;
	[sflag:s5] =	ssyncset.done $0x0;
	s8 =	rddreg [dreg:$0x9]  }
0x4c: {  	s4 =	sadd.s32 $0xAD08, s4;
	[sflag:s5] =	ssyncadd.s32 s22;
	s3 =	sadd.s32 s7, s8  }
0x4d: {  	[tilespmem:s4], [sflag:$0xB] =	stream.linear.gather [hbm4b:s3+s9], s2, $0x38;
	[tilespmem:$0x1EF88] =	vst v63  }
0x4e: {  	v1 =	vld.msk [tilespmem:s0+$0x0], $0xffff;
	_ =	sdelay $0x4  }
0x4f: {  	v1 =	vshll.u32 v1, $0x4  }
0x50: {  	(v2sf) =	vpush v1, $0x0  }
0x51: {  	(v2sf) =	vpush v1, $0x1  }
0x52: {  	(v2sf) =	vpush v1, $0x2;
	_ =	sdelay $0x3  }
0x53: {  	(v2sf) =	vpush v1, $0x3;
	_ =	sdelay $0x1  }
0x54: {  	(v2sf) =	vpush v1, $0x4  }
0x55: {  	s2 =	simm.s32 $0x1;
	(v2sf) =	vpush v1, $0x5  }
0x56: {  	s2 =	simm.s32 @!p0 $0x0  }
0x57: {  	s2 =	smul.u32 $0x28000, s2;
	(v2sf) =	vpush v1, $0x6;
	_ =	sdelay $0x1  }
0x58: {  	s2 =	sshrl.u32 s2, $0x2  }
0x59: {  	s28 =	sadd.s32 $0xB708, s2  }
0x5a: {  	s12 =	sadd.s32 $0xFFFFF880, s28;
	s17 =	sadd.s32 $0xFFFFF900, s28;
	s10 =	spop (v2sf);
	(v2sf) =	vpush v1, $0x7  }
0x5b: {  	s18 =	sadd.s32 $0xFFFFF980, s28;
	s11 =	sand.u32 $0x1FFFFFF0, s10;
	s14 =	spop (v2sf)  }
0x5c: {  	(v2sf) =	vpush v1, $0x8;
	s2 =	sadd.s32 s6, s11;
	s15 =	sand.u32 $0x1FFFFFF0, s14;
	s16 =	spop (v2sf)  }
0x5d: {  	[tilespmem:s12], [sflag:$0x9] =	stream.linear.gather [hbm4b:s2+s19], $0x40, $0x38;
	[tilespmem:$0x1EF88] =	vst v63  }
0x5e: {  	s5 =	sadd.s32 $0xFFFFFA00, s28;
	s2 =	sadd.s32 s6, s15;
	s3 =	sand.u32 $0x1FFFFFF0, s16  }
0x5f: {  	(v2sf) =	vpush v1, $0x9;
	[tilespmem:s17], [sflag:$0x9] =	stream.linear.gather [hbm4b:s2+s19], $0x40, $0x38;
	[tilespmem:$0x1EF88] =	vst v63  }
0x60: {  	s7 =	sadd.s32 $0xFFFFFA80, s28;
	s22 =	spop (v2sf);
	s3 =	sadd.s32 s6, s3  }
0x61: {  	(v2sf) =	vpush v1, $0xA;
	[tilespmem:s18], [sflag:$0x9] =	stream.linear.gather [hbm4b:s3+s19], $0x40, $0x38;
	[tilespmem:$0x1EF88] =	vst v63  }
0x62: {  	s11 =	sadd.s32 $0xFFFFFB00, s28;
	s4 =	spop (v2sf);
	(v2sf) =	vpush v1, $0xB;
	s3 =	sand.u32 $0x1FFFFFF0, s22  }
0x63: {  	s8 =	spop (v2sf);
	s2 =	sadd.s32 s6, s3;
	s3 =	sand.u32 $0x1FFFFFF0, s4  }
0x64: {  	(v2sf) =	vpush v1, $0xC;
	[tilespmem:s5], [sflag:$0x9] =	stream.linear.gather [hbm4b:s2+s19], $0x40, $0x38;
	[tilespmem:$0x1EF88] =	vst v63  }
0x65: {  	s9 =	sand.u32 $0x1FFFFFF0, s8;
	s10 =	spop (v2sf);
	s3 =	sadd.s32 s6, s3  }
0x66: {  	(v2sf) =	vpush v1, $0xD;
	[tilespmem:s7], [sflag:$0x9] =	stream.linear.gather [hbm4b:s3+s19], $0x40, $0x38;
	[tilespmem:$0x1EF88] =	vst v63  }
0x67: {  	s12 =	sadd.s32 $0xFFFFFB80, s28;
	s2 =	sadd.s32 s6, s9;
	s3 =	sand.u32 $0x1FFFFFF0, s10  }
0x68: {  	[tilespmem:s11], [sflag:$0x9] =	stream.linear.gather [hbm4b:s2+s19], $0x40, $0x38;
	[tilespmem:$0x1EF88] =	vst v63  }
0x69: {  	s17 =	sadd.s32 $0xFFFFFC00, s28;
	s3 =	sadd.s32 s6, s3;
	s14 =	spop (v2sf)  }
0x6a: {  	[tilespmem:s12], [sflag:$0x9] =	stream.linear.gather [hbm4b:s3+s19], $0x40, $0x38;
	(v2sf) =	vpush v1, $0xE;
	[tilespmem:$0x1EF88] =	vst v63  }
0x6b: {  	s18 =	sadd.s32 $0xFFFFFC80, s28;
	s15 =	sand.u32 $0x1FFFFFF0, s14;
	s16 =	spop (v2sf)  }
0x6c: {  	s5 =	sadd.s32 $0xFFFFFD00, s28;
	(v2sf) =	vpush v1, $0xF;
	s2 =	sadd.s32 s6, s15;
	s3 =	sand.u32 $0x1FFFFFF0, s16  }
0x6d: {  	[tilespmem:s17], [sflag:$0x9] =	stream.linear.gather [hbm4b:s2+s19], $0x40, $0x38;
	[tilespmem:$0x1EF88] =	vst v63  }
0x6e: {  	s7 =	sadd.s32 $0xFFFFFD80, s28;
	s22 =	spop (v2sf);
	s3 =	sadd.s32 s6, s3  }
0x6f: {  	[tilespmem:s18], [sflag:$0x9] =	stream.linear.gather [hbm4b:s3+s19], $0x40, $0x38;
	[tilespmem:$0x1EF88] =	vst v63  }
0x70: {  	s11 =	sadd.s32 $0xFFFFFE00, s28;
	s4 =	spop (v2sf);
	s3 =	sand.u32 $0x1FFFFFF0, s22  }
0x71: {  	s8 =	spop (v2sf);
	s2 =	sadd.s32 s6, s3;
	s3 =	sand.u32 $0x1FFFFFF0, s4  }
0x72: {  	[tilespmem:s5], [sflag:$0x9] =	stream.linear.gather [hbm4b:s2+s19], $0x40, $0x38;
	[tilespmem:$0x1EF88] =	vst v63  }
0x73: {  	s9 =	sand.u32 $0x1FFFFFF0, s8;
	s10 =	spop (v2sf);
	s3 =	sadd.s32 s6, s3  }
0x74: {  	[tilespmem:s7], [sflag:$0x9] =	stream.linear.gather [hbm4b:s3+s19], $0x40, $0x38;
	[tilespmem:$0x1EF88] =	vst v63  }
0x75: {  	s14 =	spop (v2sf);
	s2 =	sadd.s32 s6, s9;
	s3 =	sand.u32 $0x1FFFFFF0, s10  }
0x76: {  	[tilespmem:s11], [sflag:$0x9] =	stream.linear.gather [hbm4b:s2+s19], $0x40, $0x38;
	[tilespmem:$0x1EF88] =	vst v63  }
0x77: {  	s12 =	sadd.s32 $0xFFFFFE80, s28;
	s15 =	sand.u32 $0x1FFFFFF0, s14;
	s3 =	sadd.s32 s6, s3  }
0x78: {  	[tilespmem:s12], [sflag:$0x9] =	stream.linear.gather [hbm4b:s3+s19], $0x40, $0x38;
	[tilespmem:$0x1EF88] =	vst v63  }
0x79: {  	s17 =	sadd.s32 $0xFFFFFF00, s28;
	s2 =	sadd.s32 s6, s15;
	s16 =	spop (v2sf)  }
0x7a: {  	[tilespmem:s17], [sflag:$0x9] =	stream.linear.gather [hbm4b:s2+s19], $0x40, $0x38;
	[tilespmem:$0x1EF88] =	vst v63  }
0x7b: {  	s29 =	simm.s32 $0x0;
	s3 =	sand.u32 $0x1FFFFFF0, s16;
	s18 =	spop (v2sf)  }
0x7c: {  	s22 =	sadd.s32 $0xFFFFFF80, s28;
	s3 =	sadd.s32 s6, s3;
	s2 =	sand.u32 $0x1FFFFFF0, s18  }
0x7d: {  	[tilespmem:s22], [sflag:$0x9] =	stream.linear.gather [hbm4b:s3+s19], $0x40, $0x38;
	[tilespmem:$0x1EF88] =	vst v63  }
0x7e: {  	s31 =	sadd.s32 $0x10, s0;
	s30 =	sadd.s32 $0x800, s28;
	s2 =	sadd.s32 s6, s2  }
.LBB2_5:
0x7f: {  	[tilespmem:s28], [sflag:$0x9] =	stream.linear.gather [hbm4b:s2+s19], $0x40, $0x38;
	[tilespmem:$0x1EF88] =	vst v63  }
0x80: {  	s29 =	sadd.s32 $0x10, s29;
	s28 =	smov.u32 s30  }
0x81: {  	p2 =	slt.u32 s29, $0x130;
	v1 =	vld.msk [tilespmem:s31+$0x0], $0xffff;
	_ =	sdelay $0x4  }
0x82: {  	v1 =	vshll.u32 v1, $0x4  }
0x83: {  	(v2sf) =	vpush v1, $0x0  }
0x84: {  	(v2sf) =	vpush v1, $0x1  }
0x85: {  	(v2sf) =	vpush v1, $0x2;
	_ =	sdelay $0x1  }
0x86: {  	(v2sf) =	vpush v1, $0x3;
	_ =	sdelay $0x1  }
0x87: {  	(v2sf) =	vpush v1, $0x4;
	_ =	sdelay $0x1  }
0x88: {  	(v2sf) =	vpush v1, $0x5;
	_ =	sdelay $0x1  }
0x89: {  	(v2sf) =	vpush v1, $0x6  }
0x8a: {  	s4 =	sadd.s32 $0xFFFFFE80, s30;
	s0 =	sadd.s32 $0xFFFFFF00, s30  }
0x8b: {  	s3 =	sadd.s32 $0xFFFFFD00, s30;
	s2 =	sadd.s32 $0xFFFFFD80, s30;
	s5 =	sadd.s32 $0xFFFFFE00, s30;
	(v2sf) =	vpush v1, $0x7  }
0x8c: {  	s10 =	sadd.s32 $0xFFFFFB80, s30;
	s9 =	sadd.s32 $0xFFFFFC00, s30;
	s16 =	sadd.s32 $0xFFFFFC80, s30  }
0x8d: {  	s11 =	sadd.s32 $0xFFFFFA00, s30;
	s12 =	sadd.s32 $0xFFFFFA80, s30;
	s15 =	sadd.s32 $0xFFFFFB00, s30;
	(v2sf) =	vpush v1, $0x8  }
0x8e: {  	s18 =	sadd.s32 $0xFFFFF900, s30;
	s7 =	sadd.s32 $0xFFFFF980, s30;
	s22 =	spop (v2sf)  }
0x8f: {  	s8 =	sadd.s32 $0xFFFFF880, s30;
	s22 =	sand.u32 $0x1FFFFFF0, s22;
	s14 =	spop (v2sf);
	(v2sf) =	vpush v1, $0x9  }
0x90: {  	s22 =	sadd.s32 s6, s22;
	s14 =	sand.u32 $0x1FFFFFF0, s14;
	s17 =	spop (v2sf)  }
0x91: {  	[tilespmem:s8], [sflag:$0x9] =	stream.linear.gather [hbm4b:s22+s19], $0x40, $0x38;
	(v2sf) =	vpush v1, $0xA;
	[tilespmem:$0x1EF88] =	vst v63  }
0x92: {  	s8 =	sadd.s32 s6, s14;
	s14 =	sand.u32 $0x1FFFFFF0, s17;
	s17 =	spop (v2sf)  }
0x93: {  	[tilespmem:s18], [sflag:$0x9] =	stream.linear.gather [hbm4b:s8+s19], $0x40, $0x38;
	(v2sf) =	vpush v1, $0xB;
	[tilespmem:$0x1EF88] =	vst v63  }
0x94: {  	s8 =	sadd.s32 s6, s14;
	s14 =	sand.u32 $0x1FFFFFF0, s17;
	s17 =	spop (v2sf)  }
0x95: {  	[tilespmem:s7], [sflag:$0x9] =	stream.linear.gather [hbm4b:s8+s19], $0x40, $0x38;
	(v2sf) =	vpush v1, $0xC;
	[tilespmem:$0x1EF88] =	vst v63  }
0x96: {  	s7 =	sadd.s32 s6, s14;
	s8 =	sand.u32 $0x1FFFFFF0, s17;
	s14 =	spop (v2sf)  }
0x97: {  	[tilespmem:s11], [sflag:$0x9] =	stream.linear.gather [hbm4b:s7+s19], $0x40, $0x38;
	(v2sf) =	vpush v1, $0xD;
	[tilespmem:$0x1EF88] =	vst v63  }
0x98: {  	s7 =	sadd.s32 s6, s8;
	s8 =	sand.u32 $0x1FFFFFF0, s14;
	s11 =	spop (v2sf)  }
0x99: {  	[tilespmem:s12], [sflag:$0x9] =	stream.linear.gather [hbm4b:s7+s19], $0x40, $0x38;
	(v2sf) =	vpush v1, $0xE;
	[tilespmem:$0x1EF88] =	vst v63  }
0x9a: {  	s7 =	sadd.s32 s6, s8;
	s8 =	sand.u32 $0x1FFFFFF0, s11;
	s11 =	spop (v2sf)  }
0x9b: {  	[tilespmem:s15], [sflag:$0x9] =	stream.linear.gather [hbm4b:s7+s19], $0x40, $0x38;
	(v2sf) =	vpush v1, $0xF;
	[tilespmem:$0x1EF88] =	vst v63  }
0x9c: {  	s7 =	sadd.s32 s6, s8;
	s8 =	sand.u32 $0x1FFFFFF0, s11;
	s11 =	spop (v2sf)  }
0x9d: {  	[tilespmem:s10], [sflag:$0x9] =	stream.linear.gather [hbm4b:s7+s19], $0x40, $0x38;
	[tilespmem:$0x1EF88] =	vst v63  }
0x9e: {  	s7 =	sadd.s32 s6, s8;
	s8 =	sand.u32 $0x1FFFFFF0, s11;
	s10 =	spop (v2sf)  }
0x9f: {  	[tilespmem:s9], [sflag:$0x9] =	stream.linear.gather [hbm4b:s7+s19], $0x40, $0x38;
	[tilespmem:$0x1EF88] =	vst v63  }
0xa0: {  	s7 =	sadd.s32 s6, s8;
	s8 =	sand.u32 $0x1FFFFFF0, s10;
	s9 =	spop (v2sf)  }
0xa1: {  	[tilespmem:s16], [sflag:$0x9] =	stream.linear.gather [hbm4b:s7+s19], $0x40, $0x38;
	[tilespmem:$0x1EF88] =	vst v63  }
0xa2: {  	s7 =	sadd.s32 s6, s8;
	s8 =	sand.u32 $0x1FFFFFF0, s9;
	s9 =	spop (v2sf)  }
0xa3: {  	[tilespmem:s3], [sflag:$0x9] =	stream.linear.gather [hbm4b:s7+s19], $0x40, $0x38;
	[tilespmem:$0x1EF88] =	vst v63  }
0xa4: {  	s3 =	sadd.s32 s6, s8;
	s7 =	sand.u32 $0x1FFFFFF0, s9;
	s8 =	spop (v2sf)  }
0xa5: {  	[tilespmem:s2], [sflag:$0x9] =	stream.linear.gather [hbm4b:s3+s19], $0x40, $0x38;
	[tilespmem:$0x1EF88] =	vst v63  }
0xa6: {  	s2 =	sadd.s32 s6, s7;
	s3 =	sand.u32 $0x1FFFFFF0, s8;
	s7 =	spop (v2sf)  }
0xa7: {  	[tilespmem:s5], [sflag:$0x9] =	stream.linear.gather [hbm4b:s2+s19], $0x40, $0x38;
	[tilespmem:$0x1EF88] =	vst v63  }
0xa8: {  	s2 =	sadd.s32 s6, s3;
	s3 =	sand.u32 $0x1FFFFFF0, s7;
	s5 =	spop (v2sf)  }
0xa9: {  	[tilespmem:s4], [sflag:$0x9] =	stream.linear.gather [hbm4b:s2+s19], $0x40, $0x38;
	[tilespmem:$0x1EF88] =	vst v63  }
0xaa: {  	s2 =	sadd.s32 s6, s3  }
.Ltmp4:
0xab: {  	s3 =	sand.u32 $0x1FFFFFF0, s5;
	s4 =	spop (v2sf);
	(pc) =	sbr.rel @p2 .LBB2_5-.Ltmp4, $4  }
0xac: {  	[tilespmem:s0], [sflag:$0x9] =	stream.linear.gather [hbm4b:s2+s19], $0x40, $0x38;
	[tilespmem:$0x1EF88] =	vst v63  }
0xad: {  	s0 =	sadd.s32 s6, s3;
	s2 =	sadd.s32 $0xFFFFFF80, s30;
	s3 =	sand.u32 $0x1FFFFFF0, s4  }
0xae: {  	[tilespmem:s2], [sflag:$0x9] =	stream.linear.gather [hbm4b:s0+s19], $0x40, $0x38;
	[tilespmem:$0x1EF88] =	vst v63  }
0xaf: {  	s31 =	sadd.s32 $0x10, s31;
	s30 =	sadd.s32 $0x800, s30;
	s2 =	sadd.s32 s6, s3  }
0xb0: {  	[tilespmem:s28], [sflag:$0x9] =	stream.linear.gather [hbm4b:s2+s19], $0x40, $0x38;
	[tilespmem:$0x1EF88] =	vst v63  }
0xb1: {  	s12 =	rddreg [dreg:$0x5]  }
0xb2: {  	s14 =	rddreg [dreg:$0x6]  }
0xb3: {  	s15 =	rddreg [dreg:$0x7]  }
0xb4: {  	s17 =	rddreg [dreg:$0x8]  }
0xb5: {  	s18 =	rddreg [dreg:$0xa]  }
0xb6: {  	s22 =	rddreg [dreg:$0xb]  }
.LBB2_7:
0xb7: {  	p2 =	slt.u32 s25, $0x2  }
.Ltmp5:
0xb8: {  	_ = 	snop;
	(pc) =	sbr.rel @p2 .LBB2_25-.Ltmp5, $1  }
0xb9: {  	_ =	sdelay $0x3  }
0xba: {  	p2 =	sgt.s32 s26, $0x61940;
	s0 =	smov.u32 s26;
	s2 =	sshra.s32 s26, $0x1F  }
0xbb: {  	s0 =	simm.s32 @!p2 $0x61940;
	s2 =	sand.u32 s2, s26  }
0xbc: {  	s0 =	ssub.s32 s0, s2  }
0xbd: {  	s0 =	sadd.s32 $0xFFF9E6C0, s0  }
0xbe: {  	s3 =	simm.s32 $0x9;
	s29 =	sshll.u32 s0, $0x2  }
0xbf: {  	_ =	swait.ge [sflag:s3], $0x5000;
	s2 =	ssub.s32 $0x500, s29  }
0xc0: {  	[sflag:s3] =	ssyncset.done $0x0;
	p2 =	sgt.s32 s0, $0x13F;
	s0 =	sshrl.u32 s2, $0x2  }
0xc1: {  	s30 =	simm.s32 $0xB;
	[sflag:s3] =	ssyncadd.s32 $0xFFFFB000;
	s0 =	simm.s32 @p2 $0x0  }
0xc2: {  	_ =	swait.ge [sflag:s30], s0  }
0xc3: {  	s0 =	ssub.s32 $0x0, s0;
	[sflag:s30] =	ssyncset.done $0x0  }
0xc4: {  	[sflag:s30] =	ssyncadd.s32 s0  }
0xc5: {  	v1 =	vld [tilespmem:$0xA108];
	_ =	sdelay $0x4  }
0xc6: {  	(v2sf) =	vpush v1, $0x0  }
0xc7: {  	(v2sf) =	vpush v1, $0x1  }
0xc8: {  	(v2sf) =	vpush v1, $0x2;
	_ =	sdelay $0x3  }
0xc9: {  	s0 =	sadd.s32 $0x140, s26  }
0xca: {  	s4 =	ssub.s32 $0xC3500, s26;
	p2 =	slt.s32 s14, s0  }
0xcb: {  	s0 =	smov.u32 @p2 s14;
	p2 =	sgt.s32 s4, $0x0  }
0xcc: {  	s0 =	ssub.s32 s0, s26;
	s4 =	simm.s32 @!p2 $0x0  }
0xcd: {  	p2 =	slt.s32 s4, s0  }
0xce: {  	s0 =	smov.u32 @p2 s4  }
0xcf: {  	s2 =	simm.s32 $0x1;
	p2 =	slt.s32 s0, $0x1  }
.Ltmp6:
0xd0: {  	s2 =	simm.s32 @!p1 $0x0;
	(pc) =	sbr.rel @p2 .LBB2_12-.Ltmp6, $4  }
0xd1: {  	s7 =	smul.u32 $0x500, s2  }
0xd2: {  	s3 =	spop (v2sf)  }
0xd3: {  	s31 =	sshrl.u32 s7, $0x2;
	s5 =	spop (v2sf)  }
0xd4: {  	s28 =	sadd.s32 $0xAD08, s31;
	s26 =	spop (v2sf)  }
0xd5: {  	s4 =	smin.u32 s0, $0x10  }
0xd6: {  	v1 =	vmov s4  }
0xd7: {  	p3 =	sgt.s32 s0, $0x10;
	vm1 =	vgt.u32 v1, v0  }
.Ltmp7:
0xd8: {  	_ = 	snop;
	(pc) =	sbr.rel @!p3 .LBB2_11-.Ltmp7, $2  }
0xd9: {  	_ =	sdelay $0x2  }
0xda: {  	s9 =	simm.s32 $0x10;
	s10 =	sadd.s32 $0xFFFFFFF0, s0;
	s4 =	smov.u32 s28;
	vm0 =	vmmov vm1  }
.LBB2_10:
0xdb: {  	s7 =	smin.u32 s10, $0x10;
	s9 =	sadd.s32 $0x10, s9;
	v1 =	vld.msk [tilespmem:s4+$0x0 ss:$0x1], vm1  }
0xdc: {  	v2 =	vmov s7;
	p3 =	slt.s32 s9, s0  }
0xdd: {  	vm1 =	vgt.u32 v2, v0  }
.Ltmp8:
0xde: {  	(pc) =	sbr.rel @p3 .LBB2_10-.Ltmp8, $3  }
0xdf: {  	_ =	sdelay $0x1  }
0xe0: {  	v1 =	vshll.u32 v1, $0x4  }
0xe1: {  	s10 =	sadd.s32 $0xFFFFFFF0, s10;
	[tilespmem:s4+$0x0] =	vst.msk vm0, v1;
	s4 =	sadd.s32 $0x10, s4;
	vm0 =	vmmov vm1  }
.LBB2_11:
0xe2: {  	_ =	sdelay $0x4  }
0xe3: {  	v1 =	vld.msk [tilespmem:s4+$0x0 ss:$0x1], vm1;
	_ =	sdelay $0x4  }
0xe4: {  	v1 =	vshll.u32 v1, $0x4  }
0xe5: {  	[tilespmem:s4+$0x0] =	vst.msk vm0, v1  }
.LBB2_12:
0xe6: {  	s4 =	sand.u32 $0x1, s25  }
0xe7: {  	s4 =	smul.u32 $0x140, s4  }
0xe8: {  	p3 =	sne.s32 s5, $0xFFFFFFFF  }
0xe9: {  	v1 =	vld.msk @!p3 [tilespmem:s4+$0xAD08], $0x1;
	_ =	sdelay $0x4  }
0xea: {  	(v2sf) =	vpush @!p3 v1, $0x0;
	_ =	sdelay $0xc  }
.Ltmp9:
0xeb: {  	_ = 	snop;
	(pc) =	sbr.rel @p2 .LBB2_23-.Ltmp9, $4  }
0xec: {  	_ = 	snop  }
0xed: {  	s29 =	spop @!p3 (v2sf)  }
0xee: {  	s31 =	simm.s32 $0xC;
	s26 =	simm.s32 @!p3 $0x0;
	s4 =	smov.u32 s29  }
0xef: {  	[sflag:s31] =	ssyncpa.u1 $0x0;
	s29 =	smov.u32 @p3 s3;
	s4 =	smov.u32 @p3 s5  }
0xf0: {  	v1 =	vld.msk [tilespmem:s28+$0x0], $0x1;
	_ =	sdelay $0x4  }
0xf1: {  	(v2sf) =	vpush v1, $0x0;
	_ =	sdelay $0xe  }
0xf2: {  	s2 =	smul.u32 $0x28000, s2;
	s5 =	spop (v2sf)  }
0xf3: {  	s31 =	ssub.s32 $0x0, s0;
	p2 =	seq.s32 s29, s5  }
0xf4: {  	s3 =	smov.u32 s29;
	s2 =	sshrl.u32 s2, $0x2;
	p3 =	sgt.s32 @!p2 s29, $0x0  }
0xf5: {  	s30 =	sadd.s32 $0xAFA8, s2;
	s2 =	sadd.s32 $0x1, s31;
	p3 =	por !p3, p2  }
0xf6: {  	s3 =	simm.s32 @p3 $0x0;
	p3 =	seq.s32 s2, $0x0  }
.Ltmp10:
0xf7: {  	_ = 	snop;
	(pc) =	sbr.rel @p3 .LBB2_15-.Ltmp10, $4  }
0xf8: {  	_ = 	snop  }
0xf9: {  	s0 =	simm.s32 $0x0;
	s9 =	simm.s32 @!p2 $0x1;
	s3 =	smin.u32 @!p2 s3, $0xC34F8  }
0xfa: {  	s10 =	simm.s32 @!p2 $0x50C8;
	s9 =	smov.u32 @p2 s0;
	s7 =	sand.u32 @!p2 $0xFFFF8, s3  }
0xfb: {  	s16 =	sand.u32 @!p2 $0x7, s3;
	s3 =	sadd.s32 $0x1, s28;
	s11 =	sadd.s32 @!p2 s1, s7  }
.LBB2_14:
0xfc: {  	s7 =	smov.u32 s9  }
0xfd: {  	[tilespmem:s10], [sflag:$0x2] =	stream.linear.gather @!p2 [hbm4b:s11+s16], $0x40, $0x38;
	[tilespmem:$0x1EF88] =	vst v63  }
0xfe: {  	s2 =	sadd.s32 $0x1, s2;
	s8 =	smov.u32 s5;
	v1 =	vld.msk [tilespmem:s3+$0x0], $0x1  }
0xff: {  	p3 =	seq.s32 s2, $0x0;
	_ =	sdelay $0x3  }
0x100: {  	(v2sf) =	vpush v1, $0x0;
	_ =	sdelay $0xe  }
0x101: {  	s5 =	spop (v2sf)  }
0x102: {  	p2 =	seq.s32 s8, s5  }
0x103: {  	p4 =	sgt.s32 @!p2 s8, $0x0;
	s10 =	sshll.u32 @!p2 s9, $0x8;
	s9 =	sadd.s32 @!p2 $0x1, s9  }
.Ltmp11:
0x104: {  	p4 =	por !p4, p2;
	s10 =	sshra.s32 @!p2 s10, $0x2;
	(pc) =	sbr.rel @!p3 .LBB2_14-.Ltmp11, $4  }
0x105: {  	s9 =	smov.u32 @p2 s7;
	s8 =	simm.s32 @p4 $0x0;
	s10 =	sadd.s32 @!p2 $0x50C8, s10  }
0x106: {  	s7 =	smin.u32 @!p2 s8, $0xC34F8  }
0x107: {  	s8 =	sand.u32 @!p2 $0xFFFF8, s7;
	s16 =	sand.u32 @!p2 $0x7, s7  }
0x108: {  	s3 =	sadd.s32 $0x1, s3;
	s11 =	sadd.s32 @!p2 s1, s8  }
.LBB2_15:
0x109: {  	[tilespmem:s10], [sflag:$0x2] =	stream.linear.gather @!p2 [hbm4b:s11+s16], $0x40, $0x38;
	[tilespmem:$0x1EF88] =	vst v63  }
.Ltmp12:
0x10a: {  	s2 =	sshll.u32 s9, $0x6;
	(pc) =	sbr.rel .LBB2_16-.Ltmp12, $4  }
0x10b: {  	s3 =	simm.s32 $0x2;
	s2 =	sand.u32 $0x3FFFFFC0, s2  }
0x10c: {  	_ =	swait.ge [sflag:s3], s2  }
0x10d: {  	s2 =	ssub.s32 $0x0, s2;
	[sflag:s3] =	ssyncset.done $0x0  }
0x10e: {  	[sflag:s3] =	ssyncadd.s32 s2;
	s3 =	simm.s32 $0x0  }
.LBB2_17:
0x10f: {  	v1 =	vld [tilespmem:s30+$0xFFFFFFE0];
	_ =	sdelay $0x4  }
0x110: {  	[tilespmem:s5+$0x88] =	vst.add.f32.msk $0xffff, v1  }
0x111: {  	v1 =	vld [tilespmem:s30+$0xFFFFFFF0];
	_ =	sdelay $0x4  }
0x112: {  	[tilespmem:s5+$0x98] =	vst.add.f32.msk $0xffff, v1  }
0x113: {  	v1 =	vld [tilespmem:s30+$0x0];
	_ =	sdelay $0x4  }
0x114: {  	[tilespmem:s5+$0xA8] =	vst.add.f32.msk $0xffff, v1  }
0x115: {  	v1 =	vld [tilespmem:s30+$0x10];
	_ =	sdelay $0x4  }
0x116: {  	[tilespmem:s5+$0xB8] =	vst.add.f32.msk $0xffff, v1  }
.LBB2_21:
0x117: {  	s31 =	sadd.s32 $0x1, s31  }
0x118: {  	p2 =	seq.s32 s31, $0x0  }
.Ltmp13:
0x119: {  	_ = 	snop;
	(pc) =	sbr.rel @p2 .LBB2_22-.Ltmp13, $2  }
0x11a: {  	_ =	sdelay $0x2  }
0x11b: {  	s30 =	sadd.s32 $0x80, s30;
	s28 =	sadd.s32 $0x1, s28;
	s29 =	smov.u32 s2  }
.LBB2_16:
0x11c: {  	v1 =	vld.msk [tilespmem:s28+$0x0], $0x1;
	_ =	sdelay $0x4  }
0x11d: {  	(v2sf) =	vpush v1, $0x0;
	_ =	sdelay $0xe  }
0x11e: {  	s2 =	spop (v2sf)  }
0x11f: {  	p2 =	sne.s32 s29, s2  }
.Ltmp14:
0x120: {  	_ = 	snop;
	(pc) =	sbr.rel @!p2 .LBB2_17-.Ltmp14, $3  }
0x121: {  	_ =	sdelay $0x1  }
0x122: {  	s5 =	sshll.u32 s26, $0x8  }
0x123: {  	s5 =	sshra.s32 s5, $0x2  }
0x124: {  	p2 =	seq.s32 s29, s4  }
.Ltmp15:
0x125: {  	_ = 	snop;
	(pc) =	sbr.rel @!p2 .LBB2_19-.Ltmp15, $1  }
0x126: {  	_ =	sdelay $0x3  }
.Ltmp16:
0x127: {  	s5 =	sadd.s32 $0x88, s5;
	(pc) =	sbr.rel .LBB2_20-.Ltmp16, $4  }
0x128: {  	[spmem:s18] =	stream.linear.scatter [tilespmem:s5], [sflag:$0x1], $0x40, $0x38;
	[tilespmem:$0x1EF88] =	vst v63  }
0x129: {  	_ =	swait.ge [sflag:s13], $0x40  }
0x12a: {  	[sflag:s13] =	ssyncset.done $0x0  }
0x12b: {  	[sflag:s13] =	ssyncadd.s32 $0xFFFFFFC0  }
.LBB2_19:
0x12c: {  	s7 =	sshll.u32 s0, $0x8  }
0x12d: {  	s7 =	sshra.s32 s7, $0x2  }
0x12e: {  	v1 =	vld [tilespmem:s7+$0x50C8];
	_ =	sdelay $0x4  }
0x12f: {  	[tilespmem:s5+$0x88] =	vst.add.f32.msk $0xffff, v1  }
0x130: {  	v1 =	vld [tilespmem:s7+$0x50D8];
	_ =	sdelay $0x4  }
0x131: {  	[tilespmem:s5+$0x98] =	vst.add.f32.msk $0xffff, v1  }
0x132: {  	v1 =	vld [tilespmem:s7+$0x50E8];
	_ =	sdelay $0x4  }
0x133: {  	[tilespmem:s5+$0xA8] =	vst.add.f32.msk $0xffff, v1  }
0x134: {  	v1 =	vld [tilespmem:s7+$0x50F8];
	_ =	sdelay $0x2  }
0x135: {  	p2 =	sgt.u32 s29, $0xC34F8  }
0x136: {  	s7 =	sand.u32 @!p2 $0xFFFF8, s29  }
0x137: {  	s8 =	sadd.s32 $0x88, s5;
	[tilespmem:s5+$0xB8] =	vst.add.f32.msk $0xffff, v1;
	s5 =	sadd.s32 @!p2 s1, s7;
	s7 =	sand.u32 @!p2 $0x7, s29  }
0x138: {  	[hbm4b:s5+s7] =	stream.linear.scatter @!p2 [tilespmem:s8], [sflag:$0xC], $0x40, $0x38;
	[tilespmem:$0x1EF88] =	vst v63  }
0x139: {  	s5 =	simm.s32 $0x0  }
0x13a: {  	s5 =	simm.s32 @!p2 $0x100  }
0x13b: {  	s3 =	sadd.s32 s5, s3  }
.LBB2_20:
0x13c: {  	s5 =	sadd.s32 $0x1, s26  }
0x13d: {  	s7 =	smulhi.u32 $0xCCCCCCCD, s5;
	_ =	sdelay $0x1  }
0x13e: {  	v1 =	vld [tilespmem:s30+$0xFFFFFFE0];
	s7 =	sshrl.u32 s7, $0x8  }
0x13f: {  	s7 =	smul.u32 $0x140, s7;
	_ =	sdelay $0x1  }
0x140: {  	s26 =	ssub.s32 s5, s7  }
0x141: {  	s5 =	sshll.u32 s26, $0x6  }
0x142: {  	[tilespmem:s5+$0x88] =	vst v1  }
0x143: {  	v1 =	vld [tilespmem:s30+$0xFFFFFFF0];
	_ =	sdelay $0x4  }
0x144: {  	[tilespmem:s5+$0x98] =	vst v1  }
0x145: {  	v1 =	vld [tilespmem:s30+$0x0];
	_ =	sdelay $0x4  }
0x146: {  	[tilespmem:s5+$0xA8] =	vst v1  }
0x147: {  	v1 =	vld [tilespmem:s30+$0x10]  }
.Ltmp17:
0x148: {  	_ = 	snop;
	(pc) =	sbr.rel .LBB2_21-.Ltmp17, $2  }
0x149: {  	_ =	sdelay $0x2  }
0x14a: {  	s0 =	sadd.s32 $0x1, s0;
	[tilespmem:s5+$0xB8] =	vst v1  }
.LBB2_23:
.Ltmp18:
0x14b: {  	(pc) =	sbr.rel .LBB2_24-.Ltmp18, $4  }
0x14c: {  	_ = 	snop  }
0x14d: {  	s0 =	simm.s32 $0x2  }
0x14e: {  	_ =	swait.ge [sflag:s0], $0x0  }
0x14f: {  	s2 =	smov.u32 s29;
	[sflag:s0] =	ssyncset.done $0x0;
	s0 =	simm.s32 $0x0  }
.LBB2_26:
0x150: {  	_ =	sfence.sel $0x180000  }
0x151: {  	s0 =	simm.s32 $0x9;
	[bflag:$0x0] =	sbarrier.arrive $0xFFFF  }
0x152: {  	s24 =	simm.s32 $0xA;
	[sflag:s0] =	ssyncpa.u1 $0x1  }
0x153: {  	s25 =	simm.s32 $0xB;
	[sflag:s24] =	ssyncpa.u1 $0x1  }
0x154: {  	s26 =	simm.s32 $0x2;
	[sflag:s25] =	ssyncpa.u1 $0x1  }
0x155: {  	[sflag:s26] =	ssyncpa.u1 $0x1  }
0x156: {  	v0 =	vld [tilespmem:$0xA108];
	_ =	sdelay $0x4  }
0x157: {  	(v2sf) =	vpush v0, $0x0  }
0x158: {  	(v2sf) =	vpush v0, $0x1;
	_ =	sdelay $0x1  }
0x159: {  	(v2sf) =	vpush v0, $0x2;
	_ =	sdelay $0xb  }
0x15a: {  	s0 =	spop (v2sf)  }
0x15b: {  	s2 =	spop (v2sf)  }
0x15c: {  	s3 =	smov.u32 s0;
	p0 =	sne.s32 s0, s2  }
0x15d: {  	s4 =	spop (v2sf);
	s3 =	simm.s32 @!p0 $0xFFFFFFFF  }
0x15e: {  	v2 =	vimm.s32 $0x1;
	v3 =	vlaneseq.u32;
	p0 =	seq.s32 s4, $0xFFFFFFFF;
	v1 =	vmov s3  }
0x15f: {  	s14 =	stileid.u32;
	v0 =	vperm.xlane v0, v2;
	p1 =	sne.s32 @!p0 s0, s2;
	v1 =	vperm.xlane v1, v3  }
0x160: {  	vm0 =	vcmask $0x3F04;
	s6 =	simm.s32 $0xA108;
	s0 =	simm.s32 @!p0 $0x1;
	p1 =	por !p1, p0  }
0x161: {  	s3 =	sshll.u32 s14, $0x1;
	s2 =	sshll.u32 @!p0 s4, $0x8;
	s0 =	simm.s32 @p1 $0x0;
	v0 =	vsel vm0, v1, v0  }
0x162: {  	s5 =	sor.u32 $0x800, s3;
	s2 =	sshra.s32 @!p0 s2, $0x2;
	s0 =	sor.u32 @!p0 s0, s3;
	[tilespmem:$0xA108] =	vst v0  }
0x163: {  	[spmem:s5] =	stream.linear.scatter [tilespmem:s6], [sflag:$0x1], $0x2, $0x38;
	[tilespmem:$0x1EF88] =	vst v63  }
0x164: {  	s2 =	sadd.s32 @!p0 $0x88, s2;
	s0 =	sshll.u32 @!p0 s0, $0x6  }
0x165: {  	[spmem:s0] =	stream.linear.scatter @!p0 [tilespmem:s2], [sflag:$0x1], $0x40, $0x38;
	[tilespmem:$0x1EF88] =	vst v63  }
0x166: {  	s0 =	simm.s32 @!p0 $0x42  }
0x167: {  	s28 =	simm.s32 $0x1;
	s0 =	simm.s32 @p0 $0x2  }
0x168: {  	_ =	swait.ge [sflag:s28], s0  }
0x169: {  	s0 =	ssub.s32 $0x0, s0;
	[sflag:s28] =	ssyncset.done $0x0  }
0x16a: {  	p0 =	sne.s32 s14, $0x0;
	[sflag:s28] =	ssyncadd.s32 s0  }
.Ltmp19:
0x16b: {  	_ =	sfence.stream.spmem;
	(pc) =	sbr.rel @p0 .LBB2_43-.Ltmp19, $4  }
0x16c: {  	s29 =	simm.s32 $0x3;
	[bflag:$0x0] =	sbarrier.arrive $0xFFFF  }
0x16d: {  	s30 =	simm.s32 $0x4;
	[sflag:s29] =	ssyncpa.u1 $0x1  }
0x16e: {  	s31 =	simm.s32 $0x3C;
	[sflag:s30] =	ssyncpa.u1 $0x1  }
0x16f: {  	s13 =	rddreg [dreg:$0x4];
	[sflag:s31] =	ssyncpa.u1 $0x1  }
0x170: {  	_ =	sfence.stream.spmem;
	s0 =	simm.s32 $0x5  }
0x171: {  	s2 =	simm.s32 $0x800;
	s3 =	simm.s32 $0xA118;
	[sflag:s0] =	ssyncpa.u1 $0x0  }
0x172: {  	[tilespmem:s3], [sflag:$0x5] =	stream.linear.gather [spmem:s2], $0x20, $0x38;
	[tilespmem:$0x1EF88] =	vst v63  }
0x173: {  	s26 =	simm.s32 $0x0;
	s28 =	simm.s32 $0xA138  }
0x174: {  	[tilespmem:s28], [sflag:$0x5] =	stream.linear.gather [spmem:s26], $0x800, $0x38;
	[tilespmem:$0x1EF88] =	vst v63  }
0x175: {  	_ =	swait.ge [sflag:s0], $0x820  }
0x176: {  	[sflag:s0] =	ssyncset.done $0x0  }
0x177: {  	s29 =	simm.s32 $0x0;
	[sflag:s0] =	ssyncadd.s32 $0xFFFFF7E0  }
0x178: {  	v0 =	vld.msk [tilespmem:s29+$0xA118], $0x1;
	_ =	sdelay $0x1  }
0x179: {  	s30 =	simm.s32 $0x1  }
0x17a: {  	v1 =	vld.msk [tilespmem:s30+$0xA118], $0x1;
	_ =	sdelay $0x1  }
0x17b: {  	(v2sf) =	vpush v0, $0x0;
	_ =	sdelay $0x2  }
0x17c: {  	(v2sf) =	vpush v1, $0x0;
	_ =	sdelay $0x2  }
0x17d: {  	s31 =	simm.s32 $0x2  }
0x17e: {  	v0 =	vld.msk [tilespmem:s31+$0xA118], $0x1;
	_ =	sdelay $0x2  }
0x17f: {  	s2 =	simm.s32 $0xFFFFFFFF;
	s3 =	simm.s32 $0xFFFFFFFF;
	s0 =	simm.s32 $0xC  }
.LBB2_28:
0x180: {  	s4 =	smov.u32 s3;
	s5 =	smov.u32 s2  }
0x181: {  	s2 =	sshra.s32 s0, $0x2;
	p1 =	sne.s32 s0, $0x7C;
	s0 =	sadd.s32 $0x4, s0;
	(v2sf) =	vpush v0, $0x0  }
0x182: {  	v0 =	vld.msk [tilespmem:s2+$0xA118], $0x1  }
.Ltmp20:
0x183: {  	(pc) =	sbr.rel @p1 .LBB2_28-.Ltmp20, $4  }
0x184: {  	s3 =	spop (v2sf)  }
0x185: {  	p2 =	sne.s32 s5, $0xFFFFFFFF;
	s2 =	smov.u32 s3  }
0x186: {  	p3 =	seq.s32 s3, $0xFFFFFFFF;
	s2 =	smov.u32 @p2 s5  }
0x187: {  	s3 =	smov.u32 @p3 s4;
	s2 =	smov.u32 @p3 s5  }
0x188: {  	(v2sf) =	vpush v0, $0x0;
	_ =	sdelay $0x8  }
0x189: {  	s0 =	spop (v2sf)  }
0x18a: {  	p1 =	sne.s32 s2, $0xFFFFFFFF;
	s4 =	smov.u32 s0  }
0x18b: {  	s6 =	simm.s32 $0x0;
	p2 =	seq.s32 s0, $0xFFFFFFFF;
	s4 =	smov.u32 @p1 s2  }
0x18c: {  	s9 =	simm.s32 $0xA0C8;
	s4 =	smov.u32 @p2 s2;
	s2 =	spop (v2sf)  }
0x18d: {  	s0 =	smov.u32 @p2 s3;
	p1 =	sne.s32 s4, $0xFFFFFFFF;
	s5 =	smov.u32 s2  }
.Ltmp21:
0x18e: {  	p2 =	seq.s32 s2, $0xFFFFFFFF;
	s5 =	smov.u32 @p1 s4;
	(pc) =	sbr.rel .LBB2_30-.Ltmp21, $4  }
0x18f: {  	s10 =	simm.s32 $0x0;
	s5 =	smov.u32 @p2 s4;
	s7 =	spop (v2sf)  }
0x190: {  	s2 =	smov.u32 @p2 s0;
	p1 =	sne.s32 s5, $0xFFFFFFFF;
	s8 =	smov.u32 s7  }
0x191: {  	s0 =	simm.s32 $0x6;
	p2 =	seq.s32 s7, $0xFFFFFFFF;
	s8 =	smov.u32 @p1 s5  }
0x192: {  	[sflag:s0] =	ssyncpa.u1 $0x0;
	s7 =	smov.u32 @p2 s2;
	s8 =	smov.u32 @p2 s5  }
.LBB2_36:
0x193: {  	p1 =	sgt.u32 s2, $0xC34F8  }
0x194: {  	p2 =	seq.s32 @!p1 s2, s8  }
0x195: {  	p1 =	por p1, p2  }
0x196: {  	p2 =	sne.s32 @!p1 s2, s7  }
0x197: {  	p1 =	por p1, !p2  }
0x198: {  	s2 =	sshll.u32 @p1 s10, $0x8  }
0x199: {  	s3 =	sand.u32 @!p1 $0xFFFF8, s2  }
0x19a: {  	s2 =	sand.u32 @!p1 $0x7, s2;
	s3 =	sadd.s32 @!p1 s1, s3  }
0x19b: {  	[tilespmem:s9], [sflag:$0x6] =	stream.linear.gather @!p1 [hbm4b:s3+s2], $0x40, $0x38;
	[tilespmem:$0x1EF88] =	vst v63  }
0x19c: {  	_ =	swait.ge @!p1 [sflag:s0], $0x40  }
0x19d: {  	[sflag:s0] =	ssyncset.done @!p1 $0x0  }
0x19e: {  	[sflag:s0] =	ssyncadd.s32 @!p1 $0xFFFFFFC0  }
0x19f: {  	v1 =	vld @!p1 [tilespmem:$0xA0C8];
	_ =	sdelay $0x2  }
0x1a0: {  	s2 =	sshll.u32 @!p1 s10, $0x8  }
0x1a1: {  	s3 =	sshrl.u32 @!p1 s2, $0x2  }
0x1a2: {  	[tilespmem:s3+$0xA138] =	vst.add.f32.msk @!p1 $0xffff, v1  }
0x1a3: {  	v1 =	vld @!p1 [tilespmem:$0xA0D8];
	_ =	sdelay $0x4  }
0x1a4: {  	[tilespmem:s3+$0xA148] =	vst.add.f32.msk @!p1 $0xffff, v1  }
0x1a5: {  	v1 =	vld @!p1 [tilespmem:$0xA0E8];
	_ =	sdelay $0x4  }
0x1a6: {  	[tilespmem:s3+$0xA158] =	vst.add.f32.msk @!p1 $0xffff, v1  }
0x1a7: {  	v1 =	vld @!p1 [tilespmem:$0xA0F8];
	_ =	sdelay $0x4  }
0x1a8: {  	[tilespmem:s3+$0xA168] =	vst.add.f32.msk @!p1 $0xffff, v1  }
0x1a9: {  	s2 =	sshrl.u32 s2, $0x2;
	[tilespmem:s6+$0xA118] =	vst.msk $0x1, v0  }
0x1aa: {  	v0 =	vld [tilespmem:s2+$0xA138];
	_ =	sdelay $0x2  }
0x1ab: {  	s31 =	sshll.u32 s6, $0x8  }
0x1ac: {  	s3 =	sshra.s32 s31, $0x2  }
0x1ad: {  	[tilespmem:s3+$0xA138] =	vst v0  }
0x1ae: {  	v0 =	vld [tilespmem:s2+$0xA148];
	_ =	sdelay $0x4  }
0x1af: {  	[tilespmem:s3+$0xA148] =	vst v0  }
0x1b0: {  	v0 =	vld [tilespmem:s2+$0xA158];
	_ =	sdelay $0x4  }
0x1b1: {  	[tilespmem:s3+$0xA158] =	vst v0  }
0x1b2: {  	v0 =	vld [tilespmem:s2+$0xA168];
	_ =	sdelay $0x4  }
0x1b3: {  	s6 =	sadd.s32 $0x1, s6;
	[tilespmem:s3+$0xA168] =	vst v0  }
.LBB2_37:
0x1b4: {  	s10 =	sadd.s32 $0x1, s10  }
0x1b5: {  	p1 =	sne.s32 s10, $0x20  }
.Ltmp22:
0x1b6: {  	_ = 	snop;
	(pc) =	sbr.rel @!p1 .LBB2_38-.Ltmp22, $1  }
0x1b7: {  	_ =	sdelay $0x3  }
.LBB2_30:
0x1b8: {  	v0 =	vld.msk [tilespmem:s10+$0xA118], $0x1;
	_ =	sdelay $0x4  }
0x1b9: {  	(v2sf) =	vpush v0, $0x0;
	_ =	sdelay $0xe  }
0x1ba: {  	s2 =	spop (v2sf)  }
0x1bb: {  	p1 =	seq.s32 s2, $0xFFFFFFFF  }
.Ltmp23:
0x1bc: {  	_ = 	snop;
	(pc) =	sbr.rel @p1 .LBB2_37-.Ltmp23, $1  }
0x1bd: {  	_ =	sdelay $0x3  }
0x1be: {  	p1 =	slt.s32 s6, $0x1  }
.Ltmp24:
0x1bf: {  	_ = 	snop;
	(pc) =	sbr.rel @p1 .LBB2_36-.Ltmp24, $1  }
0x1c0: {  	_ =	sdelay $0x3  }
0x1c1: {  	s3 =	simm.s32 $0xA118;
	p1 =	por $0x0, $0x0  }
0x1c2: {  	v1 =	vld.msk @!p1 [tilespmem:s3+$0x0], $0x1;
	_ =	sdelay $0x4  }
0x1c3: {  	(v2sf) =	vpush @!p1 v1, $0x0;
	_ =	sdelay $0xd  }
0x1c4: {  	p3 =	sne.s32 s6, $0x1  }
.Ltmp25:
0x1c5: {  	s4 =	spop @!p1 (v2sf);
	(pc) =	sbr.rel @!p3 .LBB2_34-.Ltmp25, $4  }
0x1c6: {  	p2 =	seq.s32 @!p1 s2, s4  }
0x1c7: {  	s4 =	simm.s32 $0x0;
	p2 =	por !p2, p1  }
0x1c8: {  	s11 =	simm.s32 $0xFFFFFFFF;
	s4 =	simm.s32 @p2 $0xFFFFFFFF  }
0x1c9: {  	s5 =	simm.s32 $0x1;
	s4 =	smov.u32 @p1 s11  }
.LBB2_33:
0x1ca: {  	s11 =	smov.u32 s4;
	p1 =	sne.s32 s4, $0xFFFFFFFF  }
0x1cb: {  	s3 =	sadd.s32 $0x1, s3;
	s4 =	smov.u32 s5;
	s5 =	sadd.s32 $0x1, s5  }
0x1cc: {  	p2 =	sne.s32 s6, s5;
	v1 =	vld.msk @!p1 [tilespmem:s3+$0x0], $0x1;
	_ =	sdelay $0x4  }
0x1cd: {  	(v2sf) =	vpush @!p1 v1, $0x0;
	_ =	sdelay $0xe  }
.Ltmp26:
0x1ce: {  	s12 =	spop @!p1 (v2sf);
	(pc) =	sbr.rel @p2 .LBB2_33-.Ltmp26, $4  }
0x1cf: {  	p3 =	seq.s32 @!p1 s2, s12  }
0x1d0: {  	p3 =	por !p3, p1  }
0x1d1: {  	s4 =	simm.s32 @p3 $0xFFFFFFFF  }
0x1d2: {  	s4 =	smov.u32 @p1 s11  }
.LBB2_34:
0x1d3: {  	p1 =	seq.s32 s4, $0xFFFFFFFF  }
.Ltmp27:
0x1d4: {  	_ = 	snop;
	(pc) =	sbr.rel @p1 .LBB2_36-.Ltmp27, $1  }
0x1d5: {  	_ =	sdelay $0x3  }
0x1d6: {  	s2 =	sshll.u32 s10, $0x6  }
0x1d7: {  	s2 =	sand.u32 $0x3FFFFFC0, s2  }
0x1d8: {  	v0 =	vld [tilespmem:s2+$0xA138];
	_ =	sdelay $0x2  }
0x1d9: {  	s3 =	sshll.u32 s4, $0x8  }
0x1da: {  	s3 =	sshra.s32 s3, $0x2  }
0x1db: {  	[tilespmem:s3+$0xA138] =	vst.add.f32.msk $0xffff, v0  }
0x1dc: {  	v0 =	vld [tilespmem:s2+$0xA148];
	_ =	sdelay $0x4  }
0x1dd: {  	[tilespmem:s3+$0xA148] =	vst.add.f32.msk $0xffff, v0  }
0x1de: {  	v0 =	vld [tilespmem:s2+$0xA158];
	_ =	sdelay $0x4  }
0x1df: {  	[tilespmem:s3+$0xA158] =	vst.add.f32.msk $0xffff, v0  }
0x1e0: {  	v0 =	vld [tilespmem:s2+$0xA168]  }
.Ltmp28:
0x1e1: {  	_ = 	snop;
	(pc) =	sbr.rel .LBB2_37-.Ltmp28, $2  }
0x1e2: {  	_ =	sdelay $0x2  }
0x1e3: {  	[tilespmem:s3+$0xA168] =	vst.add.f32.msk $0xffff, v0  }
.LBB2_38:
0x1e4: {  	s0 =	simm.s32 $0x6;
	p1 =	seq.s32 s6, $0x0  }
0x1e5: {  	[sflag:s0] =	ssyncpa.u1 $0x1;
	v0 =	vimm.s32 @p1 $0xFFFFFFFF  }
0x1e6: {  	s0 =	sadd.s32 $0xFFFFFFFF, s6;
	[tilespmem:$0xA938] =	vst @p1 v0  }
0x1e7: {  	v0 =	vld.msk @!p1 [tilespmem:s0+$0xA118], $0x1;
	_ =	sdelay $0x1  }
0x1e8: {  	v1 =	vld.msk @!p1 [tilespmem:$0xA118], $0x1;
	_ =	sdelay $0x2  }
0x1e9: {  	p2 =	seq.s32 @!p1 s0, $0x0;
	v0 =	vbroadcast @!p1 v0, $0x0  }
0x1ea: {  	vm0 =	vmmov @!p1 $0x1;
	p2 =	por !p2, p1  }
0x1eb: {  	v1 =	vnsel @!p1 vm0, $0xFFFFFFFF, v1;
	vm0 =	vcmask @!p1 $0x308;
	v0 =	vpsel !p2, $0xFFFFFFFF, v0  }
0x1ec: {  	p2 =	sne.s32 @!p1 s8, s7;
	v0 =	vsel @!p1 vm0, v1, v0  }
0x1ed: {  	s2 =	simm.s32 @!p1 $0xA138;
	s3 =	simm.s32 @!p1 $0x0;
	p3 =	por !p2, p1;
	[tilespmem:$0xA938] =	vst @!p1 v0  }
0x1ee: {  	[spmem:s3] =	stream.linear.scatter @!p1 [tilespmem:s2], [sflag:$0x1], $0x40, $0x38;
	[tilespmem:$0x1EF88] =	vst v63  }
0x1ef: {  	s2 =	sshll.u32 @!p3 s0, $0x8  }
0x1f0: {  	s2 =	sshra.s32 @!p3 s2, $0x2  }
0x1f1: {  	s3 =	simm.s32 @!p3 $0x40;
	s2 =	sadd.s32 @!p3 $0xA138, s2  }
0x1f2: {  	[spmem:s3] =	stream.linear.scatter @!p3 [tilespmem:s2], [sflag:$0x1], $0x40, $0x38;
	[tilespmem:$0x1EF88] =	vst v63  }
0x1f3: {  	s2 =	simm.s32 @!p3 $0x1  }
0x1f4: {  	_ =	swait.ge @!p3 [sflag:s2], $0x80  }
0x1f5: {  	p1 =	por p2, p1;
	[sflag:s2] =	ssyncset.done @!p3 $0x0  }
0x1f6: {  	[sflag:s2] =	ssyncadd.s32 @!p3 $0xFFFFFF80;
	s2 =	simm.s32 @!p1 $0x1  }
0x1f7: {  	_ =	swait.ge @!p1 [sflag:s2], $0x40  }
0x1f8: {  	s29 =	simm.s32 $0xA938;
	[sflag:s2] =	ssyncset.done @!p1 $0x0  }
0x1f9: {  	s30 =	simm.s32 $0x800;
	s31 =	simm.s32 $0x1;
	[sflag:s2] =	ssyncadd.s32 @!p1 $0xFFFFFFC0  }
0x1fa: {  	[spmem:s30] =	stream.linear.scatter [tilespmem:s29], [sflag:$0x1], $0x10, $0x38;
	[tilespmem:$0x1EF88] =	vst v63  }
0x1fb: {  	_ =	swait.ge [sflag:s31], $0x10  }
0x1fc: {  	[sflag:s31] =	ssyncset.done $0x0  }
0x1fd: {  	p1 =	seq.s32 s13, $0x0;
	s9 =	rddreg [dreg:$0x1];
	[sflag:s31] =	ssyncadd.s32 $0xFFFFFFF0  }
0x1fe: {  	s3 =	sshll.u32 @p1 s9, $0xE;
	s8 =	rddreg [dreg:$0x2]  }
0x1ff: {  	s2 =	sadd.s32 @p1 $0x15C3C, s3;
	s3 =	sshll.u32 @p1 s8, $0x11  }
0x200: {  	_ =	sfence.stream.spmem;
	s2 =	sor.u32 @p1 s3, s2  }
0x201: {  	[sflag:s2] =	ssyncadd.remote.s32 @p1 $0x1;
	s2 =	simm.s32 @p1 $0x4  }
0x202: {  	s4 =	simm.s32 @!p1 $0x3C;
	s3 =	sand.u32 $0xFFFFFFFE, s9;
	_ =	swait.ge @p1 [sflag:s2], $0x12  }
0x203: {  	s5 =	simm.s32 @!p1 $0x0;
	s3 =	sadd.s32 @!p1 $0x4, s3;
	[sflag:s2] =	ssyncset.done @p1 $0x0  }
0x204: {  	s7 =	simm.s32 @!p1 $0x80;
	[sflag:s2] =	ssyncadd.s32 @p1 $0xFFFFFFEE;
	s2 =	sshll.u32 @!p1 s3, $0x1A  }
0x205: {  	s3 =	sshll.u32 @!p1 s3, $0xD;
	s2 =	sor.u32 @!p1 s2, s8;
	_ =	swait.eq @!p1 [sflag:s4], $0x1  }
0x206: {  	s3 =	sor.u32 @!p1 $0x1C04, s3;
	s4 =	simm.s32 @!p1 $0x1C03;
	s2 =	sor.u32 @!p1 $0x80004000, s2  }
0x207: {  	[spmem:s7], [sflag:s3] =	dma.general @!p1 [spmem:s5], [sflag:s4], length:$0x10, [dreg:$0x0], stride_count:$0x0, ici_dest:s2, dma_misc:DstOpCode:WRITE  }
0x208: {  	p2 =	slt.s32 s0, $0x2;
	s5 =	simm.s32 @!p1 $0x100;
	s7 =	simm.s32 @!p1 $0x102  }
0x209: {  	[spmem:s7], [sflag:s3] =	dma.general @!p1 [spmem:s5], [sflag:s4], length:$0x2, [dreg:$0x0], stride_count:$0x0, ici_dest:s2, dma_misc:DstOpCode:WRITE  }
.Ltmp29:
0x20a: {  	s2 =	simm.s32 @!p1 $0x3;
	(pc) =	sbr.rel @p2 .LBB2_42-.Ltmp29, $4  }
0x20b: {  	s3 =	sshll.u32 @!p1 s9, $0xE;
	_ =	swait.ge @!p1 [sflag:s2], $0x12  }
0x20c: {  	s4 =	sshll.u32 @!p1 s8, $0x11;
	s3 =	sadd.s32 @!p1 $0x11C3C, s3;
	[sflag:s2] =	ssyncset.done @!p1 $0x0  }
0x20d: {  	[sflag:s2] =	ssyncadd.s32 @!p1 $0xFFFFFFEE;
	s2 =	sor.u32 @!p1 s4, s3  }
0x20e: {  	s0 =	simm.s32 $0x0;
	[sflag:s2] =	ssyncadd.remote.s32 @!p1 $0xFFFFFFFF  }
0x20f: {  	s0 =	simm.s32 $0xA119  }
0x210: {  	v0 =	vld.msk [tilespmem:s0+$0x0], $0x1;
	_ =	sdelay $0x4  }
0x211: {  	(v2sf) =	vpush v0, $0x0;
	_ =	sdelay $0xc  }
0x212: {  	s2 =	sadd.s32 $0xFFFFFFFE, s6  }
0x213: {  	s2 =	sadd.s32 $0xFFFFFFFF, s2  }
0x214: {  	p2 =	sne.s32 s2, $0x0;
	s3 =	spop (v2sf)  }
.Ltmp30:
0x215: {  	p1 =	sgt.u32 s3, $0xC34F8;
	(pc) =	sbr.rel @!p2 .LBB2_41-.Ltmp30, $4  }
0x216: {  	s5 =	simm.s32 $0x0;
	s4 =	sand.u32 @!p1 $0xFFFF8, s3  }
0x217: {  	s0 =	simm.s32 $0xA178;
	s3 =	sand.u32 @!p1 $0x7, s3;
	s4 =	sadd.s32 @!p1 s1, s4  }
0x218: {  	[hbm4b:s4+s3] =	stream.linear.scatter @!p1 [tilespmem:s0], [sflag:$0x5], $0x40, $0x38;
	[tilespmem:$0x1EF88] =	vst v63  }
0x219: {  	s5 =	simm.s32 @!p1 $0x100;
	s3 =	simm.s32 $0x0;
	s4 =	simm.s32 $0xA11A  }
.LBB2_40:
0x21a: {  	v0 =	vld.msk [tilespmem:s4+$0x0], $0x1;
	s2 =	sadd.s32 $0xFFFFFFFF, s2;
	s3 =	sadd.s32 s3, s5  }
0x21b: {  	p1 =	sne.s32 s2, $0x0;
	_ =	sdelay $0x3  }
0x21c: {  	(v2sf) =	vpush v0, $0x0;
	_ =	sdelay $0xe  }
.Ltmp31:
0x21d: {  	s6 =	spop (v2sf);
	(pc) =	sbr.rel @p1 .LBB2_40-.Ltmp31, $4  }
0x21e: {  	s5 =	simm.s32 $0x0;
	p2 =	sgt.u32 s6, $0xC34F8  }
0x21f: {  	s0 =	sadd.s32 $0x40, s0;
	s5 =	simm.s32 @!p2 $0x100;
	s7 =	sand.u32 @!p2 $0xFFFF8, s6  }
0x220: {  	s4 =	sadd.s32 $0x1, s4;
	s6 =	sand.u32 @!p2 $0x7, s6;
	s7 =	sadd.s32 @!p2 s1, s7  }
0x221: {  	[hbm4b:s7+s6] =	stream.linear.scatter @!p2 [tilespmem:s0], [sflag:$0x5], $0x40, $0x38;
	[tilespmem:$0x1EF88] =	vst v63  }
.LBB2_41:
0x222: {  	s0 =	sadd.s32 s3, s5  }
0x223: {  	s0 =	sshrl.u32 s0, $0x2  }
.LBB2_42:
0x224: {  	s2 =	simm.s32 $0x5  }
0x225: {  	_ =	swait.ge [sflag:s2], s0  }
0x226: {  	s31 =	ssub.s32 $0x0, s0;
	[sflag:s2] =	ssyncset.done $0x0  }
0x227: {  	[sflag:s2] =	ssyncadd.s32 s31  }
0x228: {  	[sflag:s2] =	ssyncpa.u1 $0x1  }
.LBB2_43:
0x229: {  	s0 =	sor.u32 s13, s14  }
0x22a: {  	p1 =	sne.s32 s0, $0x0  }
.Ltmp32:
0x22b: {  	_ = 	snop;
	(pc) =	sbr.rel @p1 .LBB2_58-.Ltmp32, $3  }
0x22c: {  	_ =	sdelay $0x1  }
0x22d: {  	[bflag:$0x0] =	sbarrier.arrive $0xFFFF  }
0x22e: {  	_ =	sfence  }
0x22f: {  	s2 =	simm.s32 $0x7  }
0x230: {  	s0 =	simm.s32 $0x800;
	s3 =	simm.s32 $0xA118;
	[sflag:s2] =	ssyncpa.u1 $0x0  }
0x231: {  	[tilespmem:s3], [sflag:$0x7] =	stream.linear.gather [spmem:s0], $0x20, $0x38;
	[tilespmem:$0x1EF88] =	vst v63  }
0x232: {  	s30 =	simm.s32 $0xA138;
	s0 =	simm.s32 $0x0  }
0x233: {  	[tilespmem:s30], [sflag:$0x7] =	stream.linear.gather [spmem:s0], $0x800, $0x38;
	[tilespmem:$0x1EF88] =	vst v63  }
.Ltmp33:
0x234: {  	_ = 	snop;
	(pc) =	sbr.rel .LBB2_45-.Ltmp33, $4  }
0x235: {  	_ =	swait.ge [sflag:s2], $0x820  }
0x236: {  	[sflag:s2] =	ssyncset.done $0x0  }
0x237: {  	s31 =	simm.s32 $0x8;
	[sflag:s2] =	ssyncadd.s32 $0xFFFFF7E0  }
0x238: {  	s2 =	simm.s32 $0x0;
	[sflag:s31] =	ssyncpa.u1 $0x0  }
.LBB2_51:
0x239: {  	p1 =	slt.u32 s3, $0xC34F9  }
0x23a: {  	s4 =	sand.u32 @p1 $0xFFFF8, s3  }
0x23b: {  	s3 =	sand.u32 @p1 $0x7, s3;
	s5 =	simm.s32 @p1 $0xA0C8;
	s4 =	sadd.s32 @p1 s1, s4  }
0x23c: {  	[tilespmem:s5], [sflag:$0x8] =	stream.linear.gather @p1 [hbm4b:s4+s3], $0x40, $0x38;
	[tilespmem:$0x1EF88] =	vst v63  }
0x23d: {  	s3 =	simm.s32 @p1 $0x8  }
0x23e: {  	_ =	swait.ge @p1 [sflag:s3], $0x40  }
0x23f: {  	[sflag:s3] =	ssyncset.done @p1 $0x0  }
0x240: {  	[sflag:s3] =	ssyncadd.s32 @p1 $0xFFFFFFC0  }
0x241: {  	v1 =	vld @p1 [tilespmem:$0xA0C8];
	_ =	sdelay $0x2  }
0x242: {  	s3 =	sshll.u32 @p1 s2, $0x8  }
0x243: {  	s4 =	sshrl.u32 @p1 s3, $0x2  }
0x244: {  	[tilespmem:s4+$0xA138] =	vst.add.f32.msk @p1 $0xffff, v1  }
0x245: {  	v1 =	vld @p1 [tilespmem:$0xA0D8];
	_ =	sdelay $0x4  }
0x246: {  	[tilespmem:s4+$0xA148] =	vst.add.f32.msk @p1 $0xffff, v1  }
0x247: {  	v1 =	vld @p1 [tilespmem:$0xA0E8];
	_ =	sdelay $0x4  }
0x248: {  	[tilespmem:s4+$0xA158] =	vst.add.f32.msk @p1 $0xffff, v1  }
0x249: {  	v1 =	vld @p1 [tilespmem:$0xA0F8];
	_ =	sdelay $0x3  }
0x24a: {  	s5 =	sshll.u32 @!p1 s2, $0x8  }
0x24b: {  	s5 =	smov.u32 @p1 s3;
	[tilespmem:s4+$0xA168] =	vst.add.f32.msk @p1 $0xffff, v1  }
0x24c: {  	s3 =	sshrl.u32 s5, $0x2;
	[tilespmem:s0+$0xA118] =	vst.msk $0x1, v0  }
0x24d: {  	v0 =	vld [tilespmem:s3+$0xA138];
	_ =	sdelay $0x2  }
0x24e: {  	s31 =	sshll.u32 s0, $0x8  }
0x24f: {  	s4 =	sshra.s32 s31, $0x2  }
0x250: {  	[tilespmem:s4+$0xA138] =	vst v0  }
0x251: {  	v0 =	vld [tilespmem:s3+$0xA148];
	_ =	sdelay $0x4  }
0x252: {  	[tilespmem:s4+$0xA148] =	vst v0  }
0x253: {  	v0 =	vld [tilespmem:s3+$0xA158];
	_ =	sdelay $0x4  }
0x254: {  	[tilespmem:s4+$0xA158] =	vst v0  }
0x255: {  	v0 =	vld [tilespmem:s3+$0xA168];
	_ =	sdelay $0x4  }
0x256: {  	s0 =	sadd.s32 $0x1, s0;
	[tilespmem:s4+$0xA168] =	vst v0  }
.LBB2_52:
0x257: {  	s2 =	sadd.s32 $0x1, s2  }
0x258: {  	p1 =	sne.s32 s2, $0x20  }
.Ltmp34:
0x259: {  	_ = 	snop;
	(pc) =	sbr.rel @!p1 .LBB2_53-.Ltmp34, $1  }
0x25a: {  	_ =	sdelay $0x3  }
.LBB2_45:
0x25b: {  	v0 =	vld.msk [tilespmem:s2+$0xA118], $0x1;
	_ =	sdelay $0x4  }
0x25c: {  	(v2sf) =	vpush v0, $0x0;
	_ =	sdelay $0xe  }
0x25d: {  	s3 =	spop (v2sf)  }
0x25e: {  	p1 =	seq.s32 s3, $0xFFFFFFFF  }
.Ltmp35:
0x25f: {  	_ = 	snop;
	(pc) =	sbr.rel @p1 .LBB2_52-.Ltmp35, $1  }
0x260: {  	_ =	sdelay $0x3  }
0x261: {  	p1 =	slt.s32 s0, $0x1  }
.Ltmp36:
0x262: {  	_ = 	snop;
	(pc) =	sbr.rel @p1 .LBB2_51-.Ltmp36, $1  }
0x263: {  	_ =	sdelay $0x3  }
0x264: {  	s4 =	simm.s32 $0xA118;
	p1 =	por $0x0, $0x0  }
0x265: {  	v1 =	vld.msk @!p1 [tilespmem:s4+$0x0], $0x1;
	_ =	sdelay $0x4  }
0x266: {  	(v2sf) =	vpush @!p1 v1, $0x0;
	_ =	sdelay $0xd  }
0x267: {  	p3 =	sne.s32 s0, $0x1  }
.Ltmp37:
0x268: {  	s5 =	spop @!p1 (v2sf);
	(pc) =	sbr.rel @!p3 .LBB2_49-.Ltmp37, $4  }
0x269: {  	p2 =	seq.s32 @!p1 s3, s5  }
0x26a: {  	s5 =	simm.s32 $0x0;
	p2 =	por !p2, p1  }
0x26b: {  	s7 =	simm.s32 $0xFFFFFFFF;
	s5 =	simm.s32 @p2 $0xFFFFFFFF  }
0x26c: {  	s6 =	simm.s32 $0x1;
	s5 =	smov.u32 @p1 s7  }
.LBB2_48:
0x26d: {  	s7 =	smov.u32 s5;
	p1 =	sne.s32 s5, $0xFFFFFFFF  }
0x26e: {  	s4 =	sadd.s32 $0x1, s4;
	s5 =	smov.u32 s6;
	s6 =	sadd.s32 $0x1, s6  }
0x26f: {  	p2 =	sne.s32 s0, s6;
	v1 =	vld.msk @!p1 [tilespmem:s4+$0x0], $0x1;
	_ =	sdelay $0x4  }
0x270: {  	(v2sf) =	vpush @!p1 v1, $0x0;
	_ =	sdelay $0xe  }
.Ltmp38:
0x271: {  	s8 =	spop @!p1 (v2sf);
	(pc) =	sbr.rel @p2 .LBB2_48-.Ltmp38, $4  }
0x272: {  	p3 =	seq.s32 @!p1 s3, s8  }
0x273: {  	p3 =	por !p3, p1  }
0x274: {  	s5 =	simm.s32 @p3 $0xFFFFFFFF  }
0x275: {  	s5 =	smov.u32 @p1 s7  }
.LBB2_49:
0x276: {  	p1 =	seq.s32 s5, $0xFFFFFFFF  }
.Ltmp39:
0x277: {  	_ = 	snop;
	(pc) =	sbr.rel @p1 .LBB2_51-.Ltmp39, $1  }
0x278: {  	_ =	sdelay $0x3  }
0x279: {  	s3 =	sshll.u32 s2, $0x6  }
0x27a: {  	s3 =	sand.u32 $0x3FFFFFC0, s3  }
0x27b: {  	v0 =	vld [tilespmem:s3+$0xA138];
	_ =	sdelay $0x2  }
0x27c: {  	s4 =	sshll.u32 s5, $0x8  }
0x27d: {  	s4 =	sshra.s32 s4, $0x2  }
0x27e: {  	[tilespmem:s4+$0xA138] =	vst.add.f32.msk $0xffff, v0  }
0x27f: {  	v0 =	vld [tilespmem:s3+$0xA148];
	_ =	sdelay $0x4  }
0x280: {  	[tilespmem:s4+$0xA148] =	vst.add.f32.msk $0xffff, v0  }
0x281: {  	v0 =	vld [tilespmem:s3+$0xA158];
	_ =	sdelay $0x4  }
0x282: {  	[tilespmem:s4+$0xA158] =	vst.add.f32.msk $0xffff, v0  }
0x283: {  	v0 =	vld [tilespmem:s3+$0xA168]  }
.Ltmp40:
0x284: {  	_ = 	snop;
	(pc) =	sbr.rel .LBB2_52-.Ltmp40, $2  }
0x285: {  	_ =	sdelay $0x2  }
0x286: {  	[tilespmem:s4+$0xA168] =	vst.add.f32.msk $0xffff, v0  }
.LBB2_53:
0x287: {  	p1 =	slt.s32 s0, $0x1  }
.Ltmp41:
0x288: {  	_ = 	snop;
	(pc) =	sbr.rel @p1 .LBB2_57-.Ltmp41, $3  }
0x289: {  	_ =	sdelay $0x1  }
0x28a: {  	s2 =	simm.s32 $0x8  }
0x28b: {  	[sflag:s2] =	ssyncpa.u1 $0x1;
	s2 =	simm.s32 $0x0  }
0x28c: {  	s3 =	simm.s32 $0xA118  }
0x28d: {  	v0 =	vld.msk [tilespmem:s3+$0x0], $0x1;
	_ =	sdelay $0x4  }
0x28e: {  	(v2sf) =	vpush v0, $0x0;
	_ =	sdelay $0xe  }
0x28f: {  	s0 =	sadd.s32 $0xFFFFFFFF, s0;
	s4 =	spop (v2sf)  }
0x290: {  	p2 =	sne.s32 s0, $0x0;
	p1 =	sgt.u32 s4, $0xC34F8  }
.Ltmp42:
0x291: {  	s5 =	sand.u32 @!p1 $0xFFFF8, s4;
	(pc) =	sbr.rel @!p2 .LBB2_56-.Ltmp42, $4  }
0x292: {  	s3 =	simm.s32 $0xA138;
	s4 =	sand.u32 @!p1 $0x7, s4;
	s5 =	sadd.s32 @!p1 s1, s5  }
0x293: {  	[hbm4b:s5+s4] =	stream.linear.scatter @!p1 [tilespmem:s3], [sflag:$0x7], $0x40, $0x38;
	[tilespmem:$0x1EF88] =	vst v63  }
0x294: {  	s5 =	simm.s32 $0x0  }
0x295: {  	s4 =	simm.s32 $0xA119;
	s5 =	simm.s32 @!p1 $0x100  }
.LBB2_55:
0x296: {  	v0 =	vld.msk [tilespmem:s4+$0x0], $0x1;
	s0 =	sadd.s32 $0xFFFFFFFF, s0;
	s2 =	sadd.s32 s2, s5  }
0x297: {  	p1 =	sne.s32 s0, $0x0;
	_ =	sdelay $0x3  }
0x298: {  	(v2sf) =	vpush v0, $0x0;
	_ =	sdelay $0xe  }
.Ltmp43:
0x299: {  	s6 =	spop (v2sf);
	(pc) =	sbr.rel @p1 .LBB2_55-.Ltmp43, $4  }
0x29a: {  	s5 =	simm.s32 $0x0;
	p2 =	sgt.u32 s6, $0xC34F8  }
0x29b: {  	s3 =	sadd.s32 $0x40, s3;
	s5 =	simm.s32 @!p2 $0x100;
	s7 =	sand.u32 @!p2 $0xFFFF8, s6  }
0x29c: {  	s4 =	sadd.s32 $0x1, s4;
	s6 =	sand.u32 @!p2 $0x7, s6;
	s7 =	sadd.s32 @!p2 s1, s7  }
0x29d: {  	[hbm4b:s7+s6] =	stream.linear.scatter @!p2 [tilespmem:s3], [sflag:$0x7], $0x40, $0x38;
	[tilespmem:$0x1EF88] =	vst v63  }
.LBB2_56:
0x29e: {  	s0 =	sadd.s32 s2, s5  }
0x29f: {  	s2 =	sshrl.u32 s0, $0x2  }
.LBB2_57:
0x2a0: {  	s0 =	simm.s32 $0x7  }
0x2a1: {  	_ =	swait.ge [sflag:s0], s2  }
0x2a2: {  	s1 =	ssub.s32 $0x0, s2;
	[sflag:s0] =	ssyncset.done $0x0  }
0x2a3: {  	[sflag:s0] =	ssyncadd.s32 s1  }
0x2a4: {  	[sflag:s0] =	ssyncpa.u1 $0x1  }
.LBB2_58:
0x2a5: {  	_ =	sfence;
	s0 =	simm.s32 $0x1  }
0x2a6: {  	[sflag:s0] =	ssyncpa.u1 $0x1  }
0x2a7: {  	_ =	strace $0x90000056  }
0x2a8: {  	[bflag:$0x2] =	sbarrier.arrive $0xFFFF  }
0x2a9: {  	s0 =	rddreg [dreg:$0x3]  }
0x2aa: {  	s0 =	sadd.s32 @!p0 $0x100000, s0  }
0x2ab: {  	[sflag:s0] =	ssyncadd.tile.s32 @!p0 $0x1;
	_ =	shalt  }
.Lfunc_end2:
_tile_overlayer_lowered:
.L_overlay_start_2:
0x2ac: {  	(tag) =	ssettag $0x2  }
0x2ad: {  	s0 =	rddreg [dreg:$0x0];
	s2 =	stileid.u32  }
0x2ae: {  	s1 =	rddreg [dreg:$0x1];
	p0 =	sne.s32 s2, $0x0  }
0x2af: {  	s3 =	rddreg [dreg:$0x2];
	[bflag:$0x3] =	sbarrier.arrive $0xFFFF;
	s2 =	simm.s32 @!p0 $0x1C01  }
0x2b0: {  	[timem:s3], [sflag:s2] =	dma.local @!p0 [hbm:s0], s1  }
0x2b1: {  	s0 =	simm.s32 @!p0 $0x1  }
0x2b2: {  	_ =	swait.ge @!p0 [sflag:s0], s1  }
0x2b3: {  	s1 =	ssub.s32 @!p0 $0x0, s1;
	[sflag:s0] =	ssyncset.done @!p0 $0x0  }
0x2b4: {  	[sflag:s0] =	ssyncadd.s32 @!p0 s1  }
0x2b5: {  	[bflag:$0x3] =	sbarrier.arrive $0xFFFF  }
0x2b6: {  	_ =	shalt  }

// kernel: scatter_offload_async_start.3
scs
__scs_entry_jumppad:
0x0: {  	(pc) =	sbr.rel $0x88, $3  }
0x1: {  	(tag) =	ssettag $0x0;
	lr =	simm.s32 $0x1  }
0x2: {  	[smem:$0x3F81] =	sst lr;
	_ =	strace $0xD0000000  }
0x3: {  	_ = 	snop  }
0x4: {  	_ = 	snop  }
0x5: {  	_ = 	snop  }
0x6: {  	_ = 	snop  }
0x7: {  	_ = 	snop  }
__scs_overlays_trampoline_lowered:
0x8: {  	[smem:$0x3F90] =	sst s0  }
0x9: {  	[smem:$0x3F91] =	sst s1  }
0xa: {  	[smem:$0x3F92] =	sst s2  }
0xb: {  	[smem:$0x3F93] =	sst s3  }
0xc: {  	[smem:$0x3F94] =	sst s4  }
0xd: {  	[smem:$0x3F95] =	sst s5  }
0xe: {  	[smem:$0x3F96] =	sst s6  }
0xf: {  	[smem:$0x3F97] =	sst s7  }
0x10: {  	[smem:$0x3F98] =	sst s8  }
0x11: {  	[smem:$0x3F99] =	sst s9;
	s0 =	simm.s32 @!p0 $0x0  }
0x12: {  	s1 =	sld [smem:$0x3F7F];
	s0 =	simm.s32 @p0 $0x1  }
0x13: {  	[smem:$0x3F9A] =	sst s0;
	s0 =	simm.s32 @!p1 $0x0  }
0x14: {  	s2 =	sld [smem:$0x3F7E];
	s0 =	simm.s32 @p1 $0x1  }
0x15: {  	[smem:$0x3F9B] =	sst s0;
	s0 =	simm.s32 @!p2 $0x0  }
0x16: {  	s3 =	sld [smem:$0x3FDB];
	s0 =	simm.s32 @p2 $0x1  }
0x17: {  	s4 =	simm.s32 $0x1BF5;
	[smem:$0x3F9D] =	sst s0  }
0x18: {  	s0 =	sld [smem:$0x3F80];
	_ =	swait.ge [sflag:s4], $0x0  }
0x19: {  	s7 =	sld [smem:$0x3F81]  }
0x1a: {  	s8 =	sadd.s32 $0xFFFFE003, lr  }
0x1b: {  	s9 =	sadd.s32 $0xFFFFFEF7, lr;
	s5 =	simm.s32 $0xFFFFFFFF;
	p2 =	slt.u32 s8, $0xFFFFF086  }
0x1c: {  	p1 =	slt.u32 s9, $0xF7A;
	s5 =	simm.s32 @!p2 $0x0  }
0x1d: {  	s5 =	simm.s32 @p1 $0x1;
	p0 =	seq.s32 s7, s2  }
0x1e: {  	s7 =	smul.u32 @!p0 $0xF7A, s2;
	p2 =	seq.s32 @!p0 s5, $0x0  }
0x1f: {  	s9 =	smul.u32 $0xF7A, s1;
	s8 =	simm.s32 @!p0 $0x1BF5;
	p2 =	por !p2, p0  }
0x20: {  	[sflag:s8] =	ssyncset.s32 @!p0 $0xFFFFF086;
	s6 =	sadd.s32 @!p0 s3, s7;
	s7 =	simm.s32 @!p0 $0x108  }
0x21: {  	s3 =	sadd.s32 s3, s9;
	s6 =	sadd.s32 @!p0 $0x88, s6;
	s7 =	simm.s32 @p2 $0x1082  }
0x22: {  	[simem:s7], [sflag:s8] =	dma.local @!p0 [hbm:s6], $0xF7A  }
0x23: {  	s9 =	sor.u32 $0xD0000000, s2;
	s6 =	simm.s32 $0x108;
	_ =	swait.ge @!p0 [sflag:s8], $0x0  }
0x24: {  	s3 =	sadd.s32 $0x88, s3;
	s6 =	simm.s32 @!p1 $0x1082;
	[sflag:s4] =	ssyncset.s32 $0xFFFFF086  }
0x25: {  	[simem:s6], [sflag:s4] =	dma.local [hbm:s3], $0xF7A  }
0x26: {  	[smem:$0x3F81] =	sst s1;
	(tag) =	ssettag s2;
	_ =	strace s9  }
0x27: {  	s1 =	sld [smem:$0x3F91]  }
0x28: {  	s2 =	sld [smem:$0x3F92]  }
0x29: {  	s4 =	sld [smem:$0x3F94]  }
0x2a: {  	p0 =	seq.s32 s5, $0x0;
	s5 =	sld [smem:$0x3F95]  }
0x2b: {  	s6 =	sld [smem:$0x3F96]  }
0x2c: {  	s7 =	sld [smem:$0x3F97]  }
0x2d: {  	s3 =	simm.s32 $0x108;
	s8 =	sld [smem:$0x3F98]  }
0x2e: {  	s3 =	simm.s32 @!p0 $0x1082;
	s9 =	sld [smem:$0x3F99]  }
0x2f: {  	lr =	sadd.s32 s0, s3;
	s0 =	sld [smem:$0x3F90]  }
0x30: {  	s3 =	sld [smem:$0x3F93]  }
0x31: {  	[smem:$0x3F9C] =	sst s10  }
0x32: {  	s10 =	sld [smem:$0x3F9A];
	_ =	sdelay $0x3  }
0x33: {  	p0 =	seq.s32 s10, $0x1;
	s10 =	sld [smem:$0x3F9C];
	_ =	sdelay $0x3  }
0x34: {  	[smem:$0x3F9C] =	sst s10  }
0x35: {  	s10 =	sld [smem:$0x3F9B];
	_ =	sdelay $0x3  }
0x36: {  	p1 =	seq.s32 s10, $0x1;
	s10 =	sld [smem:$0x3F9C];
	_ =	sdelay $0x3  }
0x37: {  	[smem:$0x3F9C] =	sst s10  }
0x38: {  	s10 =	sld [smem:$0x3F9D]  }
0x39: {  	_ = 	snop;
	(pc) =	sbr.ind lr, $3  }
0x3a: {  	_ = 	snop  }
0x3b: {  	_ = 	snop  }
0x3c: {  	p2 =	seq.s32 s10, $0x1;
	s10 =	sld [smem:$0x3F9C]  }
0x3d: {  	_ =	shalt  }
0x3e: {  	_ =	shalt  }
0x3f: {  	_ =	shalt  }
0x40: {  	_ =	shalt  }
0x41: {  	_ =	shalt  }
0x42: {  	_ =	shalt  }
0x43: {  	_ =	shalt  }
0x44: {  	_ =	shalt  }
0x45: {  	_ =	shalt  }
0x46: {  	_ =	shalt  }
0x47: {  	_ =	shalt  }
0x48: {  	_ =	shalt  }
0x49: {  	_ =	shalt  }
0x4a: {  	_ =	shalt  }
0x4b: {  	_ =	shalt  }
0x4c: {  	_ =	shalt  }
0x4d: {  	_ =	shalt  }
0x4e: {  	_ =	shalt  }
0x4f: {  	_ =	shalt  }
0x50: {  	_ =	shalt  }
0x51: {  	_ =	shalt  }
0x52: {  	_ =	shalt  }
0x53: {  	_ =	shalt  }
0x54: {  	_ =	shalt  }
0x55: {  	_ =	shalt  }
0x56: {  	_ =	shalt  }
0x57: {  	_ =	shalt  }
0x58: {  	_ =	shalt  }
0x59: {  	_ =	shalt  }
0x5a: {  	_ =	shalt  }
0x5b: {  	_ =	shalt  }
0x5c: {  	_ =	shalt  }
0x5d: {  	_ =	shalt  }
0x5e: {  	_ =	shalt  }
0x5f: {  	_ =	shalt  }
0x60: {  	_ =	shalt  }
0x61: {  	_ =	shalt  }
0x62: {  	_ =	shalt  }
0x63: {  	_ =	shalt  }
0x64: {  	_ =	shalt  }
0x65: {  	_ =	shalt  }
0x66: {  	_ =	shalt  }
0x67: {  	_ =	shalt  }
0x68: {  	_ =	shalt  }
0x69: {  	_ =	shalt  }
0x6a: {  	_ =	shalt  }
0x6b: {  	_ =	shalt  }
0x6c: {  	_ =	shalt  }
0x6d: {  	_ =	shalt  }
0x6e: {  	_ =	shalt  }
0x6f: {  	_ =	shalt  }
0x70: {  	_ =	shalt  }
0x71: {  	_ =	shalt  }
0x72: {  	_ =	shalt  }
0x73: {  	_ =	shalt  }
0x74: {  	_ =	shalt  }
0x75: {  	_ =	shalt  }
0x76: {  	_ =	shalt  }
0x77: {  	_ =	shalt  }
0x78: {  	_ =	shalt  }
0x79: {  	_ =	shalt  }
0x7a: {  	_ =	shalt  }
0x7b: {  	_ =	shalt  }
0x7c: {  	_ =	shalt  }
0x7d: {  	_ =	shalt  }
0x7e: {  	_ =	shalt  }
0x7f: {  	_ =	shalt  }
0x80: {  	_ =	shalt  }
0x81: {  	_ =	shalt  }
0x82: {  	_ =	shalt  }
0x83: {  	_ =	shalt  }
0x84: {  	_ =	shalt  }
0x85: {  	_ =	shalt  }
0x86: {  	_ =	shalt  }
0x87: {  	_ =	shalt  }
.Lfunc_end0:
.L_simem_size_0:
called_computation.3_lowered:
.L_overlay_start_0:
0x88: {  	s0 =	sld [smem:$0x3FD9]  }
0x89: {  	s1 =	sld [smem:$0x3FFE];
	_ =	sdelay $0x3  }
0x8a: {  	s0 =	sadd.s32 s1, s0  }
0x8b: {  	[smem:$0x3FA8] =	sst s0  }
0x8c: {  	_ = 	snop  }
0x8d: {  	(tm) =	ssettm $0x1  }
0x8e: {  	s15 =	sld [smem:$0x3FFB];
	_ =	sdelay $0x3  }
0x8f: {  	_ =	strace s15  }
0x90: {  	s0 =	sld [smem:$0x3FFC];
	_ =	sdelay $0x3  }
0x91: {  	_ =	strace s0  }
0x92: {  	s0 =	sld [smem:$0x3FFD];
	_ =	sdelay $0x3  }
0x93: {  	_ =	strace s0  }
0x94: {  	_ =	strace $0x8FFFFFFF  }
0x95: {  	s16 =	sld [smem:$0x3FDB];
	_ =	sdelay $0x1  }
0x96: {  	s17 =	simm.s32 $_scs_section_size  }
0x97: {  	s2 =	simm.s32 $_size__tile_overlayer_lowered;
	s3 =	simm.s32 $_tile_overlayer_lowered  }
0x98: {  	s20 =	simm.s32 $0x1BFF;
	s19 =	sshll.u32 s3, $0x1;
	s0 =	sadd.s32 s17, s16  }
0x99: {  	s4 =	simm.s32 $0x0;
	s18 =	sshll.u32 s2, $0x1;
	s2 =	sadd.s32 s19, s0  }
0x9a: {  	[timem:s4], [sflag:s20] =	dma.local [hbm:s2], s18  }
0x9b: {  	_ =	swait.ge [sflag:s20], s18  }
0x9c: {  	s1 =	ssub.s32 $0x0, s18;
	[sflag:s20] =	ssyncset.done $0x0  }
0x9d: {  	[sflag:s20] =	ssyncadd.s32 s1;
	_ =	sdelay $0x1  }
0x9e: {  	s21 =	simm.s32 $0x1B8B  }
0x9f: {  	_ =	swait.ge [sflag:s21], $0x1  }
0xa0: {  	[sflag:s21] =	ssyncset.done $0x0  }
0xa1: {  	s23 =	simm.s32 $0x1B8E;
	s22 =	sld [smem:$0x3FFE];
	[sflag:s21] =	ssyncadd.s32 $0xFFFFFFFF  }
0xa2: {  	s24 =	simm.s32 $execute0_lowered;
	[smem:$0x3FD2] =	sst s23  }
0xa3: {  	s2 =	sshll.u32 s24, $0x1;
	_ =	strace $0x8000005B;
	[dreg:$0x1] =	wrdreg $0xFFFFFFFF  }
0xa4: {  	s25 =	simm.s32 $_size_execute0_lowered;
	s0 =	sadd.s32 s0, s2;
	[dreg:$0x0] =	wrdreg $0x0  }
0xa5: {  	s2 =	sshll.u32 s25, $0x1;
	[dreg:$0x2] =	wrdreg s0  }
0xa6: {  	[dreg:$0x3] =	wrdreg s2  }
0xa7: {  	[dreg:$0x4] =	wrdreg $0xC0  }
0xa8: {  	_ =	task [dreg:s4], $0x5FFFF  }
0xa9: {  	[dreg:$0x1] =	wrdreg $0xFFFFFFFF  }
0xaa: {  	[dreg:$0x0] =	wrdreg $0x60  }
0xab: {  	[dreg:$0x2] =	wrdreg s22  }
0xac: {  	[dreg:$0x3] =	wrdreg $0x9  }
0xad: {  	_ =	task.clear_ibuf [dreg:s4], $0x4FFFF;
	_ =	strace $0x9000005B  }
0xae: {  	s26 =	simm.s32 $0x9;
	_ =	strace $0x8000005D  }
0xaf: {  	_ =	swait.ge [sflag:s26], $0x1  }
0xb0: {  	[sflag:s26] =	ssyncadd.s32 $0xFFFFFFFF  }
0xb1: {  	_ =	strace $0x9000005D  }
0xb2: {  	_ =	sfence  }
0xb3: {  	s28 =	sld [smem:$0x0];
	_ =	sdelay $0x1  }
0xb4: {  	s29 =	srdreg.scid  }
0xb5: {  	s30 =	sshll.u32 s29, $0xD;
	s31 =	sshrl.u32 s29, $0x2  }
0xb6: {  	s1 =	sand.u32 $0x1, s29;
	s2 =	sand.u32 $0x4000, s30;
	s0 =	sadd.s32 s31, s28  }
0xb7: {  	s1 =	sor.u32 s2, s1;
	s0 =	sshll.u32 s0, $0x11  }
0xb8: {  	s0 =	sor.u32 s0, s1  }
0xb9: {  	s0 =	sadd.s32 $0x8F2B, s0  }
0xba: {  	[sflag:s0] =	ssyncadd.remote.s32 $0x1  }
0xbb: {  	_ =	sfence.sel $0xFFFF  }
0xbc: {  	[dreg:$0x0] =	wrdreg $0xFFFFFFFF;
	(pc) =	sbr.abs _section_cstart, $3  }
0xbd: {  	[dreg:$0x1] =	wrdreg $0xFFFFFFFF  }
0xbe: {  	_ =	task.clear_ibuf [dreg:s4], $0x2FFFF;
	_ =	strace $0x9FFFFFFF  }
0xbf: {  	(tm) =	ssettm $0x7FFFFFFF  }
tec
execute0_lowered:
.L_overlay_start_1:
0x0: {  	(tag) =	ssettag $0x1  }
0x1: {  	s0 =	rddreg [dreg:$0x0];
	_ =	strace $0x8000005C;
	s1 =	simm.s32 $0x1  }
0x2: {  	s8 =	simm.s32 $0x88;
	v0 =	vimm.s32 $0x0;
	[sflag:s1] =	ssyncpa.u1 $0x0  }
0x3: {  	[tilespmem:s8+$0x30] =	vst v0  }
0x4: {  	s1 =	sadd.s32 $0xCB400, s0;
	s3 =	sadd.s32 $0x1600, s0;
	[tilespmem:s8+$0x20] =	vst v0  }
0x5: {  	s4 =	sadd.s32 $0x7E00, s0;
	s5 =	sadd.s32 $0x3000, s0;
	s0 =	simm.s32 $0x40;
	[tilespmem:s8+$0x10] =	vst v0  }
.LBB2_1:
0x6: {  	s0 =	sadd.s32 $0x40, s0  }
0x7: {  	[tilespmem:s8+$0x0] =	vst v0;
	s8 =	sadd.s32 $0x40, s8;
	p0 =	slt.u32 s0, $0x5040  }
.Ltmp0:
0x8: {  	(pc) =	sbr.rel @p0 .LBB2_1-.Ltmp0, $4  }
0x9: {  	_ = 	snop  }
0xa: {  	[tilespmem:s8+$0x30] =	vst v0  }
0xb: {  	[tilespmem:s8+$0x20] =	vst v0  }
0xc: {  	[tilespmem:s8+$0x10] =	vst v0  }
0xd: {  	s9 =	stileid.u32  }
0xe: {  	s0 =	smul.u32 $0x9, s9  }
0xf: {  	s2 =	smin.u32 s9, $0xD  }
0x10: {  	s0 =	sadd.s32 s2, s0  }
0x11: {  	p0 =	slt.u32 s9, $0xD;
	s6 =	smul.u32 $0x140, s0;
	s0 =	simm.s32 $0xC80  }
0x12: {  	s0 =	simm.s32 @!p0 $0xB40  }
0x13: {  	s0 =	sadd.s32 s0, s6  }
0x14: {  	s7 =	smin.u32 s0, $0xC350  }
0x15: {  	s0 =	ssub.s32 s7, s6  }
0x16: {  	p0 =	sgt.s32 s0, $0x0  }
0x17: {  	s0 =	simm.s32 @!p0 $0x0  }
0x18: {  	s29 =	simm.s32 $0x2;
	s10 =	simm.s32 $0x7;
	s28 =	smul.u32 $0xCCCD, s0  }
0x19: {  	s31 =	simm.s32 $0x8;
	s11 =	simm.s32 $0x1;
	s15 =	simm.s32 $0x0  }
0x1a: {  	p1 =	por $0x0, $0x0;
	s16 =	simm.s32 $0xA;
	s2 =	sshrl.u32 s28, $0x18  }
0x1b: {  	s20 =	simm.s32 $0x0;
	s17 =	simm.s32 $0x0;
	s30 =	smul.u32 $0x140, s2  }
.Ltmp1:
0x1c: {  	[tilespmem:s8+$0x0] =	vst v0;
	v0 =	vimm.s32 $0xFFFFFFFF;
	s19 =	simm.s32 $0x0;
	[sflag:s29] =	ssyncpa.u1 $0x0;
	(pc) =	sbr.rel .LBB2_3-.Ltmp1, $4  }
0x1d: {  	[tilespmem:$0xA108] =	vst v0;
	[sflag:s10] =	ssyncpa.u1 $0x0;
	p0 =	sne.s32 s0, s30;
	s0 =	simm.s32 $0x1  }
0x1e: {  	s10 =	simm.s32 $0x9;
	[sflag:s31] =	ssyncpa.u1 $0x0;
	s0 =	simm.s32 @!p0 $0x0  }
0x1f: {  	s13 =	sshll.u32 s9, $0x7;
	[sflag:s10] =	ssyncpa.u1 $0x0;
	s12 =	sadd.s32 s2, s0  }
0x20: {  	v0 =	vlaneseq.u32;
	s18 =	smov.u32 s6;
	p0 =	por $0x1, $0x1;
	s14 =	sadd.s32 $0x1, s12  }
.LBB2_24:
0x21: {  	s0 =	sshrl.u32 s29, $0x2  }
.LBB2_26:
0x22: {  	_ =	swait.ge [sflag:s16], s0  }
0x23: {  	s31 =	ssub.s32 $0x0, s0;
	v1 =	vmov s22;
	vm0 =	veq.s32 v0, $0x0;
	[sflag:s16] =	ssyncset.done $0x0  }
0x24: {  	vm15 =	veq.s32 v0, $0x2;
	v1 =	vsel vm0, s28, v1;
	[sflag:s16] =	ssyncadd.s32 s31  }
0x25: {  	v1 =	vsel vm15, s20, v1;
	[sflag:s16] =	ssyncpa.u1 $0x1  }
0x26: {  	[tilespmem:$0xA108] =	vst v1  }
.LBB2_27:
0x27: {  	s0 =	sadd.s32 $0x140, s18  }
0x28: {  	s2 =	smov.u32 s6;
	p2 =	slt.s32 s0, s7  }
0x29: {  	s2 =	smov.u32 @p2 s0;
	p2 =	sne.s32 s19, s14  }
.Ltmp2:
0x2a: {  	_ = 	snop;
	(pc) =	sbr.rel @!p2 .LBB2_28-.Ltmp2, $4  }
0x2b: {  	_ = 	snop  }
0x2c: {  	s20 =	smov.u32 s17  }
0x2d: {  	s31 =	sadd.s32 $0x1, s19;
	s17 =	smov.u32 s18;
	p0 =	por !p0, !p0  }
0x2e: {  	p1 =	por !p1, !p1;
	s19 =	smov.u32 s31;
	s18 =	smov.u32 s2  }
.LBB2_3:
0x2f: {  	p2 =	sge.u32 s19, s12  }
0x30: {  	s0 =	smulhi.u32 @!p2 $0xAAAAAAAB, s19  }
0x31: {  	s2 =	smov.u32 s18;
	p3 =	sgt.s32 @!p2 s18, $0xC210  }
0x32: {  	s8 =	sshra.s32 @!p2 s18, $0x1F;
	p3 =	por !p3, p2;
	s0 =	sshrl.u32 @!p2 s0, $0x1  }
0x33: {  	s8 =	sand.u32 @!p2 s8, s18;
	s2 =	simm.s32 @p3 $0xC210;
	s0 =	smul.u32 @!p2 $0x3, s0  }
0x34: {  	s2 =	ssub.s32 @!p2 s2, s8  }
0x35: {  	s22 =	sadd.s32 $0xFFFFFFFF, s19;
	s2 =	sadd.s32 @!p2 $0xFFFF3DF0, s2;
	s0 =	ssub.s32 @!p2 s19, s0  }
0x36: {  	s8 =	sshll.u32 @!p2 s2, $0x2;
	p3 =	sgt.s32 @!p2 s2, $0x13F;
	s0 =	smul.u32 @!p2 $0x500, s0  }
0x37: {  	s21 =	sand.u32 @!p2 $0x7, s18;
	s2 =	ssub.s32 @!p2 $0x500, s8;
	p3 =	por !p3, p2  }
0x38: {  	s8 =	sshrl.u32 @!p2 s18, $0x3;
	s2 =	sshrl.u32 @!p2 s2, $0x2;
	s0 =	sshrl.u32 @!p2 s0, $0x2  }
0x39: {  	s8 =	sadd.s32 @!p2 s5, s8;
	s2 =	simm.s32 @!p3 $0x0;
	s0 =	sadd.s32 @!p2 $0xA938, s0  }
0x3a: {  	[tilespmem:s0], [sflag:$0x8] =	stream.linear.gather @!p2 [hbm4b:s8+s21], s2, $0x38;
	[tilespmem:$0x1EF78] =	vst v63  }
0x3b: {  	p2 =	sge.u32 s22, s12  }
0x3c: {  	p3 =	sgt.s32 @!p2 s17, $0xC210  }
0x3d: {  	s0 =	smov.u32 s17;
	s2 =	sshra.s32 @!p2 s17, $0x1F;
	p3 =	por !p3, p2  }
0x3e: {  	s2 =	sand.u32 @!p2 s2, s17;
	s0 =	simm.s32 @p3 $0xC210  }
0x3f: {  	s0 =	ssub.s32 @!p2 s0, s2  }
0x40: {  	s0 =	sadd.s32 @!p2 $0xFFFF3DF0, s0  }
0x41: {  	s2 =	sshll.u32 @!p2 s0, $0x2  }
0x42: {  	p3 =	sgt.s32 @!p2 s0, $0x13F;
	s0 =	ssub.s32 @!p2 $0x500, s2  }
0x43: {  	p3 =	por !p3, p2;
	s0 =	sshrl.u32 @!p2 s0, $0x2  }
0x44: {  	s8 =	simm.s32 @!p2 $0x8;
	s2 =	sand.u32 @!p2 $0x1, s22;
	s0 =	simm.s32 @!p3 $0x0  }
0x45: {  	s2 =	smul.u32 @!p2 $0x500, s2;
	_ =	swait.ge @!p2 [sflag:s8], s0  }
0x46: {  	s21 =	ssub.s32 @!p2 $0x0, s0;
	[sflag:s8] =	ssyncset.done @!p2 $0x0  }
0x47: {  	s2 =	sshrl.u32 @!p2 s2, $0x2;
	[sflag:s8] =	ssyncadd.s32 @!p2 s21;
	s8 =	sshrl.u32 @!p2 s17, $0x3  }
0x48: {  	s2 =	sadd.s32 @!p2 $0xACF8, s2;
	s21 =	sand.u32 @!p2 $0x7, s17;
	s8 =	sadd.s32 @!p2 s3, s8  }
0x49: {  	[tilespmem:s2], [sflag:$0x9] =	stream.linear.gather @!p2 [hbm4b:s8+s21], s0, $0x38;
	[tilespmem:$0x1EF78] =	vst v63  }
0x4a: {  	s21 =	ssub.s32 @!p2 $0xC350, s17  }
0x4b: {  	p3 =	slt.s32 @!p2 s21, $0x1  }
0x4c: {  	p3 =	por p2, p3  }
.Ltmp3:
0x4d: {  	_ = 	snop;
	(pc) =	sbr.rel @p3 .LBB2_9-.Ltmp3, $1  }
0x4e: {  	_ =	sdelay $0x3  }
0x4f: {  	s0 =	smulhi.u32 $0xAAAAAAAB, s22;
	_ =	sdelay $0x1  }
0x50: {  	s0 =	sshrl.u32 s0, $0x1  }
0x51: {  	s0 =	smul.u32 $0x3, s0;
	_ =	sdelay $0x1  }
0x52: {  	s0 =	ssub.s32 s22, s0  }
0x53: {  	s2 =	simm.s32 $0x1;
	s0 =	smul.u32 $0x500, s0  }
.Ltmp4:
0x54: {  	s2 =	simm.s32 @!p0 $0x0;
	(pc) =	sbr.rel .LBB2_6-.Ltmp4, $4  }
0x55: {  	s2 =	smul.u32 $0x28000, s2  }
0x56: {  	p3 =	slt.s32 @!p2 s21, $0x140;
	s0 =	sshrl.u32 s0, $0x2  }
0x57: {  	p2 =	por !p3, p2;
	s2 =	sshrl.u32 s2, $0x2;
	s0 =	sadd.s32 $0xA938, s0  }
0x58: {  	s23 =	simm.s32 $0x0;
	s21 =	simm.s32 @p2 $0x140;
	s22 =	sadd.s32 $0xAF78, s2;
	v1 =	vmov s0  }
.LBB2_5:
0x59: {  	p2 =	sge.s32 s23, s21  }
.Ltmp5:
0x5a: {  	_ = 	snop;
	(pc) =	sbr.rel @p2 .LBB2_9-.Ltmp5, $2  }
0x5b: {  	_ =	sdelay $0x2  }
0x5c: {  	s22 =	sadd.s32 $0x800, s22  }
.LBB2_6:
0x5d: {  	p2 =	sle.s32 s21, s23  }
.Ltmp6:
0x5e: {  	_ = 	snop;
	(pc) =	sbr.rel @p2 .LBB2_5-.Ltmp6, $2  }
0x5f: {  	_ =	sdelay $0x2  }
0x60: {  	s24 =	smov.u32 s23;
	s23 =	sadd.s32 $0x10, s23  }
0x61: {  	s0 =	ssub.s32 s21, s24  }
0x62: {  	p2 =	slt.s32 s0, $0x10  }
0x63: {  	s0 =	simm.s32 @!p2 $0x10  }
0x64: {  	v2 =	vmov s0  }
0x65: {  	vm0 =	vgt.s32 v2, v0;
	_ =	sdelay $0x5  }
0x66: {  	v2 =	vld.idx.msk [tilespmem:v1+s24+$0x0 ss:$0x1], vm0;
	_ =	sdelay $0x2  }
0x67: {  	p2 =	slt.s32 s23, s21;
	s0 =	smov.u32 s21  }
0x68: {  	s2 =	smov.u32 s22;
	s25 =	simm.s32 $0x0;
	s0 =	smov.u32 @p2 s23  }
.LBB2_8:
0x69: {  	(v2sf) =	vpush v2, s25;
	_ =	sdelay $0xc  }
0x6a: {  	s25 =	sadd.s32 $0x1, s25  }
0x6b: {  	s31 =	sadd.s32 s25, s24  }
0x6c: {  	p2 =	slt.s32 s31, s0;
	s8 =	spop (v2sf)  }
.Ltmp7:
0x6d: {  	s8 =	sshll.u32 s8, $0x4;
	(pc) =	sbr.rel @p2 .LBB2_8-.Ltmp7, $4  }
0x6e: {  	s8 =	sand.u32 $0x1FFFFFF0, s8  }
0x6f: {  	s8 =	sadd.s32 s4, s8  }
0x70: {  	[tilespmem:s2], [sflag:$0x7] =	stream.linear.gather [hbm4b:s8+s15], $0x40, $0x38;
	[tilespmem:$0x1EF78] =	vst v63  }
0x71: {  	s2 =	sadd.s32 $0x80, s2  }
.Ltmp8:
0x72: {  	_ = 	snop;
	(pc) =	sbr.rel .LBB2_5-.Ltmp8, $1  }
0x73: {  	_ =	sdelay $0x3  }
.LBB2_9:
0x74: {  	p2 =	slt.u32 s19, $0x2  }
.Ltmp9:
0x75: {  	_ = 	snop;
	(pc) =	sbr.rel @p2 .LBB2_27-.Ltmp9, $1  }
0x76: {  	_ =	sdelay $0x3  }
0x77: {  	p2 =	sgt.s32 s20, $0xC210;
	s0 =	smov.u32 s20  }
0x78: {  	s2 =	sshra.s32 s20, $0x1F;
	s8 =	ssub.s32 $0xC350, s20;
	s0 =	simm.s32 @!p2 $0xC210  }
0x79: {  	s2 =	sand.u32 s2, s20;
	p2 =	slt.s32 s8, $0x140;
	s21 =	smov.u32 s8  }
0x7a: {  	s0 =	ssub.s32 s0, s2;
	s21 =	simm.s32 @!p2 $0x140  }
0x7b: {  	s0 =	sadd.s32 $0xFFFF3DF0, s0;
	s26 =	sshll.u32 s21, $0x6  }
0x7c: {  	s9 =	simm.s32 $0x7;
	s29 =	sshll.u32 s0, $0x2;
	s2 =	sand.u32 $0x3FFFFFC0, s26  }
0x7d: {  	p2 =	sgt.s32 s0, $0x13F;
	s30 =	ssub.s32 $0x500, s29;
	_ =	swait.ge [sflag:s9], s2  }
0x7e: {  	s2 =	ssub.s32 $0x0, s2;
	[sflag:s9] =	ssyncset.done $0x0;
	s0 =	sshrl.u32 s30, $0x2  }
0x7f: {  	[sflag:s9] =	ssyncadd.s32 s2;
	s0 =	simm.s32 @p2 $0x0  }
0x80: {  	_ =	swait.ge [sflag:s10], s0  }
0x81: {  	s0 =	ssub.s32 $0x0, s0;
	[sflag:s10] =	ssyncset.done $0x0  }
0x82: {  	[sflag:s10] =	ssyncadd.s32 s0  }
0x83: {  	v1 =	vld [tilespmem:$0xA108];
	_ =	sdelay $0x4  }
0x84: {  	(v2sf) =	vpush v1, $0x0  }
0x85: {  	(v2sf) =	vpush v1, $0x1  }
0x86: {  	(v2sf) =	vpush v1, $0x2;
	_ =	sdelay $0x3  }
0x87: {  	s0 =	sadd.s32 $0x140, s20  }
0x88: {  	p2 =	slt.s32 s7, s0  }
0x89: {  	s0 =	smov.u32 @p2 s7;
	p2 =	sgt.s32 s8, $0x0  }
0x8a: {  	s24 =	ssub.s32 s0, s20;
	s8 =	simm.s32 @!p2 $0x0  }
0x8b: {  	p2 =	slt.s32 s8, s24  }
0x8c: {  	s24 =	smov.u32 @p2 s8  }
0x8d: {  	s23 =	simm.s32 $0x1;
	p2 =	slt.s32 s24, $0x1  }
.Ltmp10:
0x8e: {  	s23 =	simm.s32 @!p1 $0x0;
	(pc) =	sbr.rel @p2 .LBB2_14-.Ltmp10, $4  }
0x8f: {  	s31 =	smul.u32 $0x500, s23  }
0x90: {  	s25 =	spop (v2sf)  }
0x91: {  	s0 =	sshrl.u32 s31, $0x2;
	s28 =	spop (v2sf)  }
0x92: {  	s21 =	sadd.s32 $0xACF8, s0;
	s20 =	spop (v2sf)  }
0x93: {  	s0 =	smin.u32 s24, $0x10  }
0x94: {  	v1 =	vmov s0  }
0x95: {  	p3 =	sgt.s32 s24, $0x10;
	vm1 =	vgt.u32 v1, v0  }
.Ltmp11:
0x96: {  	_ = 	snop;
	(pc) =	sbr.rel @!p3 .LBB2_13-.Ltmp11, $2  }
0x97: {  	_ =	sdelay $0x2  }
0x98: {  	s26 =	simm.s32 $0x10;
	s29 =	sadd.s32 $0xFFFFFFF0, s24;
	s22 =	smov.u32 s21;
	vm0 =	vmmov vm1  }
.LBB2_12:
0x99: {  	s0 =	smin.u32 s29, $0x10;
	s26 =	sadd.s32 $0x10, s26;
	v1 =	vld.msk [tilespmem:s22+$0x0 ss:$0x1], vm1  }
0x9a: {  	v2 =	vmov s0;
	p3 =	slt.s32 s26, s24  }
0x9b: {  	vm1 =	vgt.u32 v2, v0  }
.Ltmp12:
0x9c: {  	(pc) =	sbr.rel @p3 .LBB2_12-.Ltmp12, $3  }
0x9d: {  	_ =	sdelay $0x1  }
0x9e: {  	v1 =	vshll.u32 v1, $0x4  }
0x9f: {  	s29 =	sadd.s32 $0xFFFFFFF0, s29;
	[tilespmem:s22+$0x0] =	vst.msk vm0, v1;
	s22 =	sadd.s32 $0x10, s22;
	vm0 =	vmmov vm1  }
.LBB2_13:
0xa0: {  	_ =	sdelay $0x4  }
0xa1: {  	v1 =	vld.msk [tilespmem:s22+$0x0 ss:$0x1], vm1;
	_ =	sdelay $0x4  }
0xa2: {  	v1 =	vshll.u32 v1, $0x4  }
0xa3: {  	[tilespmem:s22+$0x0] =	vst.msk vm0, v1  }
.LBB2_14:
0xa4: {  	s0 =	sand.u32 $0x1, s19  }
0xa5: {  	s0 =	smul.u32 $0x140, s0  }
0xa6: {  	p3 =	sne.s32 s28, $0xFFFFFFFF  }
0xa7: {  	v1 =	vld.msk @!p3 [tilespmem:s0+$0xACF8], $0x1;
	_ =	sdelay $0x4  }
0xa8: {  	(v2sf) =	vpush @!p3 v1, $0x0;
	_ =	sdelay $0xc  }
.Ltmp13:
0xa9: {  	_ = 	snop;
	(pc) =	sbr.rel @p2 .LBB2_25-.Ltmp13, $4  }
0xaa: {  	_ = 	snop  }
0xab: {  	s26 =	spop @!p3 (v2sf)  }
0xac: {  	s20 =	simm.s32 @!p3 $0x0;
	s22 =	smov.u32 s26  }
0xad: {  	[sflag:s16] =	ssyncpa.u1 $0x0;
	s26 =	smov.u32 @p3 s25;
	s22 =	smov.u32 @p3 s28  }
0xae: {  	v1 =	vld.msk [tilespmem:s21+$0x0], $0x1;
	_ =	sdelay $0x4  }
0xaf: {  	(v2sf) =	vpush v1, $0x0;
	_ =	sdelay $0xe  }
0xb0: {  	s0 =	smul.u32 $0x28000, s23;
	s30 =	spop (v2sf)  }
0xb1: {  	s24 =	ssub.s32 $0x0, s24;
	p2 =	seq.s32 s26, s30  }
0xb2: {  	s28 =	sadd.s32 $0x1, s24;
	s0 =	sshrl.u32 s0, $0x2;
	p3 =	sgt.s32 @!p2 s26, $0x0  }
0xb3: {  	s23 =	sadd.s32 $0xAF98, s0;
	s0 =	smov.u32 s26;
	p3 =	por !p3, p2  }
0xb4: {  	s0 =	simm.s32 @p3 $0x0;
	p3 =	seq.s32 s28, $0x0  }
.Ltmp14:
0xb5: {  	_ = 	snop;
	(pc) =	sbr.rel @p3 .LBB2_17-.Ltmp14, $4  }
0xb6: {  	_ = 	snop  }
0xb7: {  	s25 =	simm.s32 $0x0;
	s31 =	simm.s32 @!p2 $0x1;
	s2 =	smin.u32 @!p2 s0, $0xF8  }
0xb8: {  	s29 =	sadd.s32 $0x1, s21;
	s31 =	smov.u32 @p2 s25;
	s8 =	sand.u32 @!p2 $0xF8, s2  }
0xb9: {  	s0 =	simm.s32 @!p2 $0x50C8;
	s2 =	sand.u32 @!p2 $0x7, s2;
	s8 =	sadd.s32 @!p2 s1, s8  }
.LBB2_16:
0xba: {  	s9 =	smov.u32 s31  }
0xbb: {  	[tilespmem:s0], [sflag:$0x2] =	stream.linear.gather @!p2 [hbm4b:s8+s2], $0x40, $0x38;
	[tilespmem:$0x1EF78] =	vst v63  }
0xbc: {  	s28 =	sadd.s32 $0x1, s28;
	s2 =	smov.u32 s30;
	v1 =	vld.msk [tilespmem:s29+$0x0], $0x1  }
0xbd: {  	p3 =	seq.s32 s28, $0x0;
	_ =	sdelay $0x3  }
0xbe: {  	(v2sf) =	vpush v1, $0x0;
	_ =	sdelay $0xe  }
0xbf: {  	s30 =	spop (v2sf)  }
0xc0: {  	p2 =	seq.s32 s2, s30  }
0xc1: {  	p4 =	sgt.s32 @!p2 s2, $0x0;
	s0 =	sshll.u32 @!p2 s31, $0x8;
	s31 =	sadd.s32 @!p2 $0x1, s31  }
.Ltmp15:
0xc2: {  	p4 =	por !p4, p2;
	s0 =	sshra.s32 @!p2 s0, $0x2;
	(pc) =	sbr.rel @!p3 .LBB2_16-.Ltmp15, $4  }
0xc3: {  	s31 =	smov.u32 @p2 s9;
	s2 =	simm.s32 @p4 $0x0;
	s0 =	sadd.s32 @!p2 $0x50C8, s0  }
0xc4: {  	s2 =	smin.u32 @!p2 s2, $0xF8  }
0xc5: {  	s8 =	sand.u32 @!p2 $0xF8, s2;
	s2 =	sand.u32 @!p2 $0x7, s2  }
0xc6: {  	s29 =	sadd.s32 $0x1, s29;
	s8 =	sadd.s32 @!p2 s1, s8  }
.LBB2_17:
0xc7: {  	[tilespmem:s0], [sflag:$0x2] =	stream.linear.gather @!p2 [hbm4b:s8+s2], $0x40, $0x38;
	[tilespmem:$0x1EF78] =	vst v63  }
.Ltmp16:
0xc8: {  	s30 =	sshll.u32 s31, $0x6;
	(pc) =	sbr.rel .LBB2_18-.Ltmp16, $4  }
0xc9: {  	s31 =	simm.s32 $0x2;
	s0 =	sand.u32 $0x3FFFFFC0, s30  }
0xca: {  	_ =	swait.ge [sflag:s31], s0  }
0xcb: {  	s0 =	ssub.s32 $0x0, s0;
	[sflag:s31] =	ssyncset.done $0x0  }
0xcc: {  	s29 =	simm.s32 $0x0;
	[sflag:s31] =	ssyncadd.s32 s0  }
.LBB2_19:
0xcd: {  	v1 =	vld [tilespmem:s23+$0xFFFFFFE0];
	_ =	sdelay $0x4  }
0xce: {  	[tilespmem:s30+$0x88] =	vst.add.f32.msk $0xffff, v1  }
0xcf: {  	v1 =	vld [tilespmem:s23+$0xFFFFFFF0];
	_ =	sdelay $0x4  }
0xd0: {  	[tilespmem:s30+$0x98] =	vst.add.f32.msk $0xffff, v1  }
0xd1: {  	v1 =	vld [tilespmem:s23+$0x0];
	_ =	sdelay $0x4  }
0xd2: {  	[tilespmem:s30+$0xA8] =	vst.add.f32.msk $0xffff, v1  }
0xd3: {  	v1 =	vld [tilespmem:s23+$0x10];
	_ =	sdelay $0x4  }
0xd4: {  	[tilespmem:s30+$0xB8] =	vst.add.f32.msk $0xffff, v1  }
.LBB2_23:
0xd5: {  	s24 =	sadd.s32 $0x1, s24  }
0xd6: {  	p2 =	seq.s32 s24, $0x0  }
.Ltmp17:
0xd7: {  	_ = 	snop;
	(pc) =	sbr.rel @p2 .LBB2_24-.Ltmp17, $2  }
0xd8: {  	_ =	sdelay $0x2  }
0xd9: {  	s23 =	sadd.s32 $0x80, s23;
	s21 =	sadd.s32 $0x1, s21;
	s26 =	smov.u32 s28  }
.LBB2_18:
0xda: {  	v1 =	vld.msk [tilespmem:s21+$0x0], $0x1;
	_ =	sdelay $0x4  }
0xdb: {  	(v2sf) =	vpush v1, $0x0;
	_ =	sdelay $0xe  }
0xdc: {  	s28 =	spop (v2sf)  }
0xdd: {  	p2 =	sne.s32 s26, s28  }
.Ltmp18:
0xde: {  	_ = 	snop;
	(pc) =	sbr.rel @!p2 .LBB2_19-.Ltmp18, $3  }
0xdf: {  	_ =	sdelay $0x1  }
0xe0: {  	s0 =	sshll.u32 s20, $0x8  }
0xe1: {  	s30 =	sshra.s32 s0, $0x2  }
0xe2: {  	p2 =	seq.s32 s26, s22  }
.Ltmp19:
0xe3: {  	_ = 	snop;
	(pc) =	sbr.rel @!p2 .LBB2_21-.Ltmp19, $1  }
0xe4: {  	_ =	sdelay $0x3  }
.Ltmp20:
0xe5: {  	s0 =	sadd.s32 $0x88, s30;
	(pc) =	sbr.rel .LBB2_22-.Ltmp20, $4  }
0xe6: {  	[spmem:s13] =	stream.linear.scatter [tilespmem:s0], [sflag:$0x1], $0x40, $0x38;
	[tilespmem:$0x1EF78] =	vst v63  }
0xe7: {  	_ =	swait.ge [sflag:s11], $0x40  }
0xe8: {  	[sflag:s11] =	ssyncset.done $0x0  }
0xe9: {  	[sflag:s11] =	ssyncadd.s32 $0xFFFFFFC0  }
.LBB2_21:
0xea: {  	s0 =	sshll.u32 s25, $0x8  }
0xeb: {  	s0 =	sshra.s32 s0, $0x2  }
0xec: {  	v1 =	vld [tilespmem:s0+$0x50C8];
	_ =	sdelay $0x4  }
0xed: {  	[tilespmem:s30+$0x88] =	vst.add.f32.msk $0xffff, v1  }
0xee: {  	v1 =	vld [tilespmem:s0+$0x50D8];
	_ =	sdelay $0x4  }
0xef: {  	[tilespmem:s30+$0x98] =	vst.add.f32.msk $0xffff, v1  }
0xf0: {  	v1 =	vld [tilespmem:s0+$0x50E8];
	_ =	sdelay $0x4  }
0xf1: {  	[tilespmem:s30+$0xA8] =	vst.add.f32.msk $0xffff, v1  }
0xf2: {  	v1 =	vld [tilespmem:s0+$0x50F8];
	_ =	sdelay $0x2  }
0xf3: {  	p2 =	sgt.u32 s26, $0xF8  }
0xf4: {  	s0 =	sand.u32 @!p2 $0xF8, s26  }
0xf5: {  	s2 =	sadd.s32 $0x88, s30;
	s8 =	sand.u32 @!p2 $0x7, s26;
	s0 =	sadd.s32 @!p2 s1, s0;
	[tilespmem:s30+$0xB8] =	vst.add.f32.msk $0xffff, v1  }
0xf6: {  	[hbm4b:s0+s8] =	stream.linear.scatter @!p2 [tilespmem:s2], [sflag:$0xA], $0x40, $0x38;
	[tilespmem:$0x1EF78] =	vst v63  }
0xf7: {  	s0 =	simm.s32 $0x0  }
0xf8: {  	s0 =	simm.s32 @!p2 $0x100  }
0xf9: {  	s29 =	sadd.s32 s0, s29  }
.LBB2_22:
0xfa: {  	s0 =	sadd.s32 $0x1, s20  }
0xfb: {  	s2 =	smulhi.u32 $0xCCCCCCCD, s0;
	_ =	sdelay $0x1  }
0xfc: {  	v1 =	vld [tilespmem:s23+$0xFFFFFFE0];
	s2 =	sshrl.u32 s2, $0x8  }
0xfd: {  	s2 =	smul.u32 $0x140, s2;
	_ =	sdelay $0x1  }
0xfe: {  	s20 =	ssub.s32 s0, s2  }
0xff: {  	s0 =	sshll.u32 s20, $0x6  }
0x100: {  	[tilespmem:s0+$0x88] =	vst v1  }
0x101: {  	v1 =	vld [tilespmem:s23+$0xFFFFFFF0];
	_ =	sdelay $0x4  }
0x102: {  	[tilespmem:s0+$0x98] =	vst v1  }
0x103: {  	v1 =	vld [tilespmem:s23+$0x0];
	_ =	sdelay $0x4  }
0x104: {  	[tilespmem:s0+$0xA8] =	vst v1  }
0x105: {  	v1 =	vld [tilespmem:s23+$0x10]  }
.Ltmp21:
0x106: {  	_ = 	snop;
	(pc) =	sbr.rel .LBB2_23-.Ltmp21, $2  }
0x107: {  	_ =	sdelay $0x2  }
0x108: {  	s25 =	sadd.s32 $0x1, s25;
	[tilespmem:s0+$0xB8] =	vst v1  }
.LBB2_25:
.Ltmp22:
0x109: {  	(pc) =	sbr.rel .LBB2_26-.Ltmp22, $4  }
0x10a: {  	_ = 	snop  }
0x10b: {  	s0 =	simm.s32 $0x2  }
0x10c: {  	_ =	swait.ge [sflag:s0], $0x0  }
0x10d: {  	s28 =	smov.u32 s26;
	[sflag:s0] =	ssyncset.done $0x0;
	s0 =	simm.s32 $0x0  }
.LBB2_28:
0x10e: {  	_ =	sfence.sel $0x180000  }
0x10f: {  	s0 =	simm.s32 $0x7;
	[bflag:$0x0] =	sbarrier.arrive $0xFFFF  }
0x110: {  	s25 =	simm.s32 $0x8;
	[sflag:s0] =	ssyncpa.u1 $0x1  }
0x111: {  	s26 =	simm.s32 $0x9;
	[sflag:s25] =	ssyncpa.u1 $0x1  }
0x112: {  	s28 =	simm.s32 $0x2;
	[sflag:s26] =	ssyncpa.u1 $0x1  }
0x113: {  	[sflag:s28] =	ssyncpa.u1 $0x1  }
0x114: {  	v0 =	vld [tilespmem:$0xA108];
	_ =	sdelay $0x4  }
0x115: {  	(v2sf) =	vpush v0, $0x0  }
0x116: {  	(v2sf) =	vpush v0, $0x1;
	_ =	sdelay $0x1  }
0x117: {  	(v2sf) =	vpush v0, $0x2;
	_ =	sdelay $0xb  }
0x118: {  	s0 =	spop (v2sf)  }
0x119: {  	s2 =	spop (v2sf)  }
0x11a: {  	s3 =	smov.u32 s0;
	p0 =	sne.s32 s0, s2  }
0x11b: {  	s4 =	spop (v2sf);
	s3 =	simm.s32 @!p0 $0xFFFFFFFF  }
0x11c: {  	v2 =	vimm.s32 $0x1;
	v3 =	vlaneseq.u32;
	p0 =	seq.s32 s4, $0xFFFFFFFF;
	v1 =	vmov s3  }
0x11d: {  	s7 =	stileid.u32;
	v0 =	vperm.xlane v0, v2;
	p1 =	sne.s32 @!p0 s0, s2;
	v1 =	vperm.xlane v1, v3  }
0x11e: {  	vm0 =	vcmask $0x3F04;
	s6 =	simm.s32 $0xA108;
	s0 =	simm.s32 @!p0 $0x1;
	p1 =	por !p1, p0  }
0x11f: {  	s3 =	sshll.u32 s7, $0x1;
	s2 =	sshll.u32 @!p0 s4, $0x8;
	s0 =	simm.s32 @p1 $0x0;
	v0 =	vsel vm0, v1, v0  }
0x120: {  	s5 =	sor.u32 $0x800, s3;
	s2 =	sshra.s32 @!p0 s2, $0x2;
	s0 =	sor.u32 @!p0 s0, s3;
	[tilespmem:$0xA108] =	vst v0  }
0x121: {  	[spmem:s5] =	stream.linear.scatter [tilespmem:s6], [sflag:$0x1], $0x2, $0x38;
	[tilespmem:$0x1EF78] =	vst v63  }
0x122: {  	s2 =	sadd.s32 @!p0 $0x88, s2;
	s0 =	sshll.u32 @!p0 s0, $0x6  }
0x123: {  	[spmem:s0] =	stream.linear.scatter @!p0 [tilespmem:s2], [sflag:$0x1], $0x40, $0x38;
	[tilespmem:$0x1EF78] =	vst v63  }
0x124: {  	s2 =	simm.s32 @!p0 $0x42  }
0x125: {  	s0 =	simm.s32 $0x1;
	s2 =	simm.s32 @p0 $0x2  }
0x126: {  	_ =	swait.ge [sflag:s0], s2  }
0x127: {  	s2 =	ssub.s32 $0x0, s2;
	[sflag:s0] =	ssyncset.done $0x0  }
0x128: {  	[sflag:s0] =	ssyncadd.s32 s2  }
0x129: {  	_ =	sfence.stream.spmem  }
0x12a: {  	s29 =	simm.s32 $0x3;
	[bflag:$0x0] =	sbarrier.arrive $0xFFFF  }
0x12b: {  	s30 =	simm.s32 $0x4;
	[sflag:s29] =	ssyncpa.u1 $0x1  }
0x12c: {  	s31 =	simm.s32 $0x3C;
	[sflag:s30] =	ssyncpa.u1 $0x1  }
0x12d: {  	p0 =	sne.s32 s7, $0x0;
	[sflag:s31] =	ssyncpa.u1 $0x1  }
0x12e: {  	_ =	sfence @p0  }
0x12f: {  	[sflag:s0] =	ssyncpa.u1 @p0 $0x1  }
0x130: {  	_ =	strace @p0 $0x9000005C  }
0x131: {  	[bflag:$0x2] =	sbarrier.arrive @p0 $0xFFFF  }
0x132: {  	_ =	shalt @p0  }
.LBB2_29:
0x133: {  	_ =	sfence.stream.spmem;
	s0 =	simm.s32 $0x5  }
0x134: {  	s2 =	simm.s32 $0x800;
	s3 =	simm.s32 $0xA118;
	[sflag:s0] =	ssyncpa.u1 $0x0  }
0x135: {  	[tilespmem:s3], [sflag:$0x5] =	stream.linear.gather [spmem:s2], $0x20, $0x38;
	[tilespmem:$0x1EF78] =	vst v63  }
0x136: {  	s30 =	simm.s32 $0xA138;
	s2 =	simm.s32 $0x0  }
0x137: {  	[tilespmem:s30], [sflag:$0x5] =	stream.linear.gather [spmem:s2], $0x800, $0x38;
	[tilespmem:$0x1EF78] =	vst v63  }
.Ltmp23:
0x138: {  	_ = 	snop;
	(pc) =	sbr.rel .LBB2_30-.Ltmp23, $4  }
0x139: {  	_ =	swait.ge [sflag:s0], $0x820  }
0x13a: {  	[sflag:s0] =	ssyncset.done $0x0  }
0x13b: {  	s31 =	simm.s32 $0x6;
	[sflag:s0] =	ssyncadd.s32 $0xFFFFF7E0  }
0x13c: {  	s3 =	simm.s32 $0x0;
	[sflag:s31] =	ssyncpa.u1 $0x0  }
.LBB2_36:
0x13d: {  	p0 =	slt.u32 s4, $0xF9  }
0x13e: {  	s0 =	sand.u32 @p0 $0xF8, s4  }
0x13f: {  	s4 =	sand.u32 @p0 $0x7, s4;
	s5 =	simm.s32 @p0 $0xA0C8;
	s0 =	sadd.s32 @p0 s1, s0  }
0x140: {  	[tilespmem:s5], [sflag:$0x6] =	stream.linear.gather @p0 [hbm4b:s0+s4], $0x40, $0x38;
	[tilespmem:$0x1EF78] =	vst v63  }
0x141: {  	s0 =	simm.s32 @p0 $0x6  }
0x142: {  	_ =	swait.ge @p0 [sflag:s0], $0x40  }
0x143: {  	[sflag:s0] =	ssyncset.done @p0 $0x0  }
0x144: {  	[sflag:s0] =	ssyncadd.s32 @p0 $0xFFFFFFC0  }
0x145: {  	v1 =	vld @p0 [tilespmem:$0xA0C8];
	_ =	sdelay $0x2  }
0x146: {  	s0 =	sshll.u32 @p0 s3, $0x8  }
0x147: {  	s4 =	sshrl.u32 @p0 s0, $0x2  }
0x148: {  	[tilespmem:s4+$0xA138] =	vst.add.f32.msk @p0 $0xffff, v1  }
0x149: {  	v1 =	vld @p0 [tilespmem:$0xA0D8];
	_ =	sdelay $0x4  }
0x14a: {  	[tilespmem:s4+$0xA148] =	vst.add.f32.msk @p0 $0xffff, v1  }
0x14b: {  	v1 =	vld @p0 [tilespmem:$0xA0E8];
	_ =	sdelay $0x4  }
0x14c: {  	[tilespmem:s4+$0xA158] =	vst.add.f32.msk @p0 $0xffff, v1  }
0x14d: {  	v1 =	vld @p0 [tilespmem:$0xA0F8];
	_ =	sdelay $0x3  }
0x14e: {  	s5 =	sshll.u32 @!p0 s3, $0x8  }
0x14f: {  	s5 =	smov.u32 @p0 s0;
	[tilespmem:s4+$0xA168] =	vst.add.f32.msk @p0 $0xffff, v1  }
0x150: {  	s0 =	sshrl.u32 s5, $0x2;
	[tilespmem:s2+$0xA118] =	vst.msk $0x1, v0  }
0x151: {  	v0 =	vld [tilespmem:s0+$0xA138];
	_ =	sdelay $0x2  }
0x152: {  	s31 =	sshll.u32 s2, $0x8  }
0x153: {  	s4 =	sshra.s32 s31, $0x2  }
0x154: {  	[tilespmem:s4+$0xA138] =	vst v0  }
0x155: {  	v0 =	vld [tilespmem:s0+$0xA148];
	_ =	sdelay $0x4  }
0x156: {  	[tilespmem:s4+$0xA148] =	vst v0  }
0x157: {  	v0 =	vld [tilespmem:s0+$0xA158];
	_ =	sdelay $0x4  }
0x158: {  	[tilespmem:s4+$0xA158] =	vst v0  }
0x159: {  	v0 =	vld [tilespmem:s0+$0xA168];
	_ =	sdelay $0x4  }
0x15a: {  	s2 =	sadd.s32 $0x1, s2;
	[tilespmem:s4+$0xA168] =	vst v0  }
.LBB2_37:
0x15b: {  	s3 =	sadd.s32 $0x1, s3  }
0x15c: {  	p0 =	sne.s32 s3, $0x20  }
.Ltmp24:
0x15d: {  	_ = 	snop;
	(pc) =	sbr.rel @!p0 .LBB2_38-.Ltmp24, $1  }
0x15e: {  	_ =	sdelay $0x3  }
.LBB2_30:
0x15f: {  	v0 =	vld.msk [tilespmem:s3+$0xA118], $0x1;
	_ =	sdelay $0x4  }
0x160: {  	(v2sf) =	vpush v0, $0x0;
	_ =	sdelay $0xe  }
0x161: {  	s4 =	spop (v2sf)  }
0x162: {  	p0 =	seq.s32 s4, $0xFFFFFFFF  }
.Ltmp25:
0x163: {  	_ = 	snop;
	(pc) =	sbr.rel @p0 .LBB2_37-.Ltmp25, $1  }
0x164: {  	_ =	sdelay $0x3  }
0x165: {  	p0 =	slt.s32 s2, $0x1  }
.Ltmp26:
0x166: {  	_ = 	snop;
	(pc) =	sbr.rel @p0 .LBB2_36-.Ltmp26, $1  }
0x167: {  	_ =	sdelay $0x3  }
0x168: {  	s5 =	simm.s32 $0xA118;
	p0 =	por $0x0, $0x0  }
0x169: {  	v1 =	vld.msk @!p0 [tilespmem:s5+$0x0], $0x1;
	_ =	sdelay $0x4  }
0x16a: {  	(v2sf) =	vpush @!p0 v1, $0x0;
	_ =	sdelay $0xd  }
0x16b: {  	p2 =	sne.s32 s2, $0x1  }
.Ltmp27:
0x16c: {  	s0 =	spop @!p0 (v2sf);
	(pc) =	sbr.rel @!p2 .LBB2_34-.Ltmp27, $4  }
0x16d: {  	p1 =	seq.s32 @!p0 s4, s0  }
0x16e: {  	s6 =	simm.s32 $0x0;
	p1 =	por !p1, p0  }
0x16f: {  	s0 =	simm.s32 $0xFFFFFFFF;
	s6 =	simm.s32 @p1 $0xFFFFFFFF  }
0x170: {  	s7 =	simm.s32 $0x1;
	s6 =	smov.u32 @p0 s0  }
.LBB2_33:
0x171: {  	s0 =	smov.u32 s6;
	p0 =	sne.s32 s6, $0xFFFFFFFF  }
0x172: {  	s5 =	sadd.s32 $0x1, s5;
	s6 =	smov.u32 s7;
	s7 =	sadd.s32 $0x1, s7  }
0x173: {  	p1 =	sne.s32 s2, s7;
	v1 =	vld.msk @!p0 [tilespmem:s5+$0x0], $0x1;
	_ =	sdelay $0x4  }
0x174: {  	(v2sf) =	vpush @!p0 v1, $0x0;
	_ =	sdelay $0xe  }
.Ltmp28:
0x175: {  	s8 =	spop @!p0 (v2sf);
	(pc) =	sbr.rel @p1 .LBB2_33-.Ltmp28, $4  }
0x176: {  	p2 =	seq.s32 @!p0 s4, s8  }
0x177: {  	p2 =	por !p2, p0  }
0x178: {  	s6 =	simm.s32 @p2 $0xFFFFFFFF  }
0x179: {  	s6 =	smov.u32 @p0 s0  }
.LBB2_34:
0x17a: {  	p0 =	seq.s32 s6, $0xFFFFFFFF  }
.Ltmp29:
0x17b: {  	_ = 	snop;
	(pc) =	sbr.rel @p0 .LBB2_36-.Ltmp29, $1  }
0x17c: {  	_ =	sdelay $0x3  }
0x17d: {  	s0 =	sshll.u32 s3, $0x6  }
0x17e: {  	s0 =	sand.u32 $0x3FFFFFC0, s0  }
0x17f: {  	v0 =	vld [tilespmem:s0+$0xA138];
	_ =	sdelay $0x2  }
0x180: {  	s4 =	sshll.u32 s6, $0x8  }
0x181: {  	s4 =	sshra.s32 s4, $0x2  }
0x182: {  	[tilespmem:s4+$0xA138] =	vst.add.f32.msk $0xffff, v0  }
0x183: {  	v0 =	vld [tilespmem:s0+$0xA148];
	_ =	sdelay $0x4  }
0x184: {  	[tilespmem:s4+$0xA148] =	vst.add.f32.msk $0xffff, v0  }
0x185: {  	v0 =	vld [tilespmem:s0+$0xA158];
	_ =	sdelay $0x4  }
0x186: {  	[tilespmem:s4+$0xA158] =	vst.add.f32.msk $0xffff, v0  }
0x187: {  	v0 =	vld [tilespmem:s0+$0xA168]  }
.Ltmp30:
0x188: {  	_ = 	snop;
	(pc) =	sbr.rel .LBB2_37-.Ltmp30, $2  }
0x189: {  	_ =	sdelay $0x2  }
0x18a: {  	[tilespmem:s4+$0xA168] =	vst.add.f32.msk $0xffff, v0  }
.LBB2_38:
0x18b: {  	p0 =	slt.s32 s2, $0x1  }
.Ltmp31:
0x18c: {  	_ = 	snop;
	(pc) =	sbr.rel @p0 .LBB2_42-.Ltmp31, $3  }
0x18d: {  	_ =	sdelay $0x1  }
0x18e: {  	s0 =	simm.s32 $0x6  }
0x18f: {  	s3 =	simm.s32 $0x0;
	[sflag:s0] =	ssyncpa.u1 $0x1  }
0x190: {  	s0 =	simm.s32 $0xA118  }
0x191: {  	v0 =	vld.msk [tilespmem:s0+$0x0], $0x1;
	_ =	sdelay $0x4  }
0x192: {  	(v2sf) =	vpush v0, $0x0;
	_ =	sdelay $0xe  }
0x193: {  	s2 =	sadd.s32 $0xFFFFFFFF, s2;
	s0 =	spop (v2sf)  }
0x194: {  	p1 =	sne.s32 s2, $0x0;
	p0 =	sgt.u32 s0, $0xF8  }
.Ltmp32:
0x195: {  	s5 =	sand.u32 @!p0 $0xF8, s0;
	(pc) =	sbr.rel @!p1 .LBB2_41-.Ltmp32, $4  }
0x196: {  	s4 =	simm.s32 $0xA138;
	s0 =	sand.u32 @!p0 $0x7, s0;
	s5 =	sadd.s32 @!p0 s1, s5  }
0x197: {  	[hbm4b:s5+s0] =	stream.linear.scatter @!p0 [tilespmem:s4], [sflag:$0x5], $0x40, $0x38;
	[tilespmem:$0x1EF78] =	vst v63  }
0x198: {  	s0 =	simm.s32 $0x0  }
0x199: {  	s5 =	simm.s32 $0xA119;
	s0 =	simm.s32 @!p0 $0x100  }
.LBB2_40:
0x19a: {  	v0 =	vld.msk [tilespmem:s5+$0x0], $0x1;
	s2 =	sadd.s32 $0xFFFFFFFF, s2;
	s3 =	sadd.s32 s3, s0  }
0x19b: {  	p0 =	sne.s32 s2, $0x0;
	_ =	sdelay $0x3  }
0x19c: {  	(v2sf) =	vpush v0, $0x0;
	_ =	sdelay $0xe  }
.Ltmp33:
0x19d: {  	s6 =	spop (v2sf);
	(pc) =	sbr.rel @p0 .LBB2_40-.Ltmp33, $4  }
0x19e: {  	s0 =	simm.s32 $0x0;
	p1 =	sgt.u32 s6, $0xF8  }
0x19f: {  	s4 =	sadd.s32 $0x40, s4;
	s0 =	simm.s32 @!p1 $0x100;
	s7 =	sand.u32 @!p1 $0xF8, s6  }
0x1a0: {  	s5 =	sadd.s32 $0x1, s5;
	s6 =	sand.u32 @!p1 $0x7, s6;
	s7 =	sadd.s32 @!p1 s1, s7  }
0x1a1: {  	[hbm4b:s7+s6] =	stream.linear.scatter @!p1 [tilespmem:s4], [sflag:$0x5], $0x40, $0x38;
	[tilespmem:$0x1EF78] =	vst v63  }
.LBB2_41:
0x1a2: {  	s0 =	sadd.s32 s3, s0  }
0x1a3: {  	s3 =	sshrl.u32 s0, $0x2  }
.LBB2_42:
0x1a4: {  	s0 =	simm.s32 $0x5  }
0x1a5: {  	_ =	swait.ge [sflag:s0], s3  }
0x1a6: {  	s1 =	ssub.s32 $0x0, s3;
	[sflag:s0] =	ssyncset.done $0x0  }
0x1a7: {  	[sflag:s0] =	ssyncadd.s32 s1  }
0x1a8: {  	[sflag:s0] =	ssyncpa.u1 $0x1  }
0x1a9: {  	s30 =	simm.s32 $0x1;
	_ =	sfence  }
0x1aa: {  	[sflag:s30] =	ssyncpa.u1 $0x1  }
0x1ab: {  	_ =	strace $0x9000005C  }
0x1ac: {  	[bflag:$0x2] =	sbarrier.arrive $0xFFFF  }
0x1ad: {  	s31 =	rddreg [dreg:$0x1]  }
0x1ae: {  	s0 =	sadd.s32 $0x100000, s31  }
0x1af: {  	[sflag:s0] =	ssyncadd.tile.s32 $0x1;
	_ =	shalt  }
.Lfunc_end2:
_tile_overlayer_lowered:
.L_overlay_start_2:
0x1b0: {  	(tag) =	ssettag $0x2  }
0x1b1: {  	s0 =	rddreg [dreg:$0x0];
	s2 =	stileid.u32  }
0x1b2: {  	s1 =	rddreg [dreg:$0x1];
	p0 =	sne.s32 s2, $0x0  }
0x1b3: {  	s3 =	rddreg [dreg:$0x2];
	[bflag:$0x3] =	sbarrier.arrive $0xFFFF;
	s2 =	simm.s32 @!p0 $0x1C01  }
0x1b4: {  	[timem:s3], [sflag:s2] =	dma.local @!p0 [hbm:s0], s1  }
0x1b5: {  	s0 =	simm.s32 @!p0 $0x1  }
0x1b6: {  	_ =	swait.ge @!p0 [sflag:s0], s1  }
0x1b7: {  	s1 =	ssub.s32 @!p0 $0x0, s1;
	[sflag:s0] =	ssyncset.done @!p0 $0x0  }
0x1b8: {  	[sflag:s0] =	ssyncadd.s32 @!p0 s1  }
0x1b9: {  	[bflag:$0x3] =	sbarrier.arrive $0xFFFF  }
0x1ba: {  	_ =	shalt  }

// kernel: scatter_offload_async_start.4
scs
__scs_entry_jumppad:
0x0: {  	(pc) =	sbr.rel $0x88, $3  }
0x1: {  	(tag) =	ssettag $0x0;
	lr =	simm.s32 $0x1  }
0x2: {  	[smem:$0x3F81] =	sst lr;
	_ =	strace $0xD0000000  }
0x3: {  	_ = 	snop  }
0x4: {  	_ = 	snop  }
0x5: {  	_ = 	snop  }
0x6: {  	_ = 	snop  }
0x7: {  	_ = 	snop  }
__scs_overlays_trampoline_lowered:
0x8: {  	[smem:$0x3F90] =	sst s0  }
0x9: {  	[smem:$0x3F91] =	sst s1  }
0xa: {  	[smem:$0x3F92] =	sst s2  }
0xb: {  	[smem:$0x3F93] =	sst s3  }
0xc: {  	[smem:$0x3F94] =	sst s4  }
0xd: {  	[smem:$0x3F95] =	sst s5  }
0xe: {  	[smem:$0x3F96] =	sst s6  }
0xf: {  	[smem:$0x3F97] =	sst s7  }
0x10: {  	[smem:$0x3F98] =	sst s8  }
0x11: {  	[smem:$0x3F99] =	sst s9;
	s0 =	simm.s32 @!p0 $0x0  }
0x12: {  	s1 =	sld [smem:$0x3F7F];
	s0 =	simm.s32 @p0 $0x1  }
0x13: {  	[smem:$0x3F9A] =	sst s0;
	s0 =	simm.s32 @!p1 $0x0  }
0x14: {  	s2 =	sld [smem:$0x3F7E];
	s0 =	simm.s32 @p1 $0x1  }
0x15: {  	[smem:$0x3F9B] =	sst s0;
	s0 =	simm.s32 @!p2 $0x0  }
0x16: {  	s3 =	sld [smem:$0x3FDB];
	s0 =	simm.s32 @p2 $0x1  }
0x17: {  	s4 =	simm.s32 $0x1BF5;
	[smem:$0x3F9D] =	sst s0  }
0x18: {  	s0 =	sld [smem:$0x3F80];
	_ =	swait.ge [sflag:s4], $0x0  }
0x19: {  	s7 =	sld [smem:$0x3F81]  }
0x1a: {  	s8 =	sadd.s32 $0xFFFFE003, lr  }
0x1b: {  	s9 =	sadd.s32 $0xFFFFFEF7, lr;
	s5 =	simm.s32 $0xFFFFFFFF;
	p2 =	slt.u32 s8, $0xFFFFF086  }
0x1c: {  	p1 =	slt.u32 s9, $0xF7A;
	s5 =	simm.s32 @!p2 $0x0  }
0x1d: {  	s5 =	simm.s32 @p1 $0x1;
	p0 =	seq.s32 s7, s2  }
0x1e: {  	s7 =	smul.u32 @!p0 $0xF7A, s2;
	p2 =	seq.s32 @!p0 s5, $0x0  }
0x1f: {  	s9 =	smul.u32 $0xF7A, s1;
	s8 =	simm.s32 @!p0 $0x1BF5;
	p2 =	por !p2, p0  }
0x20: {  	[sflag:s8] =	ssyncset.s32 @!p0 $0xFFFFF086;
	s6 =	sadd.s32 @!p0 s3, s7;
	s7 =	simm.s32 @!p0 $0x108  }
0x21: {  	s3 =	sadd.s32 s3, s9;
	s6 =	sadd.s32 @!p0 $0x88, s6;
	s7 =	simm.s32 @p2 $0x1082  }
0x22: {  	[simem:s7], [sflag:s8] =	dma.local @!p0 [hbm:s6], $0xF7A  }
0x23: {  	s9 =	sor.u32 $0xD0000000, s2;
	s6 =	simm.s32 $0x108;
	_ =	swait.ge @!p0 [sflag:s8], $0x0  }
0x24: {  	s3 =	sadd.s32 $0x88, s3;
	s6 =	simm.s32 @!p1 $0x1082;
	[sflag:s4] =	ssyncset.s32 $0xFFFFF086  }
0x25: {  	[simem:s6], [sflag:s4] =	dma.local [hbm:s3], $0xF7A  }
0x26: {  	[smem:$0x3F81] =	sst s1;
	(tag) =	ssettag s2;
	_ =	strace s9  }
0x27: {  	s1 =	sld [smem:$0x3F91]  }
0x28: {  	s2 =	sld [smem:$0x3F92]  }
0x29: {  	s4 =	sld [smem:$0x3F94]  }
0x2a: {  	p0 =	seq.s32 s5, $0x0;
	s5 =	sld [smem:$0x3F95]  }
0x2b: {  	s6 =	sld [smem:$0x3F96]  }
0x2c: {  	s7 =	sld [smem:$0x3F97]  }
0x2d: {  	s3 =	simm.s32 $0x108;
	s8 =	sld [smem:$0x3F98]  }
0x2e: {  	s3 =	simm.s32 @!p0 $0x1082;
	s9 =	sld [smem:$0x3F99]  }
0x2f: {  	lr =	sadd.s32 s0, s3;
	s0 =	sld [smem:$0x3F90]  }
0x30: {  	s3 =	sld [smem:$0x3F93]  }
0x31: {  	[smem:$0x3F9C] =	sst s10  }
0x32: {  	s10 =	sld [smem:$0x3F9A];
	_ =	sdelay $0x3  }
0x33: {  	p0 =	seq.s32 s10, $0x1;
	s10 =	sld [smem:$0x3F9C];
	_ =	sdelay $0x3  }
0x34: {  	[smem:$0x3F9C] =	sst s10  }
0x35: {  	s10 =	sld [smem:$0x3F9B];
	_ =	sdelay $0x3  }
0x36: {  	p1 =	seq.s32 s10, $0x1;
	s10 =	sld [smem:$0x3F9C];
	_ =	sdelay $0x3  }
0x37: {  	[smem:$0x3F9C] =	sst s10  }
0x38: {  	s10 =	sld [smem:$0x3F9D]  }
0x39: {  	_ = 	snop;
	(pc) =	sbr.ind lr, $3  }
0x3a: {  	_ = 	snop  }
0x3b: {  	_ = 	snop  }
0x3c: {  	p2 =	seq.s32 s10, $0x1;
	s10 =	sld [smem:$0x3F9C]  }
0x3d: {  	_ =	shalt  }
0x3e: {  	_ =	shalt  }
0x3f: {  	_ =	shalt  }
0x40: {  	_ =	shalt  }
0x41: {  	_ =	shalt  }
0x42: {  	_ =	shalt  }
0x43: {  	_ =	shalt  }
0x44: {  	_ =	shalt  }
0x45: {  	_ =	shalt  }
0x46: {  	_ =	shalt  }
0x47: {  	_ =	shalt  }
0x48: {  	_ =	shalt  }
0x49: {  	_ =	shalt  }
0x4a: {  	_ =	shalt  }
0x4b: {  	_ =	shalt  }
0x4c: {  	_ =	shalt  }
0x4d: {  	_ =	shalt  }
0x4e: {  	_ =	shalt  }
0x4f: {  	_ =	shalt  }
0x50: {  	_ =	shalt  }
0x51: {  	_ =	shalt  }
0x52: {  	_ =	shalt  }
0x53: {  	_ =	shalt  }
0x54: {  	_ =	shalt  }
0x55: {  	_ =	shalt  }
0x56: {  	_ =	shalt  }
0x57: {  	_ =	shalt  }
0x58: {  	_ =	shalt  }
0x59: {  	_ =	shalt  }
0x5a: {  	_ =	shalt  }
0x5b: {  	_ =	shalt  }
0x5c: {  	_ =	shalt  }
0x5d: {  	_ =	shalt  }
0x5e: {  	_ =	shalt  }
0x5f: {  	_ =	shalt  }
0x60: {  	_ =	shalt  }
0x61: {  	_ =	shalt  }
0x62: {  	_ =	shalt  }
0x63: {  	_ =	shalt  }
0x64: {  	_ =	shalt  }
0x65: {  	_ =	shalt  }
0x66: {  	_ =	shalt  }
0x67: {  	_ =	shalt  }
0x68: {  	_ =	shalt  }
0x69: {  	_ =	shalt  }
0x6a: {  	_ =	shalt  }
0x6b: {  	_ =	shalt  }
0x6c: {  	_ =	shalt  }
0x6d: {  	_ =	shalt  }
0x6e: {  	_ =	shalt  }
0x6f: {  	_ =	shalt  }
0x70: {  	_ =	shalt  }
0x71: {  	_ =	shalt  }
0x72: {  	_ =	shalt  }
0x73: {  	_ =	shalt  }
0x74: {  	_ =	shalt  }
0x75: {  	_ =	shalt  }
0x76: {  	_ =	shalt  }
0x77: {  	_ =	shalt  }
0x78: {  	_ =	shalt  }
0x79: {  	_ =	shalt  }
0x7a: {  	_ =	shalt  }
0x7b: {  	_ =	shalt  }
0x7c: {  	_ =	shalt  }
0x7d: {  	_ =	shalt  }
0x7e: {  	_ =	shalt  }
0x7f: {  	_ =	shalt  }
0x80: {  	_ =	shalt  }
0x81: {  	_ =	shalt  }
0x82: {  	_ =	shalt  }
0x83: {  	_ =	shalt  }
0x84: {  	_ =	shalt  }
0x85: {  	_ =	shalt  }
0x86: {  	_ =	shalt  }
0x87: {  	_ =	shalt  }
.Lfunc_end0:
.L_simem_size_0:
called_computation.4_lowered:
.L_overlay_start_0:
0x88: {  	s0 =	sld [smem:$0x3FD9]  }
0x89: {  	s1 =	sld [smem:$0x3FFE];
	_ =	sdelay $0x3  }
0x8a: {  	s0 =	sadd.s32 s1, s0  }
0x8b: {  	[smem:$0x3FA8] =	sst s0  }
0x8c: {  	_ = 	snop  }
0x8d: {  	s0 =	sld [smem:$0x3FD0];
	(tm) =	ssettm $0x1  }
0x8e: {  	s16 =	sld [smem:$0x3FFB];
	_ =	sdelay $0x3  }
0x8f: {  	_ =	strace s16  }
0x90: {  	s1 =	sld [smem:$0x3FFC];
	_ =	sdelay $0x3  }
0x91: {  	_ =	strace s1  }
0x92: {  	s1 =	sld [smem:$0x3FFD];
	_ =	sdelay $0x3  }
0x93: {  	_ =	strace s1  }
0x94: {  	_ =	strace $0x8FFFFFFF  }
0x95: {  	s17 =	sld [smem:$0x3FDB];
	_ =	sdelay $0x1  }
0x96: {  	s2 =	simm.s32 $_scs_section_size  }
0x97: {  	s3 =	simm.s32 $_size__tile_overlayer_lowered;
	s4 =	simm.s32 $_tile_overlayer_lowered  }
0x98: {  	s20 =	simm.s32 $0x1BFF;
	s19 =	sshll.u32 s4, $0x1;
	s1 =	sadd.s32 s2, s17  }
0x99: {  	s5 =	simm.s32 $0x0;
	s18 =	sshll.u32 s3, $0x1;
	s3 =	sadd.s32 s19, s1  }
0x9a: {  	[timem:s5], [sflag:s20] =	dma.local [hbm:s3], s18  }
0x9b: {  	_ =	swait.ge [sflag:s20], s18  }
0x9c: {  	s2 =	ssub.s32 $0x0, s18;
	[sflag:s20] =	ssyncset.done $0x0  }
0x9d: {  	[sflag:s20] =	ssyncadd.s32 s2;
	_ =	sdelay $0x1  }
0x9e: {  	s21 =	simm.s32 $0x1B8B  }
0x9f: {  	_ =	swait.ge [sflag:s21], $0x1  }
0xa0: {  	[sflag:s21] =	ssyncset.done $0x0  }
0xa1: {  	s23 =	simm.s32 $0x1B8E;
	s22 =	sld [smem:$0x3FFE];
	[sflag:s21] =	ssyncadd.s32 $0xFFFFFFFF  }
0xa2: {  	s24 =	simm.s32 $execute0_lowered;
	[smem:$0x3FD2] =	sst s23  }
0xa3: {  	s3 =	sshll.u32 s24, $0x1;
	_ =	strace $0x80000058;
	[dreg:$0x1] =	wrdreg $0xFFFFFFFF  }
0xa4: {  	s25 =	simm.s32 $_size_execute0_lowered;
	s1 =	sadd.s32 s1, s3;
	[dreg:$0x0] =	wrdreg $0x0  }
0xa5: {  	s3 =	sshll.u32 s25, $0x1;
	[dreg:$0x2] =	wrdreg s1  }
0xa6: {  	[dreg:$0x3] =	wrdreg s3  }
0xa7: {  	[dreg:$0x4] =	wrdreg $0xC0  }
0xa8: {  	_ =	task [dreg:s5], $0x5FFFF  }
0xa9: {  	[dreg:$0x1] =	wrdreg $0xFFFFFFFF  }
0xaa: {  	[dreg:$0x0] =	wrdreg $0x60  }
0xab: {  	[dreg:$0x2] =	wrdreg s0  }
0xac: {  	[dreg:$0x3] =	wrdreg s22  }
0xad: {  	[dreg:$0x4] =	wrdreg $0xA  }
0xae: {  	_ =	task.clear_ibuf [dreg:s5], $0x5FFFF;
	_ =	strace $0x90000058  }
0xaf: {  	s26 =	simm.s32 $0xA;
	_ =	strace $0x8000005A  }
0xb0: {  	_ =	swait.ge [sflag:s26], $0x1  }
0xb1: {  	[sflag:s26] =	ssyncadd.s32 $0xFFFFFFFF  }
0xb2: {  	_ =	strace $0x9000005A  }
0xb3: {  	_ =	sfence  }
0xb4: {  	s28 =	sld [smem:$0x0];
	_ =	sdelay $0x1  }
0xb5: {  	s29 =	srdreg.scid  }
0xb6: {  	s30 =	sshll.u32 s29, $0xD;
	s31 =	sshrl.u32 s29, $0x2  }
0xb7: {  	s2 =	sand.u32 $0x4000, s30;
	s1 =	sand.u32 $0x1, s29;
	s0 =	sadd.s32 s31, s28  }
0xb8: {  	s1 =	sor.u32 s2, s1;
	s0 =	sshll.u32 s0, $0x11  }
0xb9: {  	s0 =	sor.u32 s0, s1  }
0xba: {  	s0 =	sadd.s32 $0x8F2B, s0  }
0xbb: {  	[sflag:s0] =	ssyncadd.remote.s32 $0x1  }
0xbc: {  	_ =	sfence.sel $0xFFFF  }
0xbd: {  	[dreg:$0x0] =	wrdreg $0xFFFFFFFF;
	(pc) =	sbr.abs _section_cstart, $3  }
0xbe: {  	[dreg:$0x1] =	wrdreg $0xFFFFFFFF  }
0xbf: {  	_ =	task.clear_ibuf [dreg:s5], $0x2FFFF;
	_ =	strace $0x9FFFFFFF  }
0xc0: {  	(tm) =	ssettm $0x7FFFFFFF  }
0xc1: {  	_ =	shalt  }
tec
execute0_lowered:
.L_overlay_start_1:
0x0: {  	(tag) =	ssettag $0x1  }
0x1: {  	s1 =	rddreg [dreg:$0x0];
	s6 =	stileid.u32  }
0x2: {  	s0 =	rddreg [dreg:$0x1];
	_ =	strace $0x80000059;
	s2 =	smin.u32 s6, $0x9  }
0x3: {  	s9 =	simm.s32 $0x1;
	p0 =	slt.u32 s6, $0x9;
	s2 =	sadd.s32 s6, s2  }
0x4: {  	v1 =	vimm.s32 $0xFFFFFFFF;
	[sflag:s9] =	ssyncpa.u1 $0x0;
	s3 =	smul.u32 $0x7D0, s2;
	s2 =	simm.s32 $0xFA0  }
0x5: {  	[tilespmem:$0x10] =	vst v1;
	s2 =	simm.s32 @!p0 $0x7D0  }
0x6: {  	v0 =	vimm.f32 $0.0e+00;
	[tilespmem:$0x20] =	vst v1;
	s2 =	sadd.s32 s2, s3  }
0x7: {  	[tilespmem:$0x30] =	vst v0;
	s4 =	smin.u32 s2, $0xC350  }
0x8: {  	[tilespmem:$0x40] =	vst v0;
	s2 =	ssub.s32 s4, s3  }
0x9: {  	[tilespmem:$0x50] =	vst v0;
	p0 =	sgt.s32 s2, $0x0  }
0xa: {  	[tilespmem:$0x60] =	vst v1;
	s2 =	simm.s32 @!p0 $0x0  }
0xb: {  	s7 =	simm.s32 $0x2;
	s8 =	simm.s32 $0x8;
	[tilespmem:$0x70] =	vst v1;
	s5 =	sand.u32 $0xFFF0, s2  }
0xc: {  	s31 =	simm.s32 $0x9;
	s16 =	simm.s32 $0x0;
	[tilespmem:$0x80] =	vst v1;
	s5 =	sshrl.u32 s5, $0x4  }
0xd: {  	s17 =	simm.s32 $0xF0;
	s18 =	simm.s32 $0xFFFFFFFF;
	v1 =	vimm.s32 $0x0;
	[tilespmem:$0xB0] =	vst v0;
	s5 =	smul.u32 $0x1063, s5  }
0xe: {  	s19 =	simm.s32 $0xFFFFF160;
	s20 =	simm.s32 $0xFFFFFFFE;
	s21 =	simm.s32 $0xF;
	[tilespmem:$0x90] =	vst v1  }
0xf: {  	[tilespmem:$0xA0] =	vst v1;
	[sflag:s7] =	ssyncpa.u1 $0x0;
	s7 =	simm.s32 $0x7;
	s10 =	sshrl.u32 s5, $0x13  }
0x10: {  	s25 =	simm.s32 $0x0;
	[sflag:s7] =	ssyncpa.u1 $0x0;
	s11 =	smul.u32 $0x7D0, s10  }
0x11: {  	s24 =	simm.s32 $0x0;
	s14 =	sshllo.u32 s6, $0x1;
	[sflag:s8] =	ssyncpa.u1 $0x0  }
.Ltmp0:
0x12: {  	s23 =	smov.u32 s3;
	p0 =	sne.s32 s2, s11;
	(pc) =	sbr.rel .LBB2_1-.Ltmp0, $4  }
0x13: {  	s5 =	sadd.s32 $0x4A00, s0;
	s0 =	sadd.s32 $0x6400, s0;
	s9 =	simm.s32 @!p0 $0x0  }
0x14: {  	[sflag:s31] =	ssyncpa.u1 $0x0;
	[dreg:$0x3] =	wrdreg s0;
	s9 =	sadd.s32 s10, s9  }
0x15: {  	vm0 =	vmmov $0xffff;
	v2 =	vlaneseq.u32;
	p0 =	por $0x0, $0x0;
	s10 =	sshll.u32 s6, $0x1;
	s11 =	sadd.s32 $0x1, s9  }
0x16: {  	vm1 =	vmxor vm1, vm1;
	vm2 =	vmmov $0x1;
	vm3 =	vcmask $0x3F3C;
	s12 =	sadd.s32 $0x2, s9;
	s13 =	sor.u32 $0x81, s10;
	s15 =	sor.u32 $0x80, s10  }
.LBB2_9:
0x17: {  	p1 =	slt.u32 s24, $0x3  }
0x18: {  	s0 =	simm.s32 @!p1 $0x2  }
0x19: {  	_ =	swait.ge @!p1 [sflag:s0], $0x7D0  }
0x1a: {  	[sflag:s0] =	ssyncset.done @!p1 $0x0  }
0x1b: {  	[sflag:s0] =	ssyncadd.s32 @!p1 $0xFFFFF830;
	s0 =	simm.s32 @!p1 $0x9  }
0x1c: {  	_ =	swait.ge @!p1 [sflag:s0], $0x10  }
0x1d: {  	[sflag:s0] =	ssyncset.done @!p1 $0x0  }
0x1e: {  	[sflag:s0] =	ssyncadd.s32 @!p1 $0xFFFFFFF0;
	p1 =	sne.s32 s24, s12  }
.Ltmp1:
0x1f: {  	s2 =	sadd.s32 $0x7D0, s23;
	(pc) =	sbr.rel @!p1 .LBB2_10-.Ltmp1, $4  }
0x20: {  	s6 =	smov.u32 s3;
	s31 =	sadd.s32 $0x1, s24;
	s17 =	sadd.s32 $0x7D0, s17  }
0x21: {  	s18 =	sadd.s32 $0x1, s18;
	s25 =	smov.u32 s23;
	p2 =	slt.s32 s2, s4  }
0x22: {  	p0 =	por !p0, !p0;
	s19 =	sadd.s32 $0x7D0, s19;
	s6 =	smov.u32 @p2 s2  }
0x23: {  	s20 =	sadd.s32 $0x1, s20;
	s23 =	smov.u32 s6;
	s24 =	smov.u32 s31  }
.LBB2_1:
0x24: {  	p1 =	sge.u32 s24, s9  }
0x25: {  	s0 =	smulhi.u32 @!p1 $0xAAAAAAAB, s24;
	_ =	sdelay $0x1  }
0x26: {  	s0 =	sshrl.u32 @!p1 s0, $0x1  }
0x27: {  	s0 =	smul.u32 @!p1 $0x3, s0;
	_ =	sdelay $0x1  }
0x28: {  	s0 =	ssub.s32 @!p1 s24, s0  }
0x29: {  	s0 =	smul.u32 @!p1 $0x1F40, s0;
	_ =	sdelay $0x1  }
0x2a: {  	s2 =	sshrl.u32 @!p1 s23, $0x3;
	s0 =	sshrl.u32 @!p1 s0, $0x2  }
0x2b: {  	s22 =	sand.u32 @!p1 $0x7, s23;
	s2 =	sadd.s32 @!p1 s5, s2;
	s0 =	sadd.s32 @!p1 $0x100, s0  }
0x2c: {  	[tilespmem:s0], [sflag:$0x7] =	stream.linear.gather @!p1 [hbm4b:s2+s22], $0x7D0, $0x38;
	[tilespmem:$0x4770] =	vst v63  }
0x2d: {  	s0 =	sadd.s32 $0xFFFFFFFF, s24  }
0x2e: {  	p1 =	sge.u32 s0, s9  }
.Ltmp2:
0x2f: {  	_ = 	snop;
	(pc) =	sbr.rel @p1 .LBB2_5-.Ltmp2, $1  }
0x30: {  	_ =	sdelay $0x3  }
0x31: {  	s2 =	smulhi.u32 $0xAAAAAAAB, s0;
	_ =	sdelay $0x1  }
0x32: {  	s2 =	sshrl.u32 s2, $0x1  }
0x33: {  	s2 =	smul.u32 $0x3, s2;
	_ =	sdelay $0x1  }
0x34: {  	s2 =	ssub.s32 s0, s2  }
0x35: {  	s2 =	smul.u32 $0x1F40, s2  }
0x36: {  	_ =	swait.ge [sflag:s7], $0x7D0  }
0x37: {  	[sflag:s7] =	ssyncset.done $0x0;
	s2 =	sshrl.u32 s2, $0x2  }
0x38: {  	[sflag:s7] =	ssyncadd.s32 $0xFFFFF830;
	(ifvalue) =	ssetifvalue $0xFFFFFFFF;
	v3 =	vld.msk [tilespmem:s2+$0x100 ss:$0x1], $0xffff;
	_ =	sdelay $0x2  }
0x39: {  	s30 =	smulhi.u32 $0xAAAAAAAB, s18;
	p1 =	sne.s32 s24, $0x1  }
0x3a: {  	v4 =	vimm.s32 @!p1 $0x0  }
0x3b: {  	s2 =	sshrl.u32 s30, $0x1;
	v4 =	vperm.xlane @!p1 v3, v4  }
0x3c: {  	s22 =	sshll.u32 s24, $0x4;
	s2 =	smul.u32 $0xFFFFA240, s2;
	vm4 =	vlt.u32 v3, $0x80  }
0x3d: {  	s22 =	sand.u32 $0x10, s22;
	v3 =	vnsel vm4, $0xFFFFFFFE, v3;
	vm4 =	vlt.u32 @!p1 v4, $0x80  }
0x3e: {  	s2 =	sshra.s32 s2, $0x2;
	[tilespmem:s22+$0x60] =	vst v3;
	v3 =	vnsel @!p1 vm4, $0xFFFFFFFE, v4  }
0x3f: {  	s28 =	sadd.s32 s2, s17;
	[tilespmem:$0x80] =	vst @!p1 v3  }
0x40: {  	v3 =	vld.msk [tilespmem:s28+$0x0 ss:$0x1], $0xffff;
	_ =	sdelay $0x4  }
0x41: {  	(xrf1) =	vunique.msk.u32 $0xffff, v3;
	_ =	sdelay $0xd  }
0x42: {  	v4 =	vimm.s32 $0xFFFFFFFF;
	v5, _, _ =	vpop (xrf1)  }
0x43: {  	vm5 =	vne.s32 v3, v4;
	vm4 =	veq.s32 v5, v2  }
0x44: {  	vm6 =	vlt.u32 v3, $0x80;
	vm4 =	vmand vm5, vm4  }
0x45: {  	vm4 =	vmand vm6, vm4  }
0x46: {  	v4 =	vnsel vm4, $0xFFFFFFFF, v3  }
0x47: {  	s31 =	sand.u32 $0x1, s0  }
0x48: {  	s0 =	simm.s32 $0x7D0;
	p1 =	seq.s32 s31, $0x1  }
0x49: {  	s0 =	simm.s32 @!p1 $0x0  }
0x4a: {  	s26 =	sadd.s32 $0x2030, s0;
	(ifvalue) =	ssetifvalue $0xFFFFFFFF  }
0x4b: {  	v3 =	vperm.xlane v3, v1;
	[tilespmem:s26], [sflag:$0x8] =	stream.indirect_vreg.gather [hbm4b:s1+s16], $0x1, v4, vm0, $0x4038;
	v4 =	vnsel vm6, $0xFFFFFFFE, v4;
	[tilespmem:$0x4770] =	vst v63  }
0x4c: {  	s2 =	simm.s32 $0x0;
	s22 =	sadd.s32 $0xFFFFFFF0, s28;
	[tilespmem:s28+$0x0] =	vst v4  }
.LBB2_3:
0x4d: {  	v4 =	vld.msk [tilespmem:s22+$0x0 ss:$0x1], $0xffff;
	s2 =	sadd.s32 $0x10, s2;
	v5 =	vmov v3;
	s28 =	smov.u32 s22  }
0x4e: {  	p1 =	slt.u32 s2, $0x7C0;
	_ =	sdelay $0x4  }
0x4f: {  	v3 =	vperm.xlane v4, v1;
	(xrf1) =	vunique.msk.u32 $0xffff, v4;
	_ =	sdelay $0xd  }
0x50: {  	v6, _, _ =	vpop (xrf1)  }
0x51: {  	vm5 =	vne.s32 v4, v5;
	vm4 =	veq.s32 v6, v2  }
0x52: {  	vm6 =	vlt.u32 v4, $0x80;
	vm4 =	vmand vm5, vm4  }
0x53: {  	vm4 =	vmand vm6, vm4  }
0x54: {  	v4 =	vnsel vm4, $0xFFFFFFFF, v4  }
.Ltmp3:
0x55: {  	v5 =	vnsel vm6, $0xFFFFFFFE, v4;
	(pc) =	sbr.rel @p1 .LBB2_3-.Ltmp3, $3  }
0x56: {  	_ =	sdelay $0x1  }
0x57: {  	s22 =	sadd.s32 $0xFFFFFFF0, s22;
	s26 =	sadd.s32 $0xFFFFFFF0, s26;
	(ifvalue) =	ssetifvalue $0xFFFFFFFF  }
0x58: {  	[tilespmem:s26], [sflag:$0x8] =	stream.indirect_vreg.gather [hbm4b:s1+s16], $0x1, v4, vm0, $0x4038;
	[tilespmem:s28+$0x0] =	vst v5  }
0x59: {  	s2 =	sshrl.u32 s25, $0x3;
	s6 =	rddreg [dreg:$0x3]  }
0x5a: {  	s0 =	sadd.s32 $0x2810, s0;
	s2 =	sadd.s32 s6, s2  }
0x5b: {  	[tilespmem:s0], [sflag:$0x8] =	stream.linear.gather [hbm:s2], $0x7D0, $0x38;
	[tilespmem:$0x4770] =	vst v63  }
.LBB2_5:
0x5c: {  	p1 =	slt.u32 s24, $0x2  }
0x5d: {  	p2 =	sge.u32 @!p1 s24, s12  }
0x5e: {  	p1 =	por p1, p2  }
.Ltmp4:
0x5f: {  	_ = 	snop;
	(pc) =	sbr.rel @p1 .LBB2_9-.Ltmp4, $1  }
0x60: {  	_ =	sdelay $0x3  }
0x61: {  	s0 =	sadd.s32 $0xFFFFFFFE, s24  }
0x62: {  	s2 =	smulhi.u32 $0xAAAAAAAB, s0;
	_ =	sdelay $0x1  }
0x63: {  	s2 =	sshrl.u32 s2, $0x1  }
0x64: {  	s2 =	smul.u32 $0x3, s2;
	_ =	sdelay $0x1  }
0x65: {  	s0 =	ssub.s32 s0, s2  }
0x66: {  	_ =	swait.ge [sflag:s8], $0xFA0;
	s0 =	smul.u32 $0x7D0, s0  }
0x67: {  	p1 =	sne.s32 s24, s11;
	[sflag:s8] =	ssyncset.done $0x0  }
0x68: {  	[sflag:s8] =	ssyncadd.s32 $0xFFFFF060;
	s2 =	sadd.s32 @!p1 $0x8CF, s0  }
0x69: {  	[spmem:s13] =	stream.linear.scatter @!p1 [tilespmem:s2], [sflag:$0x1], $0x1, $0x38;
	[tilespmem:$0x4770] =	vst v63  }
0x6a: {  	s2 =	simm.s32 @!p1 $0x1  }
0x6b: {  	_ =	swait.ge @!p1 [sflag:s2], $0x1  }
0x6c: {  	s22 =	sshll.u32 s24, $0x4;
	[sflag:s2] =	ssyncset.done @!p1 $0x0  }
0x6d: {  	s25 =	sand.u32 $0x10, s22;
	[sflag:s2] =	ssyncadd.s32 @!p1 $0xFFFFFFFF  }
0x6e: {  	s2 =	sxor.u32 $0x10, s25;
	v4 =	vld [tilespmem:s25+$0x10]  }
0x6f: {  	v5 =	vld [tilespmem:s2+$0x60]  }
0x70: {  	v3 =	vld [tilespmem:$0x80];
	_ =	sdelay $0x2  }
0x71: {  	(v2sf) =	vpush v4, $0x0  }
0x72: {  	(v2sf) =	vpush v5, $0x0  }
0x73: {  	(v2sf) =	vpush v3, $0x0;
	_ =	sdelay $0xc  }
0x74: {  	s6 =	spop (v2sf)  }
0x75: {  	s28 =	spop (v2sf)  }
0x76: {  	s26 =	spop (v2sf)  }
0x77: {  	p2 =	seq.s32 s6, s28;
	p3 =	seq.s32 s26, s6  }
0x78: {  	p3 =	por p2, p3  }
0x79: {  	s6 =	sand.u32 $0x1, s24;
	v4 =	vpsel p3, $0xFFFFFFFF, v4  }
0x7a: {  	s28 =	smul.u32 $0x7D0, s6;
	[tilespmem:s25+$0x10] =	vst.msk $0x1, v4  }
0x7b: {  	v4 =	vld [tilespmem:$0x30]  }
0x7c: {  	v5 =	vld [tilespmem:s28+$0x2810]  }
0x7d: {  	v6 =	vld [tilespmem:s25+$0x40];
	_ =	sdelay $0x3  }
0x7e: {  	vm4 =	vmmov vm1;
	v5 =	vadd.f32 v5, v4  }
0x7f: {  	vm5 =	vmmov vm2;
	vm4 =	vmmov @p2 vm2;
	v4 =	vadd.f32 v6, v4  }
0x80: {  	s22 =	sshll.u32 s6, $0x4;
	vm5 =	vmmov @p3 vm1;
	[tilespmem:s28+$0x2810] =	vst.msk vm4, v5  }
0x81: {  	[tilespmem:s22+$0x4750] =	vst.msk vm5, v4  }
0x82: {  	v4 =	vld [tilespmem:s28+$0x2030];
	_ =	sdelay $0x3  }
0x83: {  	v5 =	vimm.f32 $0.0e+00  }
0x84: {  	v4 =	vshift.insert v4, v5, s21  }
0x85: {  	s29 =	sor.u32 $0x40, s2  }
0x86: {  	[tilespmem:s29+$0x0] =	vst.msk $0x1, v4  }
0x87: {  	[tilespmem:s28+$0x203F] =	vst.msk $0x1, v5  }
0x88: {  	v4 =	vld [tilespmem:s0+$0x8C0];
	_ =	sdelay $0x1  }
0x89: {  	s29 =	smulhi.u32 $0xAAAAAAAB, s20;
	s0 =	simm.s32 $0x1  }
0x8a: {  	s0 =	simm.s32 @!p0 $0x0  }
0x8b: {  	s29 =	sshrl.u32 s29, $0x1;
	s0 =	smul.u32 $0x1F40, s0  }
0x8c: {  	s29 =	smul.u32 $0xFFFFA240, s29;
	v4 =	vshift.insert v4, v1, s21  }
0x8d: {  	s0 =	sshrl.u32 s0, $0x2  }
0x8e: {  	s29 =	sshra.s32 s29, $0x2;
	s30 =	sadd.s32 $0x2810, s0;
	[tilespmem:s2+$0x10] =	vst.msk $0x1, v4  }
0x8f: {  	s6 =	sadd.s32 s29, s19;
	v6 =	vld [tilespmem:s30+$0x0]  }
0x90: {  	v7 =	vld [tilespmem:s6+$0x0];
	_ =	sdelay $0x3  }
0x91: {  	v5 =	vadd.f32 v6, v5  }
0x92: {  	vm4 =	vne.s32 v7, $0xFFFFFFFF  }
0x93: {  	(xrf2) =	vadd.seg.scan.f32 vm4, v5;
	_ =	sdelay $0x3  }
0x94: {  	s31 =	sadd.s32 $0x1870, s0;
	v5 =	vperm.xlane v4, v1  }
0x95: {  	v6 =	vld [tilespmem:s31+$0x0]  }
0x96: {  	vm5 =	veq.s32 v7, v3;
	vm6 =	veq.s32 v7, v5  }
0x97: {  	vm7 =	vgt.u32 v7, $0xFFFFFFFD;
	vm6 =	vmor vm6, vm5  }
0x98: {  	vm6 =	vmor vm6, vm7  }
0x99: {  	v9 =	vld [tilespmem:$0xA0];
	v7 =	vsel vm6, $0xFFFFFFFF, v7  }
0x9a: {  	v10 =	vld [tilespmem:$0x90];
	v6 =	vsel vm5, $0x0, v6;
	v8, _, _ =	vpop (xrf2)  }
0x9b: {  	v6 =	vadd.f32 v8, v6  }
0x9c: {  	s0 =	sadd.s32 $0x37B0, s0  }
0x9d: {  	vm4 =	vmand vm4, vm3;
	[tilespmem:s0+$0x0] =	vst v6;
	(ifvalue) =	ssetifvalue $0xFFFFFFFF  }
0x9e: {  	vm6 =	veq.s32 v9, $0x1;
	[hbm4b:s1+s16] =	stream.indirect_vreg.scatter [tilespmem:s0], [sflag:$0x2], $0x1, v7, vm0, $0x4038;
	v7 =	vsel vm4, $0x0, v8;
	[tilespmem:$0x4770] =	vst v63  }
0x9f: {  	s29 =	sadd.s32 $0x4750, s22;
	s22 =	sadd.s32 $0x10, s6;
	s2 =	simm.s32 $0x0;
	vm4 =	vmor vm6, vm5;
	v6 =	vsel vm5, v8, v10;
	v7 =	vshift.insert v7, v0, s21  }
.LBB2_7:
0xa0: {  	v8 =	vld [tilespmem:s22+$0x0];
	s30 =	sadd.s32 $0x10, s30  }
0xa1: {  	s31 =	sadd.s32 $0x10, s31;
	v9 =	vld [tilespmem:s30+$0x0]  }
0xa2: {  	s2 =	sadd.s32 $0x10, s2;
	v10 =	vld [tilespmem:s31+$0x0]  }
0xa3: {  	p2 =	slt.u32 s2, $0x7C0;
	_ =	sdelay $0x2  }
0xa4: {  	v7 =	vadd.f32 v9, v7  }
0xa5: {  	vm5 =	vne.s32 v8, $0xFFFFFFFF  }
0xa6: {  	vm6 =	vmand vm5, vm3;
	(xrf2) =	vadd.seg.scan.f32 vm5, v7;
	_ =	sdelay $0x5  }
0xa7: {  	vm7 =	veq.s32 v8, v5;
	vm5 =	veq.s32 v8, v3  }
0xa8: {  	vm8 =	vgt.u32 v8, $0xFFFFFFFD;
	vm4 =	vmor vm4, vm5;
	vm7 =	vmor vm7, vm5  }
0xa9: {  	vm7 =	vmor vm7, vm8  }
0xaa: {  	v8 =	vsel vm7, $0xFFFFFFFF, v8  }
.Ltmp5:
0xab: {  	v7 =	vsel vm5, $0x0, v10;
	v9, _, _ =	vpop (xrf2);
	(pc) =	sbr.rel @p2 .LBB2_7-.Ltmp5, $4  }
0xac: {  	v6 =	vsel vm5, v9, v6;
	v10 =	vadd.f32 v9, v7;
	v7 =	vsel vm6, $0x0, v9  }
0xad: {  	s0 =	sadd.s32 $0x10, s0;
	v7 =	vshift.insert v7, v0, s21  }
0xae: {  	s22 =	sadd.s32 $0x10, s22;
	[tilespmem:s0+$0x0] =	vst v10;
	(ifvalue) =	ssetifvalue $0xFFFFFFFF  }
0xaf: {  	[hbm4b:s1+s16] =	stream.indirect_vreg.scatter [tilespmem:s0], [sflag:$0x2], $0x1, v8, vm0, $0x4038;
	[tilespmem:$0x4770] =	vst v63  }
0xb0: {  	v3 =	vld [tilespmem:s28+$0x3F70];
	_ =	sdelay $0x4  }
0xb1: {  	v3 =	vshift.insert v3, v0, s21  }
0xb2: {  	s0 =	simm.s32 $0x30  }
0xb3: {  	[tilespmem:s0+$0x0] =	vst.msk $0x1, v3  }
0xb4: {  	v3 =	vsel vm4, $0x1, v1;
	[tilespmem:$0x90] =	vst v6  }
0xb5: {  	s0 =	sadd.s32 @!p1 $0x3F7F, s28;
	[tilespmem:$0xA0] =	vst v3  }
0xb6: {  	[spmem:s14] =	stream.linear.scatter @!p1 [tilespmem:s0], [sflag:$0x1], $0x1, $0x38;
	[tilespmem:$0x4770] =	vst v63  }
0xb7: {  	s0 =	simm.s32 @!p1 $0x1  }
0xb8: {  	v3 =	vmctz.xlane @!p1 vm4;
	_ =	swait.ge @!p1 [sflag:s0], $0x1  }
0xb9: {  	(v2sf) =	vpush @!p1 v4, $0x0  }
0xba: {  	(v2sf) =	vpush @!p1 v3, $0x0;
	_ =	sdelay $0xd  }
0xbb: {  	s2 =	spop @!p1 (v2sf)  }
0xbc: {  	s6 =	spop @!p1 (v2sf)  }
0xbd: {  	p2 =	sne.s32 @!p1 s26, s2;
	p3 =	slt.s32 @!p1 s6, $0xF  }
0xbe: {  	[sflag:s0] =	ssyncset.done @!p1 $0x0;
	p2 =	por p2, p1;
	p3 =	por !p3, p1  }
0xbf: {  	[sflag:s0] =	ssyncadd.s32 @!p1 $0xFFFFFFFF;
	v3 =	vimm.s32 @!p2 $0xFFFFFFFF;
	s6 =	simm.s32 @p3 $0xF  }
0xc0: {  	[tilespmem:$0x80] =	vst @!p2 v3;
	s2 =	sadd.s32 @!p1 $0x90, s6  }
0xc1: {  	[spmem:s10] =	stream.linear.scatter @!p1 [tilespmem:s2], [sflag:$0x1], $0x1, $0x38;
	[tilespmem:$0x4770] =	vst v63  }
0xc2: {  	_ =	swait.ge @!p1 [sflag:s0], $0x1  }
0xc3: {  	[sflag:s0] =	ssyncset.done @!p1 $0x0  }
0xc4: {  	s2 =	simm.s32 @!p1 $0x80;
	[sflag:s0] =	ssyncadd.s32 @!p1 $0xFFFFFFFF  }
0xc5: {  	[spmem:s15] =	stream.linear.scatter @!p1 [tilespmem:s2], [sflag:$0x1], $0x1, $0x38;
	[tilespmem:$0x4770] =	vst v63  }
0xc6: {  	_ =	swait.ge @!p1 [sflag:s0], $0x1  }
0xc7: {  	[sflag:s0] =	ssyncset.done @!p1 $0x0  }
0xc8: {  	[sflag:s0] =	ssyncadd.s32 @!p1 $0xFFFFFFFF;
	(ifvalue) =	ssetifvalue $0xFFFFFFFF;
	v3 =	vld [tilespmem:s25+$0x10];
	_ =	sdelay $0x3  }
.Ltmp6:
0xc9: {  	_ = 	snop;
	(pc) =	sbr.rel .LBB2_9-.Ltmp6, $3  }
0xca: {  	_ =	sdelay $0x1  }
0xcb: {  	(ifvalue) =	ssetifvalue $0xFFFFFFFF  }
0xcc: {  	[hbm4b:s1+s16] =	stream.indirect_vreg.scatter [tilespmem:s29], [sflag:$0x9], $0x1, v3, vm0, $0x4038;
	[tilespmem:$0x4770] =	vst v63  }
.LBB2_10:
0xcd: {  	_ =	sfence.sel $0x180000  }
0xce: {  	s0 =	simm.s32 $0x7;
	[bflag:$0x0] =	sbarrier.arrive $0xFFFF  }
0xcf: {  	s26 =	simm.s32 $0x8;
	[sflag:s0] =	ssyncpa.u1 $0x1  }
0xd0: {  	s28 =	simm.s32 $0x9;
	[sflag:s26] =	ssyncpa.u1 $0x1  }
0xd1: {  	[sflag:s28] =	ssyncpa.u1 $0x1  }
0xd2: {  	_ =	sfence.stream.spmem  }
0xd3: {  	s29 =	simm.s32 $0x3;
	[bflag:$0x0] =	sbarrier.arrive $0xFFFF  }
0xd4: {  	s30 =	simm.s32 $0x4;
	[sflag:s29] =	ssyncpa.u1 $0x1  }
0xd5: {  	s31 =	simm.s32 $0x3C;
	s2 =	stileid.u32;
	[sflag:s30] =	ssyncpa.u1 $0x1  }
0xd6: {  	p0 =	sne.s32 s2, $0x0;
	[sflag:s31] =	ssyncpa.u1 $0x1  }
0xd7: {  	s0 =	simm.s32 @p0 $0x1;
	_ =	sfence @p0  }
0xd8: {  	[sflag:s0] =	ssyncpa.u1 @p0 $0x1;
	s0 =	simm.s32 @p0 $0x2  }
0xd9: {  	[sflag:s0] =	ssyncpa.u1 @p0 $0x1  }
0xda: {  	_ =	strace @p0 $0x90000059  }
0xdb: {  	[bflag:$0x2] =	sbarrier.arrive @p0 $0xFFFF  }
0xdc: {  	_ =	shalt @p0  }
.LBB2_11:
0xdd: {  	_ =	sfence.stream.spmem;
	s0 =	simm.s32 $0x5  }
0xde: {  	s2 =	simm.s32 $0x80;
	s3 =	simm.s32 $0xC0;
	[sflag:s0] =	ssyncpa.u1 $0x0  }
0xdf: {  	[tilespmem:s3], [sflag:$0x5] =	stream.linear.gather [spmem:s2], $0x20, $0x38;
	[tilespmem:$0x4770] =	vst v63  }
0xe0: {  	s2 =	simm.s32 $0x0;
	s3 =	simm.s32 $0xE0  }
0xe1: {  	[tilespmem:s3], [sflag:$0x5] =	stream.linear.gather [spmem:s2], $0x20, $0x38;
	[tilespmem:$0x4770] =	vst v63  }
.Ltmp7:
0xe2: {  	_ = 	snop;
	(pc) =	sbr.rel .LBB2_12-.Ltmp7, $4  }
0xe3: {  	_ =	swait.ge [sflag:s0], $0x40  }
0xe4: {  	[sflag:s0] =	ssyncset.done $0x0  }
0xe5: {  	s31 =	simm.s32 $0x6;
	[sflag:s0] =	ssyncadd.s32 $0xFFFFFFC0  }
0xe6: {  	s4 =	simm.s32 $0x0;
	[sflag:s31] =	ssyncpa.u1 $0x0  }
.LBB2_17:
0xe7: {  	p0 =	sgt.u32 s5, $0x7F  }
0xe8: {  	s0 =	sshrl.u32 @!p0 s5, $0x3  }
0xe9: {  	s5 =	sand.u32 @!p0 $0x7, s5;
	s6 =	simm.s32 @!p0 $0xB0;
	s0 =	sadd.s32 @!p0 s1, s0  }
0xea: {  	[tilespmem:s6], [sflag:$0x6] =	stream.linear.gather @!p0 [hbm4b:s0+s5], $0x1, $0x38;
	[tilespmem:$0x4770] =	vst v63  }
0xeb: {  	s0 =	simm.s32 @!p0 $0x6  }
0xec: {  	_ =	swait.ge @!p0 [sflag:s0], $0x1  }
0xed: {  	[sflag:s0] =	ssyncset.done @!p0 $0x0  }
0xee: {  	[sflag:s0] =	ssyncadd.s32 @!p0 $0xFFFFFFFF  }
0xef: {  	v2 =	vmov @!p0 s4;
	v1 =	vld.msk @!p0 [tilespmem:$0xB0], $0x1;
	_ =	sdelay $0x3  }
0xf0: {  	s0 =	simm.s32 @!p0 $0xE0  }
0xf1: {  	[tilespmem:v2+s0+$0x0], v1 =	vst.idx.ret.add.f32.msk @!p0 $0x1, v1  }
0xf2: {  	[tilespmem:s2+$0xC0] =	vst.msk $0x1, v0  }
0xf3: {  	v0 =	vld.msk [tilespmem:s4+$0xE0], $0x1;
	_ =	sdelay $0x4  }
0xf4: {  	[tilespmem:s2+$0xE0] =	vst.msk $0x1, v0;
	s2 =	sadd.s32 $0x1, s2  }
.LBB2_19:
0xf5: {  	s4 =	sadd.s32 $0x1, s4  }
0xf6: {  	p0 =	sne.s32 s4, $0x20  }
.Ltmp8:
0xf7: {  	_ = 	snop;
	(pc) =	sbr.rel @!p0 .LBB2_20-.Ltmp8, $1  }
0xf8: {  	_ =	sdelay $0x3  }
.LBB2_12:
0xf9: {  	v0 =	vld.msk [tilespmem:s4+$0xC0], $0x1;
	_ =	sdelay $0x4  }
0xfa: {  	(v2sf) =	vpush v0, $0x0;
	_ =	sdelay $0xe  }
0xfb: {  	s5 =	spop (v2sf)  }
0xfc: {  	p0 =	seq.s32 s5, $0xFFFFFFFF  }
.Ltmp9:
0xfd: {  	_ = 	snop;
	(pc) =	sbr.rel @p0 .LBB2_19-.Ltmp9, $1  }
0xfe: {  	_ =	sdelay $0x3  }
0xff: {  	p0 =	slt.s32 s2, $0x1  }
.Ltmp10:
0x100: {  	_ = 	snop;
	(pc) =	sbr.rel @p0 .LBB2_17-.Ltmp10, $1  }
0x101: {  	_ =	sdelay $0x3  }
0x102: {  	s0 =	simm.s32 $0xC0;
	p0 =	por $0x0, $0x0  }
0x103: {  	v1 =	vld.msk @!p0 [tilespmem:s0+$0x0], $0x1;
	_ =	sdelay $0x4  }
0x104: {  	(v2sf) =	vpush @!p0 v1, $0x0;
	_ =	sdelay $0xd  }
0x105: {  	p2 =	sne.s32 s2, $0x1  }
.Ltmp11:
0x106: {  	s6 =	spop @!p0 (v2sf);
	(pc) =	sbr.rel @!p2 .LBB2_16-.Ltmp11, $4  }
0x107: {  	p1 =	seq.s32 @!p0 s5, s6  }
0x108: {  	s6 =	simm.s32 $0x0;
	p1 =	por !p1, p0  }
0x109: {  	s8 =	simm.s32 $0xFFFFFFFF;
	s6 =	simm.s32 @p1 $0xFFFFFFFF  }
0x10a: {  	s7 =	simm.s32 $0x1;
	s6 =	smov.u32 @p0 s8  }
.LBB2_15:
0x10b: {  	s8 =	smov.u32 s6;
	p0 =	sne.s32 s6, $0xFFFFFFFF  }
0x10c: {  	s0 =	sadd.s32 $0x1, s0;
	s6 =	smov.u32 s7;
	s7 =	sadd.s32 $0x1, s7  }
0x10d: {  	p1 =	sne.s32 s2, s7;
	v1 =	vld.msk @!p0 [tilespmem:s0+$0x0], $0x1;
	_ =	sdelay $0x4  }
0x10e: {  	(v2sf) =	vpush @!p0 v1, $0x0;
	_ =	sdelay $0xe  }
.Ltmp12:
0x10f: {  	s9 =	spop @!p0 (v2sf);
	(pc) =	sbr.rel @p1 .LBB2_15-.Ltmp12, $4  }
0x110: {  	p2 =	seq.s32 @!p0 s5, s9  }
0x111: {  	p2 =	por !p2, p0  }
0x112: {  	s6 =	simm.s32 @p2 $0xFFFFFFFF  }
0x113: {  	s6 =	smov.u32 @p0 s8  }
.LBB2_16:
0x114: {  	p0 =	sne.s32 s6, $0xFFFFFFFF  }
.Ltmp13:
0x115: {  	_ = 	snop;
	(pc) =	sbr.rel @!p0 .LBB2_17-.Ltmp13, $1  }
0x116: {  	_ =	sdelay $0x3  }
0x117: {  	v0 =	vld.msk [tilespmem:s4+$0xE0], $0x1;
	v1 =	vmov s6  }
.Ltmp14:
0x118: {  	_ = 	snop;
	(pc) =	sbr.rel .LBB2_19-.Ltmp14, $2  }
0x119: {  	_ =	sdelay $0x2  }
0x11a: {  	[tilespmem:v1+s3+$0x0], v0 =	vst.idx.ret.add.f32.msk $0x1, v0  }
.LBB2_20:
0x11b: {  	p0 =	slt.s32 s2, $0x1  }
.Ltmp15:
0x11c: {  	_ = 	snop;
	(pc) =	sbr.rel @p0 .LBB2_24-.Ltmp15, $3  }
0x11d: {  	_ =	sdelay $0x1  }
0x11e: {  	s0 =	simm.s32 $0x6  }
0x11f: {  	s3 =	simm.s32 $0x0;
	[sflag:s0] =	ssyncpa.u1 $0x1  }
0x120: {  	s0 =	simm.s32 $0xC0  }
0x121: {  	v0 =	vld.msk [tilespmem:s0+$0x0], $0x1;
	_ =	sdelay $0x4  }
0x122: {  	(v2sf) =	vpush v0, $0x0;
	_ =	sdelay $0xe  }
0x123: {  	s2 =	sadd.s32 $0xFFFFFFFF, s2;
	s4 =	spop (v2sf)  }
0x124: {  	p1 =	sne.s32 s2, $0x0;
	p0 =	sgt.u32 s4, $0x7F  }
.Ltmp16:
0x125: {  	s5 =	sshrl.u32 @!p0 s4, $0x3;
	(pc) =	sbr.rel @!p1 .LBB2_23-.Ltmp16, $4  }
0x126: {  	s0 =	simm.s32 $0xE0;
	s4 =	sand.u32 @!p0 $0x7, s4;
	s5 =	sadd.s32 @!p0 s1, s5  }
0x127: {  	[hbm4b:s5+s4] =	stream.linear.scatter @!p0 [tilespmem:s0], [sflag:$0x5], $0x1, $0x38;
	[tilespmem:$0x4770] =	vst v63  }
0x128: {  	s5 =	simm.s32 $0x0  }
0x129: {  	s4 =	simm.s32 $0xC1;
	s5 =	simm.s32 @!p0 $0x4  }
.LBB2_22:
0x12a: {  	v0 =	vld.msk [tilespmem:s4+$0x0], $0x1;
	s2 =	sadd.s32 $0xFFFFFFFF, s2;
	s3 =	sadd.s32 s3, s5  }
0x12b: {  	p0 =	sne.s32 s2, $0x0;
	_ =	sdelay $0x3  }
0x12c: {  	(v2sf) =	vpush v0, $0x0;
	_ =	sdelay $0xe  }
.Ltmp17:
0x12d: {  	s6 =	spop (v2sf);
	(pc) =	sbr.rel @p0 .LBB2_22-.Ltmp17, $4  }
0x12e: {  	s5 =	simm.s32 $0x0;
	p1 =	sgt.u32 s6, $0x7F  }
0x12f: {  	s0 =	sadd.s32 $0x1, s0;
	s5 =	simm.s32 @!p1 $0x4;
	s7 =	sshrl.u32 @!p1 s6, $0x3  }
0x130: {  	s4 =	sadd.s32 $0x1, s4;
	s6 =	sand.u32 @!p1 $0x7, s6;
	s7 =	sadd.s32 @!p1 s1, s7  }
0x131: {  	[hbm4b:s7+s6] =	stream.linear.scatter @!p1 [tilespmem:s0], [sflag:$0x5], $0x1, $0x38;
	[tilespmem:$0x4770] =	vst v63  }
.LBB2_23:
0x132: {  	s0 =	sadd.s32 s3, s5  }
0x133: {  	s3 =	sshrl.u32 s0, $0x2  }
.LBB2_24:
0x134: {  	s0 =	simm.s32 $0x5  }
0x135: {  	_ =	swait.ge [sflag:s0], s3  }
0x136: {  	s1 =	ssub.s32 $0x0, s3;
	[sflag:s0] =	ssyncset.done $0x0  }
0x137: {  	[sflag:s0] =	ssyncadd.s32 s1  }
0x138: {  	[sflag:s0] =	ssyncpa.u1 $0x1  }
0x139: {  	s29 =	simm.s32 $0x1;
	_ =	sfence  }
0x13a: {  	s30 =	simm.s32 $0x2;
	[sflag:s29] =	ssyncpa.u1 $0x1  }
0x13b: {  	[sflag:s30] =	ssyncpa.u1 $0x1  }
0x13c: {  	_ =	strace $0x90000059  }
0x13d: {  	[bflag:$0x2] =	sbarrier.arrive $0xFFFF  }
0x13e: {  	s31 =	rddreg [dreg:$0x2]  }
0x13f: {  	s0 =	sadd.s32 $0x100000, s31  }
0x140: {  	[sflag:s0] =	ssyncadd.tile.s32 $0x1;
	_ =	shalt  }
.Lfunc_end2:
_tile_overlayer_lowered:
.L_overlay_start_2:
0x141: {  	(tag) =	ssettag $0x2  }
0x142: {  	s0 =	rddreg [dreg:$0x0];
	s2 =	stileid.u32  }
0x143: {  	s1 =	rddreg [dreg:$0x1];
	p0 =	sne.s32 s2, $0x0  }
0x144: {  	s3 =	rddreg [dreg:$0x2];
	[bflag:$0x3] =	sbarrier.arrive $0xFFFF;
	s2 =	simm.s32 @!p0 $0x1C01  }
0x145: {  	[timem:s3], [sflag:s2] =	dma.local @!p0 [hbm:s0], s1  }
0x146: {  	s0 =	simm.s32 @!p0 $0x1  }
0x147: {  	_ =	swait.ge @!p0 [sflag:s0], s1  }
0x148: {  	s1 =	ssub.s32 @!p0 $0x0, s1;
	[sflag:s0] =	ssyncset.done @!p0 $0x0  }
0x149: {  	[sflag:s0] =	ssyncadd.s32 @!p0 s1  }
0x14a: {  	[bflag:$0x3] =	sbarrier.arrive $0xFFFF  }
0x14b: {  	_ =	shalt  }

// kernel: scatter_offload_async_start
scs
__scs_entry_jumppad:
0x0: {  	(pc) =	sbr.rel $0x88, $3  }
0x1: {  	(tag) =	ssettag $0x0;
	lr =	simm.s32 $0x1  }
0x2: {  	[smem:$0x3F81] =	sst lr;
	_ =	strace $0xD0000000  }
0x3: {  	_ = 	snop  }
0x4: {  	_ = 	snop  }
0x5: {  	_ = 	snop  }
0x6: {  	_ = 	snop  }
0x7: {  	_ = 	snop  }
__scs_overlays_trampoline_lowered:
0x8: {  	[smem:$0x3F90] =	sst s0  }
0x9: {  	[smem:$0x3F91] =	sst s1  }
0xa: {  	[smem:$0x3F92] =	sst s2  }
0xb: {  	[smem:$0x3F93] =	sst s3  }
0xc: {  	[smem:$0x3F94] =	sst s4  }
0xd: {  	[smem:$0x3F95] =	sst s5  }
0xe: {  	[smem:$0x3F96] =	sst s6  }
0xf: {  	[smem:$0x3F97] =	sst s7  }
0x10: {  	[smem:$0x3F98] =	sst s8  }
0x11: {  	[smem:$0x3F99] =	sst s9;
	s0 =	simm.s32 @!p0 $0x0  }
0x12: {  	s1 =	sld [smem:$0x3F7F];
	s0 =	simm.s32 @p0 $0x1  }
0x13: {  	[smem:$0x3F9A] =	sst s0;
	s0 =	simm.s32 @!p1 $0x0  }
0x14: {  	s2 =	sld [smem:$0x3F7E];
	s0 =	simm.s32 @p1 $0x1  }
0x15: {  	[smem:$0x3F9B] =	sst s0;
	s0 =	simm.s32 @!p2 $0x0  }
0x16: {  	s3 =	sld [smem:$0x3FDB];
	s0 =	simm.s32 @p2 $0x1  }
0x17: {  	s4 =	simm.s32 $0x1BF5;
	[smem:$0x3F9D] =	sst s0  }
0x18: {  	s0 =	sld [smem:$0x3F80];
	_ =	swait.ge [sflag:s4], $0x0  }
0x19: {  	s7 =	sld [smem:$0x3F81]  }
0x1a: {  	s8 =	sadd.s32 $0xFFFFE003, lr  }
0x1b: {  	s9 =	sadd.s32 $0xFFFFFEF7, lr;
	s5 =	simm.s32 $0xFFFFFFFF;
	p2 =	slt.u32 s8, $0xFFFFF086  }
0x1c: {  	p1 =	slt.u32 s9, $0xF7A;
	s5 =	simm.s32 @!p2 $0x0  }
0x1d: {  	s5 =	simm.s32 @p1 $0x1;
	p0 =	seq.s32 s7, s2  }
0x1e: {  	s7 =	smul.u32 @!p0 $0xF7A, s2;
	p2 =	seq.s32 @!p0 s5, $0x0  }
0x1f: {  	s9 =	smul.u32 $0xF7A, s1;
	s8 =	simm.s32 @!p0 $0x1BF5;
	p2 =	por !p2, p0  }
0x20: {  	[sflag:s8] =	ssyncset.s32 @!p0 $0xFFFFF086;
	s6 =	sadd.s32 @!p0 s3, s7;
	s7 =	simm.s32 @!p0 $0x108  }
0x21: {  	s3 =	sadd.s32 s3, s9;
	s6 =	sadd.s32 @!p0 $0x88, s6;
	s7 =	simm.s32 @p2 $0x1082  }
0x22: {  	[simem:s7], [sflag:s8] =	dma.local @!p0 [hbm:s6], $0xF7A  }
0x23: {  	s9 =	sor.u32 $0xD0000000, s2;
	s6 =	simm.s32 $0x108;
	_ =	swait.ge @!p0 [sflag:s8], $0x0  }
0x24: {  	s3 =	sadd.s32 $0x88, s3;
	s6 =	simm.s32 @!p1 $0x1082;
	[sflag:s4] =	ssyncset.s32 $0xFFFFF086  }
0x25: {  	[simem:s6], [sflag:s4] =	dma.local [hbm:s3], $0xF7A  }
0x26: {  	[smem:$0x3F81] =	sst s1;
	(tag) =	ssettag s2;
	_ =	strace s9  }
0x27: {  	s1 =	sld [smem:$0x3F91]  }
0x28: {  	s2 =	sld [smem:$0x3F92]  }
0x29: {  	s4 =	sld [smem:$0x3F94]  }
0x2a: {  	p0 =	seq.s32 s5, $0x0;
	s5 =	sld [smem:$0x3F95]  }
0x2b: {  	s6 =	sld [smem:$0x3F96]  }
0x2c: {  	s7 =	sld [smem:$0x3F97]  }
0x2d: {  	s3 =	simm.s32 $0x108;
	s8 =	sld [smem:$0x3F98]  }
0x2e: {  	s3 =	simm.s32 @!p0 $0x1082;
	s9 =	sld [smem:$0x3F99]  }
0x2f: {  	lr =	sadd.s32 s0, s3;
	s0 =	sld [smem:$0x3F90]  }
0x30: {  	s3 =	sld [smem:$0x3F93]  }
0x31: {  	[smem:$0x3F9C] =	sst s10  }
0x32: {  	s10 =	sld [smem:$0x3F9A];
	_ =	sdelay $0x3  }
0x33: {  	p0 =	seq.s32 s10, $0x1;
	s10 =	sld [smem:$0x3F9C];
	_ =	sdelay $0x3  }
0x34: {  	[smem:$0x3F9C] =	sst s10  }
0x35: {  	s10 =	sld [smem:$0x3F9B];
	_ =	sdelay $0x3  }
0x36: {  	p1 =	seq.s32 s10, $0x1;
	s10 =	sld [smem:$0x3F9C];
	_ =	sdelay $0x3  }
0x37: {  	[smem:$0x3F9C] =	sst s10  }
0x38: {  	s10 =	sld [smem:$0x3F9D]  }
0x39: {  	_ = 	snop;
	(pc) =	sbr.ind lr, $3  }
0x3a: {  	_ = 	snop  }
0x3b: {  	_ = 	snop  }
0x3c: {  	p2 =	seq.s32 s10, $0x1;
	s10 =	sld [smem:$0x3F9C]  }
0x3d: {  	_ =	shalt  }
0x3e: {  	_ =	shalt  }
0x3f: {  	_ =	shalt  }
0x40: {  	_ =	shalt  }
0x41: {  	_ =	shalt  }
0x42: {  	_ =	shalt  }
0x43: {  	_ =	shalt  }
0x44: {  	_ =	shalt  }
0x45: {  	_ =	shalt  }
0x46: {  	_ =	shalt  }
0x47: {  	_ =	shalt  }
0x48: {  	_ =	shalt  }
0x49: {  	_ =	shalt  }
0x4a: {  	_ =	shalt  }
0x4b: {  	_ =	shalt  }
0x4c: {  	_ =	shalt  }
0x4d: {  	_ =	shalt  }
0x4e: {  	_ =	shalt  }
0x4f: {  	_ =	shalt  }
0x50: {  	_ =	shalt  }
0x51: {  	_ =	shalt  }
0x52: {  	_ =	shalt  }
0x53: {  	_ =	shalt  }
0x54: {  	_ =	shalt  }
0x55: {  	_ =	shalt  }
0x56: {  	_ =	shalt  }
0x57: {  	_ =	shalt  }
0x58: {  	_ =	shalt  }
0x59: {  	_ =	shalt  }
0x5a: {  	_ =	shalt  }
0x5b: {  	_ =	shalt  }
0x5c: {  	_ =	shalt  }
0x5d: {  	_ =	shalt  }
0x5e: {  	_ =	shalt  }
0x5f: {  	_ =	shalt  }
0x60: {  	_ =	shalt  }
0x61: {  	_ =	shalt  }
0x62: {  	_ =	shalt  }
0x63: {  	_ =	shalt  }
0x64: {  	_ =	shalt  }
0x65: {  	_ =	shalt  }
0x66: {  	_ =	shalt  }
0x67: {  	_ =	shalt  }
0x68: {  	_ =	shalt  }
0x69: {  	_ =	shalt  }
0x6a: {  	_ =	shalt  }
0x6b: {  	_ =	shalt  }
0x6c: {  	_ =	shalt  }
0x6d: {  	_ =	shalt  }
0x6e: {  	_ =	shalt  }
0x6f: {  	_ =	shalt  }
0x70: {  	_ =	shalt  }
0x71: {  	_ =	shalt  }
0x72: {  	_ =	shalt  }
0x73: {  	_ =	shalt  }
0x74: {  	_ =	shalt  }
0x75: {  	_ =	shalt  }
0x76: {  	_ =	shalt  }
0x77: {  	_ =	shalt  }
0x78: {  	_ =	shalt  }
0x79: {  	_ =	shalt  }
0x7a: {  	_ =	shalt  }
0x7b: {  	_ =	shalt  }
0x7c: {  	_ =	shalt  }
0x7d: {  	_ =	shalt  }
0x7e: {  	_ =	shalt  }
0x7f: {  	_ =	shalt  }
0x80: {  	_ =	shalt  }
0x81: {  	_ =	shalt  }
0x82: {  	_ =	shalt  }
0x83: {  	_ =	shalt  }
0x84: {  	_ =	shalt  }
0x85: {  	_ =	shalt  }
0x86: {  	_ =	shalt  }
0x87: {  	_ =	shalt  }
.Lfunc_end0:
.L_simem_size_0:
called_computation_lowered:
.L_overlay_start_0:
0x88: {  	s2 =	sld [smem:$0x3FD9]  }
0x89: {  	s3 =	sld [smem:$0x3FFE];
	_ =	sdelay $0x1  }
0x8a: {  	s1 =	srdreg.scid  }
0x8b: {  	s0 =	sand.u32 $0x1, s1  }
0x8c: {  	s15 =	sshll.u32 s0, $0xA;
	s2 =	sadd.s32 s3, s2  }
0x8d: {  	s2 =	sadd.s32 s2, s15  }
0x8e: {  	[smem:$0x3FA8] =	sst s2  }
0x8f: {  	_ = 	snop  }
0x90: {  	(tm) =	ssettm $0x1  }
0x91: {  	s16 =	sld [smem:$0x3FFB];
	_ =	sdelay $0x3  }
0x92: {  	_ =	strace s16  }
0x93: {  	s2 =	sld [smem:$0x3FFC];
	_ =	sdelay $0x3  }
0x94: {  	_ =	strace s2  }
0x95: {  	s2 =	sld [smem:$0x3FFD];
	_ =	sdelay $0x3  }
0x96: {  	_ =	strace s2  }
0x97: {  	_ =	strace $0x8FFFFFFF  }
0x98: {  	s17 =	sld [smem:$0x3FDB];
	_ =	sdelay $0x1  }
0x99: {  	s18 =	simm.s32 $_scs_section_size  }
0x9a: {  	s4 =	simm.s32 $_size__tile_overlayer_lowered;
	s5 =	simm.s32 $_tile_overlayer_lowered  }
0x9b: {  	s21 =	simm.s32 $0x1BFF;
	s20 =	sshll.u32 s5, $0x1;
	s2 =	sadd.s32 s18, s17  }
0x9c: {  	s6 =	simm.s32 $0x0;
	s19 =	sshll.u32 s4, $0x1;
	s4 =	sadd.s32 s20, s2  }
0x9d: {  	[timem:s6], [sflag:s21] =	dma.local [hbm:s4], s19  }
0x9e: {  	_ =	swait.ge [sflag:s21], s19  }
0x9f: {  	s3 =	ssub.s32 $0x0, s19;
	[sflag:s21] =	ssyncset.done $0x0  }
0xa0: {  	[sflag:s21] =	ssyncadd.s32 s3;
	_ =	sdelay $0x1  }
0xa1: {  	s22 =	simm.s32 $0x1B8B  }
0xa2: {  	_ =	swait.ge [sflag:s22], $0x1  }
0xa3: {  	[sflag:s22] =	ssyncset.done $0x0  }
0xa4: {  	s23 =	sld [smem:$0x3FFE];
	[sflag:s22] =	ssyncadd.s32 $0xFFFFFFFF  }
0xa5: {  	s25 =	simm.s32 $0x1B8E;
	s24 =	sld [smem:$0x0]  }
0xa6: {  	s26 =	simm.s32 $execute0_lowered;
	[smem:$0x3FD2] =	sst s25  }
0xa7: {  	s5 =	sshll.u32 s26, $0x1;
	_ =	strace $0x80000049;
	[dreg:$0x1] =	wrdreg $0xFFFFFFFF  }
0xa8: {  	s28 =	simm.s32 $_size_execute0_lowered;
	s2 =	sadd.s32 s2, s5;
	[dreg:$0x0] =	wrdreg $0x0  }
0xa9: {  	s5 =	sshll.u32 s28, $0x1;
	[dreg:$0x2] =	wrdreg s2  }
0xaa: {  	[dreg:$0x3] =	wrdreg s5  }
0xab: {  	[dreg:$0x4] =	wrdreg $0xC0  }
0xac: {  	_ =	task [dreg:s6], $0x5FFFF  }
0xad: {  	[dreg:$0x1] =	wrdreg $0xFFFFFFFF  }
0xae: {  	[dreg:$0x0] =	wrdreg $0x60  }
0xaf: {  	[dreg:$0x2] =	wrdreg s23  }
0xb0: {  	[dreg:$0x3] =	wrdreg s1  }
0xb1: {  	[dreg:$0x4] =	wrdreg s24  }
0xb2: {  	[dreg:$0x5] =	wrdreg $0x9  }
0xb3: {  	_ =	task.clear_ibuf [dreg:s6], $0x6FFFF;
	_ =	strace $0x90000049  }
0xb4: {  	s29 =	simm.s32 $0x9;
	_ =	strace $0x8000004B  }
0xb5: {  	_ =	swait.ge [sflag:s29], $0x1  }
0xb6: {  	[sflag:s29] =	ssyncadd.s32 $0xFFFFFFFF  }
0xb7: {  	_ =	strace $0x9000004B  }
0xb8: {  	_ =	sfence  }
0xb9: {  	s30 =	sld [smem:$0x0];
	_ =	sdelay $0x2  }
0xba: {  	s31 =	sshll.u32 s1, $0xD;
	s1 =	sshrl.u32 s1, $0x2  }
0xbb: {  	s3 =	sand.u32 $0x4000, s31;
	s1 =	sadd.s32 s1, s30  }
0xbc: {  	s0 =	sor.u32 s3, s0;
	s1 =	sshll.u32 s1, $0x11  }
0xbd: {  	s0 =	sor.u32 s1, s0  }
0xbe: {  	s0 =	sadd.s32 $0x8F2B, s0  }
0xbf: {  	[sflag:s0] =	ssyncadd.remote.s32 $0x1  }
0xc0: {  	_ =	sfence.sel $0xFFFF  }
0xc1: {  	[dreg:$0x0] =	wrdreg $0xFFFFFFFF;
	(pc) =	sbr.abs _section_cstart, $3  }
0xc2: {  	[dreg:$0x1] =	wrdreg $0xFFFFFFFF  }
0xc3: {  	_ =	task.clear_ibuf [dreg:s6], $0x2FFFF;
	_ =	strace $0x9FFFFFFF  }
0xc4: {  	(tm) =	ssettm $0x7FFFFFFF  }
0xc5: {  	_ =	shalt  }
tec
execute0_lowered:
.L_overlay_start_1:
0x0: {  	(tag) =	ssettag $0x1  }
0x1: {  	s2 =	rddreg [dreg:$0x0]  }
0x2: {  	s4 =	rddreg [dreg:$0x1];
	_ =	strace $0x8000004A;
	s0 =	simm.s32 $0x1  }
0x3: {  	s3 =	simm.s32 $0x88;
	v0 =	vimm.s32 $0x0;
	[sflag:s0] =	ssyncpa.u1 $0x0  }
0x4: {  	s1 =	sadd.s32 $0x1A23200, s2;
	[tilespmem:s3+$0x30] =	vst v0  }
0x5: {  	s0 =	sadd.s32 $0x1AE6800, s2;
	s6 =	sadd.s32 $0x274CC00, s2;
	[tilespmem:s3+$0x20] =	vst v0  }
0x6: {  	s2 =	sadd.s32 $0x1AFF000, s2;
	s7 =	sand.u32 $0x1, s4;
	s4 =	simm.s32 $0x40;
	[tilespmem:s3+$0x10] =	vst v0  }
.LBB2_1:
0x7: {  	s4 =	sadd.s32 $0x40, s4  }
0x8: {  	[tilespmem:s3+$0x0] =	vst v0;
	s3 =	sadd.s32 $0x40, s3;
	p0 =	slt.u32 s4, $0x5040  }
.Ltmp0:
0x9: {  	(pc) =	sbr.rel @p0 .LBB2_1-.Ltmp0, $4  }
0xa: {  	_ = 	snop  }
0xb: {  	[tilespmem:s3+$0x30] =	vst v0  }
0xc: {  	[tilespmem:s3+$0x20] =	vst v0  }
0xd: {  	[tilespmem:s3+$0x10] =	vst v0  }
0xe: {  	s8 =	stileid.u32  }
0xf: {  	s4 =	smul.u32 $0x4E, s8  }
0x10: {  	s5 =	smin.u32 s8, $0x2  }
0x11: {  	s4 =	sadd.s32 s5, s4  }
0x12: {  	p0 =	slt.u32 s8, $0x2;
	s12 =	smul.u32 $0x140, s4;
	s4 =	simm.s32 $0x62C0  }
0x13: {  	s4 =	simm.s32 @!p0 $0x6180  }
0x14: {  	s25 =	simm.s32 $0x2;
	s4 =	sadd.s32 s4, s12  }
0x15: {  	s28 =	simm.s32 $0x9;
	s9 =	simm.s32 $0xA;
	s14 =	smin.u32 s4, $0x61A80  }
0x16: {  	s30 =	simm.s32 $0xB;
	[dreg:$0x4] =	wrdreg s7;
	s4 =	ssub.s32 s14, s12  }
0x17: {  	s31 =	smul.u32 $0xC350, s7;
	s13 =	simm.s32 $0x1;
	p0 =	sgt.s32 s4, $0x0  }
0x18: {  	s19 =	simm.s32 $0x0;
	s20 =	simm.s32 $0xA808;
	s4 =	simm.s32 @!p0 $0x0  }
0x19: {  	s21 =	simm.s32 $0xFFFFFFFF;
	p1 =	por $0x0, $0x0;
	s26 =	smulhi.u32 $0x66666667, s4  }
0x1a: {  	[tilespmem:s3+$0x0] =	vst v0;
	s23 =	simm.s32 $0x0;
	[sflag:s25] =	ssyncpa.u1 $0x0;
	s18 =	sshll.u32 s8, $0x7  }
0x1b: {  	s0 =	sadd.s32 s31, s0;
	[dreg:$0xa] =	wrdreg s18;
	s3 =	sshrl.u32 s26, $0x7  }
0x1c: {  	v0 =	vimm.s32 $0xFFFFFFFF;
	s17 =	sadd.s32 s31, s2;
	[dreg:$0x9] =	wrdreg s0;
	s29 =	smul.u32 $0x140, s3  }
0x1d: {  	s25 =	simm.s32 $0x0;
	[tilespmem:$0xA108] =	vst v0;
	[sflag:s28] =	ssyncpa.u1 $0x0;
	[dreg:$0x8] =	wrdreg s17  }
.Ltmp1:
0x1e: {  	p0 =	sne.s32 s4, s29;
	s4 =	simm.s32 $0x1;
	(pc) =	sbr.rel .LBB2_3-.Ltmp1, $4  }
0x1f: {  	[sflag:s9] =	ssyncpa.u1 $0x0;
	[dreg:$0x5] =	wrdreg s12;
	s4 =	simm.s32 @!p0 $0x0  }
0x20: {  	[sflag:s30] =	ssyncpa.u1 $0x0;
	[dreg:$0x6] =	wrdreg s14;
	s15 =	sadd.s32 s4, s3  }
0x21: {  	s24 =	smov.u32 s12;
	s22 =	sadd.s32 $0x1, s15;
	[dreg:$0x7] =	wrdreg s15  }
0x22: {  	v0 =	vlaneseq.u32;
	s26 =	simm.s32 $0x0;
	p0 =	por $0x1, $0x1;
	[dreg:$0xb] =	wrdreg s22  }
.LBB2_22:
0x23: {  	s0 =	sshrl.u32 s3, $0x2  }
.LBB2_24:
0x24: {  	s3 =	simm.s32 $0xC  }
0x25: {  	_ =	swait.ge [sflag:s3], s0  }
0x26: {  	s31 =	ssub.s32 $0x0, s0;
	v1 =	vmov s4;
	vm0 =	veq.s32 v0, $0x0;
	[sflag:s3] =	ssyncset.done $0x0  }
0x27: {  	vm15 =	veq.s32 v0, $0x2;
	v1 =	vsel vm0, s2, v1;
	[sflag:s3] =	ssyncadd.s32 s31  }
0x28: {  	v1 =	vsel vm15, s26, v1;
	[sflag:s3] =	ssyncpa.u1 $0x1  }
0x29: {  	[tilespmem:$0xA108] =	vst v1  }
.LBB2_25:
0x2a: {  	s0 =	sadd.s32 $0x140, s24  }
0x2b: {  	s2 =	smov.u32 s12;
	p2 =	slt.s32 s0, s14  }
0x2c: {  	s2 =	smov.u32 @p2 s0;
	p2 =	sne.s32 s25, s22  }
.Ltmp2:
0x2d: {  	_ = 	snop;
	(pc) =	sbr.rel @!p2 .LBB2_26-.Ltmp2, $4  }
0x2e: {  	_ = 	snop  }
0x2f: {  	s26 =	smov.u32 s23;
	s31 =	sadd.s32 $0x1, s25;
	p0 =	por !p0, !p0  }
0x30: {  	s23 =	smov.u32 s24;
	s20 =	sadd.s32 $0x140, s20;
	s21 =	sadd.s32 $0x1, s21  }
0x31: {  	p1 =	por !p1, !p1;
	s25 =	smov.u32 s31;
	s24 =	smov.u32 s2  }
.LBB2_3:
0x32: {  	p2 =	sge.u32 s25, s15  }
0x33: {  	s0 =	smulhi.u32 @!p2 $0xAAAAAAAB, s25  }
0x34: {  	s2 =	smov.u32 s24;
	p3 =	sgt.s32 @!p2 s24, $0x61940  }
0x35: {  	s3 =	sshra.s32 @!p2 s24, $0x1F;
	p3 =	por !p3, p2;
	s0 =	sshrl.u32 @!p2 s0, $0x1  }
0x36: {  	s3 =	sand.u32 @!p2 s3, s24;
	s2 =	simm.s32 @p3 $0x61940;
	s0 =	smul.u32 @!p2 $0x3, s0  }
0x37: {  	s2 =	ssub.s32 @!p2 s2, s3  }
0x38: {  	s2 =	sadd.s32 @!p2 $0xFFF9E6C0, s2;
	s0 =	ssub.s32 @!p2 s25, s0  }
0x39: {  	s3 =	sshll.u32 @!p2 s2, $0x2;
	p3 =	sgt.s32 @!p2 s2, $0x13F;
	s0 =	smul.u32 @!p2 $0x500, s0  }
0x3a: {  	s4 =	sand.u32 @!p2 $0x7, s24;
	s2 =	ssub.s32 @!p2 $0x500, s3;
	p3 =	por !p3, p2  }
0x3b: {  	s3 =	sshrl.u32 @!p2 s24, $0x3;
	s2 =	sshrl.u32 @!p2 s2, $0x2;
	s0 =	sshrl.u32 @!p2 s0, $0x2  }
0x3c: {  	s3 =	sadd.s32 @!p2 s3, s17;
	s2 =	simm.s32 @!p3 $0x0;
	s0 =	sadd.s32 @!p2 $0xA948, s0  }
0x3d: {  	[tilespmem:s0], [sflag:$0xA] =	stream.linear.gather @!p2 [hbm4b:s3+s4], s2, $0x38;
	[tilespmem:$0x1EF88] =	vst v63  }
0x3e: {  	s0 =	sadd.s32 $0xFFFFFFFF, s25  }
0x3f: {  	p2 =	sge.u32 s0, s15  }
.Ltmp3:
0x40: {  	_ = 	snop;
	(pc) =	sbr.rel @p2 .LBB2_7-.Ltmp3, $1  }
0x41: {  	_ =	sdelay $0x3  }
0x42: {  	p2 =	sgt.s32 s23, $0x61940;
	s2 =	smov.u32 s23;
	s3 =	sshra.s32 s23, $0x1F  }
0x43: {  	s2 =	simm.s32 @!p2 $0x61940;
	s3 =	sand.u32 s3, s23  }
0x44: {  	s17 =	smulhi.u32 $0xAAAAAAAB, s21;
	s2 =	ssub.s32 s2, s3  }
0x45: {  	s0 =	sand.u32 $0x1, s0;
	s2 =	sadd.s32 $0xFFF9E6C0, s2  }
0x46: {  	s5 =	simm.s32 $0xA;
	s3 =	sshrl.u32 s17, $0x1;
	s4 =	sshll.u32 s2, $0x2  }
0x47: {  	s7 =	sshrl.u32 s23, $0x3;
	s3 =	smul.u32 $0xFFFFF100, s3;
	s4 =	ssub.s32 $0x500, s4  }
0x48: {  	s18 =	smul.u32 $0x500, s0;
	p2 =	sgt.s32 s2, $0x13F;
	s2 =	sshrl.u32 s4, $0x2  }
0x49: {  	s9 =	sand.u32 $0x7, s23;
	s3 =	sshra.s32 s3, $0x2;
	s2 =	simm.s32 @p2 $0x0  }
0x4a: {  	s0 =	sadd.s32 s3, s20;
	s4 =	sshrl.u32 s18, $0x2;
	_ =	swait.ge [sflag:s5], s2  }
0x4b: {  	s22 =	ssub.s32 $0x0, s2;
	[sflag:s5] =	ssyncset.done $0x0;
	s8 =	rddreg [dreg:$0x9]  }
0x4c: {  	s4 =	sadd.s32 $0xAD08, s4;
	[sflag:s5] =	ssyncadd.s32 s22;
	s3 =	sadd.s32 s7, s8  }
0x4d: {  	[tilespmem:s4], [sflag:$0xB] =	stream.linear.gather [hbm4b:s3+s9], s2, $0x38;
	[tilespmem:$0x1EF88] =	vst v63  }
0x4e: {  	v1 =	vld.msk [tilespmem:s0+$0x0], $0xffff;
	_ =	sdelay $0x4  }
0x4f: {  	v1 =	vshll.u32 v1, $0x4  }
0x50: {  	(v2sf) =	vpush v1, $0x0  }
0x51: {  	(v2sf) =	vpush v1, $0x1  }
0x52: {  	(v2sf) =	vpush v1, $0x2;
	_ =	sdelay $0x3  }
0x53: {  	(v2sf) =	vpush v1, $0x3;
	_ =	sdelay $0x1  }
0x54: {  	(v2sf) =	vpush v1, $0x4  }
0x55: {  	s2 =	simm.s32 $0x1;
	(v2sf) =	vpush v1, $0x5  }
0x56: {  	s2 =	simm.s32 @!p0 $0x0  }
0x57: {  	s2 =	smul.u32 $0x28000, s2;
	(v2sf) =	vpush v1, $0x6;
	_ =	sdelay $0x1  }
0x58: {  	s2 =	sshrl.u32 s2, $0x2  }
0x59: {  	s28 =	sadd.s32 $0xB708, s2  }
0x5a: {  	s12 =	sadd.s32 $0xFFFFF880, s28;
	s17 =	sadd.s32 $0xFFFFF900, s28;
	s10 =	spop (v2sf);
	(v2sf) =	vpush v1, $0x7  }
0x5b: {  	s18 =	sadd.s32 $0xFFFFF980, s28;
	s11 =	sand.u32 $0x1FFFFFF0, s10;
	s14 =	spop (v2sf)  }
0x5c: {  	(v2sf) =	vpush v1, $0x8;
	s2 =	sadd.s32 s6, s11;
	s15 =	sand.u32 $0x1FFFFFF0, s14;
	s16 =	spop (v2sf)  }
0x5d: {  	[tilespmem:s12], [sflag:$0x9] =	stream.linear.gather [hbm4b:s2+s19], $0x40, $0x38;
	[tilespmem:$0x1EF88] =	vst v63  }
0x5e: {  	s5 =	sadd.s32 $0xFFFFFA00, s28;
	s2 =	sadd.s32 s6, s15;
	s3 =	sand.u32 $0x1FFFFFF0, s16  }
0x5f: {  	(v2sf) =	vpush v1, $0x9;
	[tilespmem:s17], [sflag:$0x9] =	stream.linear.gather [hbm4b:s2+s19], $0x40, $0x38;
	[tilespmem:$0x1EF88] =	vst v63  }
0x60: {  	s7 =	sadd.s32 $0xFFFFFA80, s28;
	s22 =	spop (v2sf);
	s3 =	sadd.s32 s6, s3  }
0x61: {  	(v2sf) =	vpush v1, $0xA;
	[tilespmem:s18], [sflag:$0x9] =	stream.linear.gather [hbm4b:s3+s19], $0x40, $0x38;
	[tilespmem:$0x1EF88] =	vst v63  }
0x62: {  	s11 =	sadd.s32 $0xFFFFFB00, s28;
	s4 =	spop (v2sf);
	(v2sf) =	vpush v1, $0xB;
	s3 =	sand.u32 $0x1FFFFFF0, s22  }
0x63: {  	s8 =	spop (v2sf);
	s2 =	sadd.s32 s6, s3;
	s3 =	sand.u32 $0x1FFFFFF0, s4  }
0x64: {  	(v2sf) =	vpush v1, $0xC;
	[tilespmem:s5], [sflag:$0x9] =	stream.linear.gather [hbm4b:s2+s19], $0x40, $0x38;
	[tilespmem:$0x1EF88] =	vst v63  }
0x65: {  	s9 =	sand.u32 $0x1FFFFFF0, s8;
	s10 =	spop (v2sf);
	s3 =	sadd.s32 s6, s3  }
0x66: {  	(v2sf) =	vpush v1, $0xD;
	[tilespmem:s7], [sflag:$0x9] =	stream.linear.gather [hbm4b:s3+s19], $0x40, $0x38;
	[tilespmem:$0x1EF88] =	vst v63  }
0x67: {  	s12 =	sadd.s32 $0xFFFFFB80, s28;
	s2 =	sadd.s32 s6, s9;
	s3 =	sand.u32 $0x1FFFFFF0, s10  }
0x68: {  	[tilespmem:s11], [sflag:$0x9] =	stream.linear.gather [hbm4b:s2+s19], $0x40, $0x38;
	[tilespmem:$0x1EF88] =	vst v63  }
0x69: {  	s17 =	sadd.s32 $0xFFFFFC00, s28;
	s3 =	sadd.s32 s6, s3;
	s14 =	spop (v2sf)  }
0x6a: {  	[tilespmem:s12], [sflag:$0x9] =	stream.linear.gather [hbm4b:s3+s19], $0x40, $0x38;
	(v2sf) =	vpush v1, $0xE;
	[tilespmem:$0x1EF88] =	vst v63  }
0x6b: {  	s18 =	sadd.s32 $0xFFFFFC80, s28;
	s15 =	sand.u32 $0x1FFFFFF0, s14;
	s16 =	spop (v2sf)  }
0x6c: {  	s5 =	sadd.s32 $0xFFFFFD00, s28;
	(v2sf) =	vpush v1, $0xF;
	s2 =	sadd.s32 s6, s15;
	s3 =	sand.u32 $0x1FFFFFF0, s16  }
0x6d: {  	[tilespmem:s17], [sflag:$0x9] =	stream.linear.gather [hbm4b:s2+s19], $0x40, $0x38;
	[tilespmem:$0x1EF88] =	vst v63  }
0x6e: {  	s7 =	sadd.s32 $0xFFFFFD80, s28;
	s22 =	spop (v2sf);
	s3 =	sadd.s32 s6, s3  }
0x6f: {  	[tilespmem:s18], [sflag:$0x9] =	stream.linear.gather [hbm4b:s3+s19], $0x40, $0x38;
	[tilespmem:$0x1EF88] =	vst v63  }
0x70: {  	s11 =	sadd.s32 $0xFFFFFE00, s28;
	s4 =	spop (v2sf);
	s3 =	sand.u32 $0x1FFFFFF0, s22  }
0x71: {  	s8 =	spop (v2sf);
	s2 =	sadd.s32 s6, s3;
	s3 =	sand.u32 $0x1FFFFFF0, s4  }
0x72: {  	[tilespmem:s5], [sflag:$0x9] =	stream.linear.gather [hbm4b:s2+s19], $0x40, $0x38;
	[tilespmem:$0x1EF88] =	vst v63  }
0x73: {  	s9 =	sand.u32 $0x1FFFFFF0, s8;
	s10 =	spop (v2sf);
	s3 =	sadd.s32 s6, s3  }
0x74: {  	[tilespmem:s7], [sflag:$0x9] =	stream.linear.gather [hbm4b:s3+s19], $0x40, $0x38;
	[tilespmem:$0x1EF88] =	vst v63  }
0x75: {  	s14 =	spop (v2sf);
	s2 =	sadd.s32 s6, s9;
	s3 =	sand.u32 $0x1FFFFFF0, s10  }
0x76: {  	[tilespmem:s11], [sflag:$0x9] =	stream.linear.gather [hbm4b:s2+s19], $0x40, $0x38;
	[tilespmem:$0x1EF88] =	vst v63  }
0x77: {  	s12 =	sadd.s32 $0xFFFFFE80, s28;
	s15 =	sand.u32 $0x1FFFFFF0, s14;
	s3 =	sadd.s32 s6, s3  }
0x78: {  	[tilespmem:s12], [sflag:$0x9] =	stream.linear.gather [hbm4b:s3+s19], $0x40, $0x38;
	[tilespmem:$0x1EF88] =	vst v63  }
0x79: {  	s17 =	sadd.s32 $0xFFFFFF00, s28;
	s2 =	sadd.s32 s6, s15;
	s16 =	spop (v2sf)  }
0x7a: {  	[tilespmem:s17], [sflag:$0x9] =	stream.linear.gather [hbm4b:s2+s19], $0x40, $0x38;
	[tilespmem:$0x1EF88] =	vst v63  }
0x7b: {  	s29 =	simm.s32 $0x0;
	s3 =	sand.u32 $0x1FFFFFF0, s16;
	s18 =	spop (v2sf)  }
0x7c: {  	s22 =	sadd.s32 $0xFFFFFF80, s28;
	s3 =	sadd.s32 s6, s3;
	s2 =	sand.u32 $0x1FFFFFF0, s18  }
0x7d: {  	[tilespmem:s22], [sflag:$0x9] =	stream.linear.gather [hbm4b:s3+s19], $0x40, $0x38;
	[tilespmem:$0x1EF88] =	vst v63  }
0x7e: {  	s31 =	sadd.s32 $0x10, s0;
	s30 =	sadd.s32 $0x800, s28;
	s2 =	sadd.s32 s6, s2  }
.LBB2_5:
0x7f: {  	[tilespmem:s28], [sflag:$0x9] =	stream.linear.gather [hbm4b:s2+s19], $0x40, $0x38;
	[tilespmem:$0x1EF88] =	vst v63  }
0x80: {  	s29 =	sadd.s32 $0x10, s29;
	s28 =	smov.u32 s30  }
0x81: {  	p2 =	slt.u32 s29, $0x130;
	v1 =	vld.msk [tilespmem:s31+$0x0], $0xffff;
	_ =	sdelay $0x4  }
0x82: {  	v1 =	vshll.u32 v1, $0x4  }
0x83: {  	(v2sf) =	vpush v1, $0x0  }
0x84: {  	(v2sf) =	vpush v1, $0x1  }
0x85: {  	(v2sf) =	vpush v1, $0x2;
	_ =	sdelay $0x1  }
0x86: {  	(v2sf) =	vpush v1, $0x3;
	_ =	sdelay $0x1  }
0x87: {  	(v2sf) =	vpush v1, $0x4;
	_ =	sdelay $0x1  }
0x88: {  	(v2sf) =	vpush v1, $0x5;
	_ =	sdelay $0x1  }
0x89: {  	(v2sf) =	vpush v1, $0x6  }
0x8a: {  	s4 =	sadd.s32 $0xFFFFFE80, s30;
	s0 =	sadd.s32 $0xFFFFFF00, s30  }
0x8b: {  	s3 =	sadd.s32 $0xFFFFFD00, s30;
	s2 =	sadd.s32 $0xFFFFFD80, s30;
	s5 =	sadd.s32 $0xFFFFFE00, s30;
	(v2sf) =	vpush v1, $0x7  }
0x8c: {  	s10 =	sadd.s32 $0xFFFFFB80, s30;
	s9 =	sadd.s32 $0xFFFFFC00, s30;
	s16 =	sadd.s32 $0xFFFFFC80, s30  }
0x8d: {  	s11 =	sadd.s32 $0xFFFFFA00, s30;
	s12 =	sadd.s32 $0xFFFFFA80, s30;
	s15 =	sadd.s32 $0xFFFFFB00, s30;
	(v2sf) =	vpush v1, $0x8  }
0x8e: {  	s18 =	sadd.s32 $0xFFFFF900, s30;
	s7 =	sadd.s32 $0xFFFFF980, s30;
	s22 =	spop (v2sf)  }
0x8f: {  	s8 =	sadd.s32 $0xFFFFF880, s30;
	s22 =	sand.u32 $0x1FFFFFF0, s22;
	s14 =	spop (v2sf);
	(v2sf) =	vpush v1, $0x9  }
0x90: {  	s22 =	sadd.s32 s6, s22;
	s14 =	sand.u32 $0x1FFFFFF0, s14;
	s17 =	spop (v2sf)  }
0x91: {  	[tilespmem:s8], [sflag:$0x9] =	stream.linear.gather [hbm4b:s22+s19], $0x40, $0x38;
	(v2sf) =	vpush v1, $0xA;
	[tilespmem:$0x1EF88] =	vst v63  }
0x92: {  	s8 =	sadd.s32 s6, s14;
	s14 =	sand.u32 $0x1FFFFFF0, s17;
	s17 =	spop (v2sf)  }
0x93: {  	[tilespmem:s18], [sflag:$0x9] =	stream.linear.gather [hbm4b:s8+s19], $0x40, $0x38;
	(v2sf) =	vpush v1, $0xB;
	[tilespmem:$0x1EF88] =	vst v63  }
0x94: {  	s8 =	sadd.s32 s6, s14;
	s14 =	sand.u32 $0x1FFFFFF0, s17;
	s17 =	spop (v2sf)  }
0x95: {  	[tilespmem:s7], [sflag:$0x9] =	stream.linear.gather [hbm4b:s8+s19], $0x40, $0x38;
	(v2sf) =	vpush v1, $0xC;
	[tilespmem:$0x1EF88] =	vst v63  }
0x96: {  	s7 =	sadd.s32 s6, s14;
	s8 =	sand.u32 $0x1FFFFFF0, s17;
	s14 =	spop (v2sf)  }
0x97: {  	[tilespmem:s11], [sflag:$0x9] =	stream.linear.gather [hbm4b:s7+s19], $0x40, $0x38;
	(v2sf) =	vpush v1, $0xD;
	[tilespmem:$0x1EF88] =	vst v63  }
0x98: {  	s7 =	sadd.s32 s6, s8;
	s8 =	sand.u32 $0x1FFFFFF0, s14;
	s11 =	spop (v2sf)  }
0x99: {  	[tilespmem:s12], [sflag:$0x9] =	stream.linear.gather [hbm4b:s7+s19], $0x40, $0x38;
	(v2sf) =	vpush v1, $0xE;
	[tilespmem:$0x1EF88] =	vst v63  }
0x9a: {  	s7 =	sadd.s32 s6, s8;
	s8 =	sand.u32 $0x1FFFFFF0, s11;
	s11 =	spop (v2sf)  }
0x9b: {  	[tilespmem:s15], [sflag:$0x9] =	stream.linear.gather [hbm4b:s7+s19], $0x40, $0x38;
	(v2sf) =	vpush v1, $0xF;
	[tilespmem:$0x1EF88] =	vst v63  }
0x9c: {  	s7 =	sadd.s32 s6, s8;
	s8 =	sand.u32 $0x1FFFFFF0, s11;
	s11 =	spop (v2sf)  }
0x9d: {  	[tilespmem:s10], [sflag:$0x9] =	stream.linear.gather [hbm4b:s7+s19], $0x40, $0x38;
	[tilespmem:$0x1EF88] =	vst v63  }
0x9e: {  	s7 =	sadd.s32 s6, s8;
	s8 =	sand.u32 $0x1FFFFFF0, s11;
	s10 =	spop (v2sf)  }
0x9f: {  	[tilespmem:s9], [sflag:$0x9] =	stream.linear.gather [hbm4b:s7+s19], $0x40, $0x38;
	[tilespmem:$0x1EF88] =	vst v63  }
0xa0: {  	s7 =	sadd.s32 s6, s8;
	s8 =	sand.u32 $0x1FFFFFF0, s10;
	s9 =	spop (v2sf)  }
0xa1: {  	[tilespmem:s16], [sflag:$0x9] =	stream.linear.gather [hbm4b:s7+s19], $0x40, $0x38;
	[tilespmem:$0x1EF88] =	vst v63  }
0xa2: {  	s7 =	sadd.s32 s6, s8;
	s8 =	sand.u32 $0x1FFFFFF0, s9;
	s9 =	spop (v2sf)  }
0xa3: {  	[tilespmem:s3], [sflag:$0x9] =	stream.linear.gather [hbm4b:s7+s19], $0x40, $0x38;
	[tilespmem:$0x1EF88] =	vst v63  }
0xa4: {  	s3 =	sadd.s32 s6, s8;
	s7 =	sand.u32 $0x1FFFFFF0, s9;
	s8 =	spop (v2sf)  }
0xa5: {  	[tilespmem:s2], [sflag:$0x9] =	stream.linear.gather [hbm4b:s3+s19], $0x40, $0x38;
	[tilespmem:$0x1EF88] =	vst v63  }
0xa6: {  	s2 =	sadd.s32 s6, s7;
	s3 =	sand.u32 $0x1FFFFFF0, s8;
	s7 =	spop (v2sf)  }
0xa7: {  	[tilespmem:s5], [sflag:$0x9] =	stream.linear.gather [hbm4b:s2+s19], $0x40, $0x38;
	[tilespmem:$0x1EF88] =	vst v63  }
0xa8: {  	s2 =	sadd.s32 s6, s3;
	s3 =	sand.u32 $0x1FFFFFF0, s7;
	s5 =	spop (v2sf)  }
0xa9: {  	[tilespmem:s4], [sflag:$0x9] =	stream.linear.gather [hbm4b:s2+s19], $0x40, $0x38;
	[tilespmem:$0x1EF88] =	vst v63  }
0xaa: {  	s2 =	sadd.s32 s6, s3  }
.Ltmp4:
0xab: {  	s3 =	sand.u32 $0x1FFFFFF0, s5;
	s4 =	spop (v2sf);
	(pc) =	sbr.rel @p2 .LBB2_5-.Ltmp4, $4  }
0xac: {  	[tilespmem:s0], [sflag:$0x9] =	stream.linear.gather [hbm4b:s2+s19], $0x40, $0x38;
	[tilespmem:$0x1EF88] =	vst v63  }
0xad: {  	s0 =	sadd.s32 s6, s3;
	s2 =	sadd.s32 $0xFFFFFF80, s30;
	s3 =	sand.u32 $0x1FFFFFF0, s4  }
0xae: {  	[tilespmem:s2], [sflag:$0x9] =	stream.linear.gather [hbm4b:s0+s19], $0x40, $0x38;
	[tilespmem:$0x1EF88] =	vst v63  }
0xaf: {  	s31 =	sadd.s32 $0x10, s31;
	s30 =	sadd.s32 $0x800, s30;
	s2 =	sadd.s32 s6, s3  }
0xb0: {  	[tilespmem:s28], [sflag:$0x9] =	stream.linear.gather [hbm4b:s2+s19], $0x40, $0x38;
	[tilespmem:$0x1EF88] =	vst v63  }
0xb1: {  	s12 =	rddreg [dreg:$0x5]  }
0xb2: {  	s14 =	rddreg [dreg:$0x6]  }
0xb3: {  	s15 =	rddreg [dreg:$0x7]  }
0xb4: {  	s17 =	rddreg [dreg:$0x8]  }
0xb5: {  	s18 =	rddreg [dreg:$0xa]  }
0xb6: {  	s22 =	rddreg [dreg:$0xb]  }
.LBB2_7:
0xb7: {  	p2 =	slt.u32 s25, $0x2  }
.Ltmp5:
0xb8: {  	_ = 	snop;
	(pc) =	sbr.rel @p2 .LBB2_25-.Ltmp5, $1  }
0xb9: {  	_ =	sdelay $0x3  }
0xba: {  	p2 =	sgt.s32 s26, $0x61940;
	s0 =	smov.u32 s26;
	s2 =	sshra.s32 s26, $0x1F  }
0xbb: {  	s0 =	simm.s32 @!p2 $0x61940;
	s2 =	sand.u32 s2, s26  }
0xbc: {  	s0 =	ssub.s32 s0, s2  }
0xbd: {  	s0 =	sadd.s32 $0xFFF9E6C0, s0  }
0xbe: {  	s3 =	simm.s32 $0x9;
	s29 =	sshll.u32 s0, $0x2  }
0xbf: {  	_ =	swait.ge [sflag:s3], $0x5000;
	s2 =	ssub.s32 $0x500, s29  }
0xc0: {  	[sflag:s3] =	ssyncset.done $0x0;
	p2 =	sgt.s32 s0, $0x13F;
	s0 =	sshrl.u32 s2, $0x2  }
0xc1: {  	s30 =	simm.s32 $0xB;
	[sflag:s3] =	ssyncadd.s32 $0xFFFFB000;
	s0 =	simm.s32 @p2 $0x0  }
0xc2: {  	_ =	swait.ge [sflag:s30], s0  }
0xc3: {  	s0 =	ssub.s32 $0x0, s0;
	[sflag:s30] =	ssyncset.done $0x0  }
0xc4: {  	[sflag:s30] =	ssyncadd.s32 s0  }
0xc5: {  	v1 =	vld [tilespmem:$0xA108];
	_ =	sdelay $0x4  }
0xc6: {  	(v2sf) =	vpush v1, $0x0  }
0xc7: {  	(v2sf) =	vpush v1, $0x1  }
0xc8: {  	(v2sf) =	vpush v1, $0x2;
	_ =	sdelay $0x3  }
0xc9: {  	s0 =	sadd.s32 $0x140, s26  }
0xca: {  	s4 =	ssub.s32 $0xC3500, s26;
	p2 =	slt.s32 s14, s0  }
0xcb: {  	s0 =	smov.u32 @p2 s14;
	p2 =	sgt.s32 s4, $0x0  }
0xcc: {  	s0 =	ssub.s32 s0, s26;
	s4 =	simm.s32 @!p2 $0x0  }
0xcd: {  	p2 =	slt.s32 s4, s0  }
0xce: {  	s0 =	smov.u32 @p2 s4  }
0xcf: {  	s2 =	simm.s32 $0x1;
	p2 =	slt.s32 s0, $0x1  }
.Ltmp6:
0xd0: {  	s2 =	simm.s32 @!p1 $0x0;
	(pc) =	sbr.rel @p2 .LBB2_12-.Ltmp6, $4  }
0xd1: {  	s7 =	smul.u32 $0x500, s2  }
0xd2: {  	s3 =	spop (v2sf)  }
0xd3: {  	s31 =	sshrl.u32 s7, $0x2;
	s5 =	spop (v2sf)  }
0xd4: {  	s28 =	sadd.s32 $0xAD08, s31;
	s26 =	spop (v2sf)  }
0xd5: {  	s4 =	smin.u32 s0, $0x10  }
0xd6: {  	v1 =	vmov s4  }
0xd7: {  	p3 =	sgt.s32 s0, $0x10;
	vm1 =	vgt.u32 v1, v0  }
.Ltmp7:
0xd8: {  	_ = 	snop;
	(pc) =	sbr.rel @!p3 .LBB2_11-.Ltmp7, $2  }
0xd9: {  	_ =	sdelay $0x2  }
0xda: {  	s9 =	simm.s32 $0x10;
	s10 =	sadd.s32 $0xFFFFFFF0, s0;
	s4 =	smov.u32 s28;
	vm0 =	vmmov vm1  }
.LBB2_10:
0xdb: {  	s7 =	smin.u32 s10, $0x10;
	s9 =	sadd.s32 $0x10, s9;
	v1 =	vld.msk [tilespmem:s4+$0x0 ss:$0x1], vm1  }
0xdc: {  	v2 =	vmov s7;
	p3 =	slt.s32 s9, s0  }
0xdd: {  	vm1 =	vgt.u32 v2, v0  }
.Ltmp8:
0xde: {  	(pc) =	sbr.rel @p3 .LBB2_10-.Ltmp8, $3  }
0xdf: {  	_ =	sdelay $0x1  }
0xe0: {  	v1 =	vshll.u32 v1, $0x4  }
0xe1: {  	s10 =	sadd.s32 $0xFFFFFFF0, s10;
	[tilespmem:s4+$0x0] =	vst.msk vm0, v1;
	s4 =	sadd.s32 $0x10, s4;
	vm0 =	vmmov vm1  }
.LBB2_11:
0xe2: {  	_ =	sdelay $0x4  }
0xe3: {  	v1 =	vld.msk [tilespmem:s4+$0x0 ss:$0x1], vm1;
	_ =	sdelay $0x4  }
0xe4: {  	v1 =	vshll.u32 v1, $0x4  }
0xe5: {  	[tilespmem:s4+$0x0] =	vst.msk vm0, v1  }
.LBB2_12:
0xe6: {  	s4 =	sand.u32 $0x1, s25  }
0xe7: {  	s4 =	smul.u32 $0x140, s4  }
0xe8: {  	p3 =	sne.s32 s5, $0xFFFFFFFF  }
0xe9: {  	v1 =	vld.msk @!p3 [tilespmem:s4+$0xAD08], $0x1;
	_ =	sdelay $0x4  }
0xea: {  	(v2sf) =	vpush @!p3 v1, $0x0;
	_ =	sdelay $0xc  }
.Ltmp9:
0xeb: {  	_ = 	snop;
	(pc) =	sbr.rel @p2 .LBB2_23-.Ltmp9, $4  }
0xec: {  	_ = 	snop  }
0xed: {  	s29 =	spop @!p3 (v2sf)  }
0xee: {  	s31 =	simm.s32 $0xC;
	s26 =	simm.s32 @!p3 $0x0;
	s4 =	smov.u32 s29  }
0xef: {  	[sflag:s31] =	ssyncpa.u1 $0x0;
	s29 =	smov.u32 @p3 s3;
	s4 =	smov.u32 @p3 s5  }
0xf0: {  	v1 =	vld.msk [tilespmem:s28+$0x0], $0x1;
	_ =	sdelay $0x4  }
0xf1: {  	(v2sf) =	vpush v1, $0x0;
	_ =	sdelay $0xe  }
0xf2: {  	s2 =	smul.u32 $0x28000, s2;
	s5 =	spop (v2sf)  }
0xf3: {  	s31 =	ssub.s32 $0x0, s0;
	p2 =	seq.s32 s29, s5  }
0xf4: {  	s3 =	smov.u32 s29;
	s2 =	sshrl.u32 s2, $0x2;
	p3 =	sgt.s32 @!p2 s29, $0x0  }
0xf5: {  	s30 =	sadd.s32 $0xAFA8, s2;
	s2 =	sadd.s32 $0x1, s31;
	p3 =	por !p3, p2  }
0xf6: {  	s3 =	simm.s32 @p3 $0x0;
	p3 =	seq.s32 s2, $0x0  }
.Ltmp10:
0xf7: {  	_ = 	snop;
	(pc) =	sbr.rel @p3 .LBB2_15-.Ltmp10, $4  }
0xf8: {  	_ = 	snop  }
0xf9: {  	s0 =	simm.s32 $0x0;
	s9 =	simm.s32 @!p2 $0x1;
	s3 =	smin.u32 @!p2 s3, $0xC34F8  }
0xfa: {  	s10 =	simm.s32 @!p2 $0x50C8;
	s9 =	smov.u32 @p2 s0;
	s7 =	sand.u32 @!p2 $0xFFFF8, s3  }
0xfb: {  	s16 =	sand.u32 @!p2 $0x7, s3;
	s3 =	sadd.s32 $0x1, s28;
	s11 =	sadd.s32 @!p2 s1, s7  }
.LBB2_14:
0xfc: {  	s7 =	smov.u32 s9  }
0xfd: {  	[tilespmem:s10], [sflag:$0x2] =	stream.linear.gather @!p2 [hbm4b:s11+s16], $0x40, $0x38;
	[tilespmem:$0x1EF88] =	vst v63  }
0xfe: {  	s2 =	sadd.s32 $0x1, s2;
	s8 =	smov.u32 s5;
	v1 =	vld.msk [tilespmem:s3+$0x0], $0x1  }
0xff: {  	p3 =	seq.s32 s2, $0x0;
	_ =	sdelay $0x3  }
0x100: {  	(v2sf) =	vpush v1, $0x0;
	_ =	sdelay $0xe  }
0x101: {  	s5 =	spop (v2sf)  }
0x102: {  	p2 =	seq.s32 s8, s5  }
0x103: {  	p4 =	sgt.s32 @!p2 s8, $0x0;
	s10 =	sshll.u32 @!p2 s9, $0x8;
	s9 =	sadd.s32 @!p2 $0x1, s9  }
.Ltmp11:
0x104: {  	p4 =	por !p4, p2;
	s10 =	sshra.s32 @!p2 s10, $0x2;
	(pc) =	sbr.rel @!p3 .LBB2_14-.Ltmp11, $4  }
0x105: {  	s9 =	smov.u32 @p2 s7;
	s8 =	simm.s32 @p4 $0x0;
	s10 =	sadd.s32 @!p2 $0x50C8, s10  }
0x106: {  	s7 =	smin.u32 @!p2 s8, $0xC34F8  }
0x107: {  	s8 =	sand.u32 @!p2 $0xFFFF8, s7;
	s16 =	sand.u32 @!p2 $0x7, s7  }
0x108: {  	s3 =	sadd.s32 $0x1, s3;
	s11 =	sadd.s32 @!p2 s1, s8  }
.LBB2_15:
0x109: {  	[tilespmem:s10], [sflag:$0x2] =	stream.linear.gather @!p2 [hbm4b:s11+s16], $0x40, $0x38;
	[tilespmem:$0x1EF88] =	vst v63  }
.Ltmp12:
0x10a: {  	s2 =	sshll.u32 s9, $0x6;
	(pc) =	sbr.rel .LBB2_16-.Ltmp12, $4  }
0x10b: {  	s3 =	simm.s32 $0x2;
	s2 =	sand.u32 $0x3FFFFFC0, s2  }
0x10c: {  	_ =	swait.ge [sflag:s3], s2  }
0x10d: {  	s2 =	ssub.s32 $0x0, s2;
	[sflag:s3] =	ssyncset.done $0x0  }
0x10e: {  	[sflag:s3] =	ssyncadd.s32 s2;
	s3 =	simm.s32 $0x0  }
.LBB2_17:
0x10f: {  	v1 =	vld [tilespmem:s30+$0xFFFFFFE0];
	_ =	sdelay $0x4  }
0x110: {  	[tilespmem:s5+$0x88] =	vst.add.f32.msk $0xffff, v1  }
0x111: {  	v1 =	vld [tilespmem:s30+$0xFFFFFFF0];
	_ =	sdelay $0x4  }
0x112: {  	[tilespmem:s5+$0x98] =	vst.add.f32.msk $0xffff, v1  }
0x113: {  	v1 =	vld [tilespmem:s30+$0x0];
	_ =	sdelay $0x4  }
0x114: {  	[tilespmem:s5+$0xA8] =	vst.add.f32.msk $0xffff, v1  }
0x115: {  	v1 =	vld [tilespmem:s30+$0x10];
	_ =	sdelay $0x4  }
0x116: {  	[tilespmem:s5+$0xB8] =	vst.add.f32.msk $0xffff, v1  }
.LBB2_21:
0x117: {  	s31 =	sadd.s32 $0x1, s31  }
0x118: {  	p2 =	seq.s32 s31, $0x0  }
.Ltmp13:
0x119: {  	_ = 	snop;
	(pc) =	sbr.rel @p2 .LBB2_22-.Ltmp13, $2  }
0x11a: {  	_ =	sdelay $0x2  }
0x11b: {  	s30 =	sadd.s32 $0x80, s30;
	s28 =	sadd.s32 $0x1, s28;
	s29 =	smov.u32 s2  }
.LBB2_16:
0x11c: {  	v1 =	vld.msk [tilespmem:s28+$0x0], $0x1;
	_ =	sdelay $0x4  }
0x11d: {  	(v2sf) =	vpush v1, $0x0;
	_ =	sdelay $0xe  }
0x11e: {  	s2 =	spop (v2sf)  }
0x11f: {  	p2 =	sne.s32 s29, s2  }
.Ltmp14:
0x120: {  	_ = 	snop;
	(pc) =	sbr.rel @!p2 .LBB2_17-.Ltmp14, $3  }
0x121: {  	_ =	sdelay $0x1  }
0x122: {  	s5 =	sshll.u32 s26, $0x8  }
0x123: {  	s5 =	sshra.s32 s5, $0x2  }
0x124: {  	p2 =	seq.s32 s29, s4  }
.Ltmp15:
0x125: {  	_ = 	snop;
	(pc) =	sbr.rel @!p2 .LBB2_19-.Ltmp15, $1  }
0x126: {  	_ =	sdelay $0x3  }
.Ltmp16:
0x127: {  	s5 =	sadd.s32 $0x88, s5;
	(pc) =	sbr.rel .LBB2_20-.Ltmp16, $4  }
0x128: {  	[spmem:s18] =	stream.linear.scatter [tilespmem:s5], [sflag:$0x1], $0x40, $0x38;
	[tilespmem:$0x1EF88] =	vst v63  }
0x129: {  	_ =	swait.ge [sflag:s13], $0x40  }
0x12a: {  	[sflag:s13] =	ssyncset.done $0x0  }
0x12b: {  	[sflag:s13] =	ssyncadd.s32 $0xFFFFFFC0  }
.LBB2_19:
0x12c: {  	s7 =	sshll.u32 s0, $0x8  }
0x12d: {  	s7 =	sshra.s32 s7, $0x2  }
0x12e: {  	v1 =	vld [tilespmem:s7+$0x50C8];
	_ =	sdelay $0x4  }
0x12f: {  	[tilespmem:s5+$0x88] =	vst.add.f32.msk $0xffff, v1  }
0x130: {  	v1 =	vld [tilespmem:s7+$0x50D8];
	_ =	sdelay $0x4  }
0x131: {  	[tilespmem:s5+$0x98] =	vst.add.f32.msk $0xffff, v1  }
0x132: {  	v1 =	vld [tilespmem:s7+$0x50E8];
	_ =	sdelay $0x4  }
0x133: {  	[tilespmem:s5+$0xA8] =	vst.add.f32.msk $0xffff, v1  }
0x134: {  	v1 =	vld [tilespmem:s7+$0x50F8];
	_ =	sdelay $0x2  }
0x135: {  	p2 =	sgt.u32 s29, $0xC34F8  }
0x136: {  	s7 =	sand.u32 @!p2 $0xFFFF8, s29  }
0x137: {  	s8 =	sadd.s32 $0x88, s5;
	[tilespmem:s5+$0xB8] =	vst.add.f32.msk $0xffff, v1;
	s5 =	sadd.s32 @!p2 s1, s7;
	s7 =	sand.u32 @!p2 $0x7, s29  }
0x138: {  	[hbm4b:s5+s7] =	stream.linear.scatter @!p2 [tilespmem:s8], [sflag:$0xC], $0x40, $0x38;
	[tilespmem:$0x1EF88] =	vst v63  }
0x139: {  	s5 =	simm.s32 $0x0  }
0x13a: {  	s5 =	simm.s32 @!p2 $0x100  }
0x13b: {  	s3 =	sadd.s32 s5, s3  }
.LBB2_20:
0x13c: {  	s5 =	sadd.s32 $0x1, s26  }
0x13d: {  	s7 =	smulhi.u32 $0xCCCCCCCD, s5;
	_ =	sdelay $0x1  }
0x13e: {  	v1 =	vld [tilespmem:s30+$0xFFFFFFE0];
	s7 =	sshrl.u32 s7, $0x8  }
0x13f: {  	s7 =	smul.u32 $0x140, s7;
	_ =	sdelay $0x1  }
0x140: {  	s26 =	ssub.s32 s5, s7  }
0x141: {  	s5 =	sshll.u32 s26, $0x6  }
0x142: {  	[tilespmem:s5+$0x88] =	vst v1  }
0x143: {  	v1 =	vld [tilespmem:s30+$0xFFFFFFF0];
	_ =	sdelay $0x4  }
0x144: {  	[tilespmem:s5+$0x98] =	vst v1  }
0x145: {  	v1 =	vld [tilespmem:s30+$0x0];
	_ =	sdelay $0x4  }
0x146: {  	[tilespmem:s5+$0xA8] =	vst v1  }
0x147: {  	v1 =	vld [tilespmem:s30+$0x10]  }
.Ltmp17:
0x148: {  	_ = 	snop;
	(pc) =	sbr.rel .LBB2_21-.Ltmp17, $2  }
0x149: {  	_ =	sdelay $0x2  }
0x14a: {  	s0 =	sadd.s32 $0x1, s0;
	[tilespmem:s5+$0xB8] =	vst v1  }
.LBB2_23:
.Ltmp18:
0x14b: {  	(pc) =	sbr.rel .LBB2_24-.Ltmp18, $4  }
0x14c: {  	_ = 	snop  }
0x14d: {  	s0 =	simm.s32 $0x2  }
0x14e: {  	_ =	swait.ge [sflag:s0], $0x0  }
0x14f: {  	s2 =	smov.u32 s29;
	[sflag:s0] =	ssyncset.done $0x0;
	s0 =	simm.s32 $0x0  }
.LBB2_26:
0x150: {  	_ =	sfence.sel $0x180000  }
0x151: {  	s0 =	simm.s32 $0x9;
	[bflag:$0x0] =	sbarrier.arrive $0xFFFF  }
0x152: {  	s24 =	simm.s32 $0xA;
	[sflag:s0] =	ssyncpa.u1 $0x1  }
0x153: {  	s25 =	simm.s32 $0xB;
	[sflag:s24] =	ssyncpa.u1 $0x1  }
0x154: {  	s26 =	simm.s32 $0x2;
	[sflag:s25] =	ssyncpa.u1 $0x1  }
0x155: {  	[sflag:s26] =	ssyncpa.u1 $0x1  }
0x156: {  	v0 =	vld [tilespmem:$0xA108];
	_ =	sdelay $0x4  }
0x157: {  	(v2sf) =	vpush v0, $0x0  }
0x158: {  	(v2sf) =	vpush v0, $0x1;
	_ =	sdelay $0x1  }
0x159: {  	(v2sf) =	vpush v0, $0x2;
	_ =	sdelay $0xb  }
0x15a: {  	s0 =	spop (v2sf)  }
0x15b: {  	s2 =	spop (v2sf)  }
0x15c: {  	s3 =	smov.u32 s0;
	p0 =	sne.s32 s0, s2  }
0x15d: {  	s4 =	spop (v2sf);
	s3 =	simm.s32 @!p0 $0xFFFFFFFF  }
0x15e: {  	v2 =	vimm.s32 $0x1;
	v3 =	vlaneseq.u32;
	p0 =	seq.s32 s4, $0xFFFFFFFF;
	v1 =	vmov s3  }
0x15f: {  	s14 =	stileid.u32;
	v0 =	vperm.xlane v0, v2;
	p1 =	sne.s32 @!p0 s0, s2;
	v1 =	vperm.xlane v1, v3  }
0x160: {  	vm0 =	vcmask $0x3F04;
	s6 =	simm.s32 $0xA108;
	s0 =	simm.s32 @!p0 $0x1;
	p1 =	por !p1, p0  }
0x161: {  	s3 =	sshll.u32 s14, $0x1;
	s2 =	sshll.u32 @!p0 s4, $0x8;
	s0 =	simm.s32 @p1 $0x0;
	v0 =	vsel vm0, v1, v0  }
0x162: {  	s5 =	sor.u32 $0x800, s3;
	s2 =	sshra.s32 @!p0 s2, $0x2;
	s0 =	sor.u32 @!p0 s0, s3;
	[tilespmem:$0xA108] =	vst v0  }
0x163: {  	[spmem:s5] =	stream.linear.scatter [tilespmem:s6], [sflag:$0x1], $0x2, $0x38;
	[tilespmem:$0x1EF88] =	vst v63  }
0x164: {  	s2 =	sadd.s32 @!p0 $0x88, s2;
	s0 =	sshll.u32 @!p0 s0, $0x6  }
0x165: {  	[spmem:s0] =	stream.linear.scatter @!p0 [tilespmem:s2], [sflag:$0x1], $0x40, $0x38;
	[tilespmem:$0x1EF88] =	vst v63  }
0x166: {  	s0 =	simm.s32 @!p0 $0x42  }
0x167: {  	s28 =	simm.s32 $0x1;
	s0 =	simm.s32 @p0 $0x2  }
0x168: {  	_ =	swait.ge [sflag:s28], s0  }
0x169: {  	s0 =	ssub.s32 $0x0, s0;
	[sflag:s28] =	ssyncset.done $0x0  }
0x16a: {  	p0 =	sne.s32 s14, $0x0;
	[sflag:s28] =	ssyncadd.s32 s0  }
.Ltmp19:
0x16b: {  	_ =	sfence.stream.spmem;
	(pc) =	sbr.rel @p0 .LBB2_43-.Ltmp19, $4  }
0x16c: {  	s29 =	simm.s32 $0x3;
	[bflag:$0x0] =	sbarrier.arrive $0xFFFF  }
0x16d: {  	s30 =	simm.s32 $0x4;
	[sflag:s29] =	ssyncpa.u1 $0x1  }
0x16e: {  	s31 =	simm.s32 $0x3C;
	[sflag:s30] =	ssyncpa.u1 $0x1  }
0x16f: {  	s13 =	rddreg [dreg:$0x4];
	[sflag:s31] =	ssyncpa.u1 $0x1  }
0x170: {  	_ =	sfence.stream.spmem;
	s0 =	simm.s32 $0x5  }
0x171: {  	s2 =	simm.s32 $0x800;
	s3 =	simm.s32 $0xA118;
	[sflag:s0] =	ssyncpa.u1 $0x0  }
0x172: {  	[tilespmem:s3], [sflag:$0x5] =	stream.linear.gather [spmem:s2], $0x20, $0x38;
	[tilespmem:$0x1EF88] =	vst v63  }
0x173: {  	s26 =	simm.s32 $0x0;
	s28 =	simm.s32 $0xA138  }
0x174: {  	[tilespmem:s28], [sflag:$0x5] =	stream.linear.gather [spmem:s26], $0x800, $0x38;
	[tilespmem:$0x1EF88] =	vst v63  }
0x175: {  	_ =	swait.ge [sflag:s0], $0x820  }
0x176: {  	[sflag:s0] =	ssyncset.done $0x0  }
0x177: {  	s29 =	simm.s32 $0x0;
	[sflag:s0] =	ssyncadd.s32 $0xFFFFF7E0  }
0x178: {  	v0 =	vld.msk [tilespmem:s29+$0xA118], $0x1;
	_ =	sdelay $0x1  }
0x179: {  	s30 =	simm.s32 $0x1  }
0x17a: {  	v1 =	vld.msk [tilespmem:s30+$0xA118], $0x1;
	_ =	sdelay $0x1  }
0x17b: {  	(v2sf) =	vpush v0, $0x0;
	_ =	sdelay $0x2  }
0x17c: {  	(v2sf) =	vpush v1, $0x0;
	_ =	sdelay $0x2  }
0x17d: {  	s31 =	simm.s32 $0x2  }
0x17e: {  	v0 =	vld.msk [tilespmem:s31+$0xA118], $0x1;
	_ =	sdelay $0x2  }
0x17f: {  	s2 =	simm.s32 $0xFFFFFFFF;
	s3 =	simm.s32 $0xFFFFFFFF;
	s0 =	simm.s32 $0xC  }
.LBB2_28:
0x180: {  	s4 =	smov.u32 s3;
	s5 =	smov.u32 s2  }
0x181: {  	s2 =	sshra.s32 s0, $0x2;
	p1 =	sne.s32 s0, $0x7C;
	s0 =	sadd.s32 $0x4, s0;
	(v2sf) =	vpush v0, $0x0  }
0x182: {  	v0 =	vld.msk [tilespmem:s2+$0xA118], $0x1  }
.Ltmp20:
0x183: {  	(pc) =	sbr.rel @p1 .LBB2_28-.Ltmp20, $4  }
0x184: {  	s3 =	spop (v2sf)  }
0x185: {  	p2 =	sne.s32 s5, $0xFFFFFFFF;
	s2 =	smov.u32 s3  }
0x186: {  	p3 =	seq.s32 s3, $0xFFFFFFFF;
	s2 =	smov.u32 @p2 s5  }
0x187: {  	s3 =	smov.u32 @p3 s4;
	s2 =	smov.u32 @p3 s5  }
0x188: {  	(v2sf) =	vpush v0, $0x0;
	_ =	sdelay $0x8  }
0x189: {  	s0 =	spop (v2sf)  }
0x18a: {  	p1 =	sne.s32 s2, $0xFFFFFFFF;
	s4 =	smov.u32 s0  }
0x18b: {  	s6 =	simm.s32 $0x0;
	p2 =	seq.s32 s0, $0xFFFFFFFF;
	s4 =	smov.u32 @p1 s2  }
0x18c: {  	s9 =	simm.s32 $0xA0C8;
	s4 =	smov.u32 @p2 s2;
	s2 =	spop (v2sf)  }
0x18d: {  	s0 =	smov.u32 @p2 s3;
	p1 =	sne.s32 s4, $0xFFFFFFFF;
	s5 =	smov.u32 s2  }
.Ltmp21:
0x18e: {  	p2 =	seq.s32 s2, $0xFFFFFFFF;
	s5 =	smov.u32 @p1 s4;
	(pc) =	sbr.rel .LBB2_30-.Ltmp21, $4  }
0x18f: {  	s10 =	simm.s32 $0x0;
	s5 =	smov.u32 @p2 s4;
	s7 =	spop (v2sf)  }
0x190: {  	s2 =	smov.u32 @p2 s0;
	p1 =	sne.s32 s5, $0xFFFFFFFF;
	s8 =	smov.u32 s7  }
0x191: {  	s0 =	simm.s32 $0x6;
	p2 =	seq.s32 s7, $0xFFFFFFFF;
	s8 =	smov.u32 @p1 s5  }
0x192: {  	[sflag:s0] =	ssyncpa.u1 $0x0;
	s7 =	smov.u32 @p2 s2;
	s8 =	smov.u32 @p2 s5  }
.LBB2_36:
0x193: {  	p1 =	sgt.u32 s2, $0xC34F8  }
0x194: {  	p2 =	seq.s32 @!p1 s2, s8  }
0x195: {  	p1 =	por p1, p2  }
0x196: {  	p2 =	sne.s32 @!p1 s2, s7  }
0x197: {  	p1 =	por p1, !p2  }
0x198: {  	s2 =	sshll.u32 @p1 s10, $0x8  }
0x199: {  	s3 =	sand.u32 @!p1 $0xFFFF8, s2  }
0x19a: {  	s2 =	sand.u32 @!p1 $0x7, s2;
	s3 =	sadd.s32 @!p1 s1, s3  }
0x19b: {  	[tilespmem:s9], [sflag:$0x6] =	stream.linear.gather @!p1 [hbm4b:s3+s2], $0x40, $0x38;
	[tilespmem:$0x1EF88] =	vst v63  }
0x19c: {  	_ =	swait.ge @!p1 [sflag:s0], $0x40  }
0x19d: {  	[sflag:s0] =	ssyncset.done @!p1 $0x0  }
0x19e: {  	[sflag:s0] =	ssyncadd.s32 @!p1 $0xFFFFFFC0  }
0x19f: {  	v1 =	vld @!p1 [tilespmem:$0xA0C8];
	_ =	sdelay $0x2  }
0x1a0: {  	s2 =	sshll.u32 @!p1 s10, $0x8  }
0x1a1: {  	s3 =	sshrl.u32 @!p1 s2, $0x2  }
0x1a2: {  	[tilespmem:s3+$0xA138] =	vst.add.f32.msk @!p1 $0xffff, v1  }
0x1a3: {  	v1 =	vld @!p1 [tilespmem:$0xA0D8];
	_ =	sdelay $0x4  }
0x1a4: {  	[tilespmem:s3+$0xA148] =	vst.add.f32.msk @!p1 $0xffff, v1  }
0x1a5: {  	v1 =	vld @!p1 [tilespmem:$0xA0E8];
	_ =	sdelay $0x4  }
0x1a6: {  	[tilespmem:s3+$0xA158] =	vst.add.f32.msk @!p1 $0xffff, v1  }
0x1a7: {  	v1 =	vld @!p1 [tilespmem:$0xA0F8];
	_ =	sdelay $0x4  }
0x1a8: {  	[tilespmem:s3+$0xA168] =	vst.add.f32.msk @!p1 $0xffff, v1  }
0x1a9: {  	s2 =	sshrl.u32 s2, $0x2;
	[tilespmem:s6+$0xA118] =	vst.msk $0x1, v0  }
0x1aa: {  	v0 =	vld [tilespmem:s2+$0xA138];
	_ =	sdelay $0x2  }
0x1ab: {  	s31 =	sshll.u32 s6, $0x8  }
0x1ac: {  	s3 =	sshra.s32 s31, $0x2  }
0x1ad: {  	[tilespmem:s3+$0xA138] =	vst v0  }
0x1ae: {  	v0 =	vld [tilespmem:s2+$0xA148];
	_ =	sdelay $0x4  }
0x1af: {  	[tilespmem:s3+$0xA148] =	vst v0  }
0x1b0: {  	v0 =	vld [tilespmem:s2+$0xA158];
	_ =	sdelay $0x4  }
0x1b1: {  	[tilespmem:s3+$0xA158] =	vst v0  }
0x1b2: {  	v0 =	vld [tilespmem:s2+$0xA168];
	_ =	sdelay $0x4  }
0x1b3: {  	s6 =	sadd.s32 $0x1, s6;
	[tilespmem:s3+$0xA168] =	vst v0  }
.LBB2_37:
0x1b4: {  	s10 =	sadd.s32 $0x1, s10  }
0x1b5: {  	p1 =	sne.s32 s10, $0x20  }
.Ltmp22:
0x1b6: {  	_ = 	snop;
	(pc) =	sbr.rel @!p1 .LBB2_38-.Ltmp22, $1  }
0x1b7: {  	_ =	sdelay $0x3  }
.LBB2_30:
0x1b8: {  	v0 =	vld.msk [tilespmem:s10+$0xA118], $0x1;
	_ =	sdelay $0x4  }
0x1b9: {  	(v2sf) =	vpush v0, $0x0;
	_ =	sdelay $0xe  }
0x1ba: {  	s2 =	spop (v2sf)  }
0x1bb: {  	p1 =	seq.s32 s2, $0xFFFFFFFF  }
.Ltmp23:
0x1bc: {  	_ = 	snop;
	(pc) =	sbr.rel @p1 .LBB2_37-.Ltmp23, $1  }
0x1bd: {  	_ =	sdelay $0x3  }
0x1be: {  	p1 =	slt.s32 s6, $0x1  }
.Ltmp24:
0x1bf: {  	_ = 	snop;
	(pc) =	sbr.rel @p1 .LBB2_36-.Ltmp24, $1  }
0x1c0: {  	_ =	sdelay $0x3  }
0x1c1: {  	s3 =	simm.s32 $0xA118;
	p1 =	por $0x0, $0x0  }
0x1c2: {  	v1 =	vld.msk @!p1 [tilespmem:s3+$0x0], $0x1;
	_ =	sdelay $0x4  }
0x1c3: {  	(v2sf) =	vpush @!p1 v1, $0x0;
	_ =	sdelay $0xd  }
0x1c4: {  	p3 =	sne.s32 s6, $0x1  }
.Ltmp25:
0x1c5: {  	s4 =	spop @!p1 (v2sf);
	(pc) =	sbr.rel @!p3 .LBB2_34-.Ltmp25, $4  }
0x1c6: {  	p2 =	seq.s32 @!p1 s2, s4  }
0x1c7: {  	s4 =	simm.s32 $0x0;
	p2 =	por !p2, p1  }
0x1c8: {  	s11 =	simm.s32 $0xFFFFFFFF;
	s4 =	simm.s32 @p2 $0xFFFFFFFF  }
0x1c9: {  	s5 =	simm.s32 $0x1;
	s4 =	smov.u32 @p1 s11  }
.LBB2_33:
0x1ca: {  	s11 =	smov.u32 s4;
	p1 =	sne.s32 s4, $0xFFFFFFFF  }
0x1cb: {  	s3 =	sadd.s32 $0x1, s3;
	s4 =	smov.u32 s5;
	s5 =	sadd.s32 $0x1, s5  }
0x1cc: {  	p2 =	sne.s32 s6, s5;
	v1 =	vld.msk @!p1 [tilespmem:s3+$0x0], $0x1;
	_ =	sdelay $0x4  }
0x1cd: {  	(v2sf) =	vpush @!p1 v1, $0x0;
	_ =	sdelay $0xe  }
.Ltmp26:
0x1ce: {  	s12 =	spop @!p1 (v2sf);
	(pc) =	sbr.rel @p2 .LBB2_33-.Ltmp26, $4  }
0x1cf: {  	p3 =	seq.s32 @!p1 s2, s12  }
0x1d0: {  	p3 =	por !p3, p1  }
0x1d1: {  	s4 =	simm.s32 @p3 $0xFFFFFFFF  }
0x1d2: {  	s4 =	smov.u32 @p1 s11  }
.LBB2_34:
0x1d3: {  	p1 =	seq.s32 s4, $0xFFFFFFFF  }
.Ltmp27:
0x1d4: {  	_ = 	snop;
	(pc) =	sbr.rel @p1 .LBB2_36-.Ltmp27, $1  }
0x1d5: {  	_ =	sdelay $0x3  }
0x1d6: {  	s2 =	sshll.u32 s10, $0x6  }
0x1d7: {  	s2 =	sand.u32 $0x3FFFFFC0, s2  }
0x1d8: {  	v0 =	vld [tilespmem:s2+$0xA138];
	_ =	sdelay $0x2  }
0x1d9: {  	s3 =	sshll.u32 s4, $0x8  }
0x1da: {  	s3 =	sshra.s32 s3, $0x2  }
0x1db: {  	[tilespmem:s3+$0xA138] =	vst.add.f32.msk $0xffff, v0  }
0x1dc: {  	v0 =	vld [tilespmem:s2+$0xA148];
	_ =	sdelay $0x4  }
0x1dd: {  	[tilespmem:s3+$0xA148] =	vst.add.f32.msk $0xffff, v0  }
0x1de: {  	v0 =	vld [tilespmem:s2+$0xA158];
	_ =	sdelay $0x4  }
0x1df: {  	[tilespmem:s3+$0xA158] =	vst.add.f32.msk $0xffff, v0  }
0x1e0: {  	v0 =	vld [tilespmem:s2+$0xA168]  }
.Ltmp28:
0x1e1: {  	_ = 	snop;
	(pc) =	sbr.rel .LBB2_37-.Ltmp28, $2  }
0x1e2: {  	_ =	sdelay $0x2  }
0x1e3: {  	[tilespmem:s3+$0xA168] =	vst.add.f32.msk $0xffff, v0  }
.LBB2_38:
0x1e4: {  	s0 =	simm.s32 $0x6;
	p1 =	seq.s32 s6, $0x0  }
0x1e5: {  	[sflag:s0] =	ssyncpa.u1 $0x1;
	v0 =	vimm.s32 @p1 $0xFFFFFFFF  }
0x1e6: {  	s0 =	sadd.s32 $0xFFFFFFFF, s6;
	[tilespmem:$0xA938] =	vst @p1 v0  }
0x1e7: {  	v0 =	vld.msk @!p1 [tilespmem:s0+$0xA118], $0x1;
	_ =	sdelay $0x1  }
0x1e8: {  	v1 =	vld.msk @!p1 [tilespmem:$0xA118], $0x1;
	_ =	sdelay $0x2  }
0x1e9: {  	p2 =	seq.s32 @!p1 s0, $0x0;
	v0 =	vbroadcast @!p1 v0, $0x0  }
0x1ea: {  	vm0 =	vmmov @!p1 $0x1;
	p2 =	por !p2, p1  }
0x1eb: {  	v1 =	vnsel @!p1 vm0, $0xFFFFFFFF, v1;
	vm0 =	vcmask @!p1 $0x308;
	v0 =	vpsel !p2, $0xFFFFFFFF, v0  }
0x1ec: {  	p2 =	sne.s32 @!p1 s8, s7;
	v0 =	vsel @!p1 vm0, v1, v0  }
0x1ed: {  	s2 =	simm.s32 @!p1 $0xA138;
	s3 =	simm.s32 @!p1 $0x0;
	p3 =	por !p2, p1;
	[tilespmem:$0xA938] =	vst @!p1 v0  }
0x1ee: {  	[spmem:s3] =	stream.linear.scatter @!p1 [tilespmem:s2], [sflag:$0x1], $0x40, $0x38;
	[tilespmem:$0x1EF88] =	vst v63  }
0x1ef: {  	s2 =	sshll.u32 @!p3 s0, $0x8  }
0x1f0: {  	s2 =	sshra.s32 @!p3 s2, $0x2  }
0x1f1: {  	s3 =	simm.s32 @!p3 $0x40;
	s2 =	sadd.s32 @!p3 $0xA138, s2  }
0x1f2: {  	[spmem:s3] =	stream.linear.scatter @!p3 [tilespmem:s2], [sflag:$0x1], $0x40, $0x38;
	[tilespmem:$0x1EF88] =	vst v63  }
0x1f3: {  	s2 =	simm.s32 @!p3 $0x1  }
0x1f4: {  	_ =	swait.ge @!p3 [sflag:s2], $0x80  }
0x1f5: {  	p1 =	por p2, p1;
	[sflag:s2] =	ssyncset.done @!p3 $0x0  }
0x1f6: {  	[sflag:s2] =	ssyncadd.s32 @!p3 $0xFFFFFF80;
	s2 =	simm.s32 @!p1 $0x1  }
0x1f7: {  	_ =	swait.ge @!p1 [sflag:s2], $0x40  }
0x1f8: {  	s29 =	simm.s32 $0xA938;
	[sflag:s2] =	ssyncset.done @!p1 $0x0  }
0x1f9: {  	s30 =	simm.s32 $0x800;
	s31 =	simm.s32 $0x1;
	[sflag:s2] =	ssyncadd.s32 @!p1 $0xFFFFFFC0  }
0x1fa: {  	[spmem:s30] =	stream.linear.scatter [tilespmem:s29], [sflag:$0x1], $0x10, $0x38;
	[tilespmem:$0x1EF88] =	vst v63  }
0x1fb: {  	_ =	swait.ge [sflag:s31], $0x10  }
0x1fc: {  	[sflag:s31] =	ssyncset.done $0x0  }
0x1fd: {  	p1 =	seq.s32 s13, $0x0;
	s9 =	rddreg [dreg:$0x1];
	[sflag:s31] =	ssyncadd.s32 $0xFFFFFFF0  }
0x1fe: {  	s3 =	sshll.u32 @p1 s9, $0xE;
	s8 =	rddreg [dreg:$0x2]  }
0x1ff: {  	s2 =	sadd.s32 @p1 $0x15C3C, s3;
	s3 =	sshll.u32 @p1 s8, $0x11  }
0x200: {  	_ =	sfence.stream.spmem;
	s2 =	sor.u32 @p1 s3, s2  }
0x201: {  	[sflag:s2] =	ssyncadd.remote.s32 @p1 $0x1;
	s2 =	simm.s32 @p1 $0x4  }
0x202: {  	s4 =	simm.s32 @!p1 $0x3C;
	s3 =	sand.u32 $0xFFFFFFFE, s9;
	_ =	swait.ge @p1 [sflag:s2], $0x12  }
0x203: {  	s5 =	simm.s32 @!p1 $0x0;
	s3 =	sadd.s32 @!p1 $0x4, s3;
	[sflag:s2] =	ssyncset.done @p1 $0x0  }
0x204: {  	s7 =	simm.s32 @!p1 $0x80;
	[sflag:s2] =	ssyncadd.s32 @p1 $0xFFFFFFEE;
	s2 =	sshll.u32 @!p1 s3, $0x1A  }
0x205: {  	s3 =	sshll.u32 @!p1 s3, $0xD;
	s2 =	sor.u32 @!p1 s2, s8;
	_ =	swait.eq @!p1 [sflag:s4], $0x1  }
0x206: {  	s3 =	sor.u32 @!p1 $0x1C04, s3;
	s4 =	simm.s32 @!p1 $0x1C03;
	s2 =	sor.u32 @!p1 $0x80004000, s2  }
0x207: {  	[spmem:s7], [sflag:s3] =	dma.general @!p1 [spmem:s5], [sflag:s4], length:$0x10, [dreg:$0x0], stride_count:$0x0, ici_dest:s2, dma_misc:DstOpCode:WRITE  }
0x208: {  	p2 =	slt.s32 s0, $0x2;
	s5 =	simm.s32 @!p1 $0x100;
	s7 =	simm.s32 @!p1 $0x102  }
0x209: {  	[spmem:s7], [sflag:s3] =	dma.general @!p1 [spmem:s5], [sflag:s4], length:$0x2, [dreg:$0x0], stride_count:$0x0, ici_dest:s2, dma_misc:DstOpCode:WRITE  }
.Ltmp29:
0x20a: {  	s2 =	simm.s32 @!p1 $0x3;
	(pc) =	sbr.rel @p2 .LBB2_42-.Ltmp29, $4  }
0x20b: {  	s3 =	sshll.u32 @!p1 s9, $0xE;
	_ =	swait.ge @!p1 [sflag:s2], $0x12  }
0x20c: {  	s4 =	sshll.u32 @!p1 s8, $0x11;
	s3 =	sadd.s32 @!p1 $0x11C3C, s3;
	[sflag:s2] =	ssyncset.done @!p1 $0x0  }
0x20d: {  	[sflag:s2] =	ssyncadd.s32 @!p1 $0xFFFFFFEE;
	s2 =	sor.u32 @!p1 s4, s3  }
0x20e: {  	s0 =	simm.s32 $0x0;
	[sflag:s2] =	ssyncadd.remote.s32 @!p1 $0xFFFFFFFF  }
0x20f: {  	s0 =	simm.s32 $0xA119  }
0x210: {  	v0 =	vld.msk [tilespmem:s0+$0x0], $0x1;
	_ =	sdelay $0x4  }
0x211: {  	(v2sf) =	vpush v0, $0x0;
	_ =	sdelay $0xc  }
0x212: {  	s2 =	sadd.s32 $0xFFFFFFFE, s6  }
0x213: {  	s2 =	sadd.s32 $0xFFFFFFFF, s2  }
0x214: {  	p2 =	sne.s32 s2, $0x0;
	s3 =	spop (v2sf)  }
.Ltmp30:
0x215: {  	p1 =	sgt.u32 s3, $0xC34F8;
	(pc) =	sbr.rel @!p2 .LBB2_41-.Ltmp30, $4  }
0x216: {  	s5 =	simm.s32 $0x0;
	s4 =	sand.u32 @!p1 $0xFFFF8, s3  }
0x217: {  	s0 =	simm.s32 $0xA178;
	s3 =	sand.u32 @!p1 $0x7, s3;
	s4 =	sadd.s32 @!p1 s1, s4  }
0x218: {  	[hbm4b:s4+s3] =	stream.linear.scatter @!p1 [tilespmem:s0], [sflag:$0x5], $0x40, $0x38;
	[tilespmem:$0x1EF88] =	vst v63  }
0x219: {  	s5 =	simm.s32 @!p1 $0x100;
	s3 =	simm.s32 $0x0;
	s4 =	simm.s32 $0xA11A  }
.LBB2_40:
0x21a: {  	v0 =	vld.msk [tilespmem:s4+$0x0], $0x1;
	s2 =	sadd.s32 $0xFFFFFFFF, s2;
	s3 =	sadd.s32 s3, s5  }
0x21b: {  	p1 =	sne.s32 s2, $0x0;
	_ =	sdelay $0x3  }
0x21c: {  	(v2sf) =	vpush v0, $0x0;
	_ =	sdelay $0xe  }
.Ltmp31:
0x21d: {  	s6 =	spop (v2sf);
	(pc) =	sbr.rel @p1 .LBB2_40-.Ltmp31, $4  }
0x21e: {  	s5 =	simm.s32 $0x0;
	p2 =	sgt.u32 s6, $0xC34F8  }
0x21f: {  	s0 =	sadd.s32 $0x40, s0;
	s5 =	simm.s32 @!p2 $0x100;
	s7 =	sand.u32 @!p2 $0xFFFF8, s6  }
0x220: {  	s4 =	sadd.s32 $0x1, s4;
	s6 =	sand.u32 @!p2 $0x7, s6;
	s7 =	sadd.s32 @!p2 s1, s7  }
0x221: {  	[hbm4b:s7+s6] =	stream.linear.scatter @!p2 [tilespmem:s0], [sflag:$0x5], $0x40, $0x38;
	[tilespmem:$0x1EF88] =	vst v63  }
.LBB2_41:
0x222: {  	s0 =	sadd.s32 s3, s5  }
0x223: {  	s0 =	sshrl.u32 s0, $0x2  }
.LBB2_42:
0x224: {  	s2 =	simm.s32 $0x5  }
0x225: {  	_ =	swait.ge [sflag:s2], s0  }
0x226: {  	s31 =	ssub.s32 $0x0, s0;
	[sflag:s2] =	ssyncset.done $0x0  }
0x227: {  	[sflag:s2] =	ssyncadd.s32 s31  }
0x228: {  	[sflag:s2] =	ssyncpa.u1 $0x1  }
.LBB2_43:
0x229: {  	s0 =	sor.u32 s13, s14  }
0x22a: {  	p1 =	sne.s32 s0, $0x0  }
.Ltmp32:
0x22b: {  	_ = 	snop;
	(pc) =	sbr.rel @p1 .LBB2_58-.Ltmp32, $3  }
0x22c: {  	_ =	sdelay $0x1  }
0x22d: {  	[bflag:$0x0] =	sbarrier.arrive $0xFFFF  }
0x22e: {  	_ =	sfence  }
0x22f: {  	s2 =	simm.s32 $0x7  }
0x230: {  	s0 =	simm.s32 $0x800;
	s3 =	simm.s32 $0xA118;
	[sflag:s2] =	ssyncpa.u1 $0x0  }
0x231: {  	[tilespmem:s3], [sflag:$0x7] =	stream.linear.gather [spmem:s0], $0x20, $0x38;
	[tilespmem:$0x1EF88] =	vst v63  }
0x232: {  	s30 =	simm.s32 $0xA138;
	s0 =	simm.s32 $0x0  }
0x233: {  	[tilespmem:s30], [sflag:$0x7] =	stream.linear.gather [spmem:s0], $0x800, $0x38;
	[tilespmem:$0x1EF88] =	vst v63  }
.Ltmp33:
0x234: {  	_ = 	snop;
	(pc) =	sbr.rel .LBB2_45-.Ltmp33, $4  }
0x235: {  	_ =	swait.ge [sflag:s2], $0x820  }
0x236: {  	[sflag:s2] =	ssyncset.done $0x0  }
0x237: {  	s31 =	simm.s32 $0x8;
	[sflag:s2] =	ssyncadd.s32 $0xFFFFF7E0  }
0x238: {  	s2 =	simm.s32 $0x0;
	[sflag:s31] =	ssyncpa.u1 $0x0  }
.LBB2_51:
0x239: {  	p1 =	slt.u32 s3, $0xC34F9  }
0x23a: {  	s4 =	sand.u32 @p1 $0xFFFF8, s3  }
0x23b: {  	s3 =	sand.u32 @p1 $0x7, s3;
	s5 =	simm.s32 @p1 $0xA0C8;
	s4 =	sadd.s32 @p1 s1, s4  }
0x23c: {  	[tilespmem:s5], [sflag:$0x8] =	stream.linear.gather @p1 [hbm4b:s4+s3], $0x40, $0x38;
	[tilespmem:$0x1EF88] =	vst v63  }
0x23d: {  	s3 =	simm.s32 @p1 $0x8  }
0x23e: {  	_ =	swait.ge @p1 [sflag:s3], $0x40  }
0x23f: {  	[sflag:s3] =	ssyncset.done @p1 $0x0  }
0x240: {  	[sflag:s3] =	ssyncadd.s32 @p1 $0xFFFFFFC0  }
0x241: {  	v1 =	vld @p1 [tilespmem:$0xA0C8];
	_ =	sdelay $0x2  }
0x242: {  	s3 =	sshll.u32 @p1 s2, $0x8  }
0x243: {  	s4 =	sshrl.u32 @p1 s3, $0x2  }
0x244: {  	[tilespmem:s4+$0xA138] =	vst.add.f32.msk @p1 $0xffff, v1  }
0x245: {  	v1 =	vld @p1 [tilespmem:$0xA0D8];
	_ =	sdelay $0x4  }
0x246: {  	[tilespmem:s4+$0xA148] =	vst.add.f32.msk @p1 $0xffff, v1  }
0x247: {  	v1 =	vld @p1 [tilespmem:$0xA0E8];
	_ =	sdelay $0x4  }
0x248: {  	[tilespmem:s4+$0xA158] =	vst.add.f32.msk @p1 $0xffff, v1  }
0x249: {  	v1 =	vld @p1 [tilespmem:$0xA0F8];
	_ =	sdelay $0x3  }
0x24a: {  	s5 =	sshll.u32 @!p1 s2, $0x8  }
0x24b: {  	s5 =	smov.u32 @p1 s3;
	[tilespmem:s4+$0xA168] =	vst.add.f32.msk @p1 $0xffff, v1  }
0x24c: {  	s3 =	sshrl.u32 s5, $0x2;
	[tilespmem:s0+$0xA118] =	vst.msk $0x1, v0  }
0x24d: {  	v0 =	vld [tilespmem:s3+$0xA138];
	_ =	sdelay $0x2  }
0x24e: {  	s31 =	sshll.u32 s0, $0x8  }
0x24f: {  	s4 =	sshra.s32 s31, $0x2  }
0x250: {  	[tilespmem:s4+$0xA138] =	vst v0  }
0x251: {  	v0 =	vld [tilespmem:s3+$0xA148];
	_ =	sdelay $0x4  }
0x252: {  	[tilespmem:s4+$0xA148] =	vst v0  }
0x253: {  	v0 =	vld [tilespmem:s3+$0xA158];
	_ =	sdelay $0x4  }
0x254: {  	[tilespmem:s4+$0xA158] =	vst v0  }
0x255: {  	v0 =	vld [tilespmem:s3+$0xA168];
	_ =	sdelay $0x4  }
0x256: {  	s0 =	sadd.s32 $0x1, s0;
	[tilespmem:s4+$0xA168] =	vst v0  }
.LBB2_52:
0x257: {  	s2 =	sadd.s32 $0x1, s2  }
0x258: {  	p1 =	sne.s32 s2, $0x20  }
.Ltmp34:
0x259: {  	_ = 	snop;
	(pc) =	sbr.rel @!p1 .LBB2_53-.Ltmp34, $1  }
0x25a: {  	_ =	sdelay $0x3  }
.LBB2_45:
0x25b: {  	v0 =	vld.msk [tilespmem:s2+$0xA118], $0x1;
	_ =	sdelay $0x4  }
0x25c: {  	(v2sf) =	vpush v0, $0x0;
	_ =	sdelay $0xe  }
0x25d: {  	s3 =	spop (v2sf)  }
0x25e: {  	p1 =	seq.s32 s3, $0xFFFFFFFF  }
.Ltmp35:
0x25f: {  	_ = 	snop;
	(pc) =	sbr.rel @p1 .LBB2_52-.Ltmp35, $1  }
0x260: {  	_ =	sdelay $0x3  }
0x261: {  	p1 =	slt.s32 s0, $0x1  }
.Ltmp36:
0x262: {  	_ = 	snop;
	(pc) =	sbr.rel @p1 .LBB2_51-.Ltmp36, $1  }
0x263: {  	_ =	sdelay $0x3  }
0x264: {  	s4 =	simm.s32 $0xA118;
	p1 =	por $0x0, $0x0  }
0x265: {  	v1 =	vld.msk @!p1 [tilespmem:s4+$0x0], $0x1;
	_ =	sdelay $0x4  }
0x266: {  	(v2sf) =	vpush @!p1 v1, $0x0;
	_ =	sdelay $0xd  }
0x267: {  	p3 =	sne.s32 s0, $0x1  }
.Ltmp37:
0x268: {  	s5 =	spop @!p1 (v2sf);
	(pc) =	sbr.rel @!p3 .LBB2_49-.Ltmp37, $4  }
0x269: {  	p2 =	seq.s32 @!p1 s3, s5  }
0x26a: {  	s5 =	simm.s32 $0x0;
	p2 =	por !p2, p1  }
0x26b: {  	s7 =	simm.s32 $0xFFFFFFFF;
	s5 =	simm.s32 @p2 $0xFFFFFFFF  }
0x26c: {  	s6 =	simm.s32 $0x1;
	s5 =	smov.u32 @p1 s7  }
.LBB2_48:
0x26d: {  	s7 =	smov.u32 s5;
	p1 =	sne.s32 s5, $0xFFFFFFFF  }
0x26e: {  	s4 =	sadd.s32 $0x1, s4;
	s5 =	smov.u32 s6;
	s6 =	sadd.s32 $0x1, s6  }
0x26f: {  	p2 =	sne.s32 s0, s6;
	v1 =	vld.msk @!p1 [tilespmem:s4+$0x0], $0x1;
	_ =	sdelay $0x4  }
0x270: {  	(v2sf) =	vpush @!p1 v1, $0x0;
	_ =	sdelay $0xe  }
.Ltmp38:
0x271: {  	s8 =	spop @!p1 (v2sf);
	(pc) =	sbr.rel @p2 .LBB2_48-.Ltmp38, $4  }
0x272: {  	p3 =	seq.s32 @!p1 s3, s8  }
0x273: {  	p3 =	por !p3, p1  }
0x274: {  	s5 =	simm.s32 @p3 $0xFFFFFFFF  }
0x275: {  	s5 =	smov.u32 @p1 s7  }
.LBB2_49:
0x276: {  	p1 =	seq.s32 s5, $0xFFFFFFFF  }
.Ltmp39:
0x277: {  	_ = 	snop;
	(pc) =	sbr.rel @p1 .LBB2_51-.Ltmp39, $1  }
0x278: {  	_ =	sdelay $0x3  }
0x279: {  	s3 =	sshll.u32 s2, $0x6  }
0x27a: {  	s3 =	sand.u32 $0x3FFFFFC0, s3  }
0x27b: {  	v0 =	vld [tilespmem:s3+$0xA138];
	_ =	sdelay $0x2  }
0x27c: {  	s4 =	sshll.u32 s5, $0x8  }
0x27d: {  	s4 =	sshra.s32 s4, $0x2  }
0x27e: {  	[tilespmem:s4+$0xA138] =	vst.add.f32.msk $0xffff, v0  }
0x27f: {  	v0 =	vld [tilespmem:s3+$0xA148];
	_ =	sdelay $0x4  }
0x280: {  	[tilespmem:s4+$0xA148] =	vst.add.f32.msk $0xffff, v0  }
0x281: {  	v0 =	vld [tilespmem:s3+$0xA158];
	_ =	sdelay $0x4  }
0x282: {  	[tilespmem:s4+$0xA158] =	vst.add.f32.msk $0xffff, v0  }
0x283: {  	v0 =	vld [tilespmem:s3+$0xA168]  }
.Ltmp40:
0x284: {  	_ = 	snop;
	(pc) =	sbr.rel .LBB2_52-.Ltmp40, $2  }
0x285: {  	_ =	sdelay $0x2  }
0x286: {  	[tilespmem:s4+$0xA168] =	vst.add.f32.msk $0xffff, v0  }
.LBB2_53:
0x287: {  	p1 =	slt.s32 s0, $0x1  }
.Ltmp41:
0x288: {  	_ = 	snop;
	(pc) =	sbr.rel @p1 .LBB2_57-.Ltmp41, $3  }
0x289: {  	_ =	sdelay $0x1  }
0x28a: {  	s2 =	simm.s32 $0x8  }
0x28b: {  	[sflag:s2] =	ssyncpa.u1 $0x1;
	s2 =	simm.s32 $0x0  }
0x28c: {  	s3 =	simm.s32 $0xA118  }
0x28d: {  	v0 =	vld.msk [tilespmem:s3+$0x0], $0x1;
	_ =	sdelay $0x4  }
0x28e: {  	(v2sf) =	vpush v0, $0x0;
	_ =	sdelay $0xe  }
0x28f: {  	s0 =	sadd.s32 $0xFFFFFFFF, s0;
	s4 =	spop (v2sf)  }
0x290: {  	p2 =	sne.s32 s0, $0x0;
	p1 =	sgt.u32 s4, $0xC34F8  }
.Ltmp42:
0x291: {  	s5 =	sand.u32 @!p1 $0xFFFF8, s4;
	(pc) =	sbr.rel @!p2 .LBB2_56-.Ltmp42, $4  }
0x292: {  	s3 =	simm.s32 $0xA138;
	s4 =	sand.u32 @!p1 $0x7, s4;
	s5 =	sadd.s32 @!p1 s1, s5  }
0x293: {  	[hbm4b:s5+s4] =	stream.linear.scatter @!p1 [tilespmem:s3], [sflag:$0x7], $0x40, $0x38;
	[tilespmem:$0x1EF88] =	vst v63  }
0x294: {  	s5 =	simm.s32 $0x0  }
0x295: {  	s4 =	simm.s32 $0xA119;
	s5 =	simm.s32 @!p1 $0x100  }
.LBB2_55:
0x296: {  	v0 =	vld.msk [tilespmem:s4+$0x0], $0x1;
	s0 =	sadd.s32 $0xFFFFFFFF, s0;
	s2 =	sadd.s32 s2, s5  }
0x297: {  	p1 =	sne.s32 s0, $0x0;
	_ =	sdelay $0x3  }
0x298: {  	(v2sf) =	vpush v0, $0x0;
	_ =	sdelay $0xe  }
.Ltmp43:
0x299: {  	s6 =	spop (v2sf);
	(pc) =	sbr.rel @p1 .LBB2_55-.Ltmp43, $4  }
0x29a: {  	s5 =	simm.s32 $0x0;
	p2 =	sgt.u32 s6, $0xC34F8  }
0x29b: {  	s3 =	sadd.s32 $0x40, s3;
	s5 =	simm.s32 @!p2 $0x100;
	s7 =	sand.u32 @!p2 $0xFFFF8, s6  }
0x29c: {  	s4 =	sadd.s32 $0x1, s4;
	s6 =	sand.u32 @!p2 $0x7, s6;
	s7 =	sadd.s32 @!p2 s1, s7  }
0x29d: {  	[hbm4b:s7+s6] =	stream.linear.scatter @!p2 [tilespmem:s3], [sflag:$0x7], $0x40, $0x38;
	[tilespmem:$0x1EF88] =	vst v63  }
.LBB2_56:
0x29e: {  	s0 =	sadd.s32 s2, s5  }
0x29f: {  	s2 =	sshrl.u32 s0, $0x2  }
.LBB2_57:
0x2a0: {  	s0 =	simm.s32 $0x7  }
0x2a1: {  	_ =	swait.ge [sflag:s0], s2  }
0x2a2: {  	s1 =	ssub.s32 $0x0, s2;
	[sflag:s0] =	ssyncset.done $0x0  }
0x2a3: {  	[sflag:s0] =	ssyncadd.s32 s1  }
0x2a4: {  	[sflag:s0] =	ssyncpa.u1 $0x1  }
.LBB2_58:
0x2a5: {  	_ =	sfence;
	s0 =	simm.s32 $0x1  }
0x2a6: {  	[sflag:s0] =	ssyncpa.u1 $0x1  }
0x2a7: {  	_ =	strace $0x9000004A  }
0x2a8: {  	[bflag:$0x2] =	sbarrier.arrive $0xFFFF  }
0x2a9: {  	s0 =	rddreg [dreg:$0x3]  }
0x2aa: {  	s0 =	sadd.s32 @!p0 $0x100000, s0  }
0x2ab: {  	[sflag:s0] =	ssyncadd.tile.s32 @!p0 $0x1;
	_ =	shalt  }
.Lfunc_end2:
_tile_overlayer_lowered:
.L_overlay_start_2:
0x2ac: {  	(tag) =	ssettag $0x2  }
0x2ad: {  	s0 =	rddreg [dreg:$0x0];
	s2 =	stileid.u32  }
0x2ae: {  	s1 =	rddreg [dreg:$0x1];
	p0 =	sne.s32 s2, $0x0  }
0x2af: {  	s3 =	rddreg [dreg:$0x2];
	[bflag:$0x3] =	sbarrier.arrive $0xFFFF;
	s2 =	simm.s32 @!p0 $0x1C01  }
0x2b0: {  	[timem:s3], [sflag:s2] =	dma.local @!p0 [hbm:s0], s1  }
0x2b1: {  	s0 =	simm.s32 @!p0 $0x1  }
0x2b2: {  	_ =	swait.ge @!p0 [sflag:s0], s1  }
0x2b3: {  	s1 =	ssub.s32 @!p0 $0x0, s1;
	[sflag:s0] =	ssyncset.done @!p0 $0x0  }
0x2b4: {  	[sflag:s0] =	ssyncadd.s32 @!p0 s1  }
0x2b5: {  	[bflag:$0x3] =	sbarrier.arrive $0xFFFF  }
0x2b6: {  	_ =	shalt  }

</sc_bundles>
